<compile_context>
chip_gen: v7x
topology: tpu7x:2x2x1
jax: 0.10.2.dev20260603
libtpu: 0.0.44.dev20260713+nightly
codegen_flags: <defaults>
</compile_context>

<pallas_src>
import functools

import jax
import jax.numpy as jnp
from jax import lax
from jax.experimental import pallas as pl
from jax.experimental.pallas import tpu as pltpu
from jax.experimental.pallas import tpu_sc as plsc

N_SC = 2
N_SUB = 16
LANES = 16
CHUNK = 128
HALF = CHUNK // 2
DHALF = 64


def _agg_body(nodes2, ei_hbm, f_hbm, zeros2d, zeros1d,
              s1o, spno, dego,
              srcv, fv, dstva, dstvb, dst2a, dst2b, xbuf, onesbuf,
              acc1, accpn, accdeg, isem, gsem, a1sem, a1bsem, dsem, dsemb, apnsem, apnbsem):
    c = lax.axis_index("c")
    s = lax.axis_index("s")
    n_nodes = acc1.shape[0]
    rows_base = (n_nodes // N_SUB) & ~7
    rows_last = n_nodes - rows_base * (N_SUB - 1)
    n_edges = ei_hbm.shape[1]
    n_chunks = n_edges // CHUNK
    base_chunks = n_chunks // N_SUB
    extra = n_chunks - base_chunks * N_SUB

    def fill_ones(i, _):
        onesbuf[pl.ds(i * LANES, LANES)] = jnp.ones((LANES,), jnp.float32)
        return 0
    lax.fori_loop(0, HALF // LANES, fill_ones, 0)

    r0 = s * rows_base

    def zero_accs(nrows):
        z = zeros2d.at[pl.ds(0, nrows)]
        pltpu.sync_copy(z, acc1.at[pl.ds(r0, nrows)])
        pltpu.sync_copy(z, accpn.at[pl.ds(r0, nrows)])
        pltpu.sync_copy(z, accpn.at[pl.ds(n_nodes + r0, nrows)])

    @pl.when(s < N_SUB - 1)
    def _():
        zero_accs(rows_base)

    @pl.when(s == N_SUB - 1)
    def _():
        zero_accs(rows_last)

    @pl.when(jnp.logical_and(c == 0, s == 0))
    def _():
        pltpu.sync_copy(zeros1d, accdeg)

    plsc.subcore_barrier()

    cN = jnp.full((LANES,), c * n_nodes, jnp.int32)
    nN = jnp.full((LANES,), n_nodes, jnp.int32)
    g_lo = s * base_chunks + jnp.minimum(s, extra)
    g_hi = g_lo + base_chunks + jnp.where(s < extra, 1, 0)

    def drain_apn():
        pltpu.make_async_copy(
            xbuf.at[pl.ds(0, HALF)], accpn.at[dst2a], apnsem).wait()
        pltpu.make_async_copy(
            xbuf.at[pl.ds(HALF, HALF)], accpn.at[dst2b], apnbsem).wait()

    def chunk_body(g, _):
        base = g * CHUNK
        @pl.when(jnp.logical_and(c == 0, g > g_lo))
        def _():
            pltpu.make_async_copy(onesbuf, accdeg.at[dstva], dsem).wait()
            pltpu.make_async_copy(onesbuf, accdeg.at[dstvb], dsemb).wait()

        pltpu.async_copy(ei_hbm.at[0, pl.ds(base, CHUNK)], srcv, isem)
        pltpu.async_copy(ei_hbm.at[1, pl.ds(base, HALF)], dstva, a1sem)
        pltpu.async_copy(ei_hbm.at[1, pl.ds(base + HALF, HALF)], dstvb, a1bsem)
        pltpu.async_copy(f_hbm.at[pl.ds(base, CHUNK)], fv, dsem)
        pltpu.make_async_copy(ei_hbm.at[0, pl.ds(base, CHUNK)], srcv, isem).wait()
        pltpu.make_async_copy(ei_hbm.at[1, pl.ds(base, HALF)], dstva, a1sem).wait()
        pltpu.make_async_copy(ei_hbm.at[1, pl.ds(base + HALF, HALF)], dstvb,
                              a1bsem).wait()

        @pl.when(g > g_lo)
        def _():
            drain_apn()

        pltpu.make_async_copy(f_hbm.at[pl.ds(base, CHUNK)], fv, dsem).wait()

        def adjust(i, _):
            sl = pl.ds(i * LANES, LANES)
            srcv[sl] = srcv[sl] + cN
            return 0
        lax.fori_loop(0, CHUNK // LANES, adjust, 0)

        def adjust2(i, _):
            sl = pl.ds(i * LANES, LANES)
            slb = pl.ds(HALF + i * LANES, LANES)
            dst2a[sl] = dstva[sl] + jnp.where(fv[sl] < 0.0, nN, 0)
            dst2b[sl] = dstvb[sl] + jnp.where(fv[slb] < 0.0, nN, 0)
            return 0
        lax.fori_loop(0, HALF // LANES, adjust2, 0)

        xa = xbuf.at[pl.ds(0, HALF)]
        xb = xbuf.at[pl.ds(HALF, HALF)]
        srca = srcv.at[pl.ds(0, HALF)]
        srcb = srcv.at[pl.ds(HALF, HALF)]
        pltpu.async_copy(nodes2.at[srca], xa, gsem)
        pltpu.async_copy(nodes2.at[srcb], xb, isem)
        pltpu.make_async_copy(nodes2.at[srca], xa, gsem).wait()
        pltpu.async_copy(xa, acc1.at[dstva], a1sem, add=True)
        pltpu.make_async_copy(nodes2.at[srcb], xb, isem).wait()
        pltpu.async_copy(xb, acc1.at[dstvb], a1bsem, add=True)

        @pl.when(c == 0)
        def _():
            pltpu.async_copy(onesbuf, accdeg.at[dstva], dsem, add=True)
            pltpu.async_copy(onesbuf, accdeg.at[dstvb], dsemb, add=True)

        def group_body(g16, _):
            afvec = jnp.abs(fv[pl.ds(g16 * LANES, LANES)])
            for j in range(LANES):
                e = g16 * LANES + j
                afb = jnp.full((LANES,), afvec[j], jnp.float32)
                for cc in range(DHALF // LANES):
                    sl = pl.ds(cc * LANES, LANES)
                    xbuf[e, sl] = afb * xbuf[e, sl]
            return 0

        pltpu.make_async_copy(xa, acc1.at[dstva], a1sem).wait()
        lax.fori_loop(0, HALF // LANES, group_body, 0)
        pltpu.async_copy(xa, accpn.at[dst2a], apnsem, add=True)
        pltpu.make_async_copy(xb, acc1.at[dstvb], a1bsem).wait()
        lax.fori_loop(HALF // LANES, CHUNK // LANES, group_body, 0)
        pltpu.async_copy(xb, accpn.at[dst2b], apnbsem, add=True)
        return 0

    lax.fori_loop(g_lo, g_hi, chunk_body, 0)
    drain_apn()

    @pl.when(c == 0)
    def _():
        pltpu.make_async_copy(onesbuf, accdeg.at[dstva], dsem).wait()
        pltpu.make_async_copy(onesbuf, accdeg.at[dstvb], dsemb).wait()

    plsc.subcore_barrier()

    def copy_out(nrows):
        pltpu.sync_copy(acc1.at[pl.ds(r0, nrows)], s1o.at[c, pl.ds(r0, nrows)])
        pltpu.sync_copy(accpn.at[pl.ds(r0, nrows)], spno.at[c, pl.ds(r0, nrows)])
        pltpu.sync_copy(accpn.at[pl.ds(n_nodes + r0, nrows)],
                        spno.at[c, pl.ds(n_nodes + r0, nrows)])

    @pl.when(s < N_SUB - 1)
    def _():
        copy_out(rows_base)

    @pl.when(s == N_SUB - 1)
    def _():
        copy_out(rows_last)

    @pl.when(jnp.logical_and(c == 0, s == 0))
    def _():
        pltpu.sync_copy(accdeg, dego)


def _sc_aggregate(nodes2, edge_index, fw, n_nodes):
    out_type = (
        jax.ShapeDtypeStruct((N_SC, n_nodes, DHALF), jnp.float32),
        jax.ShapeDtypeStruct((N_SC, 2 * n_nodes, DHALF), jnp.float32),
        jax.ShapeDtypeStruct((n_nodes,), jnp.float32),
    )
    scratch = [
        pltpu.VMEM((CHUNK,), jnp.int32),
        pltpu.VMEM((CHUNK,), jnp.float32),
        pltpu.VMEM((HALF,), jnp.int32),
        pltpu.VMEM((HALF,), jnp.int32),
        pltpu.VMEM((HALF,), jnp.int32),
        pltpu.VMEM((HALF,), jnp.int32),
        pltpu.VMEM((CHUNK, DHALF), jnp.float32),
        pltpu.VMEM((HALF,), jnp.float32),
        pltpu.VMEM_SHARED((n_nodes, DHALF), jnp.float32),
        pltpu.VMEM_SHARED((2 * n_nodes, DHALF), jnp.float32),
        pltpu.VMEM_SHARED((n_nodes,), jnp.float32),
        pltpu.SemaphoreType.DMA,
        pltpu.SemaphoreType.DMA,
        pltpu.SemaphoreType.DMA,
        pltpu.SemaphoreType.DMA,
        pltpu.SemaphoreType.DMA,
        pltpu.SemaphoreType.DMA,
        pltpu.SemaphoreType.DMA,
        pltpu.SemaphoreType.DMA,
    ]
    rows_base = (n_nodes // N_SUB) & ~7
    rows_last = n_nodes - rows_base * (N_SUB - 1)
    zeros2d = jnp.zeros((rows_last, DHALF), jnp.float32)
    zeros1d = jnp.zeros((n_nodes,), jnp.float32)
    run = pl.kernel(
        _agg_body,
        out_type=out_type,
        mesh=plsc.VectorSubcoreMesh(core_axis_name="c", subcore_axis_name="s"),
        scratch_types=scratch,
        compiler_params=pltpu.CompilerParams(use_tc_tiling_on_sc=False),
    )
    return run(nodes2, edge_index, fw, zeros2d, zeros1d)


def _dense_merged(node_ref, s1a_ref, s1b_ref, pa_ref, pb_ref, na_ref, nb_ref,
                  deg_ref, fdig_ref, normn_ref, w_ref, b_ref, gamma_ref,
                  beta_ref, out_ref, hbuf, psum, psumsq, *, n_nodes, grid):
    t = pl.program_id(0)
    blk = out_ref.shape[0]

    @pl.when(t < grid)
    def _():
        nf = node_ref[...]
        deg = jnp.maximum(deg_ref[...], 1.0)
        w = w_ref[...]
        dot = functools.partial(jnp.dot, preferred_element_type=jnp.float32)
        s2a = pa_ref[0] + na_ref[0]
        s2b = pb_ref[0] + nb_ref[0]
        s3a = pa_ref[0] - na_ref[0]
        s3b = pb_ref[0] - nb_ref[0]
        h_mean = dot(s1a_ref[0], w[128:192]) + dot(s1b_ref[0], w[192:256])
        h_av = dot(s2a, w[256:320]) + dot(s2b, w[320:384])
        h_dx = dot(s3a, w[384:448]) + dot(s3b, w[448:512])
        h = (dot(nf, w[0:128]) + h_mean / deg + h_av + h_dx
             - fdig_ref[...] * dot(nf, w[384:512]) + b_ref[...])
        h = h * normn_ref[...]
        hbuf[pl.ds(t * blk, blk)] = h

        @pl.when(t == 0)
        def _():
            psum[...] = jnp.sum(h, axis=0, keepdims=True)
            psumsq[...] = jnp.sum(h * h, axis=0, keepdims=True)

        @pl.when(t > 0)
        def _():
            psum[...] = psum[...] + jnp.sum(h, axis=0, keepdims=True)
            psumsq[...] = psumsq[...] + jnp.sum(h * h, axis=0, keepdims=True)

    @pl.when(t >= grid)
    def _():
        h = hbuf[pl.ds((t - grid) * blk, blk)]
        mu = psum[...] / n_nodes
        var = psumsq[...] / n_nodes - mu * mu
        hn = (h - mu) * lax.rsqrt(var + 1e-5) * gamma_ref[...] + beta_ref[...]
        out_ref[...] = jnp.maximum(hn, 0.0)


def kernel(node_fts, edge_fts, edge_index, F_norm_edge, F_dig, node_deg_vec, norm_n, W, b, gamma, beta):
    n_nodes = node_fts.shape[0]
    fw = F_norm_edge[:, 0]
    nodes2 = jnp.concatenate([node_fts[:, :DHALF], node_fts[:, DHALF:]], axis=0)

    s1o, spno, deg = _sc_aggregate(nodes2, edge_index, fw, n_nodes)

    grid = 10
    blk = n_nodes // grid
    phase1 = lambda t: jnp.minimum(t, grid - 1)
    row_full = lambda width: pl.BlockSpec((blk, width), lambda t: (phase1(t), 0))
    half_spec = lambda a, off: pl.BlockSpec(
        (1, blk, 64), lambda t: (a, phase1(t) + off, 0))
    whole = lambda shape: pl.BlockSpec(shape, lambda t: (0,) * len(shape))
    return pl.pallas_call(
        functools.partial(_dense_merged, n_nodes=n_nodes, grid=grid),
        grid=(2 * grid,),
        in_specs=[
            row_full(128),
            half_spec(0, 0), half_spec(1, 0),
            half_spec(0, 0), half_spec(1, 0),
            half_spec(0, grid), half_spec(1, grid),
            row_full(1), row_full(1), row_full(1),
            whole((512, 128)), whole((1, 128)),
            whole((1, 128)), whole((1, 128)),
        ],
        out_specs=pl.BlockSpec((blk, 128), lambda t: (jnp.maximum(t - grid, 0), 0)),
        out_shape=jax.ShapeDtypeStruct((n_nodes, 128), jnp.float32),
        scratch_shapes=[
            pltpu.VMEM((n_nodes, 128), jnp.float32),
            pltpu.VMEM((1, 128), jnp.float32),
            pltpu.VMEM((1, 128), jnp.float32),
        ],
    )(node_fts, s1o, s1o, spno, spno, spno, spno,
      deg[:, None], F_dig, norm_n, W, b[None, :], gamma[None, :], beta[None, :])

# --- scband reference (transcript-rebuilt; emitter-appended) ---
"""Pipeline reference for scband-dgn-layer-simple-1872605741720 (READ-ONLY COPY).

The authoritative reference and input builder live on the scoring server;
editing this copy changes nothing except your own understanding.
"""

import jax, jax.numpy as jnp
import numpy as np

N_NODES = 10000
N_EDGES = 320000
D_FEAT = 128
HID = 128
IN_MLP = 4 * HID  # (3 aggregators * 1 scaler + 1) * aux_hid_dim


def setup_inputs(seed: int = 0) -> dict:
    key = jax.random.key(seed)
    ks = jax.random.split(key, 10)
    node_fts = jax.random.normal(ks[0], (N_NODES, D_FEAT), dtype=jnp.float32)
    edge_fts = jax.random.normal(ks[1], (N_EDGES, 4), dtype=jnp.float32)
    edge_index = jax.random.randint(ks[2], (2, N_EDGES), 0, N_NODES, dtype=jnp.int32)
    F_norm_edge = jax.random.normal(ks[3], (N_EDGES, 1), dtype=jnp.float32)
    F_dig = jax.random.normal(ks[4], (N_NODES, 1), dtype=jnp.float32)
    node_deg_vec = jnp.ones((N_NODES, 1), dtype=jnp.float32)
    norm_n = jax.random.uniform(ks[5], (N_NODES, 1), dtype=jnp.float32)
    W = jax.random.normal(ks[6], (IN_MLP, HID), dtype=jnp.float32) * 0.05
    b = jnp.zeros((HID,), dtype=jnp.float32)
    gamma = jnp.ones((HID,), dtype=jnp.float32)
    beta = jnp.zeros((HID,), dtype=jnp.float32)
    return {
        'node_fts': node_fts, 'edge_fts': edge_fts, 'edge_index': edge_index,
        'F_norm_edge': F_norm_edge, 'F_dig': F_dig, 'node_deg_vec': node_deg_vec,
        'norm_n': norm_n, 'W': W, 'b': b, 'gamma': gamma, 'beta': beta,
    }


def reference(node_fts, edge_fts, edge_index, F_norm_edge, F_dig, node_deg_vec, norm_n, W, b, gamma, beta):
    N = node_fts.shape[0]
    src = edge_index[0]
    dst = edge_index[1]
    x_src = node_fts[src]  # gather source features [E, d]
    # mean aggregator
    ones = jnp.ones((src.shape[0],), dtype=node_fts.dtype)
    deg = jax.ops.segment_sum(ones, dst, num_segments=N)
    deg = jnp.clip(deg, 1.0, None)
    agg_mean = jax.ops.segment_sum(x_src, dst, num_segments=N) / deg[:, None]
    # dir1-av aggregator: |F|-weighted sum of neighbours
    agg_av = jax.ops.segment_sum(jnp.abs(F_norm_edge) * x_src, dst, num_segments=N)
    # dir1-dx aggregator: F-weighted sum minus diagonal term
    agg_dx = jax.ops.segment_sum(F_norm_edge * x_src, dst, num_segments=N) - F_dig * node_fts
    # concat aggregators then prepend self features; scalers = [identity] so no scaling branch
    out = jnp.concatenate([node_fts, agg_mean, agg_av, agg_dx], axis=1)
    # MLP_last: single linear layer
    h = out @ W + b
    # graph norm
    h = h * norm_n
    # batch norm (training-mode batch statistics)
    mu = jnp.mean(h, axis=0)
    var = jnp.var(h, axis=0)
    h = (h - mu) / jnp.sqrt(var + 1e-5) * gamma + beta
    return jax.nn.relu(h)

if __name__ == "__main__":
    import jax
    _d = setup_inputs()
    print(jax.jit(kernel)(*tuple(_d.values())))

</pallas_src>

<mosaic_0001>
#map = affine_map<(d0, d1) -> (0, 0)>
#map1 = affine_map<(d0, d1) -> (0)>
#map2 = affine_map<(d0, d1) -> (0, 0, 0)>
module attributes {stable_mosaic.version = 14 : i64} {
  func.func @_agg_body(%arg0: i32, %arg1: i32, %arg2: memref<20000x64xf32, #tpu.memory_space<hbm>>, %arg3: memref<2x320000xi32, #tpu.memory_space<hbm>>, %arg4: memref<320000xf32, #tpu.memory_space<hbm>>, %arg5: memref<640x64xf32, #tpu.memory_space<hbm>>, %arg6: memref<10000xf32, #tpu.memory_space<hbm>>, %arg7: memref<2x10000x64xf32, #tpu.memory_space<hbm>>, %arg8: memref<2x20000x64xf32, #tpu.memory_space<hbm>>, %arg9: memref<10000xf32, #tpu.memory_space<hbm>>, %arg10: memref<128xi32, #tpu.memory_space<vmem>>, %arg11: memref<128xf32, #tpu.memory_space<vmem>>, %arg12: memref<64xi32, #tpu.memory_space<vmem>>, %arg13: memref<64xi32, #tpu.memory_space<vmem>>, %arg14: memref<64xi32, #tpu.memory_space<vmem>>, %arg15: memref<64xi32, #tpu.memory_space<vmem>>, %arg16: memref<128x64xf32, #tpu.memory_space<vmem>>, %arg17: memref<64xf32, #tpu.memory_space<vmem>>, %arg18: memref<10000x64xf32, #tpu.memory_space<vmem_shared>>, %arg19: memref<20000x64xf32, #tpu.memory_space<vmem_shared>>, %arg20: memref<10000xf32, #tpu.memory_space<vmem_shared>>, %arg21: memref<!tpu.dma_semaphore, #tpu.memory_space<semaphore_mem>>, %arg22: memref<!tpu.dma_semaphore, #tpu.memory_space<semaphore_mem>>, %arg23: memref<!tpu.dma_semaphore, #tpu.memory_space<semaphore_mem>>, %arg24: memref<!tpu.dma_semaphore, #tpu.memory_space<semaphore_mem>>, %arg25: memref<!tpu.dma_semaphore, #tpu.memory_space<semaphore_mem>>, %arg26: memref<!tpu.dma_semaphore, #tpu.memory_space<semaphore_mem>>, %arg27: memref<!tpu.dma_semaphore, #tpu.memory_space<semaphore_mem>>, %arg28: memref<!tpu.dma_semaphore, #tpu.memory_space<semaphore_mem>>) attributes {dimension_semantics = [#tpu.dimension_semantics<core_parallel>, #tpu.dimension_semantics<subcore_parallel>], iteration_bounds = array<i64: 2, 16>, scalar_prefetch = 0 : i64, scratch_operands = 19 : i64, tpu.core_type = #tpu.core_type<sc_vector_subcore>, window_params = [{transform_indices = #map}, {transform_indices = #map}, {transform_indices = #map1}, {transform_indices = #map}, {transform_indices = #map1}, {transform_indices = #map2}, {transform_indices = #map2}, {transform_indices = #map1}]} {
    %scan3A = arith.constant 0 : i32
    %scan3A_0 = arith.constant 0 : i32
    %scan3A_1 = arith.constant 4 : i32
    %scan3A_2 = arith.addi %scan3A_0, %scan3A_1 : i32
    %scan3A_3 = arith.constant 1 : i32
    %scan3A_4 = scf.for %scan3A_78 = %scan3A_0 to %scan3A_2 step %scan3A_3 iter_args(%scan3A_79 = %scan3A) -> (i32)  : i32 {
      %broadcast_in_dim3A_80 = arith.constant 1.000000e+00 : f32
      %broadcast_in_dim3A_81 = vector.broadcast %broadcast_in_dim3A_80 : f32 to vector<16xf32>
      %mul3A_82 = arith.constant 16 : i32
      %mul3A_83 = arith.muli %scan3A_78, %mul3A_82 : i32
      %swap3A = arith.index_cast %mul3A_83 : i32 to index
      %swap3A_84 = tpu.vector_load %arg17[%swap3A] {strides = array<i32>} : memref<64xf32, #tpu.memory_space<vmem>>, vector<16xf32>,
      %swap3A_85 = vector.shape_cast %swap3A_84 : vector<16xf32> to vector<16xf32>
      %swap3A_86 = vector.shape_cast %broadcast_in_dim3A_81 : vector<16xf32> to vector<16xf32>
      tpu.vector_store %arg17[%swap3A], %swap3A_86 {strides = array<i32>} : memref<64xf32, #tpu.memory_space<vmem>>, vector<16xf32>,
      %scan3A_87 = arith.constant 0 : i32
      scf.yield %scan3A_87 : i32
    }
    %scan3A_5 = arith.constant 4 : i32
    %mul3A = arith.constant 624 : i32
    %mul3A_6 = arith.muli %arg1, %mul3A : i32
    %lt3A = arith.constant 15 : i32
    %lt3A_7 = arith.cmpi slt, %arg1, %lt3A : i32
    %convert_element_type3A = arith.extui %lt3A_7 : i1 to i32
    %cond3A = arith.constant 0 : i32
    %cond3A_8 = arith.cmpi ne, %convert_element_type3A, %cond3A : i32
    scf.if %cond3A_8 {
      "tpu.region"() ({
        %run_scoped3A = tpu.sem_alloc : memref<!tpu.dma_semaphore, #tpu.memory_space<semaphore_mem>>
        %dma_start3A = arith.constant 0 : i32
        %dma_start3A_80 = tpu.memref_slice %arg18[%mul3A_6, %dma_start3A] : memref<10000x64xf32, #tpu.memory_space<vmem_shared>> -> memref<624x64xf32, #tpu.memory_space<vmem_shared>>
        %dma_start3A_81 = arith.constant 0 : i32
        %dma_start3A_82 = arith.constant 0 : i32
        %dma_start3A_83 = tpu.memref_slice %arg5[%dma_start3A_81, %dma_start3A_82] : memref<640x64xf32, #tpu.memory_space<hbm>> -> memref<624x64xf32, #tpu.memory_space<hbm>>
        tpu.enqueue_dma source(%dma_start3A_83 : memref<624x64xf32, #tpu.memory_space<hbm>>) target(%dma_start3A_80 : memref<624x64xf32, #tpu.memory_space<vmem_shared>>) target_semaphore(%run_scoped3A : memref<!tpu.dma_semaphore, #tpu.memory_space<semaphore_mem>>)
        %dma_wait3A_84 = arith.constant 0 : i32
        %dma_wait3A_85 = tpu.memref_slice %arg18[%mul3A_6, %dma_wait3A_84] : memref<10000x64xf32, #tpu.memory_space<vmem_shared>> -> memref<624x64xf32, #tpu.memory_space<vmem_shared>>
        %dma_wait3A_86 = arith.constant 0 : i32
        %dma_wait3A_87 = arith.constant 0 : i32
        %dma_wait3A_88 = tpu.memref_slice %arg5[%dma_wait3A_86, %dma_wait3A_87] : memref<640x64xf32, #tpu.memory_space<hbm>> -> memref<624x64xf32, #tpu.memory_space<hbm>>
        tpu.wait_dma2 semaphore(%run_scoped3A : memref<!tpu.dma_semaphore, #tpu.memory_space<semaphore_mem>>) src(%dma_wait3A_88 : memref<624x64xf32, #tpu.memory_space<hbm>>) dst(%dma_wait3A_85 : memref<624x64xf32, #tpu.memory_space<vmem_shared>>)
        tpu.yield
      }) : () -> ()
      "tpu.region"() ({
        %run_scoped3A = tpu.sem_alloc : memref<!tpu.dma_semaphore, #tpu.memory_space<semaphore_mem>>
        %dma_start3A = arith.constant 0 : i32
        %dma_start3A_80 = tpu.memref_slice %arg19[%mul3A_6, %dma_start3A] : memref<20000x64xf32, #tpu.memory_space<vmem_shared>> -> memref<624x64xf32, #tpu.memory_space<vmem_shared>>
        %dma_start3A_81 = arith.constant 0 : i32
        %dma_start3A_82 = arith.constant 0 : i32
        %dma_start3A_83 = tpu.memref_slice %arg5[%dma_start3A_81, %dma_start3A_82] : memref<640x64xf32, #tpu.memory_space<hbm>> -> memref<624x64xf32, #tpu.memory_space<hbm>>
        tpu.enqueue_dma source(%dma_start3A_83 : memref<624x64xf32, #tpu.memory_space<hbm>>) target(%dma_start3A_80 : memref<624x64xf32, #tpu.memory_space<vmem_shared>>) target_semaphore(%run_scoped3A : memref<!tpu.dma_semaphore, #tpu.memory_space<semaphore_mem>>)
        %dma_wait3A_84 = arith.constant 0 : i32
        %dma_wait3A_85 = tpu.memref_slice %arg19[%mul3A_6, %dma_wait3A_84] : memref<20000x64xf32, #tpu.memory_space<vmem_shared>> -> memref<624x64xf32, #tpu.memory_space<vmem_shared>>
        %dma_wait3A_86 = arith.constant 0 : i32
        %dma_wait3A_87 = arith.constant 0 : i32
        %dma_wait3A_88 = tpu.memref_slice %arg5[%dma_wait3A_86, %dma_wait3A_87] : memref<640x64xf32, #tpu.memory_space<hbm>> -> memref<624x64xf32, #tpu.memory_space<hbm>>
        tpu.wait_dma2 semaphore(%run_scoped3A : memref<!tpu.dma_semaphore, #tpu.memory_space<semaphore_mem>>) src(%dma_wait3A_88 : memref<624x64xf32, #tpu.memory_space<hbm>>) dst(%dma_wait3A_85 : memref<624x64xf32, #tpu.memory_space<vmem_shared>>)
        tpu.yield
      }) : () -> ()
      %add3A_78 = arith.constant 10000 : i32
      %add3A_79 = arith.addi %add3A_78, %mul3A_6 : i32
      "tpu.region"() ({
        %run_scoped3A = tpu.sem_alloc : memref<!tpu.dma_semaphore, #tpu.memory_space<semaphore_mem>>
        %dma_start3A = arith.constant 0 : i32
        %dma_start3A_80 = tpu.memref_slice %arg19[%add3A_79, %dma_start3A] : memref<20000x64xf32, #tpu.memory_space<vmem_shared>> -> memref<624x64xf32, #tpu.memory_space<vmem_shared>>
        %dma_start3A_81 = arith.constant 0 : i32
        %dma_start3A_82 = arith.constant 0 : i32
        %dma_start3A_83 = tpu.memref_slice %arg5[%dma_start3A_81, %dma_start3A_82] : memref<640x64xf32, #tpu.memory_space<hbm>> -> memref<624x64xf32, #tpu.memory_space<hbm>>
        tpu.enqueue_dma source(%dma_start3A_83 : memref<624x64xf32, #tpu.memory_space<hbm>>) target(%dma_start3A_80 : memref<624x64xf32, #tpu.memory_space<vmem_shared>>) target_semaphore(%run_scoped3A : memref<!tpu.dma_semaphore, #tpu.memory_space<semaphore_mem>>)
        %dma_wait3A_84 = arith.constant 0 : i32
        %dma_wait3A_85 = tpu.memref_slice %arg19[%add3A_79, %dma_wait3A_84] : memref<20000x64xf32, #tpu.memory_space<vmem_shared>> -> memref<624x64xf32, #tpu.memory_space<vmem_shared>>
        %dma_wait3A_86 = arith.constant 0 : i32
        %dma_wait3A_87 = arith.constant 0 : i32
        %dma_wait3A_88 = tpu.memref_slice %arg5[%dma_wait3A_86, %dma_wait3A_87] : memref<640x64xf32, #tpu.memory_space<hbm>> -> memref<624x64xf32, #tpu.memory_space<hbm>>
        tpu.wait_dma2 semaphore(%run_scoped3A : memref<!tpu.dma_semaphore, #tpu.memory_space<semaphore_mem>>) src(%dma_wait3A_88 : memref<624x64xf32, #tpu.memory_space<hbm>>) dst(%dma_wait3A_85 : memref<624x64xf32, #tpu.memory_space<vmem_shared>>)
        tpu.yield
      }) : () -> ()
    } else {
    }
    %eq3A = arith.constant 15 : i32
    %eq3A_9 = arith.cmpi eq, %arg1, %eq3A : i32
    %convert_element_type3A_10 = arith.extui %eq3A_9 : i1 to i32
    %cond3A_11 = arith.constant 0 : i32
    %cond3A_12 = arith.cmpi ne, %convert_element_type3A_10, %cond3A_11 : i32
    scf.if %cond3A_12 {
      "tpu.region"() ({
        %run_scoped3A = tpu.sem_alloc : memref<!tpu.dma_semaphore, #tpu.memory_space<semaphore_mem>>
        %dma_start3A = arith.constant 0 : i32
        %dma_start3A_80 = tpu.memref_slice %arg18[%mul3A_6, %dma_start3A] : memref<10000x64xf32, #tpu.memory_space<vmem_shared>> -> memref<640x64xf32, #tpu.memory_space<vmem_shared>>
        %dma_start3A_81 = arith.constant 0 : i32
        %dma_start3A_82 = arith.constant 0 : i32
        %dma_start3A_83 = tpu.memref_slice %arg5[%dma_start3A_81, %dma_start3A_82] : memref<640x64xf32, #tpu.memory_space<hbm>> -> memref<640x64xf32, #tpu.memory_space<hbm>>
        tpu.enqueue_dma source(%dma_start3A_83 : memref<640x64xf32, #tpu.memory_space<hbm>>) target(%dma_start3A_80 : memref<640x64xf32, #tpu.memory_space<vmem_shared>>) target_semaphore(%run_scoped3A : memref<!tpu.dma_semaphore, #tpu.memory_space<semaphore_mem>>)
        %dma_wait3A_84 = arith.constant 0 : i32
        %dma_wait3A_85 = tpu.memref_slice %arg18[%mul3A_6, %dma_wait3A_84] : memref<10000x64xf32, #tpu.memory_space<vmem_shared>> -> memref<640x64xf32, #tpu.memory_space<vmem_shared>>
        %dma_wait3A_86 = arith.constant 0 : i32
        %dma_wait3A_87 = arith.constant 0 : i32
        %dma_wait3A_88 = tpu.memref_slice %arg5[%dma_wait3A_86, %dma_wait3A_87] : memref<640x64xf32, #tpu.memory_space<hbm>> -> memref<640x64xf32, #tpu.memory_space<hbm>>
        tpu.wait_dma2 semaphore(%run_scoped3A : memref<!tpu.dma_semaphore, #tpu.memory_space<semaphore_mem>>) src(%dma_wait3A_88 : memref<640x64xf32, #tpu.memory_space<hbm>>) dst(%dma_wait3A_85 : memref<640x64xf32, #tpu.memory_space<vmem_shared>>)
        tpu.yield
      }) : () -> ()
      "tpu.region"() ({
        %run_scoped3A = tpu.sem_alloc : memref<!tpu.dma_semaphore, #tpu.memory_space<semaphore_mem>>
        %dma_start3A = arith.constant 0 : i32
        %dma_start3A_80 = tpu.memref_slice %arg19[%mul3A_6, %dma_start3A] : memref<20000x64xf32, #tpu.memory_space<vmem_shared>> -> memref<640x64xf32, #tpu.memory_space<vmem_shared>>
        %dma_start3A_81 = arith.constant 0 : i32
        %dma_start3A_82 = arith.constant 0 : i32
        %dma_start3A_83 = tpu.memref_slice %arg5[%dma_start3A_81, %dma_start3A_82] : memref<640x64xf32, #tpu.memory_space<hbm>> -> memref<640x64xf32, #tpu.memory_space<hbm>>
        tpu.enqueue_dma source(%dma_start3A_83 : memref<640x64xf32, #tpu.memory_space<hbm>>) target(%dma_start3A_80 : memref<640x64xf32, #tpu.memory_space<vmem_shared>>) target_semaphore(%run_scoped3A : memref<!tpu.dma_semaphore, #tpu.memory_space<semaphore_mem>>)
        %dma_wait3A_84 = arith.constant 0 : i32
        %dma_wait3A_85 = tpu.memref_slice %arg19[%mul3A_6, %dma_wait3A_84] : memref<20000x64xf32, #tpu.memory_space<vmem_shared>> -> memref<640x64xf32, #tpu.memory_space<vmem_shared>>
        %dma_wait3A_86 = arith.constant 0 : i32
        %dma_wait3A_87 = arith.constant 0 : i32
        %dma_wait3A_88 = tpu.memref_slice %arg5[%dma_wait3A_86, %dma_wait3A_87] : memref<640x64xf32, #tpu.memory_space<hbm>> -> memref<640x64xf32, #tpu.memory_space<hbm>>
        tpu.wait_dma2 semaphore(%run_scoped3A : memref<!tpu.dma_semaphore, #tpu.memory_space<semaphore_mem>>) src(%dma_wait3A_88 : memref<640x64xf32, #tpu.memory_space<hbm>>) dst(%dma_wait3A_85 : memref<640x64xf32, #tpu.memory_space<vmem_shared>>)
        tpu.yield
      }) : () -> ()
      %add3A_78 = arith.constant 10000 : i32
      %add3A_79 = arith.addi %add3A_78, %mul3A_6 : i32
      "tpu.region"() ({
        %run_scoped3A = tpu.sem_alloc : memref<!tpu.dma_semaphore, #tpu.memory_space<semaphore_mem>>
        %dma_start3A = arith.constant 0 : i32
        %dma_start3A_80 = tpu.memref_slice %arg19[%add3A_79, %dma_start3A] : memref<20000x64xf32, #tpu.memory_space<vmem_shared>> -> memref<640x64xf32, #tpu.memory_space<vmem_shared>>
        %dma_start3A_81 = arith.constant 0 : i32
        %dma_start3A_82 = arith.constant 0 : i32
        %dma_start3A_83 = tpu.memref_slice %arg5[%dma_start3A_81, %dma_start3A_82] : memref<640x64xf32, #tpu.memory_space<hbm>> -> memref<640x64xf32, #tpu.memory_space<hbm>>
        tpu.enqueue_dma source(%dma_start3A_83 : memref<640x64xf32, #tpu.memory_space<hbm>>) target(%dma_start3A_80 : memref<640x64xf32, #tpu.memory_space<vmem_shared>>) target_semaphore(%run_scoped3A : memref<!tpu.dma_semaphore, #tpu.memory_space<semaphore_mem>>)
        %dma_wait3A_84 = arith.constant 0 : i32
        %dma_wait3A_85 = tpu.memref_slice %arg19[%add3A_79, %dma_wait3A_84] : memref<20000x64xf32, #tpu.memory_space<vmem_shared>> -> memref<640x64xf32, #tpu.memory_space<vmem_shared>>
        %dma_wait3A_86 = arith.constant 0 : i32
        %dma_wait3A_87 = arith.constant 0 : i32
        %dma_wait3A_88 = tpu.memref_slice %arg5[%dma_wait3A_86, %dma_wait3A_87] : memref<640x64xf32, #tpu.memory_space<hbm>> -> memref<640x64xf32, #tpu.memory_space<hbm>>
        tpu.wait_dma2 semaphore(%run_scoped3A : memref<!tpu.dma_semaphore, #tpu.memory_space<semaphore_mem>>) src(%dma_wait3A_88 : memref<640x64xf32, #tpu.memory_space<hbm>>) dst(%dma_wait3A_85 : memref<640x64xf32, #tpu.memory_space<vmem_shared>>)
        tpu.yield
      }) : () -> ()
    } else {
    }
    %eq3A_13 = arith.constant 0 : i32
    %eq3A_14 = arith.cmpi eq, %arg0, %eq3A_13 : i32
    %eq3A_15 = arith.constant 0 : i32
    %eq3A_16 = arith.cmpi eq, %arg1, %eq3A_15 : i32
    %and3A = arith.andi %eq3A_14, %eq3A_16 : i1
    %convert_element_type3A_17 = arith.extui %and3A : i1 to i32
    %cond3A_18 = arith.constant 0 : i32
    %cond3A_19 = arith.cmpi ne, %convert_element_type3A_17, %cond3A_18 : i32
    scf.if %cond3A_19 {
      "tpu.region"() ({
        %run_scoped3A = tpu.sem_alloc : memref<!tpu.dma_semaphore, #tpu.memory_space<semaphore_mem>>
        tpu.enqueue_dma source(%arg6 : memref<10000xf32, #tpu.memory_space<hbm>>) target(%arg20 : memref<10000xf32, #tpu.memory_space<vmem_shared>>) target_semaphore(%run_scoped3A : memref<!tpu.dma_semaphore, #tpu.memory_space<semaphore_mem>>)
        tpu.wait_dma2 semaphore(%run_scoped3A : memref<!tpu.dma_semaphore, #tpu.memory_space<semaphore_mem>>) src(%arg6 : memref<10000xf32, #tpu.memory_space<hbm>>) dst(%arg20 : memref<10000xf32, #tpu.memory_space<vmem_shared>>)
        tpu.yield
      }) : () -> ()
    } else {
    }
    %barrier3A = arith.constant 0 : index
    tpu.barrier barrier_id(%barrier3A)
    %mul3A_20 = arith.constant 10000 : i32
    %mul3A_21 = arith.muli %arg0, %mul3A_20 : i32
    %broadcast_in_dim3A = vector.broadcast %mul3A_21 : i32 to vector<16xi32>
    %broadcast_in_dim3A_22 = arith.constant 10000 : i32
    %broadcast_in_dim3A_23 = vector.broadcast %broadcast_in_dim3A_22 : i32 to vector<16xi32>
    %mul3A_24 = arith.constant 156 : i32
    %mul3A_25 = arith.muli %arg1, %mul3A_24 : i32
    %min3A = arith.constant 4 : i32
    %min3A_26 = arith.minsi %arg1, %min3A : i32
    %add3A = arith.addi %mul3A_25, %min3A_26 : i32
    %add3A_27 = arith.constant 156 : i32
    %add3A_28 = arith.addi %add3A, %add3A_27 : i32
    %lt3A_29 = arith.constant 4 : i32
    %lt3A_30 = arith.cmpi slt, %arg1, %lt3A_29 : i32
    %jit3A = arith.constant 1 : i32
    %jit3A_31 = arith.constant 0 : i32
    %select_n3A = arith.select %lt3A_30, %jit3A, %jit3A_31 : i32
    %add3A_32 = arith.addi %add3A_28, %select_n3A : i32
    %while3A = arith.constant 0 : i32
    %while3A_33 = arith.subi %add3A_32, %add3A : i32
    %while3A_34 = arith.addi %add3A, %while3A_33 : i32
    %while3A_35 = arith.constant 1 : i32
    %while3A_36 = arith.divsi %while3A_33, %while3A_35 : i32
    %while3A_37 = arith.muli %while3A_36, %while3A_35 : i32
    %while3A_38 = arith.addi %add3A, %while3A_37 : i32
    %while3A_39 = arith.constant 1 : i32
    %while3A_40 = scf.for %while3A_78 = %add3A to %while3A_38 step %while3A_39 iter_args(%while3A_79 = %while3A) -> (i32)  : i32 {
      %mul3A_80 = arith.constant 128 : i32
      %mul3A_81 = arith.muli %while3A_78, %mul3A_80 : i32
      %eq3A_82 = arith.constant 0 : i32
      %eq3A_83 = arith.cmpi eq, %arg0, %eq3A_82 : i32
      %gt3A = arith.cmpi sgt, %while3A_78, %add3A : i32
      %and3A_84 = arith.andi %eq3A_83, %gt3A : i1
      %convert_element_type3A_85 = arith.extui %and3A_84 : i1 to i32
      %cond3A_86 = arith.constant 0 : i32
      %cond3A_87 = arith.cmpi ne, %convert_element_type3A_85, %cond3A_86 : i32
      scf.if %cond3A_87 {
        %dma_wait3A_231 = arith.constant 0 : i32
        %dma_wait3A_232 = tpu.memref_slice %arg20[%dma_wait3A_231] : memref<10000xf32, #tpu.memory_space<vmem_shared>> -> memref<10000xf32, #tpu.memory_space<vmem_shared>>
        tpu.wait_indirect_dma semaphore(%arg25 : memref<!tpu.dma_semaphore, #tpu.memory_space<semaphore_mem>>) src(%arg17 : memref<64xf32, #tpu.memory_space<vmem>>) dst(%dma_wait3A_232 : memref<10000xf32, #tpu.memory_space<vmem_shared>>)
        %dma_wait3A_233 = arith.constant 0 : i32
        %dma_wait3A_234 = tpu.memref_slice %arg20[%dma_wait3A_233] : memref<10000xf32, #tpu.memory_space<vmem_shared>> -> memref<10000xf32, #tpu.memory_space<vmem_shared>>
        tpu.wait_indirect_dma semaphore(%arg26 : memref<!tpu.dma_semaphore, #tpu.memory_space<semaphore_mem>>) src(%arg17 : memref<64xf32, #tpu.memory_space<vmem>>) dst(%dma_wait3A_234 : memref<10000xf32, #tpu.memory_space<vmem_shared>>)
      } else {
      }
      %dma_start3A = arith.constant 0 : i32
      %dma_start3A_88 = tpu.memref_slice %arg3[%dma_start3A, %mul3A_81] : memref<2x320000xi32, #tpu.memory_space<hbm>> -> memref<1x128xi32, #tpu.memory_space<hbm>>
      %dma_start3A_89 = tpu.memref_squeeze %dma_start3A_88 : memref<1x128xi32, #tpu.memory_space<hbm>> -> memref<128xi32, #tpu.memory_space<hbm>>
      %dma_start3A_90 = tpu.memref_slice %arg3[%dma_start3A, %mul3A_81] : memref<2x320000xi32, #tpu.memory_space<hbm>> -> memref<1x128xi32, #tpu.memory_space<hbm>>
      %dma_start3A_91 = tpu.memref_squeeze %dma_start3A_90 : memref<1x128xi32, #tpu.memory_space<hbm>> -> memref<128xi32, #tpu.memory_space<hbm>>
      tpu.enqueue_dma source(%dma_start3A_91 : memref<128xi32, #tpu.memory_space<hbm>>) target(%arg10 : memref<128xi32, #tpu.memory_space<vmem>>) target_semaphore(%arg21 : memref<!tpu.dma_semaphore, #tpu.memory_space<semaphore_mem>>)
      %dma_start3A_92 = arith.constant 1 : i32
      %dma_start3A_93 = tpu.memref_slice %arg3[%dma_start3A_92, %mul3A_81] : memref<2x320000xi32, #tpu.memory_space<hbm>> -> memref<1x64xi32, #tpu.memory_space<hbm>>
      %dma_start3A_94 = tpu.memref_squeeze %dma_start3A_93 : memref<1x64xi32, #tpu.memory_space<hbm>> -> memref<64xi32, #tpu.memory_space<hbm>>
      %dma_start3A_95 = tpu.memref_slice %arg3[%dma_start3A_92, %mul3A_81] : memref<2x320000xi32, #tpu.memory_space<hbm>> -> memref<1x64xi32, #tpu.memory_space<hbm>>
      %dma_start3A_96 = tpu.memref_squeeze %dma_start3A_95 : memref<1x64xi32, #tpu.memory_space<hbm>> -> memref<64xi32, #tpu.memory_space<hbm>>
      tpu.enqueue_dma source(%dma_start3A_96 : memref<64xi32, #tpu.memory_space<hbm>>) target(%arg12 : memref<64xi32, #tpu.memory_space<vmem>>) target_semaphore(%arg23 : memref<!tpu.dma_semaphore, #tpu.memory_space<semaphore_mem>>)
      %add3A_97 = arith.constant 64 : i32
      %add3A_98 = arith.addi %mul3A_81, %add3A_97 : i32
      %dma_start3A_99 = arith.constant 1 : i32
      %dma_start3A_100 = tpu.memref_slice %arg3[%dma_start3A_99, %add3A_98] : memref<2x320000xi32, #tpu.memory_space<hbm>> -> memref<1x64xi32, #tpu.memory_space<hbm>>
      %dma_start3A_101 = tpu.memref_squeeze %dma_start3A_100 : memref<1x64xi32, #tpu.memory_space<hbm>> -> memref<64xi32, #tpu.memory_space<hbm>>
      %dma_start3A_102 = tpu.memref_slice %arg3[%dma_start3A_99, %add3A_98] : memref<2x320000xi32, #tpu.memory_space<hbm>> -> memref<1x64xi32, #tpu.memory_space<hbm>>
      %dma_start3A_103 = tpu.memref_squeeze %dma_start3A_102 : memref<1x64xi32, #tpu.memory_space<hbm>> -> memref<64xi32, #tpu.memory_space<hbm>>
      tpu.enqueue_dma source(%dma_start3A_103 : memref<64xi32, #tpu.memory_space<hbm>>) target(%arg13 : memref<64xi32, #tpu.memory_space<vmem>>) target_semaphore(%arg24 : memref<!tpu.dma_semaphore, #tpu.memory_space<semaphore_mem>>)
      %dma_start3A_104 = tpu.memref_slice %arg4[%mul3A_81] : memref<320000xf32, #tpu.memory_space<hbm>> -> memref<128xf32, #tpu.memory_space<hbm>>
      %dma_start3A_105 = tpu.memref_slice %arg4[%mul3A_81] : memref<320000xf32, #tpu.memory_space<hbm>> -> memref<128xf32, #tpu.memory_space<hbm>>
      tpu.enqueue_dma source(%dma_start3A_105 : memref<128xf32, #tpu.memory_space<hbm>>) target(%arg11 : memref<128xf32, #tpu.memory_space<vmem>>) target_semaphore(%arg25 : memref<!tpu.dma_semaphore, #tpu.memory_space<semaphore_mem>>)
      %dma_wait3A_106 = arith.constant 0 : i32
      %dma_wait3A_107 = tpu.memref_slice %arg3[%dma_wait3A_106, %mul3A_81] : memref<2x320000xi32, #tpu.memory_space<hbm>> -> memref<1x128xi32, #tpu.memory_space<hbm>>
      %dma_wait3A_108 = tpu.memref_squeeze %dma_wait3A_107 : memref<1x128xi32, #tpu.memory_space<hbm>> -> memref<128xi32, #tpu.memory_space<hbm>>
      %dma_wait3A_109 = tpu.memref_slice %arg3[%dma_wait3A_106, %mul3A_81] : memref<2x320000xi32, #tpu.memory_space<hbm>> -> memref<1x128xi32, #tpu.memory_space<hbm>>
      %dma_wait3A_110 = tpu.memref_squeeze %dma_wait3A_109 : memref<1x128xi32, #tpu.memory_space<hbm>> -> memref<128xi32, #tpu.memory_space<hbm>>
      tpu.wait_dma2 semaphore(%arg21 : memref<!tpu.dma_semaphore, #tpu.memory_space<semaphore_mem>>) src(%dma_wait3A_110 : memref<128xi32, #tpu.memory_space<hbm>>) dst(%arg10 : memref<128xi32, #tpu.memory_space<vmem>>)
      %dma_wait3A_111 = arith.constant 1 : i32
      %dma_wait3A_112 = tpu.memref_slice %arg3[%dma_wait3A_111, %mul3A_81] : memref<2x320000xi32, #tpu.memory_space<hbm>> -> memref<1x64xi32, #tpu.memory_space<hbm>>
      %dma_wait3A_113 = tpu.memref_squeeze %dma_wait3A_112 : memref<1x64xi32, #tpu.memory_space<hbm>> -> memref<64xi32, #tpu.memory_space<hbm>>
      %dma_wait3A_114 = tpu.memref_slice %arg3[%dma_wait3A_111, %mul3A_81] : memref<2x320000xi32, #tpu.memory_space<hbm>> -> memref<1x64xi32, #tpu.memory_space<hbm>>
      %dma_wait3A_115 = tpu.memref_squeeze %dma_wait3A_114 : memref<1x64xi32, #tpu.memory_space<hbm>> -> memref<64xi32, #tpu.memory_space<hbm>>
      tpu.wait_dma2 semaphore(%arg23 : memref<!tpu.dma_semaphore, #tpu.memory_space<semaphore_mem>>) src(%dma_wait3A_115 : memref<64xi32, #tpu.memory_space<hbm>>) dst(%arg12 : memref<64xi32, #tpu.memory_space<vmem>>)
      %add3A_116 = arith.constant 64 : i32
      %add3A_117 = arith.addi %mul3A_81, %add3A_116 : i32
      %dma_wait3A_118 = arith.constant 1 : i32
      %dma_wait3A_119 = tpu.memref_slice %arg3[%dma_wait3A_118, %add3A_117] : memref<2x320000xi32, #tpu.memory_space<hbm>> -> memref<1x64xi32, #tpu.memory_space<hbm>>
      %dma_wait3A_120 = tpu.memref_squeeze %dma_wait3A_119 : memref<1x64xi32, #tpu.memory_space<hbm>> -> memref<64xi32, #tpu.memory_space<hbm>>
      %dma_wait3A_121 = tpu.memref_slice %arg3[%dma_wait3A_118, %add3A_117] : memref<2x320000xi32, #tpu.memory_space<hbm>> -> memref<1x64xi32, #tpu.memory_space<hbm>>
      %dma_wait3A_122 = tpu.memref_squeeze %dma_wait3A_121 : memref<1x64xi32, #tpu.memory_space<hbm>> -> memref<64xi32, #tpu.memory_space<hbm>>
      tpu.wait_dma2 semaphore(%arg24 : memref<!tpu.dma_semaphore, #tpu.memory_space<semaphore_mem>>) src(%dma_wait3A_122 : memref<64xi32, #tpu.memory_space<hbm>>) dst(%arg13 : memref<64xi32, #tpu.memory_space<vmem>>)
      %gt3A_123 = arith.cmpi sgt, %while3A_78, %add3A : i32
      %convert_element_type3A_124 = arith.extui %gt3A_123 : i1 to i32
      %cond3A_125 = arith.constant 0 : i32
      %cond3A_126 = arith.cmpi ne, %convert_element_type3A_124, %cond3A_125 : i32
      scf.if %cond3A_126 {
        %dma_wait3A_231 = arith.constant 0 : i32
        %dma_wait3A_232 = arith.constant 0 : i32
        %dma_wait3A_233 = tpu.memref_slice %arg16[%dma_wait3A_231, %dma_wait3A_232] : memref<128x64xf32, #tpu.memory_space<vmem>> -> memref<64x64xf32, #tpu.memory_space<vmem>>
        %dma_wait3A_234 = arith.constant 0 : i32
        %dma_wait3A_235 = arith.constant 0 : i32
        %dma_wait3A_236 = tpu.memref_slice %arg19[%dma_wait3A_234, %dma_wait3A_235] : memref<20000x64xf32, #tpu.memory_space<vmem_shared>> -> memref<20000x64xf32, #tpu.memory_space<vmem_shared>>
        tpu.wait_indirect_dma semaphore(%arg27 : memref<!tpu.dma_semaphore, #tpu.memory_space<semaphore_mem>>) src(%dma_wait3A_233 : memref<64x64xf32, #tpu.memory_space<vmem>>) dst(%dma_wait3A_236 : memref<20000x64xf32, #tpu.memory_space<vmem_shared>>)
        %dma_wait3A_237 = arith.constant 64 : i32
        %dma_wait3A_238 = arith.constant 0 : i32
        %dma_wait3A_239 = tpu.memref_slice %arg16[%dma_wait3A_237, %dma_wait3A_238] : memref<128x64xf32, #tpu.memory_space<vmem>> -> memref<64x64xf32, #tpu.memory_space<vmem>>
        %dma_wait3A_240 = arith.constant 0 : i32
        %dma_wait3A_241 = arith.constant 0 : i32
        %dma_wait3A_242 = tpu.memref_slice %arg19[%dma_wait3A_240, %dma_wait3A_241] : memref<20000x64xf32, #tpu.memory_space<vmem_shared>> -> memref<20000x64xf32, #tpu.memory_space<vmem_shared>>
        tpu.wait_indirect_dma semaphore(%arg28 : memref<!tpu.dma_semaphore, #tpu.memory_space<semaphore_mem>>) src(%dma_wait3A_239 : memref<64x64xf32, #tpu.memory_space<vmem>>) dst(%dma_wait3A_242 : memref<20000x64xf32, #tpu.memory_space<vmem_shared>>)
      } else {
      }
      %dma_wait3A_127 = tpu.memref_slice %arg4[%mul3A_81] : memref<320000xf32, #tpu.memory_space<hbm>> -> memref<128xf32, #tpu.memory_space<hbm>>
      %dma_wait3A_128 = tpu.memref_slice %arg4[%mul3A_81] : memref<320000xf32, #tpu.memory_space<hbm>> -> memref<128xf32, #tpu.memory_space<hbm>>
      tpu.wait_dma2 semaphore(%arg25 : memref<!tpu.dma_semaphore, #tpu.memory_space<semaphore_mem>>) src(%dma_wait3A_128 : memref<128xf32, #tpu.memory_space<hbm>>) dst(%arg11 : memref<128xf32, #tpu.memory_space<vmem>>)
      %scan3A_129 = arith.constant 0 : i32
      %scan3A_130 = arith.constant 0 : i32
      %scan3A_131 = arith.constant 8 : i32
      %scan3A_132 = arith.addi %scan3A_130, %scan3A_131 : i32
      %scan3A_133 = arith.constant 1 : i32
      %scan3A_134 = scf.for %scan3A_231 = %scan3A_130 to %scan3A_132 step %scan3A_133 iter_args(%scan3A_232 = %scan3A_129) -> (i32)  : i32 {
        %mul3A_233 = arith.constant 16 : i32
        %mul3A_234 = arith.muli %scan3A_231, %mul3A_233 : i32
        %get3A = arith.index_cast %mul3A_234 : i32 to index
        %get3A_235 = tpu.vector_load %arg10[%get3A] {strides = array<i32>} : memref<128xi32, #tpu.memory_space<vmem>>, vector<16xi32>,
        %get3A_236 = vector.shape_cast %get3A_235 : vector<16xi32> to vector<16xi32>
        %add3A_237 = arith.addi %get3A_236, %broadcast_in_dim3A : vector<16xi32>
        %swap3A = arith.index_cast %mul3A_234 : i32 to index
        %swap3A_238 = tpu.vector_load %arg10[%swap3A] {strides = array<i32>} : memref<128xi32, #tpu.memory_space<vmem>>, vector<16xi32>,
        %swap3A_239 = vector.shape_cast %swap3A_238 : vector<16xi32> to vector<16xi32>
        %swap3A_240 = vector.shape_cast %add3A_237 : vector<16xi32> to vector<16xi32>
        tpu.vector_store %arg10[%swap3A], %swap3A_240 {strides = array<i32>} : memref<128xi32, #tpu.memory_space<vmem>>, vector<16xi32>,
        %scan3A_241 = arith.constant 0 : i32
        scf.yield %scan3A_241 : i32
      }
      %scan3A_135 = arith.constant 8 : i32
      %scan3A_136 = arith.constant 0 : i32
      %scan3A_137 = arith.constant 0 : i32
      %scan3A_138 = arith.constant 4 : i32
      %scan3A_139 = arith.addi %scan3A_137, %scan3A_138 : i32
      %scan3A_140 = arith.constant 1 : i32
      %scan3A_141 = scf.for %scan3A_231 = %scan3A_137 to %scan3A_139 step %scan3A_140 iter_args(%scan3A_232 = %scan3A_136) -> (i32)  : i32 {
        %mul3A_233 = arith.constant 16 : i32
        %mul3A_234 = arith.muli %scan3A_231, %mul3A_233 : i32
        %mul3A_235 = arith.constant 16 : i32
        %mul3A_236 = arith.muli %scan3A_231, %mul3A_235 : i32
        %add3A_237 = arith.constant 64 : i32
        %add3A_238 = arith.addi %add3A_237, %mul3A_236 : i32
        %get3A = arith.index_cast %mul3A_234 : i32 to index
        %get3A_239 = tpu.vector_load %arg12[%get3A] {strides = array<i32>} : memref<64xi32, #tpu.memory_space<vmem>>, vector<16xi32>,
        %get3A_240 = vector.shape_cast %get3A_239 : vector<16xi32> to vector<16xi32>
        %get3A_241 = arith.index_cast %mul3A_234 : i32 to index
        %get3A_242 = tpu.vector_load %arg11[%get3A_241] {strides = array<i32>} : memref<128xf32, #tpu.memory_space<vmem>>, vector<16xf32>,
        %get3A_243 = vector.shape_cast %get3A_242 : vector<16xf32> to vector<16xf32>
        %lt3A_244 = arith.constant 0.000000e+00 : f32
        %lt3A_245 = vector.broadcast %lt3A_244 : f32 to vector<16xf32>
        %lt3A_246 = arith.cmpf olt, %get3A_243, %lt3A_245 : vector<16xf32>
        %jit3A_247 = arith.constant 0 : i32
        %broadcast_in_dim3A_248 = vector.broadcast %jit3A_247 : i32 to vector<16xi32>
        %select_n3A_249 = arith.select %lt3A_246, %broadcast_in_dim3A_23, %broadcast_in_dim3A_248 : vector<16xi1>, vector<16xi32>
        %add3A_250 = arith.addi %get3A_240, %select_n3A_249 : vector<16xi32>
        %swap3A = arith.index_cast %mul3A_234 : i32 to index
        %swap3A_251 = tpu.vector_load %arg14[%swap3A] {strides = array<i32>} : memref<64xi32, #tpu.memory_space<vmem>>, vector<16xi32>,
        %swap3A_252 = vector.shape_cast %swap3A_251 : vector<16xi32> to vector<16xi32>
        %swap3A_253 = vector.shape_cast %add3A_250 : vector<16xi32> to vector<16xi32>
        tpu.vector_store %arg14[%swap3A], %swap3A_253 {strides = array<i32>} : memref<64xi32, #tpu.memory_space<vmem>>, vector<16xi32>,
        %get3A_254 = arith.index_cast %mul3A_234 : i32 to index
        %get3A_255 = tpu.vector_load %arg13[%get3A_254] {strides = array<i32>} : memref<64xi32, #tpu.memory_space<vmem>>, vector<16xi32>,
        %get3A_256 = vector.shape_cast %get3A_255 : vector<16xi32> to vector<16xi32>
        %get3A_257 = arith.index_cast %add3A_238 : i32 to index
        %get3A_258 = tpu.vector_load %arg11[%get3A_257] {strides = array<i32>} : memref<128xf32, #tpu.memory_space<vmem>>, vector<16xf32>,
        %get3A_259 = vector.shape_cast %get3A_258 : vector<16xf32> to vector<16xf32>
        %lt3A_260 = arith.constant 0.000000e+00 : f32
        %lt3A_261 = vector.broadcast %lt3A_260 : f32 to vector<16xf32>
        %lt3A_262 = arith.cmpf olt, %get3A_259, %lt3A_261 : vector<16xf32>
        %jit3A_263 = arith.constant 0 : i32
        %broadcast_in_dim3A_264 = vector.broadcast %jit3A_263 : i32 to vector<16xi32>
        %select_n3A_265 = arith.select %lt3A_262, %broadcast_in_dim3A_23, %broadcast_in_dim3A_264 : vector<16xi1>, vector<16xi32>
        %add3A_266 = arith.addi %get3A_256, %select_n3A_265 : vector<16xi32>
        %swap3A_267 = arith.index_cast %mul3A_234 : i32 to index
        %swap3A_268 = tpu.vector_load %arg15[%swap3A_267] {strides = array<i32>} : memref<64xi32, #tpu.memory_space<vmem>>, vector<16xi32>,
        %swap3A_269 = vector.shape_cast %swap3A_268 : vector<16xi32> to vector<16xi32>
        %swap3A_270 = vector.shape_cast %add3A_266 : vector<16xi32> to vector<16xi32>
        tpu.vector_store %arg15[%swap3A_267], %swap3A_270 {strides = array<i32>} : memref<64xi32, #tpu.memory_space<vmem>>, vector<16xi32>,
        %scan3A_271 = arith.constant 0 : i32
        scf.yield %scan3A_271 : i32
      }
      %scan3A_142 = arith.constant 4 : i32
      %dma_start3A_143 = arith.constant 0 : i32
      %dma_start3A_144 = arith.constant 0 : i32
      %dma_start3A_145 = tpu.memref_slice %arg16[%dma_start3A_143, %dma_start3A_144] : memref<128x64xf32, #tpu.memory_space<vmem>> -> memref<64x64xf32, #tpu.memory_space<vmem>>
      %dma_start3A_146 = arith.constant 0 : i32
      %dma_start3A_147 = tpu.memref_slice %arg10[%dma_start3A_146] : memref<128xi32, #tpu.memory_space<vmem>> -> memref<64xi32, #tpu.memory_space<vmem>>
      %dma_start3A_148 = arith.constant 0 : i32
      %dma_start3A_149 = arith.constant 0 : i32
      %dma_start3A_150 = tpu.memref_slice %arg2[%dma_start3A_148, %dma_start3A_149] : memref<20000x64xf32, #tpu.memory_space<hbm>> -> memref<20000x64xf32, #tpu.memory_space<hbm>>
      tpu.enqueue_indirect_dma source(%dma_start3A_150 : memref<20000x64xf32, #tpu.memory_space<hbm>>) target(%dma_start3A_145 : memref<64x64xf32, #tpu.memory_space<vmem>>) offsets(%dma_start3A_147 : memref<64xi32, #tpu.memory_space<vmem>>) semaphore(%arg22 : memref<!tpu.dma_semaphore, #tpu.memory_space<semaphore_mem>>)
      %dma_start3A_151 = arith.constant 64 : i32
      %dma_start3A_152 = arith.constant 0 : i32
      %dma_start3A_153 = tpu.memref_slice %arg16[%dma_start3A_151, %dma_start3A_152] : memref<128x64xf32, #tpu.memory_space<vmem>> -> memref<64x64xf32, #tpu.memory_space<vmem>>
      %dma_start3A_154 = arith.constant 64 : i32
      %dma_start3A_155 = tpu.memref_slice %arg10[%dma_start3A_154] : memref<128xi32, #tpu.memory_space<vmem>> -> memref<64xi32, #tpu.memory_space<vmem>>
      %dma_start3A_156 = arith.constant 0 : i32
      %dma_start3A_157 = arith.constant 0 : i32
      %dma_start3A_158 = tpu.memref_slice %arg2[%dma_start3A_156, %dma_start3A_157] : memref<20000x64xf32, #tpu.memory_space<hbm>> -> memref<20000x64xf32, #tpu.memory_space<hbm>>
      tpu.enqueue_indirect_dma source(%dma_start3A_158 : memref<20000x64xf32, #tpu.memory_space<hbm>>) target(%dma_start3A_153 : memref<64x64xf32, #tpu.memory_space<vmem>>) offsets(%dma_start3A_155 : memref<64xi32, #tpu.memory_space<vmem>>) semaphore(%arg21 : memref<!tpu.dma_semaphore, #tpu.memory_space<semaphore_mem>>)
      %dma_wait3A_159 = arith.constant 0 : i32
      %dma_wait3A_160 = arith.constant 0 : i32
      %dma_wait3A_161 = tpu.memref_slice %arg16[%dma_wait3A_159, %dma_wait3A_160] : memref<128x64xf32, #tpu.memory_space<vmem>> -> memref<64x64xf32, #tpu.memory_space<vmem>>
      %dma_wait3A_162 = arith.constant 0 : i32
      %dma_wait3A_163 = tpu.memref_slice %arg10[%dma_wait3A_162] : memref<128xi32, #tpu.memory_space<vmem>> -> memref<64xi32, #tpu.memory_space<vmem>>
      %dma_wait3A_164 = arith.constant 0 : i32
      %dma_wait3A_165 = arith.constant 0 : i32
      %dma_wait3A_166 = tpu.memref_slice %arg2[%dma_wait3A_164, %dma_wait3A_165] : memref<20000x64xf32, #tpu.memory_space<hbm>> -> memref<20000x64xf32, #tpu.memory_space<hbm>>
      tpu.wait_indirect_dma semaphore(%arg22 : memref<!tpu.dma_semaphore, #tpu.memory_space<semaphore_mem>>) src(%dma_wait3A_166 : memref<20000x64xf32, #tpu.memory_space<hbm>>) dst(%dma_wait3A_161 : memref<64x64xf32, #tpu.memory_space<vmem>>)
      %dma_start3A_167 = arith.constant 0 : i32
      %dma_start3A_168 = arith.constant 0 : i32
      %dma_start3A_169 = tpu.memref_slice %arg16[%dma_start3A_167, %dma_start3A_168] : memref<128x64xf32, #tpu.memory_space<vmem>> -> memref<64x64xf32, #tpu.memory_space<vmem>>
      %dma_start3A_170 = arith.constant 0 : i32
      %dma_start3A_171 = arith.constant 0 : i32
      %dma_start3A_172 = tpu.memref_slice %arg18[%dma_start3A_170, %dma_start3A_171] : memref<10000x64xf32, #tpu.memory_space<vmem_shared>> -> memref<10000x64xf32, #tpu.memory_space<vmem_shared>>
      tpu.enqueue_indirect_dma source(%dma_start3A_169 : memref<64x64xf32, #tpu.memory_space<vmem>>) target(%dma_start3A_172 : memref<10000x64xf32, #tpu.memory_space<vmem_shared>>) offsets(%arg12 : memref<64xi32, #tpu.memory_space<vmem>>) semaphore(%arg23 : memref<!tpu.dma_semaphore, #tpu.memory_space<semaphore_mem>>) {add = true}
      %dma_wait3A_173 = arith.constant 64 : i32
      %dma_wait3A_174 = arith.constant 0 : i32
      %dma_wait3A_175 = tpu.memref_slice %arg16[%dma_wait3A_173, %dma_wait3A_174] : memref<128x64xf32, #tpu.memory_space<vmem>> -> memref<64x64xf32, #tpu.memory_space<vmem>>
      %dma_wait3A_176 = arith.constant 64 : i32
      %dma_wait3A_177 = tpu.memref_slice %arg10[%dma_wait3A_176] : memref<128xi32, #tpu.memory_space<vmem>> -> memref<64xi32, #tpu.memory_space<vmem>>
      %dma_wait3A_178 = arith.constant 0 : i32
      %dma_wait3A_179 = arith.constant 0 : i32
      %dma_wait3A_180 = tpu.memref_slice %arg2[%dma_wait3A_178, %dma_wait3A_179] : memref<20000x64xf32, #tpu.memory_space<hbm>> -> memref<20000x64xf32, #tpu.memory_space<hbm>>
      tpu.wait_indirect_dma semaphore(%arg21 : memref<!tpu.dma_semaphore, #tpu.memory_space<semaphore_mem>>) src(%dma_wait3A_180 : memref<20000x64xf32, #tpu.memory_space<hbm>>) dst(%dma_wait3A_175 : memref<64x64xf32, #tpu.memory_space<vmem>>)
      %dma_start3A_181 = arith.constant 64 : i32
      %dma_start3A_182 = arith.constant 0 : i32
      %dma_start3A_183 = tpu.memref_slice %arg16[%dma_start3A_181, %dma_start3A_182] : memref<128x64xf32, #tpu.memory_space<vmem>> -> memref<64x64xf32, #tpu.memory_space<vmem>>
      %dma_start3A_184 = arith.constant 0 : i32
      %dma_start3A_185 = arith.constant 0 : i32
      %dma_start3A_186 = tpu.memref_slice %arg18[%dma_start3A_184, %dma_start3A_185] : memref<10000x64xf32, #tpu.memory_space<vmem_shared>> -> memref<10000x64xf32, #tpu.memory_space<vmem_shared>>
      tpu.enqueue_indirect_dma source(%dma_start3A_183 : memref<64x64xf32, #tpu.memory_space<vmem>>) target(%dma_start3A_186 : memref<10000x64xf32, #tpu.memory_space<vmem_shared>>) offsets(%arg13 : memref<64xi32, #tpu.memory_space<vmem>>) semaphore(%arg24 : memref<!tpu.dma_semaphore, #tpu.memory_space<semaphore_mem>>) {add = true}
      %eq3A_187 = arith.constant 0 : i32
      %eq3A_188 = arith.cmpi eq, %arg0, %eq3A_187 : i32
      %convert_element_type3A_189 = arith.extui %eq3A_188 : i1 to i32
      %cond3A_190 = arith.constant 0 : i32
      %cond3A_191 = arith.cmpi ne, %convert_element_type3A_189, %cond3A_190 : i32
      scf.if %cond3A_191 {
        %dma_start3A_231 = arith.constant 0 : i32
        %dma_start3A_232 = tpu.memref_slice %arg20[%dma_start3A_231] : memref<10000xf32, #tpu.memory_space<vmem_shared>> -> memref<10000xf32, #tpu.memory_space<vmem_shared>>
        tpu.enqueue_indirect_dma source(%arg17 : memref<64xf32, #tpu.memory_space<vmem>>) target(%dma_start3A_232 : memref<10000xf32, #tpu.memory_space<vmem_shared>>) offsets(%arg12 : memref<64xi32, #tpu.memory_space<vmem>>) semaphore(%arg25 : memref<!tpu.dma_semaphore, #tpu.memory_space<semaphore_mem>>) {add = true}
        %dma_start3A_233 = arith.constant 0 : i32
        %dma_start3A_234 = tpu.memref_slice %arg20[%dma_start3A_233] : memref<10000xf32, #tpu.memory_space<vmem_shared>> -> memref<10000xf32, #tpu.memory_space<vmem_shared>>
        tpu.enqueue_indirect_dma source(%arg17 : memref<64xf32, #tpu.memory_space<vmem>>) target(%dma_start3A_234 : memref<10000xf32, #tpu.memory_space<vmem_shared>>) offsets(%arg13 : memref<64xi32, #tpu.memory_space<vmem>>) semaphore(%arg26 : memref<!tpu.dma_semaphore, #tpu.memory_space<semaphore_mem>>) {add = true}
      } else {
      }
      %dma_wait3A_192 = arith.constant 0 : i32
      %dma_wait3A_193 = arith.constant 0 : i32
      %dma_wait3A_194 = tpu.memref_slice %arg16[%dma_wait3A_192, %dma_wait3A_193] : memref<128x64xf32, #tpu.memory_space<vmem>> -> memref<64x64xf32, #tpu.memory_space<vmem>>
      %dma_wait3A_195 = arith.constant 0 : i32
      %dma_wait3A_196 = arith.constant 0 : i32
      %dma_wait3A_197 = tpu.memref_slice %arg18[%dma_wait3A_195, %dma_wait3A_196] : memref<10000x64xf32, #tpu.memory_space<vmem_shared>> -> memref<10000x64xf32, #tpu.memory_space<vmem_shared>>
      tpu.wait_indirect_dma semaphore(%arg23 : memref<!tpu.dma_semaphore, #tpu.memory_space<semaphore_mem>>) src(%dma_wait3A_194 : memref<64x64xf32, #tpu.memory_space<vmem>>) dst(%dma_wait3A_197 : memref<10000x64xf32, #tpu.memory_space<vmem_shared>>)
      %scan3A_198 = arith.constant 0 : i32
      %scan3A_199 = arith.constant 0 : i32
      %scan3A_200 = arith.constant 4 : i32
      %scan3A_201 = arith.addi %scan3A_199, %scan3A_200 : i32
      %scan3A_202 = arith.constant 1 : i32
      %scan3A_203 = scf.for %scan3A_231 = %scan3A_199 to %scan3A_201 step %scan3A_202 iter_args(%scan3A_232 = %scan3A_198) -> (i32)  : i32 {
        %mul3A_233 = arith.constant 16 : i32
        %mul3A_234 = arith.muli %scan3A_231, %mul3A_233 : i32
        %get3A = arith.index_cast %mul3A_234 : i32 to index
        %get3A_235 = tpu.vector_load %arg11[%get3A] {strides = array<i32>} : memref<128xf32, #tpu.memory_space<vmem>>, vector<16xf32>,
        %get3A_236 = vector.shape_cast %get3A_235 : vector<16xf32> to vector<16xf32>
        %abs3A = math.absf %get3A_236 : vector<16xf32>
        %mul3A_237 = arith.constant 16 : i32
        %mul3A_238 = arith.muli %scan3A_231, %mul3A_237 : i32
        %add3A_239 = arith.constant 0 : i32
        %add3A_240 = arith.addi %mul3A_238, %add3A_239 : i32
        %slice3A = vector.extract_strided_slice %abs3A {offsets = [0], sizes = [1], strides = [1]} : vector<16xf32> to vector<1xf32>
        %squeeze3A = vector.extract %slice3A[0] : f32 from vector<1xf32>
        %broadcast_in_dim3A_241 = vector.broadcast %squeeze3A : f32 to vector<16xf32>
        %get3A_242 = arith.index_cast %add3A_240 : i32 to index
        %get3A_243 = arith.constant 0 : index
        %get3A_244 = tpu.vector_load %arg16[%get3A_242, %get3A_243] {strides = array<i32>} : memref<128x64xf32, #tpu.memory_space<vmem>>, vector<1x16xf32>,
        %get3A_245 = vector.shape_cast %get3A_244 : vector<1x16xf32> to vector<16xf32>
        %mul3A_246 = arith.mulf %broadcast_in_dim3A_241, %get3A_245 : vector<16xf32>
        %swap3A = arith.index_cast %add3A_240 : i32 to index
        %swap3A_247 = arith.constant 0 : index
        %swap3A_248 = tpu.vector_load %arg16[%swap3A, %swap3A_247] {strides = array<i32>} : memref<128x64xf32, #tpu.memory_space<vmem>>, vector<1x16xf32>,
        %swap3A_249 = vector.shape_cast %swap3A_248 : vector<1x16xf32> to vector<16xf32>
        %swap3A_250 = vector.shape_cast %mul3A_246 : vector<16xf32> to vector<1x16xf32>
        tpu.vector_store %arg16[%swap3A, %swap3A_247], %swap3A_250 {strides = array<i32>} : memref<128x64xf32, #tpu.memory_space<vmem>>, vector<1x16xf32>,
        %get3A_251 = arith.index_cast %add3A_240 : i32 to index
        %get3A_252 = arith.constant 16 : index
        %get3A_253 = tpu.vector_load %arg16[%get3A_251, %get3A_252] {strides = array<i32>} : memref<128x64xf32, #tpu.memory_space<vmem>>, vector<1x16xf32>,
        %get3A_254 = vector.shape_cast %get3A_253 : vector<1x16xf32> to vector<16xf32>
        %mul3A_255 = arith.mulf %broadcast_in_dim3A_241, %get3A_254 : vector<16xf32>
        %swap3A_256 = arith.index_cast %add3A_240 : i32 to index
        %swap3A_257 = arith.constant 16 : index
        %swap3A_258 = tpu.vector_load %arg16[%swap3A_256, %swap3A_257] {strides = array<i32>} : memref<128x64xf32, #tpu.memory_space<vmem>>, vector<1x16xf32>,
        %swap3A_259 = vector.shape_cast %swap3A_258 : vector<1x16xf32> to vector<16xf32>
        %swap3A_260 = vector.shape_cast %mul3A_255 : vector<16xf32> to vector<1x16xf32>
        tpu.vector_store %arg16[%swap3A_256, %swap3A_257], %swap3A_260 {strides = array<i32>} : memref<128x64xf32, #tpu.memory_space<vmem>>, vector<1x16xf32>,
        %get3A_261 = arith.index_cast %add3A_240 : i32 to index
        %get3A_262 = arith.constant 32 : index
        %get3A_263 = tpu.vector_load %arg16[%get3A_261, %get3A_262] {strides = array<i32>} : memref<128x64xf32, #tpu.memory_space<vmem>>, vector<1x16xf32>,
        %get3A_264 = vector.shape_cast %get3A_263 : vector<1x16xf32> to vector<16xf32>
        %mul3A_265 = arith.mulf %broadcast_in_dim3A_241, %get3A_264 : vector<16xf32>
        %swap3A_266 = arith.index_cast %add3A_240 : i32 to index
        %swap3A_267 = arith.constant 32 : index
        %swap3A_268 = tpu.vector_load %arg16[%swap3A_266, %swap3A_267] {strides = array<i32>} : memref<128x64xf32, #tpu.memory_space<vmem>>, vector<1x16xf32>,
        %swap3A_269 = vector.shape_cast %swap3A_268 : vector<1x16xf32> to vector<16xf32>
        %swap3A_270 = vector.shape_cast %mul3A_265 : vector<16xf32> to vector<1x16xf32>
        tpu.vector_store %arg16[%swap3A_266, %swap3A_267], %swap3A_270 {strides = array<i32>} : memref<128x64xf32, #tpu.memory_space<vmem>>, vector<1x16xf32>,
        %get3A_271 = arith.index_cast %add3A_240 : i32 to index
        %get3A_272 = arith.constant 48 : index
        %get3A_273 = tpu.vector_load %arg16[%get3A_271, %get3A_272] {strides = array<i32>} : memref<128x64xf32, #tpu.memory_space<vmem>>, vector<1x16xf32>,
        %get3A_274 = vector.shape_cast %get3A_273 : vector<1x16xf32> to vector<16xf32>
        %mul3A_275 = arith.mulf %broadcast_in_dim3A_241, %get3A_274 : vector<16xf32>
        %swap3A_276 = arith.index_cast %add3A_240 : i32 to index
        %swap3A_277 = arith.constant 48 : index
        %swap3A_278 = tpu.vector_load %arg16[%swap3A_276, %swap3A_277] {strides = array<i32>} : memref<128x64xf32, #tpu.memory_space<vmem>>, vector<1x16xf32>,
        %swap3A_279 = vector.shape_cast %swap3A_278 : vector<1x16xf32> to vector<16xf32>
        %swap3A_280 = vector.shape_cast %mul3A_275 : vector<16xf32> to vector<1x16xf32>
        tpu.vector_store %arg16[%swap3A_276, %swap3A_277], %swap3A_280 {strides = array<i32>} : memref<128x64xf32, #tpu.memory_space<vmem>>, vector<1x16xf32>,
        %mul3A_281 = arith.constant 16 : i32
        %mul3A_282 = arith.muli %scan3A_231, %mul3A_281 : i32
        %add3A_283 = arith.constant 1 : i32
        %add3A_284 = arith.addi %mul3A_282, %add3A_283 : i32
        %slice3A_285 = vector.extract_strided_slice %abs3A {offsets = [1], sizes = [1], strides = [1]} : vector<16xf32> to vector<1xf32>
        %squeeze3A_286 = vector.extract %slice3A_285[0] : f32 from vector<1xf32>
        %broadcast_in_dim3A_287 = vector.broadcast %squeeze3A_286 : f32 to vector<16xf32>
        %get3A_288 = arith.index_cast %add3A_284 : i32 to index
        %get3A_289 = arith.constant 0 : index
        %get3A_290 = tpu.vector_load %arg16[%get3A_288, %get3A_289] {strides = array<i32>} : memref<128x64xf32, #tpu.memory_space<vmem>>, vector<1x16xf32>,
        %get3A_291 = vector.shape_cast %get3A_290 : vector<1x16xf32> to vector<16xf32>
        %mul3A_292 = arith.mulf %broadcast_in_dim3A_287, %get3A_291 : vector<16xf32>
        %swap3A_293 = arith.index_cast %add3A_284 : i32 to index
        %swap3A_294 = arith.constant 0 : index
        %swap3A_295 = tpu.vector_load %arg16[%swap3A_293, %swap3A_294] {strides = array<i32>} : memref<128x64xf32, #tpu.memory_space<vmem>>, vector<1x16xf32>,
        %swap3A_296 = vector.shape_cast %swap3A_295 : vector<1x16xf32> to vector<16xf32>
        %swap3A_297 = vector.shape_cast %mul3A_292 : vector<16xf32> to vector<1x16xf32>
        tpu.vector_store %arg16[%swap3A_293, %swap3A_294], %swap3A_297 {strides = array<i32>} : memref<128x64xf32, #tpu.memory_space<vmem>>, vector<1x16xf32>,
        %get3A_298 = arith.index_cast %add3A_284 : i32 to index
        %get3A_299 = arith.constant 16 : index
        %get3A_300 = tpu.vector_load %arg16[%get3A_298, %get3A_299] {strides = array<i32>} : memref<128x64xf32, #tpu.memory_space<vmem>>, vector<1x16xf32>,
        %get3A_301 = vector.shape_cast %get3A_300 : vector<1x16xf32> to vector<16xf32>
        %mul3A_302 = arith.mulf %broadcast_in_dim3A_287, %get3A_301 : vector<16xf32>
        %swap3A_303 = arith.index_cast %add3A_284 : i32 to index
        %swap3A_304 = arith.constant 16 : index
        %swap3A_305 = tpu.vector_load %arg16[%swap3A_303, %swap3A_304] {strides = array<i32>} : memref<128x64xf32, #tpu.memory_space<vmem>>, vector<1x16xf32>,
        %swap3A_306 = vector.shape_cast %swap3A_305 : vector<1x16xf32> to vector<16xf32>
        %swap3A_307 = vector.shape_cast %mul3A_302 : vector<16xf32> to vector<1x16xf32>
        tpu.vector_store %arg16[%swap3A_303, %swap3A_304], %swap3A_307 {strides = array<i32>} : memref<128x64xf32, #tpu.memory_space<vmem>>, vector<1x16xf32>,
        %get3A_308 = arith.index_cast %add3A_284 : i32 to index
        %get3A_309 = arith.constant 32 : index
        %get3A_310 = tpu.vector_load %arg16[%get3A_308, %get3A_309] {strides = array<i32>} : memref<128x64xf32, #tpu.memory_space<vmem>>, vector<1x16xf32>,
        %get3A_311 = vector.shape_cast %get3A_310 : vector<1x16xf32> to vector<16xf32>
        %mul3A_312 = arith.mulf %broadcast_in_dim3A_287, %get3A_311 : vector<16xf32>
        %swap3A_313 = arith.index_cast %add3A_284 : i32 to index
        %swap3A_314 = arith.constant 32 : index
        %swap3A_315 = tpu.vector_load %arg16[%swap3A_313, %swap3A_314] {strides = array<i32>} : memref<128x64xf32, #tpu.memory_space<vmem>>, vector<1x16xf32>,
        %swap3A_316 = vector.shape_cast %swap3A_315 : vector<1x16xf32> to vector<16xf32>
        %swap3A_317 = vector.shape_cast %mul3A_312 : vector<16xf32> to vector<1x16xf32>
        tpu.vector_store %arg16[%swap3A_313, %swap3A_314], %swap3A_317 {strides = array<i32>} : memref<128x64xf32, #tpu.memory_space<vmem>>, vector<1x16xf32>,
        %get3A_318 = arith.index_cast %add3A_284 : i32 to index
        %get3A_319 = arith.constant 48 : index
        %get3A_320 = tpu.vector_load %arg16[%get3A_318, %get3A_319] {strides = array<i32>} : memref<128x64xf32, #tpu.memory_space<vmem>>, vector<1x16xf32>,
        %get3A_321 = vector.shape_cast %get3A_320 : vector<1x16xf32> to vector<16xf32>
        %mul3A_322 = arith.mulf %broadcast_in_dim3A_287, %get3A_321 : vector<16xf32>
        %swap3A_323 = arith.index_cast %add3A_284 : i32 to index
        %swap3A_324 = arith.constant 48 : index
        %swap3A_325 = tpu.vector_load %arg16[%swap3A_323, %swap3A_324] {strides = array<i32>} : memref<128x64xf32, #tpu.memory_space<vmem>>, vector<1x16xf32>,
        %swap3A_326 = vector.shape_cast %swap3A_325 : vector<1x16xf32> to vector<16xf32>
        %swap3A_327 = vector.shape_cast %mul3A_322 : vector<16xf32> to vector<1x16xf32>
        tpu.vector_store %arg16[%swap3A_323, %swap3A_324], %swap3A_327 {strides = array<i32>} : memref<128x64xf32, #tpu.memory_space<vmem>>, vector<1x16xf32>,
        %mul3A_328 = arith.constant 16 : i32
        %mul3A_329 = arith.muli %scan3A_231, %mul3A_328 : i32
        %add3A_330 = arith.constant 2 : i32
        %add3A_331 = arith.addi %mul3A_329, %add3A_330 : i32
        %slice3A_332 = vector.extract_strided_slice %abs3A {offsets = [2], sizes = [1], strides = [1]} : vector<16xf32> to vector<1xf32>
        %squeeze3A_333 = vector.extract %slice3A_332[0] : f32 from vector<1xf32>
        %broadcast_in_dim3A_334 = vector.broadcast %squeeze3A_333 : f32 to vector<16xf32>
        %get3A_335 = arith.index_cast %add3A_331 : i32 to index
        %get3A_336 = arith.constant 0 : index
        %get3A_337 = tpu.vector_load %arg16[%get3A_335, %get3A_336] {strides = array<i32>} : memref<128x64xf32, #tpu.memory_space<vmem>>, vector<1x16xf32>,
        %get3A_338 = vector.shape_cast %get3A_337 : vector<1x16xf32> to vector<16xf32>
        %mul3A_339 = arith.mulf %broadcast_in_dim3A_334, %get3A_338 : vector<16xf32>
        %swap3A_340 = arith.index_cast %add3A_331 : i32 to index
        %swap3A_341 = arith.constant 0 : index
        %swap3A_342 = tpu.vector_load %arg16[%swap3A_340, %swap3A_341] {strides = array<i32>} : memref<128x64xf32, #tpu.memory_space<vmem>>, vector<1x16xf32>,
        %swap3A_343 = vector.shape_cast %swap3A_342 : vector<1x16xf32> to vector<16xf32>
        %swap3A_344 = vector.shape_cast %mul3A_339 : vector<16xf32> to vector<1x16xf32>
        tpu.vector_store %arg16[%swap3A_340, %swap3A_341], %swap3A_344 {strides = array<i32>} : memref<128x64xf32, #tpu.memory_space<vmem>>, vector<1x16xf32>,
        %get3A_345 = arith.index_cast %add3A_331 : i32 to index
        %get3A_346 = arith.constant 16 : index
        %get3A_347 = tpu.vector_load %arg16[%get3A_345, %get3A_346] {strides = array<i32>} : memref<128x64xf32, #tpu.memory_space<vmem>>, vector<1x16xf32>,
        %get3A_348 = vector.shape_cast %get3A_347 : vector<1x16xf32> to vector<16xf32>
        %mul3A_349 = arith.mulf %broadcast_in_dim3A_334, %get3A_348 : vector<16xf32>
        %swap3A_350 = arith.index_cast %add3A_331 : i32 to index
        %swap3A_351 = arith.constant 16 : index
        %swap3A_352 = tpu.vector_load %arg16[%swap3A_350, %swap3A_351] {strides = array<i32>} : memref<128x64xf32, #tpu.memory_space<vmem>>, vector<1x16xf32>,
        %swap3A_353 = vector.shape_cast %swap3A_352 : vector<1x16xf32> to vector<16xf32>
        %swap3A_354 = vector.shape_cast %mul3A_349 : vector<16xf32> to vector<1x16xf32>
        tpu.vector_store %arg16[%swap3A_350, %swap3A_351], %swap3A_354 {strides = array<i32>} : memref<128x64xf32, #tpu.memory_space<vmem>>, vector<1x16xf32>,
        %get3A_355 = arith.index_cast %add3A_331 : i32 to index
        %get3A_356 = arith.constant 32 : index
        %get3A_357 = tpu.vector_load %arg16[%get3A_355, %get3A_356] {strides = array<i32>} : memref<128x64xf32, #tpu.memory_space<vmem>>, vector<1x16xf32>,
        %get3A_358 = vector.shape_cast %get3A_357 : vector<1x16xf32> to vector<16xf32>
        %mul3A_359 = arith.mulf %broadcast_in_dim3A_334, %get3A_358 : vector<16xf32>
        %swap3A_360 = arith.index_cast %add3A_331 : i32 to index
        %swap3A_361 = arith.constant 32 : index
        %swap3A_362 = tpu.vector_load %arg16[%swap3A_360, %swap3A_361] {strides = array<i32>} : memref<128x64xf32, #tpu.memory_space<vmem>>, vector<1x16xf32>,
        %swap3A_363 = vector.shape_cast %swap3A_362 : vector<1x16xf32> to vector<16xf32>
        %swap3A_364 = vector.shape_cast %mul3A_359 : vector<16xf32> to vector<1x16xf32>
        tpu.vector_store %arg16[%swap3A_360, %swap3A_361], %swap3A_364 {strides = array<i32>} : memref<128x64xf32, #tpu.memory_space<vmem>>, vector<1x16xf32>,
        %get3A_365 = arith.index_cast %add3A_331 : i32 to index
        %get3A_366 = arith.constant 48 : index
        %get3A_367 = tpu.vector_load %arg16[%get3A_365, %get3A_366] {strides = array<i32>} : memref<128x64xf32, #tpu.memory_space<vmem>>, vector<1x16xf32>,
        %get3A_368 = vector.shape_cast %get3A_367 : vector<1x16xf32> to vector<16xf32>
        %mul3A_369 = arith.mulf %broadcast_in_dim3A_334, %get3A_368 : vector<16xf32>
        %swap3A_370 = arith.index_cast %add3A_331 : i32 to index
        %swap3A_371 = arith.constant 48 : index
        %swap3A_372 = tpu.vector_load %arg16[%swap3A_370, %swap3A_371] {strides = array<i32>} : memref<128x64xf32, #tpu.memory_space<vmem>>, vector<1x16xf32>,
        %swap3A_373 = vector.shape_cast %swap3A_372 : vector<1x16xf32> to vector<16xf32>
        %swap3A_374 = vector.shape_cast %mul3A_369 : vector<16xf32> to vector<1x16xf32>
        tpu.vector_store %arg16[%swap3A_370, %swap3A_371], %swap3A_374 {strides = array<i32>} : memref<128x64xf32, #tpu.memory_space<vmem>>, vector<1x16xf32>,
        %mul3A_375 = arith.constant 16 : i32
        %mul3A_376 = arith.muli %scan3A_231, %mul3A_375 : i32
        %add3A_377 = arith.constant 3 : i32
        %add3A_378 = arith.addi %mul3A_376, %add3A_377 : i32
        %slice3A_379 = vector.extract_strided_slice %abs3A {offsets = [3], sizes = [1], strides = [1]} : vector<16xf32> to vector<1xf32>
        %squeeze3A_380 = vector.extract %slice3A_379[0] : f32 from vector<1xf32>
        %broadcast_in_dim3A_381 = vector.broadcast %squeeze3A_380 : f32 to vector<16xf32>
        %get3A_382 = arith.index_cast %add3A_378 : i32 to index
        %get3A_383 = arith.constant 0 : index
        %get3A_384 = tpu.vector_load %arg16[%get3A_382, %get3A_383] {strides = array<i32>} : memref<128x64xf32, #tpu.memory_space<vmem>>, vector<1x16xf32>,
        %get3A_385 = vector.shape_cast %get3A_384 : vector<1x16xf32> to vector<16xf32>
        %mul3A_386 = arith.mulf %broadcast_in_dim3A_381, %get3A_385 : vector<16xf32>
        %swap3A_387 = arith.index_cast %add3A_378 : i32 to index
        %swap3A_388 = arith.constant 0 : index
        %swap3A_389 = tpu.vector_load %arg16[%swap3A_387, %swap3A_388] {strides = array<i32>} : memref<128x64xf32, #tpu.memory_space<vmem>>, vector<1x16xf32>,
        %swap3A_390 = vector.shape_cast %swap3A_389 : vector<1x16xf32> to vector<16xf32>
        %swap3A_391 = vector.shape_cast %mul3A_386 : vector<16xf32> to vector<1x16xf32>
        tpu.vector_store %arg16[%swap3A_387, %swap3A_388], %swap3A_391 {strides = array<i32>} : memref<128x64xf32, #tpu.memory_space<vmem>>, vector<1x16xf32>,
        %get3A_392 = arith.index_cast %add3A_378 : i32 to index
        %get3A_393 = arith.constant 16 : index
        %get3A_394 = tpu.vector_load %arg16[%get3A_392, %get3A_393] {strides = array<i32>} : memref<128x64xf32, #tpu.memory_space<vmem>>, vector<1x16xf32>,
        %get3A_395 = vector.shape_cast %get3A_394 : vector<1x16xf32> to vector<16xf32>
        %mul3A_396 = arith.mulf %broadcast_in_dim3A_381, %get3A_395 : vector<16xf32>
        %swap3A_397 = arith.index_cast %add3A_378 : i32 to index
        %swap3A_398 = arith.constant 16 : index
        %swap3A_399 = tpu.vector_load %arg16[%swap3A_397, %swap3A_398] {strides = array<i32>} : memref<128x64xf32, #tpu.memory_space<vmem>>, vector<1x16xf32>,
        %swap3A_400 = vector.shape_cast %swap3A_399 : vector<1x16xf32> to vector<16xf32>
        %swap3A_401 = vector.shape_cast %mul3A_396 : vector<16xf32> to vector<1x16xf32>
        tpu.vector_store %arg16[%swap3A_397, %swap3A_398], %swap3A_401 {strides = array<i32>} : memref<128x64xf32, #tpu.memory_space<vmem>>, vector<1x16xf32>,
        %get3A_402 = arith.index_cast %add3A_378 : i32 to index
        %get3A_403 = arith.constant 32 : index
        %get3A_404 = tpu.vector_load %arg16[%get3A_402, %get3A_403] {strides = array<i32>} : memref<128x64xf32, #tpu.memory_space<vmem>>, vector<1x16xf32>,
        %get3A_405 = vector.shape_cast %get3A_404 : vector<1x16xf32> to vector<16xf32>
        %mul3A_406 = arith.mulf %broadcast_in_dim3A_381, %get3A_405 : vector<16xf32>
        %swap3A_407 = arith.index_cast %add3A_378 : i32 to index
        %swap3A_408 = arith.constant 32 : index
        %swap3A_409 = tpu.vector_load %arg16[%swap3A_407, %swap3A_408] {strides = array<i32>} : memref<128x64xf32, #tpu.memory_space<vmem>>, vector<1x16xf32>,
        %swap3A_410 = vector.shape_cast %swap3A_409 : vector<1x16xf32> to vector<16xf32>
        %swap3A_411 = vector.shape_cast %mul3A_406 : vector<16xf32> to vector<1x16xf32>
        tpu.vector_store %arg16[%swap3A_407, %swap3A_408], %swap3A_411 {strides = array<i32>} : memref<128x64xf32, #tpu.memory_space<vmem>>, vector<1x16xf32>,
        %get3A_412 = arith.index_cast %add3A_378 : i32 to index
        %get3A_413 = arith.constant 48 : index
        %get3A_414 = tpu.vector_load %arg16[%get3A_412, %get3A_413] {strides = array<i32>} : memref<128x64xf32, #tpu.memory_space<vmem>>, vector<1x16xf32>,
        %get3A_415 = vector.shape_cast %get3A_414 : vector<1x16xf32> to vector<16xf32>
        %mul3A_416 = arith.mulf %broadcast_in_dim3A_381, %get3A_415 : vector<16xf32>
        %swap3A_417 = arith.index_cast %add3A_378 : i32 to index
        %swap3A_418 = arith.constant 48 : index
        %swap3A_419 = tpu.vector_load %arg16[%swap3A_417, %swap3A_418] {strides = array<i32>} : memref<128x64xf32, #tpu.memory_space<vmem>>, vector<1x16xf32>,
        %swap3A_420 = vector.shape_cast %swap3A_419 : vector<1x16xf32> to vector<16xf32>
        %swap3A_421 = vector.shape_cast %mul3A_416 : vector<16xf32> to vector<1x16xf32>
        tpu.vector_store %arg16[%swap3A_417, %swap3A_418], %swap3A_421 {strides = array<i32>} : memref<128x64xf32, #tpu.memory_space<vmem>>, vector<1x16xf32>,
        %mul3A_422 = arith.constant 16 : i32
        %mul3A_423 = arith.muli %scan3A_231, %mul3A_422 : i32
        %add3A_424 = arith.constant 4 : i32
        %add3A_425 = arith.addi %mul3A_423, %add3A_424 : i32
        %slice3A_426 = vector.extract_strided_slice %abs3A {offsets = [4], sizes = [1], strides = [1]} : vector<16xf32> to vector<1xf32>
        %squeeze3A_427 = vector.extract %slice3A_426[0] : f32 from vector<1xf32>
        %broadcast_in_dim3A_428 = vector.broadcast %squeeze3A_427 : f32 to vector<16xf32>
        %get3A_429 = arith.index_cast %add3A_425 : i32 to index
        %get3A_430 = arith.constant 0 : index
        %get3A_431 = tpu.vector_load %arg16[%get3A_429, %get3A_430] {strides = array<i32>} : memref<128x64xf32, #tpu.memory_space<vmem>>, vector<1x16xf32>,
        %get3A_432 = vector.shape_cast %get3A_431 : vector<1x16xf32> to vector<16xf32>
        %mul3A_433 = arith.mulf %broadcast_in_dim3A_428, %get3A_432 : vector<16xf32>
        %swap3A_434 = arith.index_cast %add3A_425 : i32 to index
        %swap3A_435 = arith.constant 0 : index
        %swap3A_436 = tpu.vector_load %arg16[%swap3A_434, %swap3A_435] {strides = array<i32>} : memref<128x64xf32, #tpu.memory_space<vmem>>, vector<1x16xf32>,
        %swap3A_437 = vector.shape_cast %swap3A_436 : vector<1x16xf32> to vector<16xf32>
        %swap3A_438 = vector.shape_cast %mul3A_433 : vector<16xf32> to vector<1x16xf32>
        tpu.vector_store %arg16[%swap3A_434, %swap3A_435], %swap3A_438 {strides = array<i32>} : memref<128x64xf32, #tpu.memory_space<vmem>>, vector<1x16xf32>,
        %get3A_439 = arith.index_cast %add3A_425 : i32 to index
        %get3A_440 = arith.constant 16 : index
        %get3A_441 = tpu.vector_load %arg16[%get3A_439, %get3A_440] {strides = array<i32>} : memref<128x64xf32, #tpu.memory_space<vmem>>, vector<1x16xf32>,
        %get3A_442 = vector.shape_cast %get3A_441 : vector<1x16xf32> to vector<16xf32>
        %mul3A_443 = arith.mulf %broadcast_in_dim3A_428, %get3A_442 : vector<16xf32>
        %swap3A_444 = arith.index_cast %add3A_425 : i32 to index
        %swap3A_445 = arith.constant 16 : index
        %swap3A_446 = tpu.vector_load %arg16[%swap3A_444, %swap3A_445] {strides = array<i32>} : memref<128x64xf32, #tpu.memory_space<vmem>>, vector<1x16xf32>,
        %swap3A_447 = vector.shape_cast %swap3A_446 : vector<1x16xf32> to vector<16xf32>
        %swap3A_448 = vector.shape_cast %mul3A_443 : vector<16xf32> to vector<1x16xf32>
        tpu.vector_store %arg16[%swap3A_444, %swap3A_445], %swap3A_448 {strides = array<i32>} : memref<128x64xf32, #tpu.memory_space<vmem>>, vector<1x16xf32>,
        %get3A_449 = arith.index_cast %add3A_425 : i32 to index
        %get3A_450 = arith.constant 32 : index
        %get3A_451 = tpu.vector_load %arg16[%get3A_449, %get3A_450] {strides = array<i32>} : memref<128x64xf32, #tpu.memory_space<vmem>>, vector<1x16xf32>,
        %get3A_452 = vector.shape_cast %get3A_451 : vector<1x16xf32> to vector<16xf32>
        %mul3A_453 = arith.mulf %broadcast_in_dim3A_428, %get3A_452 : vector<16xf32>
        %swap3A_454 = arith.index_cast %add3A_425 : i32 to index
        %swap3A_455 = arith.constant 32 : index
        %swap3A_456 = tpu.vector_load %arg16[%swap3A_454, %swap3A_455] {strides = array<i32>} : memref<128x64xf32, #tpu.memory_space<vmem>>, vector<1x16xf32>,
        %swap3A_457 = vector.shape_cast %swap3A_456 : vector<1x16xf32> to vector<16xf32>
        %swap3A_458 = vector.shape_cast %mul3A_453 : vector<16xf32> to vector<1x16xf32>
        tpu.vector_store %arg16[%swap3A_454, %swap3A_455], %swap3A_458 {strides = array<i32>} : memref<128x64xf32, #tpu.memory_space<vmem>>, vector<1x16xf32>,
        %get3A_459 = arith.index_cast %add3A_425 : i32 to index
        %get3A_460 = arith.constant 48 : index
        %get3A_461 = tpu.vector_load %arg16[%get3A_459, %get3A_460] {strides = array<i32>} : memref<128x64xf32, #tpu.memory_space<vmem>>, vector<1x16xf32>,
        %get3A_462 = vector.shape_cast %get3A_461 : vector<1x16xf32> to vector<16xf32>
        %mul3A_463 = arith.mulf %broadcast_in_dim3A_428, %get3A_462 : vector<16xf32>
        %swap3A_464 = arith.index_cast %add3A_425 : i32 to index
        %swap3A_465 = arith.constant 48 : index
        %swap3A_466 = tpu.vector_load %arg16[%swap3A_464, %swap3A_465] {strides = array<i32>} : memref<128x64xf32, #tpu.memory_space<vmem>>, vector<1x16xf32>,
        %swap3A_467 = vector.shape_cast %swap3A_466 : vector<1x16xf32> to vector<16xf32>
        %swap3A_468 = vector.shape_cast %mul3A_463 : vector<16xf32> to vector<1x16xf32>
        tpu.vector_store %arg16[%swap3A_464, %swap3A_465], %swap3A_468 {strides = array<i32>} : memref<128x64xf32, #tpu.memory_space<vmem>>, vector<1x16xf32>,
        %mul3A_469 = arith.constant 16 : i32
        %mul3A_470 = arith.muli %scan3A_231, %mul3A_469 : i32
        %add3A_471 = arith.constant 5 : i32
        %add3A_472 = arith.addi %mul3A_470, %add3A_471 : i32
        %slice3A_473 = vector.extract_strided_slice %abs3A {offsets = [5], sizes = [1], strides = [1]} : vector<16xf32> to vector<1xf32>
        %squeeze3A_474 = vector.extract %slice3A_473[0] : f32 from vector<1xf32>
        %broadcast_in_dim3A_475 = vector.broadcast %squeeze3A_474 : f32 to vector<16xf32>
        %get3A_476 = arith.index_cast %add3A_472 : i32 to index
        %get3A_477 = arith.constant 0 : index
        %get3A_478 = tpu.vector_load %arg16[%get3A_476, %get3A_477] {strides = array<i32>} : memref<128x64xf32, #tpu.memory_space<vmem>>, vector<1x16xf32>,
        %get3A_479 = vector.shape_cast %get3A_478 : vector<1x16xf32> to vector<16xf32>
        %mul3A_480 = arith.mulf %broadcast_in_dim3A_475, %get3A_479 : vector<16xf32>
        %swap3A_481 = arith.index_cast %add3A_472 : i32 to index
        %swap3A_482 = arith.constant 0 : index
        %swap3A_483 = tpu.vector_load %arg16[%swap3A_481, %swap3A_482] {strides = array<i32>} : memref<128x64xf32, #tpu.memory_space<vmem>>, vector<1x16xf32>,
        %swap3A_484 = vector.shape_cast %swap3A_483 : vector<1x16xf32> to vector<16xf32>
        %swap3A_485 = vector.shape_cast %mul3A_480 : vector<16xf32> to vector<1x16xf32>
        tpu.vector_store %arg16[%swap3A_481, %swap3A_482], %swap3A_485 {strides = array<i32>} : memref<128x64xf32, #tpu.memory_space<vmem>>, vector<1x16xf32>,
        %get3A_486 = arith.index_cast %add3A_472 : i32 to index
        %get3A_487 = arith.constant 16 : index
        %get3A_488 = tpu.vector_load %arg16[%get3A_486, %get3A_487] {strides = array<i32>} : memref<128x64xf32, #tpu.memory_space<vmem>>, vector<1x16xf32>,
        %get3A_489 = vector.shape_cast %get3A_488 : vector<1x16xf32> to vector<16xf32>
        %mul3A_490 = arith.mulf %broadcast_in_dim3A_475, %get3A_489 : vector<16xf32>
        %swap3A_491 = arith.index_cast %add3A_472 : i32 to index
        %swap3A_492 = arith.constant 16 : index
        %swap3A_493 = tpu.vector_load %arg16[%swap3A_491, %swap3A_492] {strides = array<i32>} : memref<128x64xf32, #tpu.memory_space<vmem>>, vector<1x16xf32>,
        %swap3A_494 = vector.shape_cast %swap3A_493 : vector<1x16xf32> to vector<16xf32>
        %swap3A_495 = vector.shape_cast %mul3A_490 : vector<16xf32> to vector<1x16xf32>
        tpu.vector_store %arg16[%swap3A_491, %swap3A_492], %swap3A_495 {strides = array<i32>} : memref<128x64xf32, #tpu.memory_space<vmem>>, vector<1x16xf32>,
        %get3A_496 = arith.index_cast %add3A_472 : i32 to index
        %get3A_497 = arith.constant 32 : index
        %get3A_498 = tpu.vector_load %arg16[%get3A_496, %get3A_497] {strides = array<i32>} : memref<128x64xf32, #tpu.memory_space<vmem>>, vector<1x16xf32>,
        %get3A_499 = vector.shape_cast %get3A_498 : vector<1x16xf32> to vector<16xf32>
        %mul3A_500 = arith.mulf %broadcast_in_dim3A_475, %get3A_499 : vector<16xf32>
        %swap3A_501 = arith.index_cast %add3A_472 : i32 to index
        %swap3A_502 = arith.constant 32 : index
        %swap3A_503 = tpu.vector_load %arg16[%swap3A_501, %swap3A_502] {strides = array<i32>} : memref<128x64xf32, #tpu.memory_space<vmem>>, vector<1x16xf32>,
        %swap3A_504 = vector.shape_cast %swap3A_503 : vector<1x16xf32> to vector<16xf32>
        %swap3A_505 = vector.shape_cast %mul3A_500 : vector<16xf32> to vector<1x16xf32>
        tpu.vector_store %arg16[%swap3A_501, %swap3A_502], %swap3A_505 {strides = array<i32>} : memref<128x64xf32, #tpu.memory_space<vmem>>, vector<1x16xf32>,
        %get3A_506 = arith.index_cast %add3A_472 : i32 to index
        %get3A_507 = arith.constant 48 : index
        %get3A_508 = tpu.vector_load %arg16[%get3A_506, %get3A_507] {strides = array<i32>} : memref<128x64xf32, #tpu.memory_space<vmem>>, vector<1x16xf32>,
        %get3A_509 = vector.shape_cast %get3A_508 : vector<1x16xf32> to vector<16xf32>
        %mul3A_510 = arith.mulf %broadcast_in_dim3A_475, %get3A_509 : vector<16xf32>
        %swap3A_511 = arith.index_cast %add3A_472 : i32 to index
        %swap3A_512 = arith.constant 48 : index
        %swap3A_513 = tpu.vector_load %arg16[%swap3A_511, %swap3A_512] {strides = array<i32>} : memref<128x64xf32, #tpu.memory_space<vmem>>, vector<1x16xf32>,
        %swap3A_514 = vector.shape_cast %swap3A_513 : vector<1x16xf32> to vector<16xf32>
        %swap3A_515 = vector.shape_cast %mul3A_510 : vector<16xf32> to vector<1x16xf32>
        tpu.vector_store %arg16[%swap3A_511, %swap3A_512], %swap3A_515 {strides = array<i32>} : memref<128x64xf32, #tpu.memory_space<vmem>>, vector<1x16xf32>,
        %mul3A_516 = arith.constant 16 : i32
        %mul3A_517 = arith.muli %scan3A_231, %mul3A_516 : i32
        %add3A_518 = arith.constant 6 : i32
        %add3A_519 = arith.addi %mul3A_517, %add3A_518 : i32
        %slice3A_520 = vector.extract_strided_slice %abs3A {offsets = [6], sizes = [1], strides = [1]} : vector<16xf32> to vector<1xf32>
        %squeeze3A_521 = vector.extract %slice3A_520[0] : f32 from vector<1xf32>
        %broadcast_in_dim3A_522 = vector.broadcast %squeeze3A_521 : f32 to vector<16xf32>
        %get3A_523 = arith.index_cast %add3A_519 : i32 to index
        %get3A_524 = arith.constant 0 : index
        %get3A_525 = tpu.vector_load %arg16[%get3A_523, %get3A_524] {strides = array<i32>} : memref<128x64xf32, #tpu.memory_space<vmem>>, vector<1x16xf32>,
        %get3A_526 = vector.shape_cast %get3A_525 : vector<1x16xf32> to vector<16xf32>
        %mul3A_527 = arith.mulf %broadcast_in_dim3A_522, %get3A_526 : vector<16xf32>
        %swap3A_528 = arith.index_cast %add3A_519 : i32 to index
        %swap3A_529 = arith.constant 0 : index
        %swap3A_530 = tpu.vector_load %arg16[%swap3A_528, %swap3A_529] {strides = array<i32>} : memref<128x64xf32, #tpu.memory_space<vmem>>, vector<1x16xf32>,
        %swap3A_531 = vector.shape_cast %swap3A_530 : vector<1x16xf32> to vector<16xf32>
        %swap3A_532 = vector.shape_cast %mul3A_527 : vector<16xf32> to vector<1x16xf32>
        tpu.vector_store %arg16[%swap3A_528, %swap3A_529], %swap3A_532 {strides = array<i32>} : memref<128x64xf32, #tpu.memory_space<vmem>>, vector<1x16xf32>,
        %get3A_533 = arith.index_cast %add3A_519 : i32 to index
        %get3A_534 = arith.constant 16 : index
        %get3A_535 = tpu.vector_load %arg16[%get3A_533, %get3A_534] {strides = array<i32>} : memref<128x64xf32, #tpu.memory_space<vmem>>, vector<1x16xf32>,
        %get3A_536 = vector.shape_cast %get3A_535 : vector<1x16xf32> to vector<16xf32>
        %mul3A_537 = arith.mulf %broadcast_in_dim3A_522, %get3A_536 : vector<16xf32>
        %swap3A_538 = arith.index_cast %add3A_519 : i32 to index
        %swap3A_539 = arith.constant 16 : index
        %swap3A_540 = tpu.vector_load %arg16[%swap3A_538, %swap3A_539] {strides = array<i32>} : memref<128x64xf32, #tpu.memory_space<vmem>>, vector<1x16xf32>,
        %swap3A_541 = vector.shape_cast %swap3A_540 : vector<1x16xf32> to vector<16xf32>
        %swap3A_542 = vector.shape_cast %mul3A_537 : vector<16xf32> to vector<1x16xf32>
        tpu.vector_store %arg16[%swap3A_538, %swap3A_539], %swap3A_542 {strides = array<i32>} : memref<128x64xf32, #tpu.memory_space<vmem>>, vector<1x16xf32>,
        %get3A_543 = arith.index_cast %add3A_519 : i32 to index
        %get3A_544 = arith.constant 32 : index
        %get3A_545 = tpu.vector_load %arg16[%get3A_543, %get3A_544] {strides = array<i32>} : memref<128x64xf32, #tpu.memory_space<vmem>>, vector<1x16xf32>,
        %get3A_546 = vector.shape_cast %get3A_545 : vector<1x16xf32> to vector<16xf32>
        %mul3A_547 = arith.mulf %broadcast_in_dim3A_522, %get3A_546 : vector<16xf32>
        %swap3A_548 = arith.index_cast %add3A_519 : i32 to index
        %swap3A_549 = arith.constant 32 : index
        %swap3A_550 = tpu.vector_load %arg16[%swap3A_548, %swap3A_549] {strides = array<i32>} : memref<128x64xf32, #tpu.memory_space<vmem>>, vector<1x16xf32>,
        %swap3A_551 = vector.shape_cast %swap3A_550 : vector<1x16xf32> to vector<16xf32>
        %swap3A_552 = vector.shape_cast %mul3A_547 : vector<16xf32> to vector<1x16xf32>
        tpu.vector_store %arg16[%swap3A_548, %swap3A_549], %swap3A_552 {strides = array<i32>} : memref<128x64xf32, #tpu.memory_space<vmem>>, vector<1x16xf32>,
        %get3A_553 = arith.index_cast %add3A_519 : i32 to index
        %get3A_554 = arith.constant 48 : index
        %get3A_555 = tpu.vector_load %arg16[%get3A_553, %get3A_554] {strides = array<i32>} : memref<128x64xf32, #tpu.memory_space<vmem>>, vector<1x16xf32>,
        %get3A_556 = vector.shape_cast %get3A_555 : vector<1x16xf32> to vector<16xf32>
        %mul3A_557 = arith.mulf %broadcast_in_dim3A_522, %get3A_556 : vector<16xf32>
        %swap3A_558 = arith.index_cast %add3A_519 : i32 to index
        %swap3A_559 = arith.constant 48 : index
        %swap3A_560 = tpu.vector_load %arg16[%swap3A_558, %swap3A_559] {strides = array<i32>} : memref<128x64xf32, #tpu.memory_space<vmem>>, vector<1x16xf32>,
        %swap3A_561 = vector.shape_cast %swap3A_560 : vector<1x16xf32> to vector<16xf32>
        %swap3A_562 = vector.shape_cast %mul3A_557 : vector<16xf32> to vector<1x16xf32>
        tpu.vector_store %arg16[%swap3A_558, %swap3A_559], %swap3A_562 {strides = array<i32>} : memref<128x64xf32, #tpu.memory_space<vmem>>, vector<1x16xf32>,
        %mul3A_563 = arith.constant 16 : i32
        %mul3A_564 = arith.muli %scan3A_231, %mul3A_563 : i32
        %add3A_565 = arith.constant 7 : i32
        %add3A_566 = arith.addi %mul3A_564, %add3A_565 : i32
        %slice3A_567 = vector.extract_strided_slice %abs3A {offsets = [7], sizes = [1], strides = [1]} : vector<16xf32> to vector<1xf32>
        %squeeze3A_568 = vector.extract %slice3A_567[0] : f32 from vector<1xf32>
        %broadcast_in_dim3A_569 = vector.broadcast %squeeze3A_568 : f32 to vector<16xf32>
        %get3A_570 = arith.index_cast %add3A_566 : i32 to index
        %get3A_571 = arith.constant 0 : index
        %get3A_572 = tpu.vector_load %arg16[%get3A_570, %get3A_571] {strides = array<i32>} : memref<128x64xf32, #tpu.memory_space<vmem>>, vector<1x16xf32>,
        %get3A_573 = vector.shape_cast %get3A_572 : vector<1x16xf32> to vector<16xf32>
        %mul3A_574 = arith.mulf %broadcast_in_dim3A_569, %get3A_573 : vector<16xf32>
        %swap3A_575 = arith.index_cast %add3A_566 : i32 to index
        %swap3A_576 = arith.constant 0 : index
        %swap3A_577 = tpu.vector_load %arg16[%swap3A_575, %swap3A_576] {strides = array<i32>} : memref<128x64xf32, #tpu.memory_space<vmem>>, vector<1x16xf32>,
        %swap3A_578 = vector.shape_cast %swap3A_577 : vector<1x16xf32> to vector<16xf32>
        %swap3A_579 = vector.shape_cast %mul3A_574 : vector<16xf32> to vector<1x16xf32>
        tpu.vector_store %arg16[%swap3A_575, %swap3A_576], %swap3A_579 {strides = array<i32>} : memref<128x64xf32, #tpu.memory_space<vmem>>, vector<1x16xf32>,
        %get3A_580 = arith.index_cast %add3A_566 : i32 to index
        %get3A_581 = arith.constant 16 : index
        %get3A_582 = tpu.vector_load %arg16[%get3A_580, %get3A_581] {strides = array<i32>} : memref<128x64xf32, #tpu.memory_space<vmem>>, vector<1x16xf32>,
        %get3A_583 = vector.shape_cast %get3A_582 : vector<1x16xf32> to vector<16xf32>
        %mul3A_584 = arith.mulf %broadcast_in_dim3A_569, %get3A_583 : vector<16xf32>
        %swap3A_585 = arith.index_cast %add3A_566 : i32 to index
        %swap3A_586 = arith.constant 16 : index
        %swap3A_587 = tpu.vector_load %arg16[%swap3A_585, %swap3A_586] {strides = array<i32>} : memref<128x64xf32, #tpu.memory_space<vmem>>, vector<1x16xf32>,
        %swap3A_588 = vector.shape_cast %swap3A_587 : vector<1x16xf32> to vector<16xf32>
        %swap3A_589 = vector.shape_cast %mul3A_584 : vector<16xf32> to vector<1x16xf32>
        tpu.vector_store %arg16[%swap3A_585, %swap3A_586], %swap3A_589 {strides = array<i32>} : memref<128x64xf32, #tpu.memory_space<vmem>>, vector<1x16xf32>,
        %get3A_590 = arith.index_cast %add3A_566 : i32 to index
        %get3A_591 = arith.constant 32 : index
        %get3A_592 = tpu.vector_load %arg16[%get3A_590, %get3A_591] {strides = array<i32>} : memref<128x64xf32, #tpu.memory_space<vmem>>, vector<1x16xf32>,
        %get3A_593 = vector.shape_cast %get3A_592 : vector<1x16xf32> to vector<16xf32>
        %mul3A_594 = arith.mulf %broadcast_in_dim3A_569, %get3A_593 : vector<16xf32>
        %swap3A_595 = arith.index_cast %add3A_566 : i32 to index
        %swap3A_596 = arith.constant 32 : index
        %swap3A_597 = tpu.vector_load %arg16[%swap3A_595, %swap3A_596] {strides = array<i32>} : memref<128x64xf32, #tpu.memory_space<vmem>>, vector<1x16xf32>,
        %swap3A_598 = vector.shape_cast %swap3A_597 : vector<1x16xf32> to vector<16xf32>
        %swap3A_599 = vector.shape_cast %mul3A_594 : vector<16xf32> to vector<1x16xf32>
        tpu.vector_store %arg16[%swap3A_595, %swap3A_596], %swap3A_599 {strides = array<i32>} : memref<128x64xf32, #tpu.memory_space<vmem>>, vector<1x16xf32>,
        %get3A_600 = arith.index_cast %add3A_566 : i32 to index
        %get3A_601 = arith.constant 48 : index
        %get3A_602 = tpu.vector_load %arg16[%get3A_600, %get3A_601] {strides = array<i32>} : memref<128x64xf32, #tpu.memory_space<vmem>>, vector<1x16xf32>,
        %get3A_603 = vector.shape_cast %get3A_602 : vector<1x16xf32> to vector<16xf32>
        %mul3A_604 = arith.mulf %broadcast_in_dim3A_569, %get3A_603 : vector<16xf32>
        %swap3A_605 = arith.index_cast %add3A_566 : i32 to index
        %swap3A_606 = arith.constant 48 : index
        %swap3A_607 = tpu.vector_load %arg16[%swap3A_605, %swap3A_606] {strides = array<i32>} : memref<128x64xf32, #tpu.memory_space<vmem>>, vector<1x16xf32>,
        %swap3A_608 = vector.shape_cast %swap3A_607 : vector<1x16xf32> to vector<16xf32>
        %swap3A_609 = vector.shape_cast %mul3A_604 : vector<16xf32> to vector<1x16xf32>
        tpu.vector_store %arg16[%swap3A_605, %swap3A_606], %swap3A_609 {strides = array<i32>} : memref<128x64xf32, #tpu.memory_space<vmem>>, vector<1x16xf32>,
        %mul3A_610 = arith.constant 16 : i32
        %mul3A_611 = arith.muli %scan3A_231, %mul3A_610 : i32
        %add3A_612 = arith.constant 8 : i32
        %add3A_613 = arith.addi %mul3A_611, %add3A_612 : i32
        %slice3A_614 = vector.extract_strided_slice %abs3A {offsets = [8], sizes = [1], strides = [1]} : vector<16xf32> to vector<1xf32>
        %squeeze3A_615 = vector.extract %slice3A_614[0] : f32 from vector<1xf32>
        %broadcast_in_dim3A_616 = vector.broadcast %squeeze3A_615 : f32 to vector<16xf32>
        %get3A_617 = arith.index_cast %add3A_613 : i32 to index
        %get3A_618 = arith.constant 0 : index
        %get3A_619 = tpu.vector_load %arg16[%get3A_617, %get3A_618] {strides = array<i32>} : memref<128x64xf32, #tpu.memory_space<vmem>>, vector<1x16xf32>,
        %get3A_620 = vector.shape_cast %get3A_619 : vector<1x16xf32> to vector<16xf32>
        %mul3A_621 = arith.mulf %broadcast_in_dim3A_616, %get3A_620 : vector<16xf32>
        %swap3A_622 = arith.index_cast %add3A_613 : i32 to index
        %swap3A_623 = arith.constant 0 : index
        %swap3A_624 = tpu.vector_load %arg16[%swap3A_622, %swap3A_623] {strides = array<i32>} : memref<128x64xf32, #tpu.memory_space<vmem>>, vector<1x16xf32>,
        %swap3A_625 = vector.shape_cast %swap3A_624 : vector<1x16xf32> to vector<16xf32>
        %swap3A_626 = vector.shape_cast %mul3A_621 : vector<16xf32> to vector<1x16xf32>
        tpu.vector_store %arg16[%swap3A_622, %swap3A_623], %swap3A_626 {strides = array<i32>} : memref<128x64xf32, #tpu.memory_space<vmem>>, vector<1x16xf32>,
        %get3A_627 = arith.index_cast %add3A_613 : i32 to index
        %get3A_628 = arith.constant 16 : index
        %get3A_629 = tpu.vector_load %arg16[%get3A_627, %get3A_628] {strides = array<i32>} : memref<128x64xf32, #tpu.memory_space<vmem>>, vector<1x16xf32>,
        %get3A_630 = vector.shape_cast %get3A_629 : vector<1x16xf32> to vector<16xf32>
        %mul3A_631 = arith.mulf %broadcast_in_dim3A_616, %get3A_630 : vector<16xf32>
        %swap3A_632 = arith.index_cast %add3A_613 : i32 to index
        %swap3A_633 = arith.constant 16 : index
        %swap3A_634 = tpu.vector_load %arg16[%swap3A_632, %swap3A_633] {strides = array<i32>} : memref<128x64xf32, #tpu.memory_space<vmem>>, vector<1x16xf32>,
        %swap3A_635 = vector.shape_cast %swap3A_634 : vector<1x16xf32> to vector<16xf32>
        %swap3A_636 = vector.shape_cast %mul3A_631 : vector<16xf32> to vector<1x16xf32>
        tpu.vector_store %arg16[%swap3A_632, %swap3A_633], %swap3A_636 {strides = array<i32>} : memref<128x64xf32, #tpu.memory_space<vmem>>, vector<1x16xf32>,
        %get3A_637 = arith.index_cast %add3A_613 : i32 to index
        %get3A_638 = arith.constant 32 : index
        %get3A_639 = tpu.vector_load %arg16[%get3A_637, %get3A_638] {strides = array<i32>} : memref<128x64xf32, #tpu.memory_space<vmem>>, vector<1x16xf32>,
        %get3A_640 = vector.shape_cast %get3A_639 : vector<1x16xf32> to vector<16xf32>
        %mul3A_641 = arith.mulf %broadcast_in_dim3A_616, %get3A_640 : vector<16xf32>
        %swap3A_642 = arith.index_cast %add3A_613 : i32 to index
        %swap3A_643 = arith.constant 32 : index
        %swap3A_644 = tpu.vector_load %arg16[%swap3A_642, %swap3A_643] {strides = array<i32>} : memref<128x64xf32, #tpu.memory_space<vmem>>, vector<1x16xf32>,
        %swap3A_645 = vector.shape_cast %swap3A_644 : vector<1x16xf32> to vector<16xf32>
        %swap3A_646 = vector.shape_cast %mul3A_641 : vector<16xf32> to vector<1x16xf32>
        tpu.vector_store %arg16[%swap3A_642, %swap3A_643], %swap3A_646 {strides = array<i32>} : memref<128x64xf32, #tpu.memory_space<vmem>>, vector<1x16xf32>,
        %get3A_647 = arith.index_cast %add3A_613 : i32 to index
        %get3A_648 = arith.constant 48 : index
        %get3A_649 = tpu.vector_load %arg16[%get3A_647, %get3A_648] {strides = array<i32>} : memref<128x64xf32, #tpu.memory_space<vmem>>, vector<1x16xf32>,
        %get3A_650 = vector.shape_cast %get3A_649 : vector<1x16xf32> to vector<16xf32>
        %mul3A_651 = arith.mulf %broadcast_in_dim3A_616, %get3A_650 : vector<16xf32>
        %swap3A_652 = arith.index_cast %add3A_613 : i32 to index
        %swap3A_653 = arith.constant 48 : index
        %swap3A_654 = tpu.vector_load %arg16[%swap3A_652, %swap3A_653] {strides = array<i32>} : memref<128x64xf32, #tpu.memory_space<vmem>>, vector<1x16xf32>,
        %swap3A_655 = vector.shape_cast %swap3A_654 : vector<1x16xf32> to vector<16xf32>
        %swap3A_656 = vector.shape_cast %mul3A_651 : vector<16xf32> to vector<1x16xf32>
        tpu.vector_store %arg16[%swap3A_652, %swap3A_653], %swap3A_656 {strides = array<i32>} : memref<128x64xf32, #tpu.memory_space<vmem>>, vector<1x16xf32>,
        %mul3A_657 = arith.constant 16 : i32
        %mul3A_658 = arith.muli %scan3A_231, %mul3A_657 : i32
        %add3A_659 = arith.constant 9 : i32
        %add3A_660 = arith.addi %mul3A_658, %add3A_659 : i32
        %slice3A_661 = vector.extract_strided_slice %abs3A {offsets = [9], sizes = [1], strides = [1]} : vector<16xf32> to vector<1xf32>
        %squeeze3A_662 = vector.extract %slice3A_661[0] : f32 from vector<1xf32>
        %broadcast_in_dim3A_663 = vector.broadcast %squeeze3A_662 : f32 to vector<16xf32>
        %get3A_664 = arith.index_cast %add3A_660 : i32 to index
        %get3A_665 = arith.constant 0 : index
        %get3A_666 = tpu.vector_load %arg16[%get3A_664, %get3A_665] {strides = array<i32>} : memref<128x64xf32, #tpu.memory_space<vmem>>, vector<1x16xf32>,
        %get3A_667 = vector.shape_cast %get3A_666 : vector<1x16xf32> to vector<16xf32>
        %mul3A_668 = arith.mulf %broadcast_in_dim3A_663, %get3A_667 : vector<16xf32>
        %swap3A_669 = arith.index_cast %add3A_660 : i32 to index
        %swap3A_670 = arith.constant 0 : index
        %swap3A_671 = tpu.vector_load %arg16[%swap3A_669, %swap3A_670] {strides = array<i32>} : memref<128x64xf32, #tpu.memory_space<vmem>>, vector<1x16xf32>,
        %swap3A_672 = vector.shape_cast %swap3A_671 : vector<1x16xf32> to vector<16xf32>
        %swap3A_673 = vector.shape_cast %mul3A_668 : vector<16xf32> to vector<1x16xf32>
        tpu.vector_store %arg16[%swap3A_669, %swap3A_670], %swap3A_673 {strides = array<i32>} : memref<128x64xf32, #tpu.memory_space<vmem>>, vector<1x16xf32>,
        %get3A_674 = arith.index_cast %add3A_660 : i32 to index
        %get3A_675 = arith.constant 16 : index
        %get3A_676 = tpu.vector_load %arg16[%get3A_674, %get3A_675] {strides = array<i32>} : memref<128x64xf32, #tpu.memory_space<vmem>>, vector<1x16xf32>,
        %get3A_677 = vector.shape_cast %get3A_676 : vector<1x16xf32> to vector<16xf32>
        %mul3A_678 = arith.mulf %broadcast_in_dim3A_663, %get3A_677 : vector<16xf32>
        %swap3A_679 = arith.index_cast %add3A_660 : i32 to index
        %swap3A_680 = arith.constant 16 : index
        %swap3A_681 = tpu.vector_load %arg16[%swap3A_679, %swap3A_680] {strides = array<i32>} : memref<128x64xf32, #tpu.memory_space<vmem>>, vector<1x16xf32>,
        %swap3A_682 = vector.shape_cast %swap3A_681 : vector<1x16xf32> to vector<16xf32>
        %swap3A_683 = vector.shape_cast %mul3A_678 : vector<16xf32> to vector<1x16xf32>
        tpu.vector_store %arg16[%swap3A_679, %swap3A_680], %swap3A_683 {strides = array<i32>} : memref<128x64xf32, #tpu.memory_space<vmem>>, vector<1x16xf32>,
        %get3A_684 = arith.index_cast %add3A_660 : i32 to index
        %get3A_685 = arith.constant 32 : index
        %get3A_686 = tpu.vector_load %arg16[%get3A_684, %get3A_685] {strides = array<i32>} : memref<128x64xf32, #tpu.memory_space<vmem>>, vector<1x16xf32>,
        %get3A_687 = vector.shape_cast %get3A_686 : vector<1x16xf32> to vector<16xf32>
        %mul3A_688 = arith.mulf %broadcast_in_dim3A_663, %get3A_687 : vector<16xf32>
        %swap3A_689 = arith.index_cast %add3A_660 : i32 to index
        %swap3A_690 = arith.constant 32 : index
        %swap3A_691 = tpu.vector_load %arg16[%swap3A_689, %swap3A_690] {strides = array<i32>} : memref<128x64xf32, #tpu.memory_space<vmem>>, vector<1x16xf32>,
        %swap3A_692 = vector.shape_cast %swap3A_691 : vector<1x16xf32> to vector<16xf32>
        %swap3A_693 = vector.shape_cast %mul3A_688 : vector<16xf32> to vector<1x16xf32>
        tpu.vector_store %arg16[%swap3A_689, %swap3A_690], %swap3A_693 {strides = array<i32>} : memref<128x64xf32, #tpu.memory_space<vmem>>, vector<1x16xf32>,
        %get3A_694 = arith.index_cast %add3A_660 : i32 to index
        %get3A_695 = arith.constant 48 : index
        %get3A_696 = tpu.vector_load %arg16[%get3A_694, %get3A_695] {strides = array<i32>} : memref<128x64xf32, #tpu.memory_space<vmem>>, vector<1x16xf32>,
        %get3A_697 = vector.shape_cast %get3A_696 : vector<1x16xf32> to vector<16xf32>
        %mul3A_698 = arith.mulf %broadcast_in_dim3A_663, %get3A_697 : vector<16xf32>
        %swap3A_699 = arith.index_cast %add3A_660 : i32 to index
        %swap3A_700 = arith.constant 48 : index
        %swap3A_701 = tpu.vector_load %arg16[%swap3A_699, %swap3A_700] {strides = array<i32>} : memref<128x64xf32, #tpu.memory_space<vmem>>, vector<1x16xf32>,
        %swap3A_702 = vector.shape_cast %swap3A_701 : vector<1x16xf32> to vector<16xf32>
        %swap3A_703 = vector.shape_cast %mul3A_698 : vector<16xf32> to vector<1x16xf32>
        tpu.vector_store %arg16[%swap3A_699, %swap3A_700], %swap3A_703 {strides = array<i32>} : memref<128x64xf32, #tpu.memory_space<vmem>>, vector<1x16xf32>,
        %mul3A_704 = arith.constant 16 : i32
        %mul3A_705 = arith.muli %scan3A_231, %mul3A_704 : i32
        %add3A_706 = arith.constant 10 : i32
        %add3A_707 = arith.addi %mul3A_705, %add3A_706 : i32
        %slice3A_708 = vector.extract_strided_slice %abs3A {offsets = [10], sizes = [1], strides = [1]} : vector<16xf32> to vector<1xf32>
        %squeeze3A_709 = vector.extract %slice3A_708[0] : f32 from vector<1xf32>
        %broadcast_in_dim3A_710 = vector.broadcast %squeeze3A_709 : f32 to vector<16xf32>
        %get3A_711 = arith.index_cast %add3A_707 : i32 to index
        %get3A_712 = arith.constant 0 : index
        %get3A_713 = tpu.vector_load %arg16[%get3A_711, %get3A_712] {strides = array<i32>} : memref<128x64xf32, #tpu.memory_space<vmem>>, vector<1x16xf32>,
        %get3A_714 = vector.shape_cast %get3A_713 : vector<1x16xf32> to vector<16xf32>
        %mul3A_715 = arith.mulf %broadcast_in_dim3A_710, %get3A_714 : vector<16xf32>
        %swap3A_716 = arith.index_cast %add3A_707 : i32 to index
        %swap3A_717 = arith.constant 0 : index
        %swap3A_718 = tpu.vector_load %arg16[%swap3A_716, %swap3A_717] {strides = array<i32>} : memref<128x64xf32, #tpu.memory_space<vmem>>, vector<1x16xf32>,
        %swap3A_719 = vector.shape_cast %swap3A_718 : vector<1x16xf32> to vector<16xf32>
        %swap3A_720 = vector.shape_cast %mul3A_715 : vector<16xf32> to vector<1x16xf32>
        tpu.vector_store %arg16[%swap3A_716, %swap3A_717], %swap3A_720 {strides = array<i32>} : memref<128x64xf32, #tpu.memory_space<vmem>>, vector<1x16xf32>,
        %get3A_721 = arith.index_cast %add3A_707 : i32 to index
        %get3A_722 = arith.constant 16 : index
        %get3A_723 = tpu.vector_load %arg16[%get3A_721, %get3A_722] {strides = array<i32>} : memref<128x64xf32, #tpu.memory_space<vmem>>, vector<1x16xf32>,
        %get3A_724 = vector.shape_cast %get3A_723 : vector<1x16xf32> to vector<16xf32>
        %mul3A_725 = arith.mulf %broadcast_in_dim3A_710, %get3A_724 : vector<16xf32>
        %swap3A_726 = arith.index_cast %add3A_707 : i32 to index
        %swap3A_727 = arith.constant 16 : index
        %swap3A_728 = tpu.vector_load %arg16[%swap3A_726, %swap3A_727] {strides = array<i32>} : memref<128x64xf32, #tpu.memory_space<vmem>>, vector<1x16xf32>,
        %swap3A_729 = vector.shape_cast %swap3A_728 : vector<1x16xf32> to vector<16xf32>
        %swap3A_730 = vector.shape_cast %mul3A_725 : vector<16xf32> to vector<1x16xf32>
        tpu.vector_store %arg16[%swap3A_726, %swap3A_727], %swap3A_730 {strides = array<i32>} : memref<128x64xf32, #tpu.memory_space<vmem>>, vector<1x16xf32>,
        %get3A_731 = arith.index_cast %add3A_707 : i32 to index
        %get3A_732 = arith.constant 32 : index
        %get3A_733 = tpu.vector_load %arg16[%get3A_731, %get3A_732] {strides = array<i32>} : memref<128x64xf32, #tpu.memory_space<vmem>>, vector<1x16xf32>,
        %get3A_734 = vector.shape_cast %get3A_733 : vector<1x16xf32> to vector<16xf32>
        %mul3A_735 = arith.mulf %broadcast_in_dim3A_710, %get3A_734 : vector<16xf32>
        %swap3A_736 = arith.index_cast %add3A_707 : i32 to index
        %swap3A_737 = arith.constant 32 : index
        %swap3A_738 = tpu.vector_load %arg16[%swap3A_736, %swap3A_737] {strides = array<i32>} : memref<128x64xf32, #tpu.memory_space<vmem>>, vector<1x16xf32>,
        %swap3A_739 = vector.shape_cast %swap3A_738 : vector<1x16xf32> to vector<16xf32>
        %swap3A_740 = vector.shape_cast %mul3A_735 : vector<16xf32> to vector<1x16xf32>
        tpu.vector_store %arg16[%swap3A_736, %swap3A_737], %swap3A_740 {strides = array<i32>} : memref<128x64xf32, #tpu.memory_space<vmem>>, vector<1x16xf32>,
        %get3A_741 = arith.index_cast %add3A_707 : i32 to index
        %get3A_742 = arith.constant 48 : index
        %get3A_743 = tpu.vector_load %arg16[%get3A_741, %get3A_742] {strides = array<i32>} : memref<128x64xf32, #tpu.memory_space<vmem>>, vector<1x16xf32>,
        %get3A_744 = vector.shape_cast %get3A_743 : vector<1x16xf32> to vector<16xf32>
        %mul3A_745 = arith.mulf %broadcast_in_dim3A_710, %get3A_744 : vector<16xf32>
        %swap3A_746 = arith.index_cast %add3A_707 : i32 to index
        %swap3A_747 = arith.constant 48 : index
        %swap3A_748 = tpu.vector_load %arg16[%swap3A_746, %swap3A_747] {strides = array<i32>} : memref<128x64xf32, #tpu.memory_space<vmem>>, vector<1x16xf32>,
        %swap3A_749 = vector.shape_cast %swap3A_748 : vector<1x16xf32> to vector<16xf32>
        %swap3A_750 = vector.shape_cast %mul3A_745 : vector<16xf32> to vector<1x16xf32>
        tpu.vector_store %arg16[%swap3A_746, %swap3A_747], %swap3A_750 {strides = array<i32>} : memref<128x64xf32, #tpu.memory_space<vmem>>, vector<1x16xf32>,
        %mul3A_751 = arith.constant 16 : i32
        %mul3A_752 = arith.muli %scan3A_231, %mul3A_751 : i32
        %add3A_753 = arith.constant 11 : i32
        %add3A_754 = arith.addi %mul3A_752, %add3A_753 : i32
        %slice3A_755 = vector.extract_strided_slice %abs3A {offsets = [11], sizes = [1], strides = [1]} : vector<16xf32> to vector<1xf32>
        %squeeze3A_756 = vector.extract %slice3A_755[0] : f32 from vector<1xf32>
        %broadcast_in_dim3A_757 = vector.broadcast %squeeze3A_756 : f32 to vector<16xf32>
        %get3A_758 = arith.index_cast %add3A_754 : i32 to index
        %get3A_759 = arith.constant 0 : index
        %get3A_760 = tpu.vector_load %arg16[%get3A_758, %get3A_759] {strides = array<i32>} : memref<128x64xf32, #tpu.memory_space<vmem>>, vector<1x16xf32>,
        %get3A_761 = vector.shape_cast %get3A_760 : vector<1x16xf32> to vector<16xf32>
        %mul3A_762 = arith.mulf %broadcast_in_dim3A_757, %get3A_761 : vector<16xf32>
        %swap3A_763 = arith.index_cast %add3A_754 : i32 to index
        %swap3A_764 = arith.constant 0 : index
        %swap3A_765 = tpu.vector_load %arg16[%swap3A_763, %swap3A_764] {strides = array<i32>} : memref<128x64xf32, #tpu.memory_space<vmem>>, vector<1x16xf32>,
        %swap3A_766 = vector.shape_cast %swap3A_765 : vector<1x16xf32> to vector<16xf32>
        %swap3A_767 = vector.shape_cast %mul3A_762 : vector<16xf32> to vector<1x16xf32>
        tpu.vector_store %arg16[%swap3A_763, %swap3A_764], %swap3A_767 {strides = array<i32>} : memref<128x64xf32, #tpu.memory_space<vmem>>, vector<1x16xf32>,
        %get3A_768 = arith.index_cast %add3A_754 : i32 to index
        %get3A_769 = arith.constant 16 : index
        %get3A_770 = tpu.vector_load %arg16[%get3A_768, %get3A_769] {strides = array<i32>} : memref<128x64xf32, #tpu.memory_space<vmem>>, vector<1x16xf32>,
        %get3A_771 = vector.shape_cast %get3A_770 : vector<1x16xf32> to vector<16xf32>
        %mul3A_772 = arith.mulf %broadcast_in_dim3A_757, %get3A_771 : vector<16xf32>
        %swap3A_773 = arith.index_cast %add3A_754 : i32 to index
        %swap3A_774 = arith.constant 16 : index
        %swap3A_775 = tpu.vector_load %arg16[%swap3A_773, %swap3A_774] {strides = array<i32>} : memref<128x64xf32, #tpu.memory_space<vmem>>, vector<1x16xf32>,
        %swap3A_776 = vector.shape_cast %swap3A_775 : vector<1x16xf32> to vector<16xf32>
        %swap3A_777 = vector.shape_cast %mul3A_772 : vector<16xf32> to vector<1x16xf32>
        tpu.vector_store %arg16[%swap3A_773, %swap3A_774], %swap3A_777 {strides = array<i32>} : memref<128x64xf32, #tpu.memory_space<vmem>>, vector<1x16xf32>,
        %get3A_778 = arith.index_cast %add3A_754 : i32 to index
        %get3A_779 = arith.constant 32 : index
        %get3A_780 = tpu.vector_load %arg16[%get3A_778, %get3A_779] {strides = array<i32>} : memref<128x64xf32, #tpu.memory_space<vmem>>, vector<1x16xf32>,
        %get3A_781 = vector.shape_cast %get3A_780 : vector<1x16xf32> to vector<16xf32>
        %mul3A_782 = arith.mulf %broadcast_in_dim3A_757, %get3A_781 : vector<16xf32>
        %swap3A_783 = arith.index_cast %add3A_754 : i32 to index
        %swap3A_784 = arith.constant 32 : index
        %swap3A_785 = tpu.vector_load %arg16[%swap3A_783, %swap3A_784] {strides = array<i32>} : memref<128x64xf32, #tpu.memory_space<vmem>>, vector<1x16xf32>,
        %swap3A_786 = vector.shape_cast %swap3A_785 : vector<1x16xf32> to vector<16xf32>
        %swap3A_787 = vector.shape_cast %mul3A_782 : vector<16xf32> to vector<1x16xf32>
        tpu.vector_store %arg16[%swap3A_783, %swap3A_784], %swap3A_787 {strides = array<i32>} : memref<128x64xf32, #tpu.memory_space<vmem>>, vector<1x16xf32>,
        %get3A_788 = arith.index_cast %add3A_754 : i32 to index
        %get3A_789 = arith.constant 48 : index
        %get3A_790 = tpu.vector_load %arg16[%get3A_788, %get3A_789] {strides = array<i32>} : memref<128x64xf32, #tpu.memory_space<vmem>>, vector<1x16xf32>,
        %get3A_791 = vector.shape_cast %get3A_790 : vector<1x16xf32> to vector<16xf32>
        %mul3A_792 = arith.mulf %broadcast_in_dim3A_757, %get3A_791 : vector<16xf32>
        %swap3A_793 = arith.index_cast %add3A_754 : i32 to index
        %swap3A_794 = arith.constant 48 : index
        %swap3A_795 = tpu.vector_load %arg16[%swap3A_793, %swap3A_794] {strides = array<i32>} : memref<128x64xf32, #tpu.memory_space<vmem>>, vector<1x16xf32>,
        %swap3A_796 = vector.shape_cast %swap3A_795 : vector<1x16xf32> to vector<16xf32>
        %swap3A_797 = vector.shape_cast %mul3A_792 : vector<16xf32> to vector<1x16xf32>
        tpu.vector_store %arg16[%swap3A_793, %swap3A_794], %swap3A_797 {strides = array<i32>} : memref<128x64xf32, #tpu.memory_space<vmem>>, vector<1x16xf32>,
        %mul3A_798 = arith.constant 16 : i32
        %mul3A_799 = arith.muli %scan3A_231, %mul3A_798 : i32
        %add3A_800 = arith.constant 12 : i32
        %add3A_801 = arith.addi %mul3A_799, %add3A_800 : i32
        %slice3A_802 = vector.extract_strided_slice %abs3A {offsets = [12], sizes = [1], strides = [1]} : vector<16xf32> to vector<1xf32>
        %squeeze3A_803 = vector.extract %slice3A_802[0] : f32 from vector<1xf32>
        %broadcast_in_dim3A_804 = vector.broadcast %squeeze3A_803 : f32 to vector<16xf32>
        %get3A_805 = arith.index_cast %add3A_801 : i32 to index
        %get3A_806 = arith.constant 0 : index
        %get3A_807 = tpu.vector_load %arg16[%get3A_805, %get3A_806] {strides = array<i32>} : memref<128x64xf32, #tpu.memory_space<vmem>>, vector<1x16xf32>,
        %get3A_808 = vector.shape_cast %get3A_807 : vector<1x16xf32> to vector<16xf32>
        %mul3A_809 = arith.mulf %broadcast_in_dim3A_804, %get3A_808 : vector<16xf32>
        %swap3A_810 = arith.index_cast %add3A_801 : i32 to index
        %swap3A_811 = arith.constant 0 : index
        %swap3A_812 = tpu.vector_load %arg16[%swap3A_810, %swap3A_811] {strides = array<i32>} : memref<128x64xf32, #tpu.memory_space<vmem>>, vector<1x16xf32>,
        %swap3A_813 = vector.shape_cast %swap3A_812 : vector<1x16xf32> to vector<16xf32>
        %swap3A_814 = vector.shape_cast %mul3A_809 : vector<16xf32> to vector<1x16xf32>
        tpu.vector_store %arg16[%swap3A_810, %swap3A_811], %swap3A_814 {strides = array<i32>} : memref<128x64xf32, #tpu.memory_space<vmem>>, vector<1x16xf32>,
        %get3A_815 = arith.index_cast %add3A_801 : i32 to index
        %get3A_816 = arith.constant 16 : index
        %get3A_817 = tpu.vector_load %arg16[%get3A_815, %get3A_816] {strides = array<i32>} : memref<128x64xf32, #tpu.memory_space<vmem>>, vector<1x16xf32>,
        %get3A_818 = vector.shape_cast %get3A_817 : vector<1x16xf32> to vector<16xf32>
        %mul3A_819 = arith.mulf %broadcast_in_dim3A_804, %get3A_818 : vector<16xf32>
        %swap3A_820 = arith.index_cast %add3A_801 : i32 to index
        %swap3A_821 = arith.constant 16 : index
        %swap3A_822 = tpu.vector_load %arg16[%swap3A_820, %swap3A_821] {strides = array<i32>} : memref<128x64xf32, #tpu.memory_space<vmem>>, vector<1x16xf32>,
        %swap3A_823 = vector.shape_cast %swap3A_822 : vector<1x16xf32> to vector<16xf32>
        %swap3A_824 = vector.shape_cast %mul3A_819 : vector<16xf32> to vector<1x16xf32>
        tpu.vector_store %arg16[%swap3A_820, %swap3A_821], %swap3A_824 {strides = array<i32>} : memref<128x64xf32, #tpu.memory_space<vmem>>, vector<1x16xf32>,
        %get3A_825 = arith.index_cast %add3A_801 : i32 to index
        %get3A_826 = arith.constant 32 : index
        %get3A_827 = tpu.vector_load %arg16[%get3A_825, %get3A_826] {strides = array<i32>} : memref<128x64xf32, #tpu.memory_space<vmem>>, vector<1x16xf32>,
        %get3A_828 = vector.shape_cast %get3A_827 : vector<1x16xf32> to vector<16xf32>
        %mul3A_829 = arith.mulf %broadcast_in_dim3A_804, %get3A_828 : vector<16xf32>
        %swap3A_830 = arith.index_cast %add3A_801 : i32 to index
        %swap3A_831 = arith.constant 32 : index
        %swap3A_832 = tpu.vector_load %arg16[%swap3A_830, %swap3A_831] {strides = array<i32>} : memref<128x64xf32, #tpu.memory_space<vmem>>, vector<1x16xf32>,
        %swap3A_833 = vector.shape_cast %swap3A_832 : vector<1x16xf32> to vector<16xf32>
        %swap3A_834 = vector.shape_cast %mul3A_829 : vector<16xf32> to vector<1x16xf32>
        tpu.vector_store %arg16[%swap3A_830, %swap3A_831], %swap3A_834 {strides = array<i32>} : memref<128x64xf32, #tpu.memory_space<vmem>>, vector<1x16xf32>,
        %get3A_835 = arith.index_cast %add3A_801 : i32 to index
        %get3A_836 = arith.constant 48 : index
        %get3A_837 = tpu.vector_load %arg16[%get3A_835, %get3A_836] {strides = array<i32>} : memref<128x64xf32, #tpu.memory_space<vmem>>, vector<1x16xf32>,
        %get3A_838 = vector.shape_cast %get3A_837 : vector<1x16xf32> to vector<16xf32>
        %mul3A_839 = arith.mulf %broadcast_in_dim3A_804, %get3A_838 : vector<16xf32>
        %swap3A_840 = arith.index_cast %add3A_801 : i32 to index
        %swap3A_841 = arith.constant 48 : index
        %swap3A_842 = tpu.vector_load %arg16[%swap3A_840, %swap3A_841] {strides = array<i32>} : memref<128x64xf32, #tpu.memory_space<vmem>>, vector<1x16xf32>,
        %swap3A_843 = vector.shape_cast %swap3A_842 : vector<1x16xf32> to vector<16xf32>
        %swap3A_844 = vector.shape_cast %mul3A_839 : vector<16xf32> to vector<1x16xf32>
        tpu.vector_store %arg16[%swap3A_840, %swap3A_841], %swap3A_844 {strides = array<i32>} : memref<128x64xf32, #tpu.memory_space<vmem>>, vector<1x16xf32>,
        %mul3A_845 = arith.constant 16 : i32
        %mul3A_846 = arith.muli %scan3A_231, %mul3A_845 : i32
        %add3A_847 = arith.constant 13 : i32
        %add3A_848 = arith.addi %mul3A_846, %add3A_847 : i32
        %slice3A_849 = vector.extract_strided_slice %abs3A {offsets = [13], sizes = [1], strides = [1]} : vector<16xf32> to vector<1xf32>
        %squeeze3A_850 = vector.extract %slice3A_849[0] : f32 from vector<1xf32>
        %broadcast_in_dim3A_851 = vector.broadcast %squeeze3A_850 : f32 to vector<16xf32>
        %get3A_852 = arith.index_cast %add3A_848 : i32 to index
        %get3A_853 = arith.constant 0 : index
        %get3A_854 = tpu.vector_load %arg16[%get3A_852, %get3A_853] {strides = array<i32>} : memref<128x64xf32, #tpu.memory_space<vmem>>, vector<1x16xf32>,
        %get3A_855 = vector.shape_cast %get3A_854 : vector<1x16xf32> to vector<16xf32>
        %mul3A_856 = arith.mulf %broadcast_in_dim3A_851, %get3A_855 : vector<16xf32>
        %swap3A_857 = arith.index_cast %add3A_848 : i32 to index
        %swap3A_858 = arith.constant 0 : index
        %swap3A_859 = tpu.vector_load %arg16[%swap3A_857, %swap3A_858] {strides = array<i32>} : memref<128x64xf32, #tpu.memory_space<vmem>>, vector<1x16xf32>,
        %swap3A_860 = vector.shape_cast %swap3A_859 : vector<1x16xf32> to vector<16xf32>
        %swap3A_861 = vector.shape_cast %mul3A_856 : vector<16xf32> to vector<1x16xf32>
        tpu.vector_store %arg16[%swap3A_857, %swap3A_858], %swap3A_861 {strides = array<i32>} : memref<128x64xf32, #tpu.memory_space<vmem>>, vector<1x16xf32>,
        %get3A_862 = arith.index_cast %add3A_848 : i32 to index
        %get3A_863 = arith.constant 16 : index
        %get3A_864 = tpu.vector_load %arg16[%get3A_862, %get3A_863] {strides = array<i32>} : memref<128x64xf32, #tpu.memory_space<vmem>>, vector<1x16xf32>,
        %get3A_865 = vector.shape_cast %get3A_864 : vector<1x16xf32> to vector<16xf32>
        %mul3A_866 = arith.mulf %broadcast_in_dim3A_851, %get3A_865 : vector<16xf32>
        %swap3A_867 = arith.index_cast %add3A_848 : i32 to index
        %swap3A_868 = arith.constant 16 : index
        %swap3A_869 = tpu.vector_load %arg16[%swap3A_867, %swap3A_868] {strides = array<i32>} : memref<128x64xf32, #tpu.memory_space<vmem>>, vector<1x16xf32>,
        %swap3A_870 = vector.shape_cast %swap3A_869 : vector<1x16xf32> to vector<16xf32>
        %swap3A_871 = vector.shape_cast %mul3A_866 : vector<16xf32> to vector<1x16xf32>
        tpu.vector_store %arg16[%swap3A_867, %swap3A_868], %swap3A_871 {strides = array<i32>} : memref<128x64xf32, #tpu.memory_space<vmem>>, vector<1x16xf32>,
        %get3A_872 = arith.index_cast %add3A_848 : i32 to index
        %get3A_873 = arith.constant 32 : index
        %get3A_874 = tpu.vector_load %arg16[%get3A_872, %get3A_873] {strides = array<i32>} : memref<128x64xf32, #tpu.memory_space<vmem>>, vector<1x16xf32>,
        %get3A_875 = vector.shape_cast %get3A_874 : vector<1x16xf32> to vector<16xf32>
        %mul3A_876 = arith.mulf %broadcast_in_dim3A_851, %get3A_875 : vector<16xf32>
        %swap3A_877 = arith.index_cast %add3A_848 : i32 to index
        %swap3A_878 = arith.constant 32 : index
        %swap3A_879 = tpu.vector_load %arg16[%swap3A_877, %swap3A_878] {strides = array<i32>} : memref<128x64xf32, #tpu.memory_space<vmem>>, vector<1x16xf32>,
        %swap3A_880 = vector.shape_cast %swap3A_879 : vector<1x16xf32> to vector<16xf32>
        %swap3A_881 = vector.shape_cast %mul3A_876 : vector<16xf32> to vector<1x16xf32>
        tpu.vector_store %arg16[%swap3A_877, %swap3A_878], %swap3A_881 {strides = array<i32>} : memref<128x64xf32, #tpu.memory_space<vmem>>, vector<1x16xf32>,
        %get3A_882 = arith.index_cast %add3A_848 : i32 to index
        %get3A_883 = arith.constant 48 : index
        %get3A_884 = tpu.vector_load %arg16[%get3A_882, %get3A_883] {strides = array<i32>} : memref<128x64xf32, #tpu.memory_space<vmem>>, vector<1x16xf32>,
        %get3A_885 = vector.shape_cast %get3A_884 : vector<1x16xf32> to vector<16xf32>
        %mul3A_886 = arith.mulf %broadcast_in_dim3A_851, %get3A_885 : vector<16xf32>
        %swap3A_887 = arith.index_cast %add3A_848 : i32 to index
        %swap3A_888 = arith.constant 48 : index
        %swap3A_889 = tpu.vector_load %arg16[%swap3A_887, %swap3A_888] {strides = array<i32>} : memref<128x64xf32, #tpu.memory_space<vmem>>, vector<1x16xf32>,
        %swap3A_890 = vector.shape_cast %swap3A_889 : vector<1x16xf32> to vector<16xf32>
        %swap3A_891 = vector.shape_cast %mul3A_886 : vector<16xf32> to vector<1x16xf32>
        tpu.vector_store %arg16[%swap3A_887, %swap3A_888], %swap3A_891 {strides = array<i32>} : memref<128x64xf32, #tpu.memory_space<vmem>>, vector<1x16xf32>,
        %mul3A_892 = arith.constant 16 : i32
        %mul3A_893 = arith.muli %scan3A_231, %mul3A_892 : i32
        %add3A_894 = arith.constant 14 : i32
        %add3A_895 = arith.addi %mul3A_893, %add3A_894 : i32
        %slice3A_896 = vector.extract_strided_slice %abs3A {offsets = [14], sizes = [1], strides = [1]} : vector<16xf32> to vector<1xf32>
        %squeeze3A_897 = vector.extract %slice3A_896[0] : f32 from vector<1xf32>
        %broadcast_in_dim3A_898 = vector.broadcast %squeeze3A_897 : f32 to vector<16xf32>
        %get3A_899 = arith.index_cast %add3A_895 : i32 to index
        %get3A_900 = arith.constant 0 : index
        %get3A_901 = tpu.vector_load %arg16[%get3A_899, %get3A_900] {strides = array<i32>} : memref<128x64xf32, #tpu.memory_space<vmem>>, vector<1x16xf32>,
        %get3A_902 = vector.shape_cast %get3A_901 : vector<1x16xf32> to vector<16xf32>
        %mul3A_903 = arith.mulf %broadcast_in_dim3A_898, %get3A_902 : vector<16xf32>
        %swap3A_904 = arith.index_cast %add3A_895 : i32 to index
        %swap3A_905 = arith.constant 0 : index
        %swap3A_906 = tpu.vector_load %arg16[%swap3A_904, %swap3A_905] {strides = array<i32>} : memref<128x64xf32, #tpu.memory_space<vmem>>, vector<1x16xf32>,
        %swap3A_907 = vector.shape_cast %swap3A_906 : vector<1x16xf32> to vector<16xf32>
        %swap3A_908 = vector.shape_cast %mul3A_903 : vector<16xf32> to vector<1x16xf32>
        tpu.vector_store %arg16[%swap3A_904, %swap3A_905], %swap3A_908 {strides = array<i32>} : memref<128x64xf32, #tpu.memory_space<vmem>>, vector<1x16xf32>,
        %get3A_909 = arith.index_cast %add3A_895 : i32 to index
        %get3A_910 = arith.constant 16 : index
        %get3A_911 = tpu.vector_load %arg16[%get3A_909, %get3A_910] {strides = array<i32>} : memref<128x64xf32, #tpu.memory_space<vmem>>, vector<1x16xf32>,
        %get3A_912 = vector.shape_cast %get3A_911 : vector<1x16xf32> to vector<16xf32>
        %mul3A_913 = arith.mulf %broadcast_in_dim3A_898, %get3A_912 : vector<16xf32>
        %swap3A_914 = arith.index_cast %add3A_895 : i32 to index
        %swap3A_915 = arith.constant 16 : index
        %swap3A_916 = tpu.vector_load %arg16[%swap3A_914, %swap3A_915] {strides = array<i32>} : memref<128x64xf32, #tpu.memory_space<vmem>>, vector<1x16xf32>,
        %swap3A_917 = vector.shape_cast %swap3A_916 : vector<1x16xf32> to vector<16xf32>
        %swap3A_918 = vector.shape_cast %mul3A_913 : vector<16xf32> to vector<1x16xf32>
        tpu.vector_store %arg16[%swap3A_914, %swap3A_915], %swap3A_918 {strides = array<i32>} : memref<128x64xf32, #tpu.memory_space<vmem>>, vector<1x16xf32>,
        %get3A_919 = arith.index_cast %add3A_895 : i32 to index
        %get3A_920 = arith.constant 32 : index
        %get3A_921 = tpu.vector_load %arg16[%get3A_919, %get3A_920] {strides = array<i32>} : memref<128x64xf32, #tpu.memory_space<vmem>>, vector<1x16xf32>,
        %get3A_922 = vector.shape_cast %get3A_921 : vector<1x16xf32> to vector<16xf32>
        %mul3A_923 = arith.mulf %broadcast_in_dim3A_898, %get3A_922 : vector<16xf32>
        %swap3A_924 = arith.index_cast %add3A_895 : i32 to index
        %swap3A_925 = arith.constant 32 : index
        %swap3A_926 = tpu.vector_load %arg16[%swap3A_924, %swap3A_925] {strides = array<i32>} : memref<128x64xf32, #tpu.memory_space<vmem>>, vector<1x16xf32>,
        %swap3A_927 = vector.shape_cast %swap3A_926 : vector<1x16xf32> to vector<16xf32>
        %swap3A_928 = vector.shape_cast %mul3A_923 : vector<16xf32> to vector<1x16xf32>
        tpu.vector_store %arg16[%swap3A_924, %swap3A_925], %swap3A_928 {strides = array<i32>} : memref<128x64xf32, #tpu.memory_space<vmem>>, vector<1x16xf32>,
        %get3A_929 = arith.index_cast %add3A_895 : i32 to index
        %get3A_930 = arith.constant 48 : index
        %get3A_931 = tpu.vector_load %arg16[%get3A_929, %get3A_930] {strides = array<i32>} : memref<128x64xf32, #tpu.memory_space<vmem>>, vector<1x16xf32>,
        %get3A_932 = vector.shape_cast %get3A_931 : vector<1x16xf32> to vector<16xf32>
        %mul3A_933 = arith.mulf %broadcast_in_dim3A_898, %get3A_932 : vector<16xf32>
        %swap3A_934 = arith.index_cast %add3A_895 : i32 to index
        %swap3A_935 = arith.constant 48 : index
        %swap3A_936 = tpu.vector_load %arg16[%swap3A_934, %swap3A_935] {strides = array<i32>} : memref<128x64xf32, #tpu.memory_space<vmem>>, vector<1x16xf32>,
        %swap3A_937 = vector.shape_cast %swap3A_936 : vector<1x16xf32> to vector<16xf32>
        %swap3A_938 = vector.shape_cast %mul3A_933 : vector<16xf32> to vector<1x16xf32>
        tpu.vector_store %arg16[%swap3A_934, %swap3A_935], %swap3A_938 {strides = array<i32>} : memref<128x64xf32, #tpu.memory_space<vmem>>, vector<1x16xf32>,
        %mul3A_939 = arith.constant 16 : i32
        %mul3A_940 = arith.muli %scan3A_231, %mul3A_939 : i32
        %add3A_941 = arith.constant 15 : i32
        %add3A_942 = arith.addi %mul3A_940, %add3A_941 : i32
        %slice3A_943 = vector.extract_strided_slice %abs3A {offsets = [15], sizes = [1], strides = [1]} : vector<16xf32> to vector<1xf32>
        %squeeze3A_944 = vector.extract %slice3A_943[0] : f32 from vector<1xf32>
        %broadcast_in_dim3A_945 = vector.broadcast %squeeze3A_944 : f32 to vector<16xf32>
        %get3A_946 = arith.index_cast %add3A_942 : i32 to index
        %get3A_947 = arith.constant 0 : index
        %get3A_948 = tpu.vector_load %arg16[%get3A_946, %get3A_947] {strides = array<i32>} : memref<128x64xf32, #tpu.memory_space<vmem>>, vector<1x16xf32>,
        %get3A_949 = vector.shape_cast %get3A_948 : vector<1x16xf32> to vector<16xf32>
        %mul3A_950 = arith.mulf %broadcast_in_dim3A_945, %get3A_949 : vector<16xf32>
        %swap3A_951 = arith.index_cast %add3A_942 : i32 to index
        %swap3A_952 = arith.constant 0 : index
        %swap3A_953 = tpu.vector_load %arg16[%swap3A_951, %swap3A_952] {strides = array<i32>} : memref<128x64xf32, #tpu.memory_space<vmem>>, vector<1x16xf32>,
        %swap3A_954 = vector.shape_cast %swap3A_953 : vector<1x16xf32> to vector<16xf32>
        %swap3A_955 = vector.shape_cast %mul3A_950 : vector<16xf32> to vector<1x16xf32>
        tpu.vector_store %arg16[%swap3A_951, %swap3A_952], %swap3A_955 {strides = array<i32>} : memref<128x64xf32, #tpu.memory_space<vmem>>, vector<1x16xf32>,
        %get3A_956 = arith.index_cast %add3A_942 : i32 to index
        %get3A_957 = arith.constant 16 : index
        %get3A_958 = tpu.vector_load %arg16[%get3A_956, %get3A_957] {strides = array<i32>} : memref<128x64xf32, #tpu.memory_space<vmem>>, vector<1x16xf32>,
        %get3A_959 = vector.shape_cast %get3A_958 : vector<1x16xf32> to vector<16xf32>
        %mul3A_960 = arith.mulf %broadcast_in_dim3A_945, %get3A_959 : vector<16xf32>
        %swap3A_961 = arith.index_cast %add3A_942 : i32 to index
        %swap3A_962 = arith.constant 16 : index
        %swap3A_963 = tpu.vector_load %arg16[%swap3A_961, %swap3A_962] {strides = array<i32>} : memref<128x64xf32, #tpu.memory_space<vmem>>, vector<1x16xf32>,
        %swap3A_964 = vector.shape_cast %swap3A_963 : vector<1x16xf32> to vector<16xf32>
        %swap3A_965 = vector.shape_cast %mul3A_960 : vector<16xf32> to vector<1x16xf32>
        tpu.vector_store %arg16[%swap3A_961, %swap3A_962], %swap3A_965 {strides = array<i32>} : memref<128x64xf32, #tpu.memory_space<vmem>>, vector<1x16xf32>,
        %get3A_966 = arith.index_cast %add3A_942 : i32 to index
        %get3A_967 = arith.constant 32 : index
        %get3A_968 = tpu.vector_load %arg16[%get3A_966, %get3A_967] {strides = array<i32>} : memref<128x64xf32, #tpu.memory_space<vmem>>, vector<1x16xf32>,
        %get3A_969 = vector.shape_cast %get3A_968 : vector<1x16xf32> to vector<16xf32>
        %mul3A_970 = arith.mulf %broadcast_in_dim3A_945, %get3A_969 : vector<16xf32>
        %swap3A_971 = arith.index_cast %add3A_942 : i32 to index
        %swap3A_972 = arith.constant 32 : index
        %swap3A_973 = tpu.vector_load %arg16[%swap3A_971, %swap3A_972] {strides = array<i32>} : memref<128x64xf32, #tpu.memory_space<vmem>>, vector<1x16xf32>,
        %swap3A_974 = vector.shape_cast %swap3A_973 : vector<1x16xf32> to vector<16xf32>
        %swap3A_975 = vector.shape_cast %mul3A_970 : vector<16xf32> to vector<1x16xf32>
        tpu.vector_store %arg16[%swap3A_971, %swap3A_972], %swap3A_975 {strides = array<i32>} : memref<128x64xf32, #tpu.memory_space<vmem>>, vector<1x16xf32>,
        %get3A_976 = arith.index_cast %add3A_942 : i32 to index
        %get3A_977 = arith.constant 48 : index
        %get3A_978 = tpu.vector_load %arg16[%get3A_976, %get3A_977] {strides = array<i32>} : memref<128x64xf32, #tpu.memory_space<vmem>>, vector<1x16xf32>,
        %get3A_979 = vector.shape_cast %get3A_978 : vector<1x16xf32> to vector<16xf32>
        %mul3A_980 = arith.mulf %broadcast_in_dim3A_945, %get3A_979 : vector<16xf32>
        %swap3A_981 = arith.index_cast %add3A_942 : i32 to index
        %swap3A_982 = arith.constant 48 : index
        %swap3A_983 = tpu.vector_load %arg16[%swap3A_981, %swap3A_982] {strides = array<i32>} : memref<128x64xf32, #tpu.memory_space<vmem>>, vector<1x16xf32>,
        %swap3A_984 = vector.shape_cast %swap3A_983 : vector<1x16xf32> to vector<16xf32>
        %swap3A_985 = vector.shape_cast %mul3A_980 : vector<16xf32> to vector<1x16xf32>
        tpu.vector_store %arg16[%swap3A_981, %swap3A_982], %swap3A_985 {strides = array<i32>} : memref<128x64xf32, #tpu.memory_space<vmem>>, vector<1x16xf32>,
        %scan3A_986 = arith.constant 0 : i32
        scf.yield %scan3A_986 : i32
      }
      %scan3A_204 = arith.constant 4 : i32
      %dma_start3A_205 = arith.constant 0 : i32
      %dma_start3A_206 = arith.constant 0 : i32
      %dma_start3A_207 = tpu.memref_slice %arg16[%dma_start3A_205, %dma_start3A_206] : memref<128x64xf32, #tpu.memory_space<vmem>> -> memref<64x64xf32, #tpu.memory_space<vmem>>
      %dma_start3A_208 = arith.constant 0 : i32
      %dma_start3A_209 = arith.constant 0 : i32
      %dma_start3A_210 = tpu.memref_slice %arg19[%dma_start3A_208, %dma_start3A_209] : memref<20000x64xf32, #tpu.memory_space<vmem_shared>> -> memref<20000x64xf32, #tpu.memory_space<vmem_shared>>
      tpu.enqueue_indirect_dma source(%dma_start3A_207 : memref<64x64xf32, #tpu.memory_space<vmem>>) target(%dma_start3A_210 : memref<20000x64xf32, #tpu.memory_space<vmem_shared>>) offsets(%arg14 : memref<64xi32, #tpu.memory_space<vmem>>) semaphore(%arg27 : memref<!tpu.dma_semaphore, #tpu.memory_space<semaphore_mem>>) {add = true}
      %dma_wait3A_211 = arith.constant 64 : i32
      %dma_wait3A_212 = arith.constant 0 : i32
      %dma_wait3A_213 = tpu.memref_slice %arg16[%dma_wait3A_211, %dma_wait3A_212] : memref<128x64xf32, #tpu.memory_space<vmem>> -> memref<64x64xf32, #tpu.memory_space<vmem>>
      %dma_wait3A_214 = arith.constant 0 : i32
      %dma_wait3A_215 = arith.constant 0 : i32
      %dma_wait3A_216 = tpu.memref_slice %arg18[%dma_wait3A_214, %dma_wait3A_215] : memref<10000x64xf32, #tpu.memory_space<vmem_shared>> -> memref<10000x64xf32, #tpu.memory_space<vmem_shared>>
      tpu.wait_indirect_dma semaphore(%arg24 : memref<!tpu.dma_semaphore, #tpu.memory_space<semaphore_mem>>) src(%dma_wait3A_213 : memref<64x64xf32, #tpu.memory_space<vmem>>) dst(%dma_wait3A_216 : memref<10000x64xf32, #tpu.memory_space<vmem_shared>>)
      %scan3A_217 = arith.constant 0 : i32
      %scan3A_218 = arith.constant 4 : i32
      %scan3A_219 = arith.constant 4 : i32
      %scan3A_220 = arith.addi %scan3A_218, %scan3A_219 : i32
      %scan3A_221 = arith.constant 1 : i32
      %scan3A_222 = scf.for %scan3A_231 = %scan3A_218 to %scan3A_220 step %scan3A_221 iter_args(%scan3A_232 = %scan3A_217) -> (i32)  : i32 {
        %mul3A_233 = arith.constant 16 : i32
        %mul3A_234 = arith.muli %scan3A_231, %mul3A_233 : i32
        %get3A = arith.index_cast %mul3A_234 : i32 to index
        %get3A_235 = tpu.vector_load %arg11[%get3A] {strides = array<i32>} : memref<128xf32, #tpu.memory_space<vmem>>, vector<16xf32>,
        %get3A_236 = vector.shape_cast %get3A_235 : vector<16xf32> to vector<16xf32>
        %abs3A = math.absf %get3A_236 : vector<16xf32>
        %mul3A_237 = arith.constant 16 : i32
        %mul3A_238 = arith.muli %scan3A_231, %mul3A_237 : i32
        %add3A_239 = arith.constant 0 : i32
        %add3A_240 = arith.addi %mul3A_238, %add3A_239 : i32
        %slice3A = vector.extract_strided_slice %abs3A {offsets = [0], sizes = [1], strides = [1]} : vector<16xf32> to vector<1xf32>
        %squeeze3A = vector.extract %slice3A[0] : f32 from vector<1xf32>
        %broadcast_in_dim3A_241 = vector.broadcast %squeeze3A : f32 to vector<16xf32>
        %get3A_242 = arith.index_cast %add3A_240 : i32 to index
        %get3A_243 = arith.constant 0 : index
        %get3A_244 = tpu.vector_load %arg16[%get3A_242, %get3A_243] {strides = array<i32>} : memref<128x64xf32, #tpu.memory_space<vmem>>, vector<1x16xf32>,
        %get3A_245 = vector.shape_cast %get3A_244 : vector<1x16xf32> to vector<16xf32>
        %mul3A_246 = arith.mulf %broadcast_in_dim3A_241, %get3A_245 : vector<16xf32>
        %swap3A = arith.index_cast %add3A_240 : i32 to index
        %swap3A_247 = arith.constant 0 : index
        %swap3A_248 = tpu.vector_load %arg16[%swap3A, %swap3A_247] {strides = array<i32>} : memref<128x64xf32, #tpu.memory_space<vmem>>, vector<1x16xf32>,
        %swap3A_249 = vector.shape_cast %swap3A_248 : vector<1x16xf32> to vector<16xf32>
        %swap3A_250 = vector.shape_cast %mul3A_246 : vector<16xf32> to vector<1x16xf32>
        tpu.vector_store %arg16[%swap3A, %swap3A_247], %swap3A_250 {strides = array<i32>} : memref<128x64xf32, #tpu.memory_space<vmem>>, vector<1x16xf32>,
        %get3A_251 = arith.index_cast %add3A_240 : i32 to index
        %get3A_252 = arith.constant 16 : index
        %get3A_253 = tpu.vector_load %arg16[%get3A_251, %get3A_252] {strides = array<i32>} : memref<128x64xf32, #tpu.memory_space<vmem>>, vector<1x16xf32>,
        %get3A_254 = vector.shape_cast %get3A_253 : vector<1x16xf32> to vector<16xf32>
        %mul3A_255 = arith.mulf %broadcast_in_dim3A_241, %get3A_254 : vector<16xf32>
        %swap3A_256 = arith.index_cast %add3A_240 : i32 to index
        %swap3A_257 = arith.constant 16 : index
        %swap3A_258 = tpu.vector_load %arg16[%swap3A_256, %swap3A_257] {strides = array<i32>} : memref<128x64xf32, #tpu.memory_space<vmem>>, vector<1x16xf32>,
        %swap3A_259 = vector.shape_cast %swap3A_258 : vector<1x16xf32> to vector<16xf32>
        %swap3A_260 = vector.shape_cast %mul3A_255 : vector<16xf32> to vector<1x16xf32>
        tpu.vector_store %arg16[%swap3A_256, %swap3A_257], %swap3A_260 {strides = array<i32>} : memref<128x64xf32, #tpu.memory_space<vmem>>, vector<1x16xf32>,
        %get3A_261 = arith.index_cast %add3A_240 : i32 to index
        %get3A_262 = arith.constant 32 : index
        %get3A_263 = tpu.vector_load %arg16[%get3A_261, %get3A_262] {strides = array<i32>} : memref<128x64xf32, #tpu.memory_space<vmem>>, vector<1x16xf32>,
        %get3A_264 = vector.shape_cast %get3A_263 : vector<1x16xf32> to vector<16xf32>
        %mul3A_265 = arith.mulf %broadcast_in_dim3A_241, %get3A_264 : vector<16xf32>
        %swap3A_266 = arith.index_cast %add3A_240 : i32 to index
        %swap3A_267 = arith.constant 32 : index
        %swap3A_268 = tpu.vector_load %arg16[%swap3A_266, %swap3A_267] {strides = array<i32>} : memref<128x64xf32, #tpu.memory_space<vmem>>, vector<1x16xf32>,
        %swap3A_269 = vector.shape_cast %swap3A_268 : vector<1x16xf32> to vector<16xf32>
        %swap3A_270 = vector.shape_cast %mul3A_265 : vector<16xf32> to vector<1x16xf32>
        tpu.vector_store %arg16[%swap3A_266, %swap3A_267], %swap3A_270 {strides = array<i32>} : memref<128x64xf32, #tpu.memory_space<vmem>>, vector<1x16xf32>,
        %get3A_271 = arith.index_cast %add3A_240 : i32 to index
        %get3A_272 = arith.constant 48 : index
        %get3A_273 = tpu.vector_load %arg16[%get3A_271, %get3A_272] {strides = array<i32>} : memref<128x64xf32, #tpu.memory_space<vmem>>, vector<1x16xf32>,
        %get3A_274 = vector.shape_cast %get3A_273 : vector<1x16xf32> to vector<16xf32>
        %mul3A_275 = arith.mulf %broadcast_in_dim3A_241, %get3A_274 : vector<16xf32>
        %swap3A_276 = arith.index_cast %add3A_240 : i32 to index
        %swap3A_277 = arith.constant 48 : index
        %swap3A_278 = tpu.vector_load %arg16[%swap3A_276, %swap3A_277] {strides = array<i32>} : memref<128x64xf32, #tpu.memory_space<vmem>>, vector<1x16xf32>,
        %swap3A_279 = vector.shape_cast %swap3A_278 : vector<1x16xf32> to vector<16xf32>
        %swap3A_280 = vector.shape_cast %mul3A_275 : vector<16xf32> to vector<1x16xf32>
        tpu.vector_store %arg16[%swap3A_276, %swap3A_277], %swap3A_280 {strides = array<i32>} : memref<128x64xf32, #tpu.memory_space<vmem>>, vector<1x16xf32>,
        %mul3A_281 = arith.constant 16 : i32
        %mul3A_282 = arith.muli %scan3A_231, %mul3A_281 : i32
        %add3A_283 = arith.constant 1 : i32
        %add3A_284 = arith.addi %mul3A_282, %add3A_283 : i32
        %slice3A_285 = vector.extract_strided_slice %abs3A {offsets = [1], sizes = [1], strides = [1]} : vector<16xf32> to vector<1xf32>
        %squeeze3A_286 = vector.extract %slice3A_285[0] : f32 from vector<1xf32>
        %broadcast_in_dim3A_287 = vector.broadcast %squeeze3A_286 : f32 to vector<16xf32>
        %get3A_288 = arith.index_cast %add3A_284 : i32 to index
        %get3A_289 = arith.constant 0 : index
        %get3A_290 = tpu.vector_load %arg16[%get3A_288, %get3A_289] {strides = array<i32>} : memref<128x64xf32, #tpu.memory_space<vmem>>, vector<1x16xf32>,
        %get3A_291 = vector.shape_cast %get3A_290 : vector<1x16xf32> to vector<16xf32>
        %mul3A_292 = arith.mulf %broadcast_in_dim3A_287, %get3A_291 : vector<16xf32>
        %swap3A_293 = arith.index_cast %add3A_284 : i32 to index
        %swap3A_294 = arith.constant 0 : index
        %swap3A_295 = tpu.vector_load %arg16[%swap3A_293, %swap3A_294] {strides = array<i32>} : memref<128x64xf32, #tpu.memory_space<vmem>>, vector<1x16xf32>,
        %swap3A_296 = vector.shape_cast %swap3A_295 : vector<1x16xf32> to vector<16xf32>
        %swap3A_297 = vector.shape_cast %mul3A_292 : vector<16xf32> to vector<1x16xf32>
        tpu.vector_store %arg16[%swap3A_293, %swap3A_294], %swap3A_297 {strides = array<i32>} : memref<128x64xf32, #tpu.memory_space<vmem>>, vector<1x16xf32>,
        %get3A_298 = arith.index_cast %add3A_284 : i32 to index
        %get3A_299 = arith.constant 16 : index
        %get3A_300 = tpu.vector_load %arg16[%get3A_298, %get3A_299] {strides = array<i32>} : memref<128x64xf32, #tpu.memory_space<vmem>>, vector<1x16xf32>,
        %get3A_301 = vector.shape_cast %get3A_300 : vector<1x16xf32> to vector<16xf32>
        %mul3A_302 = arith.mulf %broadcast_in_dim3A_287, %get3A_301 : vector<16xf32>
        %swap3A_303 = arith.index_cast %add3A_284 : i32 to index
        %swap3A_304 = arith.constant 16 : index
        %swap3A_305 = tpu.vector_load %arg16[%swap3A_303, %swap3A_304] {strides = array<i32>} : memref<128x64xf32, #tpu.memory_space<vmem>>, vector<1x16xf32>,
        %swap3A_306 = vector.shape_cast %swap3A_305 : vector<1x16xf32> to vector<16xf32>
        %swap3A_307 = vector.shape_cast %mul3A_302 : vector<16xf32> to vector<1x16xf32>
        tpu.vector_store %arg16[%swap3A_303, %swap3A_304], %swap3A_307 {strides = array<i32>} : memref<128x64xf32, #tpu.memory_space<vmem>>, vector<1x16xf32>,
        %get3A_308 = arith.index_cast %add3A_284 : i32 to index
        %get3A_309 = arith.constant 32 : index
        %get3A_310 = tpu.vector_load %arg16[%get3A_308, %get3A_309] {strides = array<i32>} : memref<128x64xf32, #tpu.memory_space<vmem>>, vector<1x16xf32>,
        %get3A_311 = vector.shape_cast %get3A_310 : vector<1x16xf32> to vector<16xf32>
        %mul3A_312 = arith.mulf %broadcast_in_dim3A_287, %get3A_311 : vector<16xf32>
        %swap3A_313 = arith.index_cast %add3A_284 : i32 to index
        %swap3A_314 = arith.constant 32 : index
        %swap3A_315 = tpu.vector_load %arg16[%swap3A_313, %swap3A_314] {strides = array<i32>} : memref<128x64xf32, #tpu.memory_space<vmem>>, vector<1x16xf32>,
        %swap3A_316 = vector.shape_cast %swap3A_315 : vector<1x16xf32> to vector<16xf32>
        %swap3A_317 = vector.shape_cast %mul3A_312 : vector<16xf32> to vector<1x16xf32>
        tpu.vector_store %arg16[%swap3A_313, %swap3A_314], %swap3A_317 {strides = array<i32>} : memref<128x64xf32, #tpu.memory_space<vmem>>, vector<1x16xf32>,
        %get3A_318 = arith.index_cast %add3A_284 : i32 to index
        %get3A_319 = arith.constant 48 : index
        %get3A_320 = tpu.vector_load %arg16[%get3A_318, %get3A_319] {strides = array<i32>} : memref<128x64xf32, #tpu.memory_space<vmem>>, vector<1x16xf32>,
        %get3A_321 = vector.shape_cast %get3A_320 : vector<1x16xf32> to vector<16xf32>
        %mul3A_322 = arith.mulf %broadcast_in_dim3A_287, %get3A_321 : vector<16xf32>
        %swap3A_323 = arith.index_cast %add3A_284 : i32 to index
        %swap3A_324 = arith.constant 48 : index
        %swap3A_325 = tpu.vector_load %arg16[%swap3A_323, %swap3A_324] {strides = array<i32>} : memref<128x64xf32, #tpu.memory_space<vmem>>, vector<1x16xf32>,
        %swap3A_326 = vector.shape_cast %swap3A_325 : vector<1x16xf32> to vector<16xf32>
        %swap3A_327 = vector.shape_cast %mul3A_322 : vector<16xf32> to vector<1x16xf32>
        tpu.vector_store %arg16[%swap3A_323, %swap3A_324], %swap3A_327 {strides = array<i32>} : memref<128x64xf32, #tpu.memory_space<vmem>>, vector<1x16xf32>,
        %mul3A_328 = arith.constant 16 : i32
        %mul3A_329 = arith.muli %scan3A_231, %mul3A_328 : i32
        %add3A_330 = arith.constant 2 : i32
        %add3A_331 = arith.addi %mul3A_329, %add3A_330 : i32
        %slice3A_332 = vector.extract_strided_slice %abs3A {offsets = [2], sizes = [1], strides = [1]} : vector<16xf32> to vector<1xf32>
        %squeeze3A_333 = vector.extract %slice3A_332[0] : f32 from vector<1xf32>
        %broadcast_in_dim3A_334 = vector.broadcast %squeeze3A_333 : f32 to vector<16xf32>
        %get3A_335 = arith.index_cast %add3A_331 : i32 to index
        %get3A_336 = arith.constant 0 : index
        %get3A_337 = tpu.vector_load %arg16[%get3A_335, %get3A_336] {strides = array<i32>} : memref<128x64xf32, #tpu.memory_space<vmem>>, vector<1x16xf32>,
        %get3A_338 = vector.shape_cast %get3A_337 : vector<1x16xf32> to vector<16xf32>
        %mul3A_339 = arith.mulf %broadcast_in_dim3A_334, %get3A_338 : vector<16xf32>
        %swap3A_340 = arith.index_cast %add3A_331 : i32 to index
        %swap3A_341 = arith.constant 0 : index
        %swap3A_342 = tpu.vector_load %arg16[%swap3A_340, %swap3A_341] {strides = array<i32>} : memref<128x64xf32, #tpu.memory_space<vmem>>, vector<1x16xf32>,
        %swap3A_343 = vector.shape_cast %swap3A_342 : vector<1x16xf32> to vector<16xf32>
        %swap3A_344 = vector.shape_cast %mul3A_339 : vector<16xf32> to vector<1x16xf32>
        tpu.vector_store %arg16[%swap3A_340, %swap3A_341], %swap3A_344 {strides = array<i32>} : memref<128x64xf32, #tpu.memory_space<vmem>>, vector<1x16xf32>,
        %get3A_345 = arith.index_cast %add3A_331 : i32 to index
        %get3A_346 = arith.constant 16 : index
        %get3A_347 = tpu.vector_load %arg16[%get3A_345, %get3A_346] {strides = array<i32>} : memref<128x64xf32, #tpu.memory_space<vmem>>, vector<1x16xf32>,
        %get3A_348 = vector.shape_cast %get3A_347 : vector<1x16xf32> to vector<16xf32>
        %mul3A_349 = arith.mulf %broadcast_in_dim3A_334, %get3A_348 : vector<16xf32>
        %swap3A_350 = arith.index_cast %add3A_331 : i32 to index
        %swap3A_351 = arith.constant 16 : index
        %swap3A_352 = tpu.vector_load %arg16[%swap3A_350, %swap3A_351] {strides = array<i32>} : memref<128x64xf32, #tpu.memory_space<vmem>>, vector<1x16xf32>,
        %swap3A_353 = vector.shape_cast %swap3A_352 : vector<1x16xf32> to vector<16xf32>
        %swap3A_354 = vector.shape_cast %mul3A_349 : vector<16xf32> to vector<1x16xf32>
        tpu.vector_store %arg16[%swap3A_350, %swap3A_351], %swap3A_354 {strides = array<i32>} : memref<128x64xf32, #tpu.memory_space<vmem>>, vector<1x16xf32>,
        %get3A_355 = arith.index_cast %add3A_331 : i32 to index
        %get3A_356 = arith.constant 32 : index
        %get3A_357 = tpu.vector_load %arg16[%get3A_355, %get3A_356] {strides = array<i32>} : memref<128x64xf32, #tpu.memory_space<vmem>>, vector<1x16xf32>,
        %get3A_358 = vector.shape_cast %get3A_357 : vector<1x16xf32> to vector<16xf32>
        %mul3A_359 = arith.mulf %broadcast_in_dim3A_334, %get3A_358 : vector<16xf32>
        %swap3A_360 = arith.index_cast %add3A_331 : i32 to index
        %swap3A_361 = arith.constant 32 : index
        %swap3A_362 = tpu.vector_load %arg16[%swap3A_360, %swap3A_361] {strides = array<i32>} : memref<128x64xf32, #tpu.memory_space<vmem>>, vector<1x16xf32>,
        %swap3A_363 = vector.shape_cast %swap3A_362 : vector<1x16xf32> to vector<16xf32>
        %swap3A_364 = vector.shape_cast %mul3A_359 : vector<16xf32> to vector<1x16xf32>
        tpu.vector_store %arg16[%swap3A_360, %swap3A_361], %swap3A_364 {strides = array<i32>} : memref<128x64xf32, #tpu.memory_space<vmem>>, vector<1x16xf32>,
        %get3A_365 = arith.index_cast %add3A_331 : i32 to index
        %get3A_366 = arith.constant 48 : index
        %get3A_367 = tpu.vector_load %arg16[%get3A_365, %get3A_366] {strides = array<i32>} : memref<128x64xf32, #tpu.memory_space<vmem>>, vector<1x16xf32>,
        %get3A_368 = vector.shape_cast %get3A_367 : vector<1x16xf32> to vector<16xf32>
        %mul3A_369 = arith.mulf %broadcast_in_dim3A_334, %get3A_368 : vector<16xf32>
        %swap3A_370 = arith.index_cast %add3A_331 : i32 to index
        %swap3A_371 = arith.constant 48 : index
        %swap3A_372 = tpu.vector_load %arg16[%swap3A_370, %swap3A_371] {strides = array<i32>} : memref<128x64xf32, #tpu.memory_space<vmem>>, vector<1x16xf32>,
        %swap3A_373 = vector.shape_cast %swap3A_372 : vector<1x16xf32> to vector<16xf32>
        %swap3A_374 = vector.shape_cast %mul3A_369 : vector<16xf32> to vector<1x16xf32>
        tpu.vector_store %arg16[%swap3A_370, %swap3A_371], %swap3A_374 {strides = array<i32>} : memref<128x64xf32, #tpu.memory_space<vmem>>, vector<1x16xf32>,
        %mul3A_375 = arith.constant 16 : i32
        %mul3A_376 = arith.muli %scan3A_231, %mul3A_375 : i32
        %add3A_377 = arith.constant 3 : i32
        %add3A_378 = arith.addi %mul3A_376, %add3A_377 : i32
        %slice3A_379 = vector.extract_strided_slice %abs3A {offsets = [3], sizes = [1], strides = [1]} : vector<16xf32> to vector<1xf32>
        %squeeze3A_380 = vector.extract %slice3A_379[0] : f32 from vector<1xf32>
        %broadcast_in_dim3A_381 = vector.broadcast %squeeze3A_380 : f32 to vector<16xf32>
        %get3A_382 = arith.index_cast %add3A_378 : i32 to index
        %get3A_383 = arith.constant 0 : index
        %get3A_384 = tpu.vector_load %arg16[%get3A_382, %get3A_383] {strides = array<i32>} : memref<128x64xf32, #tpu.memory_space<vmem>>, vector<1x16xf32>,
        %get3A_385 = vector.shape_cast %get3A_384 : vector<1x16xf32> to vector<16xf32>
        %mul3A_386 = arith.mulf %broadcast_in_dim3A_381, %get3A_385 : vector<16xf32>
        %swap3A_387 = arith.index_cast %add3A_378 : i32 to index
        %swap3A_388 = arith.constant 0 : index
        %swap3A_389 = tpu.vector_load %arg16[%swap3A_387, %swap3A_388] {strides = array<i32>} : memref<128x64xf32, #tpu.memory_space<vmem>>, vector<1x16xf32>,
        %swap3A_390 = vector.shape_cast %swap3A_389 : vector<1x16xf32> to vector<16xf32>
        %swap3A_391 = vector.shape_cast %mul3A_386 : vector<16xf32> to vector<1x16xf32>
        tpu.vector_store %arg16[%swap3A_387, %swap3A_388], %swap3A_391 {strides = array<i32>} : memref<128x64xf32, #tpu.memory_space<vmem>>, vector<1x16xf32>,
        %get3A_392 = arith.index_cast %add3A_378 : i32 to index
        %get3A_393 = arith.constant 16 : index
        %get3A_394 = tpu.vector_load %arg16[%get3A_392, %get3A_393] {strides = array<i32>} : memref<128x64xf32, #tpu.memory_space<vmem>>, vector<1x16xf32>,
        %get3A_395 = vector.shape_cast %get3A_394 : vector<1x16xf32> to vector<16xf32>
        %mul3A_396 = arith.mulf %broadcast_in_dim3A_381, %get3A_395 : vector<16xf32>
        %swap3A_397 = arith.index_cast %add3A_378 : i32 to index
        %swap3A_398 = arith.constant 16 : index
        %swap3A_399 = tpu.vector_load %arg16[%swap3A_397, %swap3A_398] {strides = array<i32>} : memref<128x64xf32, #tpu.memory_space<vmem>>, vector<1x16xf32>,
        %swap3A_400 = vector.shape_cast %swap3A_399 : vector<1x16xf32> to vector<16xf32>
        %swap3A_401 = vector.shape_cast %mul3A_396 : vector<16xf32> to vector<1x16xf32>
        tpu.vector_store %arg16[%swap3A_397, %swap3A_398], %swap3A_401 {strides = array<i32>} : memref<128x64xf32, #tpu.memory_space<vmem>>, vector<1x16xf32>,
        %get3A_402 = arith.index_cast %add3A_378 : i32 to index
        %get3A_403 = arith.constant 32 : index
        %get3A_404 = tpu.vector_load %arg16[%get3A_402, %get3A_403] {strides = array<i32>} : memref<128x64xf32, #tpu.memory_space<vmem>>, vector<1x16xf32>,
        %get3A_405 = vector.shape_cast %get3A_404 : vector<1x16xf32> to vector<16xf32>
        %mul3A_406 = arith.mulf %broadcast_in_dim3A_381, %get3A_405 : vector<16xf32>
        %swap3A_407 = arith.index_cast %add3A_378 : i32 to index
        %swap3A_408 = arith.constant 32 : index
        %swap3A_409 = tpu.vector_load %arg16[%swap3A_407, %swap3A_408] {strides = array<i32>} : memref<128x64xf32, #tpu.memory_space<vmem>>, vector<1x16xf32>,
        %swap3A_410 = vector.shape_cast %swap3A_409 : vector<1x16xf32> to vector<16xf32>
        %swap3A_411 = vector.shape_cast %mul3A_406 : vector<16xf32> to vector<1x16xf32>
        tpu.vector_store %arg16[%swap3A_407, %swap3A_408], %swap3A_411 {strides = array<i32>} : memref<128x64xf32, #tpu.memory_space<vmem>>, vector<1x16xf32>,
        %get3A_412 = arith.index_cast %add3A_378 : i32 to index
        %get3A_413 = arith.constant 48 : index
        %get3A_414 = tpu.vector_load %arg16[%get3A_412, %get3A_413] {strides = array<i32>} : memref<128x64xf32, #tpu.memory_space<vmem>>, vector<1x16xf32>,
        %get3A_415 = vector.shape_cast %get3A_414 : vector<1x16xf32> to vector<16xf32>
        %mul3A_416 = arith.mulf %broadcast_in_dim3A_381, %get3A_415 : vector<16xf32>
        %swap3A_417 = arith.index_cast %add3A_378 : i32 to index
        %swap3A_418 = arith.constant 48 : index
        %swap3A_419 = tpu.vector_load %arg16[%swap3A_417, %swap3A_418] {strides = array<i32>} : memref<128x64xf32, #tpu.memory_space<vmem>>, vector<1x16xf32>,
        %swap3A_420 = vector.shape_cast %swap3A_419 : vector<1x16xf32> to vector<16xf32>
        %swap3A_421 = vector.shape_cast %mul3A_416 : vector<16xf32> to vector<1x16xf32>
        tpu.vector_store %arg16[%swap3A_417, %swap3A_418], %swap3A_421 {strides = array<i32>} : memref<128x64xf32, #tpu.memory_space<vmem>>, vector<1x16xf32>,
        %mul3A_422 = arith.constant 16 : i32
        %mul3A_423 = arith.muli %scan3A_231, %mul3A_422 : i32
        %add3A_424 = arith.constant 4 : i32
        %add3A_425 = arith.addi %mul3A_423, %add3A_424 : i32
        %slice3A_426 = vector.extract_strided_slice %abs3A {offsets = [4], sizes = [1], strides = [1]} : vector<16xf32> to vector<1xf32>
        %squeeze3A_427 = vector.extract %slice3A_426[0] : f32 from vector<1xf32>
        %broadcast_in_dim3A_428 = vector.broadcast %squeeze3A_427 : f32 to vector<16xf32>
        %get3A_429 = arith.index_cast %add3A_425 : i32 to index
        %get3A_430 = arith.constant 0 : index
        %get3A_431 = tpu.vector_load %arg16[%get3A_429, %get3A_430] {strides = array<i32>} : memref<128x64xf32, #tpu.memory_space<vmem>>, vector<1x16xf32>,
        %get3A_432 = vector.shape_cast %get3A_431 : vector<1x16xf32> to vector<16xf32>
        %mul3A_433 = arith.mulf %broadcast_in_dim3A_428, %get3A_432 : vector<16xf32>
        %swap3A_434 = arith.index_cast %add3A_425 : i32 to index
        %swap3A_435 = arith.constant 0 : index
        %swap3A_436 = tpu.vector_load %arg16[%swap3A_434, %swap3A_435] {strides = array<i32>} : memref<128x64xf32, #tpu.memory_space<vmem>>, vector<1x16xf32>,
        %swap3A_437 = vector.shape_cast %swap3A_436 : vector<1x16xf32> to vector<16xf32>
        %swap3A_438 = vector.shape_cast %mul3A_433 : vector<16xf32> to vector<1x16xf32>
        tpu.vector_store %arg16[%swap3A_434, %swap3A_435], %swap3A_438 {strides = array<i32>} : memref<128x64xf32, #tpu.memory_space<vmem>>, vector<1x16xf32>,
        %get3A_439 = arith.index_cast %add3A_425 : i32 to index
        %get3A_440 = arith.constant 16 : index
        %get3A_441 = tpu.vector_load %arg16[%get3A_439, %get3A_440] {strides = array<i32>} : memref<128x64xf32, #tpu.memory_space<vmem>>, vector<1x16xf32>,
        %get3A_442 = vector.shape_cast %get3A_441 : vector<1x16xf32> to vector<16xf32>
        %mul3A_443 = arith.mulf %broadcast_in_dim3A_428, %get3A_442 : vector<16xf32>
        %swap3A_444 = arith.index_cast %add3A_425 : i32 to index
        %swap3A_445 = arith.constant 16 : index
        %swap3A_446 = tpu.vector_load %arg16[%swap3A_444, %swap3A_445] {strides = array<i32>} : memref<128x64xf32, #tpu.memory_space<vmem>>, vector<1x16xf32>,
        %swap3A_447 = vector.shape_cast %swap3A_446 : vector<1x16xf32> to vector<16xf32>
        %swap3A_448 = vector.shape_cast %mul3A_443 : vector<16xf32> to vector<1x16xf32>
        tpu.vector_store %arg16[%swap3A_444, %swap3A_445], %swap3A_448 {strides = array<i32>} : memref<128x64xf32, #tpu.memory_space<vmem>>, vector<1x16xf32>,
        %get3A_449 = arith.index_cast %add3A_425 : i32 to index
        %get3A_450 = arith.constant 32 : index
        %get3A_451 = tpu.vector_load %arg16[%get3A_449, %get3A_450] {strides = array<i32>} : memref<128x64xf32, #tpu.memory_space<vmem>>, vector<1x16xf32>,
        %get3A_452 = vector.shape_cast %get3A_451 : vector<1x16xf32> to vector<16xf32>
        %mul3A_453 = arith.mulf %broadcast_in_dim3A_428, %get3A_452 : vector<16xf32>
        %swap3A_454 = arith.index_cast %add3A_425 : i32 to index
        %swap3A_455 = arith.constant 32 : index
        %swap3A_456 = tpu.vector_load %arg16[%swap3A_454, %swap3A_455] {strides = array<i32>} : memref<128x64xf32, #tpu.memory_space<vmem>>, vector<1x16xf32>,
        %swap3A_457 = vector.shape_cast %swap3A_456 : vector<1x16xf32> to vector<16xf32>
        %swap3A_458 = vector.shape_cast %mul3A_453 : vector<16xf32> to vector<1x16xf32>
        tpu.vector_store %arg16[%swap3A_454, %swap3A_455], %swap3A_458 {strides = array<i32>} : memref<128x64xf32, #tpu.memory_space<vmem>>, vector<1x16xf32>,
        %get3A_459 = arith.index_cast %add3A_425 : i32 to index
        %get3A_460 = arith.constant 48 : index
        %get3A_461 = tpu.vector_load %arg16[%get3A_459, %get3A_460] {strides = array<i32>} : memref<128x64xf32, #tpu.memory_space<vmem>>, vector<1x16xf32>,
        %get3A_462 = vector.shape_cast %get3A_461 : vector<1x16xf32> to vector<16xf32>
        %mul3A_463 = arith.mulf %broadcast_in_dim3A_428, %get3A_462 : vector<16xf32>
        %swap3A_464 = arith.index_cast %add3A_425 : i32 to index
        %swap3A_465 = arith.constant 48 : index
        %swap3A_466 = tpu.vector_load %arg16[%swap3A_464, %swap3A_465] {strides = array<i32>} : memref<128x64xf32, #tpu.memory_space<vmem>>, vector<1x16xf32>,
        %swap3A_467 = vector.shape_cast %swap3A_466 : vector<1x16xf32> to vector<16xf32>
        %swap3A_468 = vector.shape_cast %mul3A_463 : vector<16xf32> to vector<1x16xf32>
        tpu.vector_store %arg16[%swap3A_464, %swap3A_465], %swap3A_468 {strides = array<i32>} : memref<128x64xf32, #tpu.memory_space<vmem>>, vector<1x16xf32>,
        %mul3A_469 = arith.constant 16 : i32
        %mul3A_470 = arith.muli %scan3A_231, %mul3A_469 : i32
        %add3A_471 = arith.constant 5 : i32
        %add3A_472 = arith.addi %mul3A_470, %add3A_471 : i32
        %slice3A_473 = vector.extract_strided_slice %abs3A {offsets = [5], sizes = [1], strides = [1]} : vector<16xf32> to vector<1xf32>
        %squeeze3A_474 = vector.extract %slice3A_473[0] : f32 from vector<1xf32>
        %broadcast_in_dim3A_475 = vector.broadcast %squeeze3A_474 : f32 to vector<16xf32>
        %get3A_476 = arith.index_cast %add3A_472 : i32 to index
        %get3A_477 = arith.constant 0 : index
        %get3A_478 = tpu.vector_load %arg16[%get3A_476, %get3A_477] {strides = array<i32>} : memref<128x64xf32, #tpu.memory_space<vmem>>, vector<1x16xf32>,
        %get3A_479 = vector.shape_cast %get3A_478 : vector<1x16xf32> to vector<16xf32>
        %mul3A_480 = arith.mulf %broadcast_in_dim3A_475, %get3A_479 : vector<16xf32>
        %swap3A_481 = arith.index_cast %add3A_472 : i32 to index
        %swap3A_482 = arith.constant 0 : index
        %swap3A_483 = tpu.vector_load %arg16[%swap3A_481, %swap3A_482] {strides = array<i32>} : memref<128x64xf32, #tpu.memory_space<vmem>>, vector<1x16xf32>,
        %swap3A_484 = vector.shape_cast %swap3A_483 : vector<1x16xf32> to vector<16xf32>
        %swap3A_485 = vector.shape_cast %mul3A_480 : vector<16xf32> to vector<1x16xf32>
        tpu.vector_store %arg16[%swap3A_481, %swap3A_482], %swap3A_485 {strides = array<i32>} : memref<128x64xf32, #tpu.memory_space<vmem>>, vector<1x16xf32>,
        %get3A_486 = arith.index_cast %add3A_472 : i32 to index
        %get3A_487 = arith.constant 16 : index
        %get3A_488 = tpu.vector_load %arg16[%get3A_486, %get3A_487] {strides = array<i32>} : memref<128x64xf32, #tpu.memory_space<vmem>>, vector<1x16xf32>,
        %get3A_489 = vector.shape_cast %get3A_488 : vector<1x16xf32> to vector<16xf32>
        %mul3A_490 = arith.mulf %broadcast_in_dim3A_475, %get3A_489 : vector<16xf32>
        %swap3A_491 = arith.index_cast %add3A_472 : i32 to index
        %swap3A_492 = arith.constant 16 : index
        %swap3A_493 = tpu.vector_load %arg16[%swap3A_491, %swap3A_492] {strides = array<i32>} : memref<128x64xf32, #tpu.memory_space<vmem>>, vector<1x16xf32>,
        %swap3A_494 = vector.shape_cast %swap3A_493 : vector<1x16xf32> to vector<16xf32>
        %swap3A_495 = vector.shape_cast %mul3A_490 : vector<16xf32> to vector<1x16xf32>
        tpu.vector_store %arg16[%swap3A_491, %swap3A_492], %swap3A_495 {strides = array<i32>} : memref<128x64xf32, #tpu.memory_space<vmem>>, vector<1x16xf32>,
        %get3A_496 = arith.index_cast %add3A_472 : i32 to index
        %get3A_497 = arith.constant 32 : index
        %get3A_498 = tpu.vector_load %arg16[%get3A_496, %get3A_497] {strides = array<i32>} : memref<128x64xf32, #tpu.memory_space<vmem>>, vector<1x16xf32>,
        %get3A_499 = vector.shape_cast %get3A_498 : vector<1x16xf32> to vector<16xf32>
        %mul3A_500 = arith.mulf %broadcast_in_dim3A_475, %get3A_499 : vector<16xf32>
        %swap3A_501 = arith.index_cast %add3A_472 : i32 to index
        %swap3A_502 = arith.constant 32 : index
        %swap3A_503 = tpu.vector_load %arg16[%swap3A_501, %swap3A_502] {strides = array<i32>} : memref<128x64xf32, #tpu.memory_space<vmem>>, vector<1x16xf32>,
        %swap3A_504 = vector.shape_cast %swap3A_503 : vector<1x16xf32> to vector<16xf32>
        %swap3A_505 = vector.shape_cast %mul3A_500 : vector<16xf32> to vector<1x16xf32>
        tpu.vector_store %arg16[%swap3A_501, %swap3A_502], %swap3A_505 {strides = array<i32>} : memref<128x64xf32, #tpu.memory_space<vmem>>, vector<1x16xf32>,
        %get3A_506 = arith.index_cast %add3A_472 : i32 to index
        %get3A_507 = arith.constant 48 : index
        %get3A_508 = tpu.vector_load %arg16[%get3A_506, %get3A_507] {strides = array<i32>} : memref<128x64xf32, #tpu.memory_space<vmem>>, vector<1x16xf32>,
        %get3A_509 = vector.shape_cast %get3A_508 : vector<1x16xf32> to vector<16xf32>
        %mul3A_510 = arith.mulf %broadcast_in_dim3A_475, %get3A_509 : vector<16xf32>
        %swap3A_511 = arith.index_cast %add3A_472 : i32 to index
        %swap3A_512 = arith.constant 48 : index
        %swap3A_513 = tpu.vector_load %arg16[%swap3A_511, %swap3A_512] {strides = array<i32>} : memref<128x64xf32, #tpu.memory_space<vmem>>, vector<1x16xf32>,
        %swap3A_514 = vector.shape_cast %swap3A_513 : vector<1x16xf32> to vector<16xf32>
        %swap3A_515 = vector.shape_cast %mul3A_510 : vector<16xf32> to vector<1x16xf32>
        tpu.vector_store %arg16[%swap3A_511, %swap3A_512], %swap3A_515 {strides = array<i32>} : memref<128x64xf32, #tpu.memory_space<vmem>>, vector<1x16xf32>,
        %mul3A_516 = arith.constant 16 : i32
        %mul3A_517 = arith.muli %scan3A_231, %mul3A_516 : i32
        %add3A_518 = arith.constant 6 : i32
        %add3A_519 = arith.addi %mul3A_517, %add3A_518 : i32
        %slice3A_520 = vector.extract_strided_slice %abs3A {offsets = [6], sizes = [1], strides = [1]} : vector<16xf32> to vector<1xf32>
        %squeeze3A_521 = vector.extract %slice3A_520[0] : f32 from vector<1xf32>
        %broadcast_in_dim3A_522 = vector.broadcast %squeeze3A_521 : f32 to vector<16xf32>
        %get3A_523 = arith.index_cast %add3A_519 : i32 to index
        %get3A_524 = arith.constant 0 : index
        %get3A_525 = tpu.vector_load %arg16[%get3A_523, %get3A_524] {strides = array<i32>} : memref<128x64xf32, #tpu.memory_space<vmem>>, vector<1x16xf32>,
        %get3A_526 = vector.shape_cast %get3A_525 : vector<1x16xf32> to vector<16xf32>
        %mul3A_527 = arith.mulf %broadcast_in_dim3A_522, %get3A_526 : vector<16xf32>
        %swap3A_528 = arith.index_cast %add3A_519 : i32 to index
        %swap3A_529 = arith.constant 0 : index
        %swap3A_530 = tpu.vector_load %arg16[%swap3A_528, %swap3A_529] {strides = array<i32>} : memref<128x64xf32, #tpu.memory_space<vmem>>, vector<1x16xf32>,
        %swap3A_531 = vector.shape_cast %swap3A_530 : vector<1x16xf32> to vector<16xf32>
        %swap3A_532 = vector.shape_cast %mul3A_527 : vector<16xf32> to vector<1x16xf32>
        tpu.vector_store %arg16[%swap3A_528, %swap3A_529], %swap3A_532 {strides = array<i32>} : memref<128x64xf32, #tpu.memory_space<vmem>>, vector<1x16xf32>,
        %get3A_533 = arith.index_cast %add3A_519 : i32 to index
        %get3A_534 = arith.constant 16 : index
        %get3A_535 = tpu.vector_load %arg16[%get3A_533, %get3A_534] {strides = array<i32>} : memref<128x64xf32, #tpu.memory_space<vmem>>, vector<1x16xf32>,
        %get3A_536 = vector.shape_cast %get3A_535 : vector<1x16xf32> to vector<16xf32>
        %mul3A_537 = arith.mulf %broadcast_in_dim3A_522, %get3A_536 : vector<16xf32>
        %swap3A_538 = arith.index_cast %add3A_519 : i32 to index
        %swap3A_539 = arith.constant 16 : index
        %swap3A_540 = tpu.vector_load %arg16[%swap3A_538, %swap3A_539] {strides = array<i32>} : memref<128x64xf32, #tpu.memory_space<vmem>>, vector<1x16xf32>,
        %swap3A_541 = vector.shape_cast %swap3A_540 : vector<1x16xf32> to vector<16xf32>
        %swap3A_542 = vector.shape_cast %mul3A_537 : vector<16xf32> to vector<1x16xf32>
        tpu.vector_store %arg16[%swap3A_538, %swap3A_539], %swap3A_542 {strides = array<i32>} : memref<128x64xf32, #tpu.memory_space<vmem>>, vector<1x16xf32>,
        %get3A_543 = arith.index_cast %add3A_519 : i32 to index
        %get3A_544 = arith.constant 32 : index
        %get3A_545 = tpu.vector_load %arg16[%get3A_543, %get3A_544] {strides = array<i32>} : memref<128x64xf32, #tpu.memory_space<vmem>>, vector<1x16xf32>,
        %get3A_546 = vector.shape_cast %get3A_545 : vector<1x16xf32> to vector<16xf32>
        %mul3A_547 = arith.mulf %broadcast_in_dim3A_522, %get3A_546 : vector<16xf32>
        %swap3A_548 = arith.index_cast %add3A_519 : i32 to index
        %swap3A_549 = arith.constant 32 : index
        %swap3A_550 = tpu.vector_load %arg16[%swap3A_548, %swap3A_549] {strides = array<i32>} : memref<128x64xf32, #tpu.memory_space<vmem>>, vector<1x16xf32>,
        %swap3A_551 = vector.shape_cast %swap3A_550 : vector<1x16xf32> to vector<16xf32>
        %swap3A_552 = vector.shape_cast %mul3A_547 : vector<16xf32> to vector<1x16xf32>
        tpu.vector_store %arg16[%swap3A_548, %swap3A_549], %swap3A_552 {strides = array<i32>} : memref<128x64xf32, #tpu.memory_space<vmem>>, vector<1x16xf32>,
        %get3A_553 = arith.index_cast %add3A_519 : i32 to index
        %get3A_554 = arith.constant 48 : index
        %get3A_555 = tpu.vector_load %arg16[%get3A_553, %get3A_554] {strides = array<i32>} : memref<128x64xf32, #tpu.memory_space<vmem>>, vector<1x16xf32>,
        %get3A_556 = vector.shape_cast %get3A_555 : vector<1x16xf32> to vector<16xf32>
        %mul3A_557 = arith.mulf %broadcast_in_dim3A_522, %get3A_556 : vector<16xf32>
        %swap3A_558 = arith.index_cast %add3A_519 : i32 to index
        %swap3A_559 = arith.constant 48 : index
        %swap3A_560 = tpu.vector_load %arg16[%swap3A_558, %swap3A_559] {strides = array<i32>} : memref<128x64xf32, #tpu.memory_space<vmem>>, vector<1x16xf32>,
        %swap3A_561 = vector.shape_cast %swap3A_560 : vector<1x16xf32> to vector<16xf32>
        %swap3A_562 = vector.shape_cast %mul3A_557 : vector<16xf32> to vector<1x16xf32>
        tpu.vector_store %arg16[%swap3A_558, %swap3A_559], %swap3A_562 {strides = array<i32>} : memref<128x64xf32, #tpu.memory_space<vmem>>, vector<1x16xf32>,
        %mul3A_563 = arith.constant 16 : i32
        %mul3A_564 = arith.muli %scan3A_231, %mul3A_563 : i32
        %add3A_565 = arith.constant 7 : i32
        %add3A_566 = arith.addi %mul3A_564, %add3A_565 : i32
        %slice3A_567 = vector.extract_strided_slice %abs3A {offsets = [7], sizes = [1], strides = [1]} : vector<16xf32> to vector<1xf32>
        %squeeze3A_568 = vector.extract %slice3A_567[0] : f32 from vector<1xf32>
        %broadcast_in_dim3A_569 = vector.broadcast %squeeze3A_568 : f32 to vector<16xf32>
        %get3A_570 = arith.index_cast %add3A_566 : i32 to index
        %get3A_571 = arith.constant 0 : index
        %get3A_572 = tpu.vector_load %arg16[%get3A_570, %get3A_571] {strides = array<i32>} : memref<128x64xf32, #tpu.memory_space<vmem>>, vector<1x16xf32>,
        %get3A_573 = vector.shape_cast %get3A_572 : vector<1x16xf32> to vector<16xf32>
        %mul3A_574 = arith.mulf %broadcast_in_dim3A_569, %get3A_573 : vector<16xf32>
        %swap3A_575 = arith.index_cast %add3A_566 : i32 to index
        %swap3A_576 = arith.constant 0 : index
        %swap3A_577 = tpu.vector_load %arg16[%swap3A_575, %swap3A_576] {strides = array<i32>} : memref<128x64xf32, #tpu.memory_space<vmem>>, vector<1x16xf32>,
        %swap3A_578 = vector.shape_cast %swap3A_577 : vector<1x16xf32> to vector<16xf32>
        %swap3A_579 = vector.shape_cast %mul3A_574 : vector<16xf32> to vector<1x16xf32>
        tpu.vector_store %arg16[%swap3A_575, %swap3A_576], %swap3A_579 {strides = array<i32>} : memref<128x64xf32, #tpu.memory_space<vmem>>, vector<1x16xf32>,
        %get3A_580 = arith.index_cast %add3A_566 : i32 to index
        %get3A_581 = arith.constant 16 : index
        %get3A_582 = tpu.vector_load %arg16[%get3A_580, %get3A_581] {strides = array<i32>} : memref<128x64xf32, #tpu.memory_space<vmem>>, vector<1x16xf32>,
        %get3A_583 = vector.shape_cast %get3A_582 : vector<1x16xf32> to vector<16xf32>
        %mul3A_584 = arith.mulf %broadcast_in_dim3A_569, %get3A_583 : vector<16xf32>
        %swap3A_585 = arith.index_cast %add3A_566 : i32 to index
        %swap3A_586 = arith.constant 16 : index
        %swap3A_587 = tpu.vector_load %arg16[%swap3A_585, %swap3A_586] {strides = array<i32>} : memref<128x64xf32, #tpu.memory_space<vmem>>, vector<1x16xf32>,
        %swap3A_588 = vector.shape_cast %swap3A_587 : vector<1x16xf32> to vector<16xf32>
        %swap3A_589 = vector.shape_cast %mul3A_584 : vector<16xf32> to vector<1x16xf32>
        tpu.vector_store %arg16[%swap3A_585, %swap3A_586], %swap3A_589 {strides = array<i32>} : memref<128x64xf32, #tpu.memory_space<vmem>>, vector<1x16xf32>,
        %get3A_590 = arith.index_cast %add3A_566 : i32 to index
        %get3A_591 = arith.constant 32 : index
        %get3A_592 = tpu.vector_load %arg16[%get3A_590, %get3A_591] {strides = array<i32>} : memref<128x64xf32, #tpu.memory_space<vmem>>, vector<1x16xf32>,
        %get3A_593 = vector.shape_cast %get3A_592 : vector<1x16xf32> to vector<16xf32>
        %mul3A_594 = arith.mulf %broadcast_in_dim3A_569, %get3A_593 : vector<16xf32>
        %swap3A_595 = arith.index_cast %add3A_566 : i32 to index
        %swap3A_596 = arith.constant 32 : index
        %swap3A_597 = tpu.vector_load %arg16[%swap3A_595, %swap3A_596] {strides = array<i32>} : memref<128x64xf32, #tpu.memory_space<vmem>>, vector<1x16xf32>,
        %swap3A_598 = vector.shape_cast %swap3A_597 : vector<1x16xf32> to vector<16xf32>
        %swap3A_599 = vector.shape_cast %mul3A_594 : vector<16xf32> to vector<1x16xf32>
        tpu.vector_store %arg16[%swap3A_595, %swap3A_596], %swap3A_599 {strides = array<i32>} : memref<128x64xf32, #tpu.memory_space<vmem>>, vector<1x16xf32>,
        %get3A_600 = arith.index_cast %add3A_566 : i32 to index
        %get3A_601 = arith.constant 48 : index
        %get3A_602 = tpu.vector_load %arg16[%get3A_600, %get3A_601] {strides = array<i32>} : memref<128x64xf32, #tpu.memory_space<vmem>>, vector<1x16xf32>,
        %get3A_603 = vector.shape_cast %get3A_602 : vector<1x16xf32> to vector<16xf32>
        %mul3A_604 = arith.mulf %broadcast_in_dim3A_569, %get3A_603 : vector<16xf32>
        %swap3A_605 = arith.index_cast %add3A_566 : i32 to index
        %swap3A_606 = arith.constant 48 : index
        %swap3A_607 = tpu.vector_load %arg16[%swap3A_605, %swap3A_606] {strides = array<i32>} : memref<128x64xf32, #tpu.memory_space<vmem>>, vector<1x16xf32>,
        %swap3A_608 = vector.shape_cast %swap3A_607 : vector<1x16xf32> to vector<16xf32>
        %swap3A_609 = vector.shape_cast %mul3A_604 : vector<16xf32> to vector<1x16xf32>
        tpu.vector_store %arg16[%swap3A_605, %swap3A_606], %swap3A_609 {strides = array<i32>} : memref<128x64xf32, #tpu.memory_space<vmem>>, vector<1x16xf32>,
        %mul3A_610 = arith.constant 16 : i32
        %mul3A_611 = arith.muli %scan3A_231, %mul3A_610 : i32
        %add3A_612 = arith.constant 8 : i32
        %add3A_613 = arith.addi %mul3A_611, %add3A_612 : i32
        %slice3A_614 = vector.extract_strided_slice %abs3A {offsets = [8], sizes = [1], strides = [1]} : vector<16xf32> to vector<1xf32>
        %squeeze3A_615 = vector.extract %slice3A_614[0] : f32 from vector<1xf32>
        %broadcast_in_dim3A_616 = vector.broadcast %squeeze3A_615 : f32 to vector<16xf32>
        %get3A_617 = arith.index_cast %add3A_613 : i32 to index
        %get3A_618 = arith.constant 0 : index
        %get3A_619 = tpu.vector_load %arg16[%get3A_617, %get3A_618] {strides = array<i32>} : memref<128x64xf32, #tpu.memory_space<vmem>>, vector<1x16xf32>,
        %get3A_620 = vector.shape_cast %get3A_619 : vector<1x16xf32> to vector<16xf32>
        %mul3A_621 = arith.mulf %broadcast_in_dim3A_616, %get3A_620 : vector<16xf32>
        %swap3A_622 = arith.index_cast %add3A_613 : i32 to index
        %swap3A_623 = arith.constant 0 : index
        %swap3A_624 = tpu.vector_load %arg16[%swap3A_622, %swap3A_623] {strides = array<i32>} : memref<128x64xf32, #tpu.memory_space<vmem>>, vector<1x16xf32>,
        %swap3A_625 = vector.shape_cast %swap3A_624 : vector<1x16xf32> to vector<16xf32>
        %swap3A_626 = vector.shape_cast %mul3A_621 : vector<16xf32> to vector<1x16xf32>
        tpu.vector_store %arg16[%swap3A_622, %swap3A_623], %swap3A_626 {strides = array<i32>} : memref<128x64xf32, #tpu.memory_space<vmem>>, vector<1x16xf32>,
        %get3A_627 = arith.index_cast %add3A_613 : i32 to index
        %get3A_628 = arith.constant 16 : index
        %get3A_629 = tpu.vector_load %arg16[%get3A_627, %get3A_628] {strides = array<i32>} : memref<128x64xf32, #tpu.memory_space<vmem>>, vector<1x16xf32>,
        %get3A_630 = vector.shape_cast %get3A_629 : vector<1x16xf32> to vector<16xf32>
        %mul3A_631 = arith.mulf %broadcast_in_dim3A_616, %get3A_630 : vector<16xf32>
        %swap3A_632 = arith.index_cast %add3A_613 : i32 to index
        %swap3A_633 = arith.constant 16 : index
        %swap3A_634 = tpu.vector_load %arg16[%swap3A_632, %swap3A_633] {strides = array<i32>} : memref<128x64xf32, #tpu.memory_space<vmem>>, vector<1x16xf32>,
        %swap3A_635 = vector.shape_cast %swap3A_634 : vector<1x16xf32> to vector<16xf32>
        %swap3A_636 = vector.shape_cast %mul3A_631 : vector<16xf32> to vector<1x16xf32>
        tpu.vector_store %arg16[%swap3A_632, %swap3A_633], %swap3A_636 {strides = array<i32>} : memref<128x64xf32, #tpu.memory_space<vmem>>, vector<1x16xf32>,
        %get3A_637 = arith.index_cast %add3A_613 : i32 to index
        %get3A_638 = arith.constant 32 : index
        %get3A_639 = tpu.vector_load %arg16[%get3A_637, %get3A_638] {strides = array<i32>} : memref<128x64xf32, #tpu.memory_space<vmem>>, vector<1x16xf32>,
        %get3A_640 = vector.shape_cast %get3A_639 : vector<1x16xf32> to vector<16xf32>
        %mul3A_641 = arith.mulf %broadcast_in_dim3A_616, %get3A_640 : vector<16xf32>
        %swap3A_642 = arith.index_cast %add3A_613 : i32 to index
        %swap3A_643 = arith.constant 32 : index
        %swap3A_644 = tpu.vector_load %arg16[%swap3A_642, %swap3A_643] {strides = array<i32>} : memref<128x64xf32, #tpu.memory_space<vmem>>, vector<1x16xf32>,
        %swap3A_645 = vector.shape_cast %swap3A_644 : vector<1x16xf32> to vector<16xf32>
        %swap3A_646 = vector.shape_cast %mul3A_641 : vector<16xf32> to vector<1x16xf32>
        tpu.vector_store %arg16[%swap3A_642, %swap3A_643], %swap3A_646 {strides = array<i32>} : memref<128x64xf32, #tpu.memory_space<vmem>>, vector<1x16xf32>,
        %get3A_647 = arith.index_cast %add3A_613 : i32 to index
        %get3A_648 = arith.constant 48 : index
        %get3A_649 = tpu.vector_load %arg16[%get3A_647, %get3A_648] {strides = array<i32>} : memref<128x64xf32, #tpu.memory_space<vmem>>, vector<1x16xf32>,
        %get3A_650 = vector.shape_cast %get3A_649 : vector<1x16xf32> to vector<16xf32>
        %mul3A_651 = arith.mulf %broadcast_in_dim3A_616, %get3A_650 : vector<16xf32>
        %swap3A_652 = arith.index_cast %add3A_613 : i32 to index
        %swap3A_653 = arith.constant 48 : index
        %swap3A_654 = tpu.vector_load %arg16[%swap3A_652, %swap3A_653] {strides = array<i32>} : memref<128x64xf32, #tpu.memory_space<vmem>>, vector<1x16xf32>,
        %swap3A_655 = vector.shape_cast %swap3A_654 : vector<1x16xf32> to vector<16xf32>
        %swap3A_656 = vector.shape_cast %mul3A_651 : vector<16xf32> to vector<1x16xf32>
        tpu.vector_store %arg16[%swap3A_652, %swap3A_653], %swap3A_656 {strides = array<i32>} : memref<128x64xf32, #tpu.memory_space<vmem>>, vector<1x16xf32>,
        %mul3A_657 = arith.constant 16 : i32
        %mul3A_658 = arith.muli %scan3A_231, %mul3A_657 : i32
        %add3A_659 = arith.constant 9 : i32
        %add3A_660 = arith.addi %mul3A_658, %add3A_659 : i32
        %slice3A_661 = vector.extract_strided_slice %abs3A {offsets = [9], sizes = [1], strides = [1]} : vector<16xf32> to vector<1xf32>
        %squeeze3A_662 = vector.extract %slice3A_661[0] : f32 from vector<1xf32>
        %broadcast_in_dim3A_663 = vector.broadcast %squeeze3A_662 : f32 to vector<16xf32>
        %get3A_664 = arith.index_cast %add3A_660 : i32 to index
        %get3A_665 = arith.constant 0 : index
        %get3A_666 = tpu.vector_load %arg16[%get3A_664, %get3A_665] {strides = array<i32>} : memref<128x64xf32, #tpu.memory_space<vmem>>, vector<1x16xf32>,
        %get3A_667 = vector.shape_cast %get3A_666 : vector<1x16xf32> to vector<16xf32>
        %mul3A_668 = arith.mulf %broadcast_in_dim3A_663, %get3A_667 : vector<16xf32>
        %swap3A_669 = arith.index_cast %add3A_660 : i32 to index
        %swap3A_670 = arith.constant 0 : index
        %swap3A_671 = tpu.vector_load %arg16[%swap3A_669, %swap3A_670] {strides = array<i32>} : memref<128x64xf32, #tpu.memory_space<vmem>>, vector<1x16xf32>,
        %swap3A_672 = vector.shape_cast %swap3A_671 : vector<1x16xf32> to vector<16xf32>
        %swap3A_673 = vector.shape_cast %mul3A_668 : vector<16xf32> to vector<1x16xf32>
        tpu.vector_store %arg16[%swap3A_669, %swap3A_670], %swap3A_673 {strides = array<i32>} : memref<128x64xf32, #tpu.memory_space<vmem>>, vector<1x16xf32>,
        %get3A_674 = arith.index_cast %add3A_660 : i32 to index
        %get3A_675 = arith.constant 16 : index
        %get3A_676 = tpu.vector_load %arg16[%get3A_674, %get3A_675] {strides = array<i32>} : memref<128x64xf32, #tpu.memory_space<vmem>>, vector<1x16xf32>,
        %get3A_677 = vector.shape_cast %get3A_676 : vector<1x16xf32> to vector<16xf32>
        %mul3A_678 = arith.mulf %broadcast_in_dim3A_663, %get3A_677 : vector<16xf32>
        %swap3A_679 = arith.index_cast %add3A_660 : i32 to index
        %swap3A_680 = arith.constant 16 : index
        %swap3A_681 = tpu.vector_load %arg16[%swap3A_679, %swap3A_680] {strides = array<i32>} : memref<128x64xf32, #tpu.memory_space<vmem>>, vector<1x16xf32>,
        %swap3A_682 = vector.shape_cast %swap3A_681 : vector<1x16xf32> to vector<16xf32>
        %swap3A_683 = vector.shape_cast %mul3A_678 : vector<16xf32> to vector<1x16xf32>
        tpu.vector_store %arg16[%swap3A_679, %swap3A_680], %swap3A_683 {strides = array<i32>} : memref<128x64xf32, #tpu.memory_space<vmem>>, vector<1x16xf32>,
        %get3A_684 = arith.index_cast %add3A_660 : i32 to index
        %get3A_685 = arith.constant 32 : index
        %get3A_686 = tpu.vector_load %arg16[%get3A_684, %get3A_685] {strides = array<i32>} : memref<128x64xf32, #tpu.memory_space<vmem>>, vector<1x16xf32>,
        %get3A_687 = vector.shape_cast %get3A_686 : vector<1x16xf32> to vector<16xf32>
        %mul3A_688 = arith.mulf %broadcast_in_dim3A_663, %get3A_687 : vector<16xf32>
        %swap3A_689 = arith.index_cast %add3A_660 : i32 to index
        %swap3A_690 = arith.constant 32 : index
        %swap3A_691 = tpu.vector_load %arg16[%swap3A_689, %swap3A_690] {strides = array<i32>} : memref<128x64xf32, #tpu.memory_space<vmem>>, vector<1x16xf32>,
        %swap3A_692 = vector.shape_cast %swap3A_691 : vector<1x16xf32> to vector<16xf32>
        %swap3A_693 = vector.shape_cast %mul3A_688 : vector<16xf32> to vector<1x16xf32>
        tpu.vector_store %arg16[%swap3A_689, %swap3A_690], %swap3A_693 {strides = array<i32>} : memref<128x64xf32, #tpu.memory_space<vmem>>, vector<1x16xf32>,
        %get3A_694 = arith.index_cast %add3A_660 : i32 to index
        %get3A_695 = arith.constant 48 : index
        %get3A_696 = tpu.vector_load %arg16[%get3A_694, %get3A_695] {strides = array<i32>} : memref<128x64xf32, #tpu.memory_space<vmem>>, vector<1x16xf32>,
        %get3A_697 = vector.shape_cast %get3A_696 : vector<1x16xf32> to vector<16xf32>
        %mul3A_698 = arith.mulf %broadcast_in_dim3A_663, %get3A_697 : vector<16xf32>
        %swap3A_699 = arith.index_cast %add3A_660 : i32 to index
        %swap3A_700 = arith.constant 48 : index
        %swap3A_701 = tpu.vector_load %arg16[%swap3A_699, %swap3A_700] {strides = array<i32>} : memref<128x64xf32, #tpu.memory_space<vmem>>, vector<1x16xf32>,
        %swap3A_702 = vector.shape_cast %swap3A_701 : vector<1x16xf32> to vector<16xf32>
        %swap3A_703 = vector.shape_cast %mul3A_698 : vector<16xf32> to vector<1x16xf32>
        tpu.vector_store %arg16[%swap3A_699, %swap3A_700], %swap3A_703 {strides = array<i32>} : memref<128x64xf32, #tpu.memory_space<vmem>>, vector<1x16xf32>,
        %mul3A_704 = arith.constant 16 : i32
        %mul3A_705 = arith.muli %scan3A_231, %mul3A_704 : i32
        %add3A_706 = arith.constant 10 : i32
        %add3A_707 = arith.addi %mul3A_705, %add3A_706 : i32
        %slice3A_708 = vector.extract_strided_slice %abs3A {offsets = [10], sizes = [1], strides = [1]} : vector<16xf32> to vector<1xf32>
        %squeeze3A_709 = vector.extract %slice3A_708[0] : f32 from vector<1xf32>
        %broadcast_in_dim3A_710 = vector.broadcast %squeeze3A_709 : f32 to vector<16xf32>
        %get3A_711 = arith.index_cast %add3A_707 : i32 to index
        %get3A_712 = arith.constant 0 : index
        %get3A_713 = tpu.vector_load %arg16[%get3A_711, %get3A_712] {strides = array<i32>} : memref<128x64xf32, #tpu.memory_space<vmem>>, vector<1x16xf32>,
        %get3A_714 = vector.shape_cast %get3A_713 : vector<1x16xf32> to vector<16xf32>
        %mul3A_715 = arith.mulf %broadcast_in_dim3A_710, %get3A_714 : vector<16xf32>
        %swap3A_716 = arith.index_cast %add3A_707 : i32 to index
        %swap3A_717 = arith.constant 0 : index
        %swap3A_718 = tpu.vector_load %arg16[%swap3A_716, %swap3A_717] {strides = array<i32>} : memref<128x64xf32, #tpu.memory_space<vmem>>, vector<1x16xf32>,
        %swap3A_719 = vector.shape_cast %swap3A_718 : vector<1x16xf32> to vector<16xf32>
        %swap3A_720 = vector.shape_cast %mul3A_715 : vector<16xf32> to vector<1x16xf32>
        tpu.vector_store %arg16[%swap3A_716, %swap3A_717], %swap3A_720 {strides = array<i32>} : memref<128x64xf32, #tpu.memory_space<vmem>>, vector<1x16xf32>,
        %get3A_721 = arith.index_cast %add3A_707 : i32 to index
        %get3A_722 = arith.constant 16 : index
        %get3A_723 = tpu.vector_load %arg16[%get3A_721, %get3A_722] {strides = array<i32>} : memref<128x64xf32, #tpu.memory_space<vmem>>, vector<1x16xf32>,
        %get3A_724 = vector.shape_cast %get3A_723 : vector<1x16xf32> to vector<16xf32>
        %mul3A_725 = arith.mulf %broadcast_in_dim3A_710, %get3A_724 : vector<16xf32>
        %swap3A_726 = arith.index_cast %add3A_707 : i32 to index
        %swap3A_727 = arith.constant 16 : index
        %swap3A_728 = tpu.vector_load %arg16[%swap3A_726, %swap3A_727] {strides = array<i32>} : memref<128x64xf32, #tpu.memory_space<vmem>>, vector<1x16xf32>,
        %swap3A_729 = vector.shape_cast %swap3A_728 : vector<1x16xf32> to vector<16xf32>
        %swap3A_730 = vector.shape_cast %mul3A_725 : vector<16xf32> to vector<1x16xf32>
        tpu.vector_store %arg16[%swap3A_726, %swap3A_727], %swap3A_730 {strides = array<i32>} : memref<128x64xf32, #tpu.memory_space<vmem>>, vector<1x16xf32>,
        %get3A_731 = arith.index_cast %add3A_707 : i32 to index
        %get3A_732 = arith.constant 32 : index
        %get3A_733 = tpu.vector_load %arg16[%get3A_731, %get3A_732] {strides = array<i32>} : memref<128x64xf32, #tpu.memory_space<vmem>>, vector<1x16xf32>,
        %get3A_734 = vector.shape_cast %get3A_733 : vector<1x16xf32> to vector<16xf32>
        %mul3A_735 = arith.mulf %broadcast_in_dim3A_710, %get3A_734 : vector<16xf32>
        %swap3A_736 = arith.index_cast %add3A_707 : i32 to index
        %swap3A_737 = arith.constant 32 : index
        %swap3A_738 = tpu.vector_load %arg16[%swap3A_736, %swap3A_737] {strides = array<i32>} : memref<128x64xf32, #tpu.memory_space<vmem>>, vector<1x16xf32>,
        %swap3A_739 = vector.shape_cast %swap3A_738 : vector<1x16xf32> to vector<16xf32>
        %swap3A_740 = vector.shape_cast %mul3A_735 : vector<16xf32> to vector<1x16xf32>
        tpu.vector_store %arg16[%swap3A_736, %swap3A_737], %swap3A_740 {strides = array<i32>} : memref<128x64xf32, #tpu.memory_space<vmem>>, vector<1x16xf32>,
        %get3A_741 = arith.index_cast %add3A_707 : i32 to index
        %get3A_742 = arith.constant 48 : index
        %get3A_743 = tpu.vector_load %arg16[%get3A_741, %get3A_742] {strides = array<i32>} : memref<128x64xf32, #tpu.memory_space<vmem>>, vector<1x16xf32>,
        %get3A_744 = vector.shape_cast %get3A_743 : vector<1x16xf32> to vector<16xf32>
        %mul3A_745 = arith.mulf %broadcast_in_dim3A_710, %get3A_744 : vector<16xf32>
        %swap3A_746 = arith.index_cast %add3A_707 : i32 to index
        %swap3A_747 = arith.constant 48 : index
        %swap3A_748 = tpu.vector_load %arg16[%swap3A_746, %swap3A_747] {strides = array<i32>} : memref<128x64xf32, #tpu.memory_space<vmem>>, vector<1x16xf32>,
        %swap3A_749 = vector.shape_cast %swap3A_748 : vector<1x16xf32> to vector<16xf32>
        %swap3A_750 = vector.shape_cast %mul3A_745 : vector<16xf32> to vector<1x16xf32>
        tpu.vector_store %arg16[%swap3A_746, %swap3A_747], %swap3A_750 {strides = array<i32>} : memref<128x64xf32, #tpu.memory_space<vmem>>, vector<1x16xf32>,
        %mul3A_751 = arith.constant 16 : i32
        %mul3A_752 = arith.muli %scan3A_231, %mul3A_751 : i32
        %add3A_753 = arith.constant 11 : i32
        %add3A_754 = arith.addi %mul3A_752, %add3A_753 : i32
        %slice3A_755 = vector.extract_strided_slice %abs3A {offsets = [11], sizes = [1], strides = [1]} : vector<16xf32> to vector<1xf32>
        %squeeze3A_756 = vector.extract %slice3A_755[0] : f32 from vector<1xf32>
        %broadcast_in_dim3A_757 = vector.broadcast %squeeze3A_756 : f32 to vector<16xf32>
        %get3A_758 = arith.index_cast %add3A_754 : i32 to index
        %get3A_759 = arith.constant 0 : index
        %get3A_760 = tpu.vector_load %arg16[%get3A_758, %get3A_759] {strides = array<i32>} : memref<128x64xf32, #tpu.memory_space<vmem>>, vector<1x16xf32>,
        %get3A_761 = vector.shape_cast %get3A_760 : vector<1x16xf32> to vector<16xf32>
        %mul3A_762 = arith.mulf %broadcast_in_dim3A_757, %get3A_761 : vector<16xf32>
        %swap3A_763 = arith.index_cast %add3A_754 : i32 to index
        %swap3A_764 = arith.constant 0 : index
        %swap3A_765 = tpu.vector_load %arg16[%swap3A_763, %swap3A_764] {strides = array<i32>} : memref<128x64xf32, #tpu.memory_space<vmem>>, vector<1x16xf32>,
        %swap3A_766 = vector.shape_cast %swap3A_765 : vector<1x16xf32> to vector<16xf32>
        %swap3A_767 = vector.shape_cast %mul3A_762 : vector<16xf32> to vector<1x16xf32>
        tpu.vector_store %arg16[%swap3A_763, %swap3A_764], %swap3A_767 {strides = array<i32>} : memref<128x64xf32, #tpu.memory_space<vmem>>, vector<1x16xf32>,
        %get3A_768 = arith.index_cast %add3A_754 : i32 to index
        %get3A_769 = arith.constant 16 : index
        %get3A_770 = tpu.vector_load %arg16[%get3A_768, %get3A_769] {strides = array<i32>} : memref<128x64xf32, #tpu.memory_space<vmem>>, vector<1x16xf32>,
        %get3A_771 = vector.shape_cast %get3A_770 : vector<1x16xf32> to vector<16xf32>
        %mul3A_772 = arith.mulf %broadcast_in_dim3A_757, %get3A_771 : vector<16xf32>
        %swap3A_773 = arith.index_cast %add3A_754 : i32 to index
        %swap3A_774 = arith.constant 16 : index
        %swap3A_775 = tpu.vector_load %arg16[%swap3A_773, %swap3A_774] {strides = array<i32>} : memref<128x64xf32, #tpu.memory_space<vmem>>, vector<1x16xf32>,
        %swap3A_776 = vector.shape_cast %swap3A_775 : vector<1x16xf32> to vector<16xf32>
        %swap3A_777 = vector.shape_cast %mul3A_772 : vector<16xf32> to vector<1x16xf32>
        tpu.vector_store %arg16[%swap3A_773, %swap3A_774], %swap3A_777 {strides = array<i32>} : memref<128x64xf32, #tpu.memory_space<vmem>>, vector<1x16xf32>,
        %get3A_778 = arith.index_cast %add3A_754 : i32 to index
        %get3A_779 = arith.constant 32 : index
        %get3A_780 = tpu.vector_load %arg16[%get3A_778, %get3A_779] {strides = array<i32>} : memref<128x64xf32, #tpu.memory_space<vmem>>, vector<1x16xf32>,
        %get3A_781 = vector.shape_cast %get3A_780 : vector<1x16xf32> to vector<16xf32>
        %mul3A_782 = arith.mulf %broadcast_in_dim3A_757, %get3A_781 : vector<16xf32>
        %swap3A_783 = arith.index_cast %add3A_754 : i32 to index
        %swap3A_784 = arith.constant 32 : index
        %swap3A_785 = tpu.vector_load %arg16[%swap3A_783, %swap3A_784] {strides = array<i32>} : memref<128x64xf32, #tpu.memory_space<vmem>>, vector<1x16xf32>,
        %swap3A_786 = vector.shape_cast %swap3A_785 : vector<1x16xf32> to vector<16xf32>
        %swap3A_787 = vector.shape_cast %mul3A_782 : vector<16xf32> to vector<1x16xf32>
        tpu.vector_store %arg16[%swap3A_783, %swap3A_784], %swap3A_787 {strides = array<i32>} : memref<128x64xf32, #tpu.memory_space<vmem>>, vector<1x16xf32>,
        %get3A_788 = arith.index_cast %add3A_754 : i32 to index
        %get3A_789 = arith.constant 48 : index
        %get3A_790 = tpu.vector_load %arg16[%get3A_788, %get3A_789] {strides = array<i32>} : memref<128x64xf32, #tpu.memory_space<vmem>>, vector<1x16xf32>,
        %get3A_791 = vector.shape_cast %get3A_790 : vector<1x16xf32> to vector<16xf32>
        %mul3A_792 = arith.mulf %broadcast_in_dim3A_757, %get3A_791 : vector<16xf32>
        %swap3A_793 = arith.index_cast %add3A_754 : i32 to index
        %swap3A_794 = arith.constant 48 : index
        %swap3A_795 = tpu.vector_load %arg16[%swap3A_793, %swap3A_794] {strides = array<i32>} : memref<128x64xf32, #tpu.memory_space<vmem>>, vector<1x16xf32>,
        %swap3A_796 = vector.shape_cast %swap3A_795 : vector<1x16xf32> to vector<16xf32>
        %swap3A_797 = vector.shape_cast %mul3A_792 : vector<16xf32> to vector<1x16xf32>
        tpu.vector_store %arg16[%swap3A_793, %swap3A_794], %swap3A_797 {strides = array<i32>} : memref<128x64xf32, #tpu.memory_space<vmem>>, vector<1x16xf32>,
        %mul3A_798 = arith.constant 16 : i32
        %mul3A_799 = arith.muli %scan3A_231, %mul3A_798 : i32
        %add3A_800 = arith.constant 12 : i32
        %add3A_801 = arith.addi %mul3A_799, %add3A_800 : i32
        %slice3A_802 = vector.extract_strided_slice %abs3A {offsets = [12], sizes = [1], strides = [1]} : vector<16xf32> to vector<1xf32>
        %squeeze3A_803 = vector.extract %slice3A_802[0] : f32 from vector<1xf32>
        %broadcast_in_dim3A_804 = vector.broadcast %squeeze3A_803 : f32 to vector<16xf32>
        %get3A_805 = arith.index_cast %add3A_801 : i32 to index
        %get3A_806 = arith.constant 0 : index
        %get3A_807 = tpu.vector_load %arg16[%get3A_805, %get3A_806] {strides = array<i32>} : memref<128x64xf32, #tpu.memory_space<vmem>>, vector<1x16xf32>,
        %get3A_808 = vector.shape_cast %get3A_807 : vector<1x16xf32> to vector<16xf32>
        %mul3A_809 = arith.mulf %broadcast_in_dim3A_804, %get3A_808 : vector<16xf32>
        %swap3A_810 = arith.index_cast %add3A_801 : i32 to index
        %swap3A_811 = arith.constant 0 : index
        %swap3A_812 = tpu.vector_load %arg16[%swap3A_810, %swap3A_811] {strides = array<i32>} : memref<128x64xf32, #tpu.memory_space<vmem>>, vector<1x16xf32>,
        %swap3A_813 = vector.shape_cast %swap3A_812 : vector<1x16xf32> to vector<16xf32>
        %swap3A_814 = vector.shape_cast %mul3A_809 : vector<16xf32> to vector<1x16xf32>
        tpu.vector_store %arg16[%swap3A_810, %swap3A_811], %swap3A_814 {strides = array<i32>} : memref<128x64xf32, #tpu.memory_space<vmem>>, vector<1x16xf32>,
        %get3A_815 = arith.index_cast %add3A_801 : i32 to index
        %get3A_816 = arith.constant 16 : index
        %get3A_817 = tpu.vector_load %arg16[%get3A_815, %get3A_816] {strides = array<i32>} : memref<128x64xf32, #tpu.memory_space<vmem>>, vector<1x16xf32>,
        %get3A_818 = vector.shape_cast %get3A_817 : vector<1x16xf32> to vector<16xf32>
        %mul3A_819 = arith.mulf %broadcast_in_dim3A_804, %get3A_818 : vector<16xf32>
        %swap3A_820 = arith.index_cast %add3A_801 : i32 to index
        %swap3A_821 = arith.constant 16 : index
        %swap3A_822 = tpu.vector_load %arg16[%swap3A_820, %swap3A_821] {strides = array<i32>} : memref<128x64xf32, #tpu.memory_space<vmem>>, vector<1x16xf32>,
        %swap3A_823 = vector.shape_cast %swap3A_822 : vector<1x16xf32> to vector<16xf32>
        %swap3A_824 = vector.shape_cast %mul3A_819 : vector<16xf32> to vector<1x16xf32>
        tpu.vector_store %arg16[%swap3A_820, %swap3A_821], %swap3A_824 {strides = array<i32>} : memref<128x64xf32, #tpu.memory_space<vmem>>, vector<1x16xf32>,
        %get3A_825 = arith.index_cast %add3A_801 : i32 to index
        %get3A_826 = arith.constant 32 : index
        %get3A_827 = tpu.vector_load %arg16[%get3A_825, %get3A_826] {strides = array<i32>} : memref<128x64xf32, #tpu.memory_space<vmem>>, vector<1x16xf32>,
        %get3A_828 = vector.shape_cast %get3A_827 : vector<1x16xf32> to vector<16xf32>
        %mul3A_829 = arith.mulf %broadcast_in_dim3A_804, %get3A_828 : vector<16xf32>
        %swap3A_830 = arith.index_cast %add3A_801 : i32 to index
        %swap3A_831 = arith.constant 32 : index
        %swap3A_832 = tpu.vector_load %arg16[%swap3A_830, %swap3A_831] {strides = array<i32>} : memref<128x64xf32, #tpu.memory_space<vmem>>, vector<1x16xf32>,
        %swap3A_833 = vector.shape_cast %swap3A_832 : vector<1x16xf32> to vector<16xf32>
        %swap3A_834 = vector.shape_cast %mul3A_829 : vector<16xf32> to vector<1x16xf32>
        tpu.vector_store %arg16[%swap3A_830, %swap3A_831], %swap3A_834 {strides = array<i32>} : memref<128x64xf32, #tpu.memory_space<vmem>>, vector<1x16xf32>,
        %get3A_835 = arith.index_cast %add3A_801 : i32 to index
        %get3A_836 = arith.constant 48 : index
        %get3A_837 = tpu.vector_load %arg16[%get3A_835, %get3A_836] {strides = array<i32>} : memref<128x64xf32, #tpu.memory_space<vmem>>, vector<1x16xf32>,
        %get3A_838 = vector.shape_cast %get3A_837 : vector<1x16xf32> to vector<16xf32>
        %mul3A_839 = arith.mulf %broadcast_in_dim3A_804, %get3A_838 : vector<16xf32>
        %swap3A_840 = arith.index_cast %add3A_801 : i32 to index
        %swap3A_841 = arith.constant 48 : index
        %swap3A_842 = tpu.vector_load %arg16[%swap3A_840, %swap3A_841] {strides = array<i32>} : memref<128x64xf32, #tpu.memory_space<vmem>>, vector<1x16xf32>,
        %swap3A_843 = vector.shape_cast %swap3A_842 : vector<1x16xf32> to vector<16xf32>
        %swap3A_844 = vector.shape_cast %mul3A_839 : vector<16xf32> to vector<1x16xf32>
        tpu.vector_store %arg16[%swap3A_840, %swap3A_841], %swap3A_844 {strides = array<i32>} : memref<128x64xf32, #tpu.memory_space<vmem>>, vector<1x16xf32>,
        %mul3A_845 = arith.constant 16 : i32
        %mul3A_846 = arith.muli %scan3A_231, %mul3A_845 : i32
        %add3A_847 = arith.constant 13 : i32
        %add3A_848 = arith.addi %mul3A_846, %add3A_847 : i32
        %slice3A_849 = vector.extract_strided_slice %abs3A {offsets = [13], sizes = [1], strides = [1]} : vector<16xf32> to vector<1xf32>
        %squeeze3A_850 = vector.extract %slice3A_849[0] : f32 from vector<1xf32>
        %broadcast_in_dim3A_851 = vector.broadcast %squeeze3A_850 : f32 to vector<16xf32>
        %get3A_852 = arith.index_cast %add3A_848 : i32 to index
        %get3A_853 = arith.constant 0 : index
        %get3A_854 = tpu.vector_load %arg16[%get3A_852, %get3A_853] {strides = array<i32>} : memref<128x64xf32, #tpu.memory_space<vmem>>, vector<1x16xf32>,
        %get3A_855 = vector.shape_cast %get3A_854 : vector<1x16xf32> to vector<16xf32>
        %mul3A_856 = arith.mulf %broadcast_in_dim3A_851, %get3A_855 : vector<16xf32>
        %swap3A_857 = arith.index_cast %add3A_848 : i32 to index
        %swap3A_858 = arith.constant 0 : index
        %swap3A_859 = tpu.vector_load %arg16[%swap3A_857, %swap3A_858] {strides = array<i32>} : memref<128x64xf32, #tpu.memory_space<vmem>>, vector<1x16xf32>,
        %swap3A_860 = vector.shape_cast %swap3A_859 : vector<1x16xf32> to vector<16xf32>
        %swap3A_861 = vector.shape_cast %mul3A_856 : vector<16xf32> to vector<1x16xf32>
        tpu.vector_store %arg16[%swap3A_857, %swap3A_858], %swap3A_861 {strides = array<i32>} : memref<128x64xf32, #tpu.memory_space<vmem>>, vector<1x16xf32>,
        %get3A_862 = arith.index_cast %add3A_848 : i32 to index
        %get3A_863 = arith.constant 16 : index
        %get3A_864 = tpu.vector_load %arg16[%get3A_862, %get3A_863] {strides = array<i32>} : memref<128x64xf32, #tpu.memory_space<vmem>>, vector<1x16xf32>,
        %get3A_865 = vector.shape_cast %get3A_864 : vector<1x16xf32> to vector<16xf32>
        %mul3A_866 = arith.mulf %broadcast_in_dim3A_851, %get3A_865 : vector<16xf32>
        %swap3A_867 = arith.index_cast %add3A_848 : i32 to index
        %swap3A_868 = arith.constant 16 : index
        %swap3A_869 = tpu.vector_load %arg16[%swap3A_867, %swap3A_868] {strides = array<i32>} : memref<128x64xf32, #tpu.memory_space<vmem>>, vector<1x16xf32>,
        %swap3A_870 = vector.shape_cast %swap3A_869 : vector<1x16xf32> to vector<16xf32>
        %swap3A_871 = vector.shape_cast %mul3A_866 : vector<16xf32> to vector<1x16xf32>
        tpu.vector_store %arg16[%swap3A_867, %swap3A_868], %swap3A_871 {strides = array<i32>} : memref<128x64xf32, #tpu.memory_space<vmem>>, vector<1x16xf32>,
        %get3A_872 = arith.index_cast %add3A_848 : i32 to index
        %get3A_873 = arith.constant 32 : index
        %get3A_874 = tpu.vector_load %arg16[%get3A_872, %get3A_873] {strides = array<i32>} : memref<128x64xf32, #tpu.memory_space<vmem>>, vector<1x16xf32>,
        %get3A_875 = vector.shape_cast %get3A_874 : vector<1x16xf32> to vector<16xf32>
        %mul3A_876 = arith.mulf %broadcast_in_dim3A_851, %get3A_875 : vector<16xf32>
        %swap3A_877 = arith.index_cast %add3A_848 : i32 to index
        %swap3A_878 = arith.constant 32 : index
        %swap3A_879 = tpu.vector_load %arg16[%swap3A_877, %swap3A_878] {strides = array<i32>} : memref<128x64xf32, #tpu.memory_space<vmem>>, vector<1x16xf32>,
        %swap3A_880 = vector.shape_cast %swap3A_879 : vector<1x16xf32> to vector<16xf32>
        %swap3A_881 = vector.shape_cast %mul3A_876 : vector<16xf32> to vector<1x16xf32>
        tpu.vector_store %arg16[%swap3A_877, %swap3A_878], %swap3A_881 {strides = array<i32>} : memref<128x64xf32, #tpu.memory_space<vmem>>, vector<1x16xf32>,
        %get3A_882 = arith.index_cast %add3A_848 : i32 to index
        %get3A_883 = arith.constant 48 : index
        %get3A_884 = tpu.vector_load %arg16[%get3A_882, %get3A_883] {strides = array<i32>} : memref<128x64xf32, #tpu.memory_space<vmem>>, vector<1x16xf32>,
        %get3A_885 = vector.shape_cast %get3A_884 : vector<1x16xf32> to vector<16xf32>
        %mul3A_886 = arith.mulf %broadcast_in_dim3A_851, %get3A_885 : vector<16xf32>
        %swap3A_887 = arith.index_cast %add3A_848 : i32 to index
        %swap3A_888 = arith.constant 48 : index
        %swap3A_889 = tpu.vector_load %arg16[%swap3A_887, %swap3A_888] {strides = array<i32>} : memref<128x64xf32, #tpu.memory_space<vmem>>, vector<1x16xf32>,
        %swap3A_890 = vector.shape_cast %swap3A_889 : vector<1x16xf32> to vector<16xf32>
        %swap3A_891 = vector.shape_cast %mul3A_886 : vector<16xf32> to vector<1x16xf32>
        tpu.vector_store %arg16[%swap3A_887, %swap3A_888], %swap3A_891 {strides = array<i32>} : memref<128x64xf32, #tpu.memory_space<vmem>>, vector<1x16xf32>,
        %mul3A_892 = arith.constant 16 : i32
        %mul3A_893 = arith.muli %scan3A_231, %mul3A_892 : i32
        %add3A_894 = arith.constant 14 : i32
        %add3A_895 = arith.addi %mul3A_893, %add3A_894 : i32
        %slice3A_896 = vector.extract_strided_slice %abs3A {offsets = [14], sizes = [1], strides = [1]} : vector<16xf32> to vector<1xf32>
        %squeeze3A_897 = vector.extract %slice3A_896[0] : f32 from vector<1xf32>
        %broadcast_in_dim3A_898 = vector.broadcast %squeeze3A_897 : f32 to vector<16xf32>
        %get3A_899 = arith.index_cast %add3A_895 : i32 to index
        %get3A_900 = arith.constant 0 : index
        %get3A_901 = tpu.vector_load %arg16[%get3A_899, %get3A_900] {strides = array<i32>} : memref<128x64xf32, #tpu.memory_space<vmem>>, vector<1x16xf32>,
        %get3A_902 = vector.shape_cast %get3A_901 : vector<1x16xf32> to vector<16xf32>
        %mul3A_903 = arith.mulf %broadcast_in_dim3A_898, %get3A_902 : vector<16xf32>
        %swap3A_904 = arith.index_cast %add3A_895 : i32 to index
        %swap3A_905 = arith.constant 0 : index
        %swap3A_906 = tpu.vector_load %arg16[%swap3A_904, %swap3A_905] {strides = array<i32>} : memref<128x64xf32, #tpu.memory_space<vmem>>, vector<1x16xf32>,
        %swap3A_907 = vector.shape_cast %swap3A_906 : vector<1x16xf32> to vector<16xf32>
        %swap3A_908 = vector.shape_cast %mul3A_903 : vector<16xf32> to vector<1x16xf32>
        tpu.vector_store %arg16[%swap3A_904, %swap3A_905], %swap3A_908 {strides = array<i32>} : memref<128x64xf32, #tpu.memory_space<vmem>>, vector<1x16xf32>,
        %get3A_909 = arith.index_cast %add3A_895 : i32 to index
        %get3A_910 = arith.constant 16 : index
        %get3A_911 = tpu.vector_load %arg16[%get3A_909, %get3A_910] {strides = array<i32>} : memref<128x64xf32, #tpu.memory_space<vmem>>, vector<1x16xf32>,
        %get3A_912 = vector.shape_cast %get3A_911 : vector<1x16xf32> to vector<16xf32>
        %mul3A_913 = arith.mulf %broadcast_in_dim3A_898, %get3A_912 : vector<16xf32>
        %swap3A_914 = arith.index_cast %add3A_895 : i32 to index
        %swap3A_915 = arith.constant 16 : index
        %swap3A_916 = tpu.vector_load %arg16[%swap3A_914, %swap3A_915] {strides = array<i32>} : memref<128x64xf32, #tpu.memory_space<vmem>>, vector<1x16xf32>,
        %swap3A_917 = vector.shape_cast %swap3A_916 : vector<1x16xf32> to vector<16xf32>
        %swap3A_918 = vector.shape_cast %mul3A_913 : vector<16xf32> to vector<1x16xf32>
        tpu.vector_store %arg16[%swap3A_914, %swap3A_915], %swap3A_918 {strides = array<i32>} : memref<128x64xf32, #tpu.memory_space<vmem>>, vector<1x16xf32>,
        %get3A_919 = arith.index_cast %add3A_895 : i32 to index
        %get3A_920 = arith.constant 32 : index
        %get3A_921 = tpu.vector_load %arg16[%get3A_919, %get3A_920] {strides = array<i32>} : memref<128x64xf32, #tpu.memory_space<vmem>>, vector<1x16xf32>,
        %get3A_922 = vector.shape_cast %get3A_921 : vector<1x16xf32> to vector<16xf32>
        %mul3A_923 = arith.mulf %broadcast_in_dim3A_898, %get3A_922 : vector<16xf32>
        %swap3A_924 = arith.index_cast %add3A_895 : i32 to index
        %swap3A_925 = arith.constant 32 : index
        %swap3A_926 = tpu.vector_load %arg16[%swap3A_924, %swap3A_925] {strides = array<i32>} : memref<128x64xf32, #tpu.memory_space<vmem>>, vector<1x16xf32>,
        %swap3A_927 = vector.shape_cast %swap3A_926 : vector<1x16xf32> to vector<16xf32>
        %swap3A_928 = vector.shape_cast %mul3A_923 : vector<16xf32> to vector<1x16xf32>
        tpu.vector_store %arg16[%swap3A_924, %swap3A_925], %swap3A_928 {strides = array<i32>} : memref<128x64xf32, #tpu.memory_space<vmem>>, vector<1x16xf32>,
        %get3A_929 = arith.index_cast %add3A_895 : i32 to index
        %get3A_930 = arith.constant 48 : index
        %get3A_931 = tpu.vector_load %arg16[%get3A_929, %get3A_930] {strides = array<i32>} : memref<128x64xf32, #tpu.memory_space<vmem>>, vector<1x16xf32>,
        %get3A_932 = vector.shape_cast %get3A_931 : vector<1x16xf32> to vector<16xf32>
        %mul3A_933 = arith.mulf %broadcast_in_dim3A_898, %get3A_932 : vector<16xf32>
        %swap3A_934 = arith.index_cast %add3A_895 : i32 to index
        %swap3A_935 = arith.constant 48 : index
        %swap3A_936 = tpu.vector_load %arg16[%swap3A_934, %swap3A_935] {strides = array<i32>} : memref<128x64xf32, #tpu.memory_space<vmem>>, vector<1x16xf32>,
        %swap3A_937 = vector.shape_cast %swap3A_936 : vector<1x16xf32> to vector<16xf32>
        %swap3A_938 = vector.shape_cast %mul3A_933 : vector<16xf32> to vector<1x16xf32>
        tpu.vector_store %arg16[%swap3A_934, %swap3A_935], %swap3A_938 {strides = array<i32>} : memref<128x64xf32, #tpu.memory_space<vmem>>, vector<1x16xf32>,
        %mul3A_939 = arith.constant 16 : i32
        %mul3A_940 = arith.muli %scan3A_231, %mul3A_939 : i32
        %add3A_941 = arith.constant 15 : i32
        %add3A_942 = arith.addi %mul3A_940, %add3A_941 : i32
        %slice3A_943 = vector.extract_strided_slice %abs3A {offsets = [15], sizes = [1], strides = [1]} : vector<16xf32> to vector<1xf32>
        %squeeze3A_944 = vector.extract %slice3A_943[0] : f32 from vector<1xf32>
        %broadcast_in_dim3A_945 = vector.broadcast %squeeze3A_944 : f32 to vector<16xf32>
        %get3A_946 = arith.index_cast %add3A_942 : i32 to index
        %get3A_947 = arith.constant 0 : index
        %get3A_948 = tpu.vector_load %arg16[%get3A_946, %get3A_947] {strides = array<i32>} : memref<128x64xf32, #tpu.memory_space<vmem>>, vector<1x16xf32>,
        %get3A_949 = vector.shape_cast %get3A_948 : vector<1x16xf32> to vector<16xf32>
        %mul3A_950 = arith.mulf %broadcast_in_dim3A_945, %get3A_949 : vector<16xf32>
        %swap3A_951 = arith.index_cast %add3A_942 : i32 to index
        %swap3A_952 = arith.constant 0 : index
        %swap3A_953 = tpu.vector_load %arg16[%swap3A_951, %swap3A_952] {strides = array<i32>} : memref<128x64xf32, #tpu.memory_space<vmem>>, vector<1x16xf32>,
        %swap3A_954 = vector.shape_cast %swap3A_953 : vector<1x16xf32> to vector<16xf32>
        %swap3A_955 = vector.shape_cast %mul3A_950 : vector<16xf32> to vector<1x16xf32>
        tpu.vector_store %arg16[%swap3A_951, %swap3A_952], %swap3A_955 {strides = array<i32>} : memref<128x64xf32, #tpu.memory_space<vmem>>, vector<1x16xf32>,
        %get3A_956 = arith.index_cast %add3A_942 : i32 to index
        %get3A_957 = arith.constant 16 : index
        %get3A_958 = tpu.vector_load %arg16[%get3A_956, %get3A_957] {strides = array<i32>} : memref<128x64xf32, #tpu.memory_space<vmem>>, vector<1x16xf32>,
        %get3A_959 = vector.shape_cast %get3A_958 : vector<1x16xf32> to vector<16xf32>
        %mul3A_960 = arith.mulf %broadcast_in_dim3A_945, %get3A_959 : vector<16xf32>
        %swap3A_961 = arith.index_cast %add3A_942 : i32 to index
        %swap3A_962 = arith.constant 16 : index
        %swap3A_963 = tpu.vector_load %arg16[%swap3A_961, %swap3A_962] {strides = array<i32>} : memref<128x64xf32, #tpu.memory_space<vmem>>, vector<1x16xf32>,
        %swap3A_964 = vector.shape_cast %swap3A_963 : vector<1x16xf32> to vector<16xf32>
        %swap3A_965 = vector.shape_cast %mul3A_960 : vector<16xf32> to vector<1x16xf32>
        tpu.vector_store %arg16[%swap3A_961, %swap3A_962], %swap3A_965 {strides = array<i32>} : memref<128x64xf32, #tpu.memory_space<vmem>>, vector<1x16xf32>,
        %get3A_966 = arith.index_cast %add3A_942 : i32 to index
        %get3A_967 = arith.constant 32 : index
        %get3A_968 = tpu.vector_load %arg16[%get3A_966, %get3A_967] {strides = array<i32>} : memref<128x64xf32, #tpu.memory_space<vmem>>, vector<1x16xf32>,
        %get3A_969 = vector.shape_cast %get3A_968 : vector<1x16xf32> to vector<16xf32>
        %mul3A_970 = arith.mulf %broadcast_in_dim3A_945, %get3A_969 : vector<16xf32>
        %swap3A_971 = arith.index_cast %add3A_942 : i32 to index
        %swap3A_972 = arith.constant 32 : index
        %swap3A_973 = tpu.vector_load %arg16[%swap3A_971, %swap3A_972] {strides = array<i32>} : memref<128x64xf32, #tpu.memory_space<vmem>>, vector<1x16xf32>,
        %swap3A_974 = vector.shape_cast %swap3A_973 : vector<1x16xf32> to vector<16xf32>
        %swap3A_975 = vector.shape_cast %mul3A_970 : vector<16xf32> to vector<1x16xf32>
        tpu.vector_store %arg16[%swap3A_971, %swap3A_972], %swap3A_975 {strides = array<i32>} : memref<128x64xf32, #tpu.memory_space<vmem>>, vector<1x16xf32>,
        %get3A_976 = arith.index_cast %add3A_942 : i32 to index
        %get3A_977 = arith.constant 48 : index
        %get3A_978 = tpu.vector_load %arg16[%get3A_976, %get3A_977] {strides = array<i32>} : memref<128x64xf32, #tpu.memory_space<vmem>>, vector<1x16xf32>,
        %get3A_979 = vector.shape_cast %get3A_978 : vector<1x16xf32> to vector<16xf32>
        %mul3A_980 = arith.mulf %broadcast_in_dim3A_945, %get3A_979 : vector<16xf32>
        %swap3A_981 = arith.index_cast %add3A_942 : i32 to index
        %swap3A_982 = arith.constant 48 : index
        %swap3A_983 = tpu.vector_load %arg16[%swap3A_981, %swap3A_982] {strides = array<i32>} : memref<128x64xf32, #tpu.memory_space<vmem>>, vector<1x16xf32>,
        %swap3A_984 = vector.shape_cast %swap3A_983 : vector<1x16xf32> to vector<16xf32>
        %swap3A_985 = vector.shape_cast %mul3A_980 : vector<16xf32> to vector<1x16xf32>
        tpu.vector_store %arg16[%swap3A_981, %swap3A_982], %swap3A_985 {strides = array<i32>} : memref<128x64xf32, #tpu.memory_space<vmem>>, vector<1x16xf32>,
        %scan3A_986 = arith.constant 0 : i32
        scf.yield %scan3A_986 : i32
      }
      %scan3A_223 = arith.constant 4 : i32
      %dma_start3A_224 = arith.constant 64 : i32
      %dma_start3A_225 = arith.constant 0 : i32
      %dma_start3A_226 = tpu.memref_slice %arg16[%dma_start3A_224, %dma_start3A_225] : memref<128x64xf32, #tpu.memory_space<vmem>> -> memref<64x64xf32, #tpu.memory_space<vmem>>
      %dma_start3A_227 = arith.constant 0 : i32
      %dma_start3A_228 = arith.constant 0 : i32
      %dma_start3A_229 = tpu.memref_slice %arg19[%dma_start3A_227, %dma_start3A_228] : memref<20000x64xf32, #tpu.memory_space<vmem_shared>> -> memref<20000x64xf32, #tpu.memory_space<vmem_shared>>
      tpu.enqueue_indirect_dma source(%dma_start3A_226 : memref<64x64xf32, #tpu.memory_space<vmem>>) target(%dma_start3A_229 : memref<20000x64xf32, #tpu.memory_space<vmem_shared>>) offsets(%arg15 : memref<64xi32, #tpu.memory_space<vmem>>) semaphore(%arg28 : memref<!tpu.dma_semaphore, #tpu.memory_space<semaphore_mem>>) {add = true}
      %while3A_230 = arith.constant 0 : i32
      scf.yield %while3A_230 : i32
    }
    %while3A_41 = arith.constant 1 : i32
    %while3A_42 = scf.for %while3A_78 = %while3A_38 to %while3A_34 step %while3A_41 iter_args(%while3A_79 = %while3A_40) -> (i32)  : i32 {
      %mul3A_80 = arith.constant 128 : i32
      %mul3A_81 = arith.muli %while3A_78, %mul3A_80 : i32
      %eq3A_82 = arith.constant 0 : i32
      %eq3A_83 = arith.cmpi eq, %arg0, %eq3A_82 : i32
      %gt3A = arith.cmpi sgt, %while3A_78, %add3A : i32
      %and3A_84 = arith.andi %eq3A_83, %gt3A : i1
      %convert_element_type3A_85 = arith.extui %and3A_84 : i1 to i32
      %cond3A_86 = arith.constant 0 : i32
      %cond3A_87 = arith.cmpi ne, %convert_element_type3A_85, %cond3A_86 : i32
      scf.if %cond3A_87 {
        %dma_wait3A_231 = arith.constant 0 : i32
        %dma_wait3A_232 = tpu.memref_slice %arg20[%dma_wait3A_231] : memref<10000xf32, #tpu.memory_space<vmem_shared>> -> memref<10000xf32, #tpu.memory_space<vmem_shared>>
        tpu.wait_indirect_dma semaphore(%arg25 : memref<!tpu.dma_semaphore, #tpu.memory_space<semaphore_mem>>) src(%arg17 : memref<64xf32, #tpu.memory_space<vmem>>) dst(%dma_wait3A_232 : memref<10000xf32, #tpu.memory_space<vmem_shared>>)
        %dma_wait3A_233 = arith.constant 0 : i32
        %dma_wait3A_234 = tpu.memref_slice %arg20[%dma_wait3A_233] : memref<10000xf32, #tpu.memory_space<vmem_shared>> -> memref<10000xf32, #tpu.memory_space<vmem_shared>>
        tpu.wait_indirect_dma semaphore(%arg26 : memref<!tpu.dma_semaphore, #tpu.memory_space<semaphore_mem>>) src(%arg17 : memref<64xf32, #tpu.memory_space<vmem>>) dst(%dma_wait3A_234 : memref<10000xf32, #tpu.memory_space<vmem_shared>>)
      } else {
      }
      %dma_start3A = arith.constant 0 : i32
      %dma_start3A_88 = tpu.memref_slice %arg3[%dma_start3A, %mul3A_81] : memref<2x320000xi32, #tpu.memory_space<hbm>> -> memref<1x128xi32, #tpu.memory_space<hbm>>
      %dma_start3A_89 = tpu.memref_squeeze %dma_start3A_88 : memref<1x128xi32, #tpu.memory_space<hbm>> -> memref<128xi32, #tpu.memory_space<hbm>>
      %dma_start3A_90 = tpu.memref_slice %arg3[%dma_start3A, %mul3A_81] : memref<2x320000xi32, #tpu.memory_space<hbm>> -> memref<1x128xi32, #tpu.memory_space<hbm>>
      %dma_start3A_91 = tpu.memref_squeeze %dma_start3A_90 : memref<1x128xi32, #tpu.memory_space<hbm>> -> memref<128xi32, #tpu.memory_space<hbm>>
      tpu.enqueue_dma source(%dma_start3A_91 : memref<128xi32, #tpu.memory_space<hbm>>) target(%arg10 : memref<128xi32, #tpu.memory_space<vmem>>) target_semaphore(%arg21 : memref<!tpu.dma_semaphore, #tpu.memory_space<semaphore_mem>>)
      %dma_start3A_92 = arith.constant 1 : i32
      %dma_start3A_93 = tpu.memref_slice %arg3[%dma_start3A_92, %mul3A_81] : memref<2x320000xi32, #tpu.memory_space<hbm>> -> memref<1x64xi32, #tpu.memory_space<hbm>>
      %dma_start3A_94 = tpu.memref_squeeze %dma_start3A_93 : memref<1x64xi32, #tpu.memory_space<hbm>> -> memref<64xi32, #tpu.memory_space<hbm>>
      %dma_start3A_95 = tpu.memref_slice %arg3[%dma_start3A_92, %mul3A_81] : memref<2x320000xi32, #tpu.memory_space<hbm>> -> memref<1x64xi32, #tpu.memory_space<hbm>>
      %dma_start3A_96 = tpu.memref_squeeze %dma_start3A_95 : memref<1x64xi32, #tpu.memory_space<hbm>> -> memref<64xi32, #tpu.memory_space<hbm>>
      tpu.enqueue_dma source(%dma_start3A_96 : memref<64xi32, #tpu.memory_space<hbm>>) target(%arg12 : memref<64xi32, #tpu.memory_space<vmem>>) target_semaphore(%arg23 : memref<!tpu.dma_semaphore, #tpu.memory_space<semaphore_mem>>)
      %add3A_97 = arith.constant 64 : i32
      %add3A_98 = arith.addi %mul3A_81, %add3A_97 : i32
      %dma_start3A_99 = arith.constant 1 : i32
      %dma_start3A_100 = tpu.memref_slice %arg3[%dma_start3A_99, %add3A_98] : memref<2x320000xi32, #tpu.memory_space<hbm>> -> memref<1x64xi32, #tpu.memory_space<hbm>>
      %dma_start3A_101 = tpu.memref_squeeze %dma_start3A_100 : memref<1x64xi32, #tpu.memory_space<hbm>> -> memref<64xi32, #tpu.memory_space<hbm>>
      %dma_start3A_102 = tpu.memref_slice %arg3[%dma_start3A_99, %add3A_98] : memref<2x320000xi32, #tpu.memory_space<hbm>> -> memref<1x64xi32, #tpu.memory_space<hbm>>
      %dma_start3A_103 = tpu.memref_squeeze %dma_start3A_102 : memref<1x64xi32, #tpu.memory_space<hbm>> -> memref<64xi32, #tpu.memory_space<hbm>>
      tpu.enqueue_dma source(%dma_start3A_103 : memref<64xi32, #tpu.memory_space<hbm>>) target(%arg13 : memref<64xi32, #tpu.memory_space<vmem>>) target_semaphore(%arg24 : memref<!tpu.dma_semaphore, #tpu.memory_space<semaphore_mem>>)
      %dma_start3A_104 = tpu.memref_slice %arg4[%mul3A_81] : memref<320000xf32, #tpu.memory_space<hbm>> -> memref<128xf32, #tpu.memory_space<hbm>>
      %dma_start3A_105 = tpu.memref_slice %arg4[%mul3A_81] : memref<320000xf32, #tpu.memory_space<hbm>> -> memref<128xf32, #tpu.memory_space<hbm>>
      tpu.enqueue_dma source(%dma_start3A_105 : memref<128xf32, #tpu.memory_space<hbm>>) target(%arg11 : memref<128xf32, #tpu.memory_space<vmem>>) target_semaphore(%arg25 : memref<!tpu.dma_semaphore, #tpu.memory_space<semaphore_mem>>)
      %dma_wait3A_106 = arith.constant 0 : i32
      %dma_wait3A_107 = tpu.memref_slice %arg3[%dma_wait3A_106, %mul3A_81] : memref<2x320000xi32, #tpu.memory_space<hbm>> -> memref<1x128xi32, #tpu.memory_space<hbm>>
      %dma_wait3A_108 = tpu.memref_squeeze %dma_wait3A_107 : memref<1x128xi32, #tpu.memory_space<hbm>> -> memref<128xi32, #tpu.memory_space<hbm>>
      %dma_wait3A_109 = tpu.memref_slice %arg3[%dma_wait3A_106, %mul3A_81] : memref<2x320000xi32, #tpu.memory_space<hbm>> -> memref<1x128xi32, #tpu.memory_space<hbm>>
      %dma_wait3A_110 = tpu.memref_squeeze %dma_wait3A_109 : memref<1x128xi32, #tpu.memory_space<hbm>> -> memref<128xi32, #tpu.memory_space<hbm>>
      tpu.wait_dma2 semaphore(%arg21 : memref<!tpu.dma_semaphore, #tpu.memory_space<semaphore_mem>>) src(%dma_wait3A_110 : memref<128xi32, #tpu.memory_space<hbm>>) dst(%arg10 : memref<128xi32, #tpu.memory_space<vmem>>)
      %dma_wait3A_111 = arith.constant 1 : i32
      %dma_wait3A_112 = tpu.memref_slice %arg3[%dma_wait3A_111, %mul3A_81] : memref<2x320000xi32, #tpu.memory_space<hbm>> -> memref<1x64xi32, #tpu.memory_space<hbm>>
      %dma_wait3A_113 = tpu.memref_squeeze %dma_wait3A_112 : memref<1x64xi32, #tpu.memory_space<hbm>> -> memref<64xi32, #tpu.memory_space<hbm>>
      %dma_wait3A_114 = tpu.memref_slice %arg3[%dma_wait3A_111, %mul3A_81] : memref<2x320000xi32, #tpu.memory_space<hbm>> -> memref<1x64xi32, #tpu.memory_space<hbm>>
      %dma_wait3A_115 = tpu.memref_squeeze %dma_wait3A_114 : memref<1x64xi32, #tpu.memory_space<hbm>> -> memref<64xi32, #tpu.memory_space<hbm>>
      tpu.wait_dma2 semaphore(%arg23 : memref<!tpu.dma_semaphore, #tpu.memory_space<semaphore_mem>>) src(%dma_wait3A_115 : memref<64xi32, #tpu.memory_space<hbm>>) dst(%arg12 : memref<64xi32, #tpu.memory_space<vmem>>)
      %add3A_116 = arith.constant 64 : i32
      %add3A_117 = arith.addi %mul3A_81, %add3A_116 : i32
      %dma_wait3A_118 = arith.constant 1 : i32
      %dma_wait3A_119 = tpu.memref_slice %arg3[%dma_wait3A_118, %add3A_117] : memref<2x320000xi32, #tpu.memory_space<hbm>> -> memref<1x64xi32, #tpu.memory_space<hbm>>
      %dma_wait3A_120 = tpu.memref_squeeze %dma_wait3A_119 : memref<1x64xi32, #tpu.memory_space<hbm>> -> memref<64xi32, #tpu.memory_space<hbm>>
      %dma_wait3A_121 = tpu.memref_slice %arg3[%dma_wait3A_118, %add3A_117] : memref<2x320000xi32, #tpu.memory_space<hbm>> -> memref<1x64xi32, #tpu.memory_space<hbm>>
      %dma_wait3A_122 = tpu.memref_squeeze %dma_wait3A_121 : memref<1x64xi32, #tpu.memory_space<hbm>> -> memref<64xi32, #tpu.memory_space<hbm>>
      tpu.wait_dma2 semaphore(%arg24 : memref<!tpu.dma_semaphore, #tpu.memory_space<semaphore_mem>>) src(%dma_wait3A_122 : memref<64xi32, #tpu.memory_space<hbm>>) dst(%arg13 : memref<64xi32, #tpu.memory_space<vmem>>)
      %gt3A_123 = arith.cmpi sgt, %while3A_78, %add3A : i32
      %convert_element_type3A_124 = arith.extui %gt3A_123 : i1 to i32
      %cond3A_125 = arith.constant 0 : i32
      %cond3A_126 = arith.cmpi ne, %convert_element_type3A_124, %cond3A_125 : i32
      scf.if %cond3A_126 {
        %dma_wait3A_231 = arith.constant 0 : i32
        %dma_wait3A_232 = arith.constant 0 : i32
        %dma_wait3A_233 = tpu.memref_slice %arg16[%dma_wait3A_231, %dma_wait3A_232] : memref<128x64xf32, #tpu.memory_space<vmem>> -> memref<64x64xf32, #tpu.memory_space<vmem>>
        %dma_wait3A_234 = arith.constant 0 : i32
        %dma_wait3A_235 = arith.constant 0 : i32
        %dma_wait3A_236 = tpu.memref_slice %arg19[%dma_wait3A_234, %dma_wait3A_235] : memref<20000x64xf32, #tpu.memory_space<vmem_shared>> -> memref<20000x64xf32, #tpu.memory_space<vmem_shared>>
        tpu.wait_indirect_dma semaphore(%arg27 : memref<!tpu.dma_semaphore, #tpu.memory_space<semaphore_mem>>) src(%dma_wait3A_233 : memref<64x64xf32, #tpu.memory_space<vmem>>) dst(%dma_wait3A_236 : memref<20000x64xf32, #tpu.memory_space<vmem_shared>>)
        %dma_wait3A_237 = arith.constant 64 : i32
        %dma_wait3A_238 = arith.constant 0 : i32
        %dma_wait3A_239 = tpu.memref_slice %arg16[%dma_wait3A_237, %dma_wait3A_238] : memref<128x64xf32, #tpu.memory_space<vmem>> -> memref<64x64xf32, #tpu.memory_space<vmem>>
        %dma_wait3A_240 = arith.constant 0 : i32
        %dma_wait3A_241 = arith.constant 0 : i32
        %dma_wait3A_242 = tpu.memref_slice %arg19[%dma_wait3A_240, %dma_wait3A_241] : memref<20000x64xf32, #tpu.memory_space<vmem_shared>> -> memref<20000x64xf32, #tpu.memory_space<vmem_shared>>
        tpu.wait_indirect_dma semaphore(%arg28 : memref<!tpu.dma_semaphore, #tpu.memory_space<semaphore_mem>>) src(%dma_wait3A_239 : memref<64x64xf32, #tpu.memory_space<vmem>>) dst(%dma_wait3A_242 : memref<20000x64xf32, #tpu.memory_space<vmem_shared>>)
      } else {
      }
      %dma_wait3A_127 = tpu.memref_slice %arg4[%mul3A_81] : memref<320000xf32, #tpu.memory_space<hbm>> -> memref<128xf32, #tpu.memory_space<hbm>>
      %dma_wait3A_128 = tpu.memref_slice %arg4[%mul3A_81] : memref<320000xf32, #tpu.memory_space<hbm>> -> memref<128xf32, #tpu.memory_space<hbm>>
      tpu.wait_dma2 semaphore(%arg25 : memref<!tpu.dma_semaphore, #tpu.memory_space<semaphore_mem>>) src(%dma_wait3A_128 : memref<128xf32, #tpu.memory_space<hbm>>) dst(%arg11 : memref<128xf32, #tpu.memory_space<vmem>>)
      %scan3A_129 = arith.constant 0 : i32
      %scan3A_130 = arith.constant 0 : i32
      %scan3A_131 = arith.constant 8 : i32
      %scan3A_132 = arith.addi %scan3A_130, %scan3A_131 : i32
      %scan3A_133 = arith.constant 1 : i32
      %scan3A_134 = scf.for %scan3A_231 = %scan3A_130 to %scan3A_132 step %scan3A_133 iter_args(%scan3A_232 = %scan3A_129) -> (i32)  : i32 {
        %mul3A_233 = arith.constant 16 : i32
        %mul3A_234 = arith.muli %scan3A_231, %mul3A_233 : i32
        %get3A = arith.index_cast %mul3A_234 : i32 to index
        %get3A_235 = tpu.vector_load %arg10[%get3A] {strides = array<i32>} : memref<128xi32, #tpu.memory_space<vmem>>, vector<16xi32>,
        %get3A_236 = vector.shape_cast %get3A_235 : vector<16xi32> to vector<16xi32>
        %add3A_237 = arith.addi %get3A_236, %broadcast_in_dim3A : vector<16xi32>
        %swap3A = arith.index_cast %mul3A_234 : i32 to index
        %swap3A_238 = tpu.vector_load %arg10[%swap3A] {strides = array<i32>} : memref<128xi32, #tpu.memory_space<vmem>>, vector<16xi32>,
        %swap3A_239 = vector.shape_cast %swap3A_238 : vector<16xi32> to vector<16xi32>
        %swap3A_240 = vector.shape_cast %add3A_237 : vector<16xi32> to vector<16xi32>
        tpu.vector_store %arg10[%swap3A], %swap3A_240 {strides = array<i32>} : memref<128xi32, #tpu.memory_space<vmem>>, vector<16xi32>,
        %scan3A_241 = arith.constant 0 : i32
        scf.yield %scan3A_241 : i32
      }
      %scan3A_135 = arith.constant 8 : i32
      %scan3A_136 = arith.constant 0 : i32
      %scan3A_137 = arith.constant 0 : i32
      %scan3A_138 = arith.constant 4 : i32
      %scan3A_139 = arith.addi %scan3A_137, %scan3A_138 : i32
      %scan3A_140 = arith.constant 1 : i32
      %scan3A_141 = scf.for %scan3A_231 = %scan3A_137 to %scan3A_139 step %scan3A_140 iter_args(%scan3A_232 = %scan3A_136) -> (i32)  : i32 {
        %mul3A_233 = arith.constant 16 : i32
        %mul3A_234 = arith.muli %scan3A_231, %mul3A_233 : i32
        %mul3A_235 = arith.constant 16 : i32
        %mul3A_236 = arith.muli %scan3A_231, %mul3A_235 : i32
        %add3A_237 = arith.constant 64 : i32
        %add3A_238 = arith.addi %add3A_237, %mul3A_236 : i32
        %get3A = arith.index_cast %mul3A_234 : i32 to index
        %get3A_239 = tpu.vector_load %arg12[%get3A] {strides = array<i32>} : memref<64xi32, #tpu.memory_space<vmem>>, vector<16xi32>,
        %get3A_240 = vector.shape_cast %get3A_239 : vector<16xi32> to vector<16xi32>
        %get3A_241 = arith.index_cast %mul3A_234 : i32 to index
        %get3A_242 = tpu.vector_load %arg11[%get3A_241] {strides = array<i32>} : memref<128xf32, #tpu.memory_space<vmem>>, vector<16xf32>,
        %get3A_243 = vector.shape_cast %get3A_242 : vector<16xf32> to vector<16xf32>
        %lt3A_244 = arith.constant 0.000000e+00 : f32
        %lt3A_245 = vector.broadcast %lt3A_244 : f32 to vector<16xf32>
        %lt3A_246 = arith.cmpf olt, %get3A_243, %lt3A_245 : vector<16xf32>
        %jit3A_247 = arith.constant 0 : i32
        %broadcast_in_dim3A_248 = vector.broadcast %jit3A_247 : i32 to vector<16xi32>
        %select_n3A_249 = arith.select %lt3A_246, %broadcast_in_dim3A_23, %broadcast_in_dim3A_248 : vector<16xi1>, vector<16xi32>
        %add3A_250 = arith.addi %get3A_240, %select_n3A_249 : vector<16xi32>
        %swap3A = arith.index_cast %mul3A_234 : i32 to index
        %swap3A_251 = tpu.vector_load %arg14[%swap3A] {strides = array<i32>} : memref<64xi32, #tpu.memory_space<vmem>>, vector<16xi32>,
        %swap3A_252 = vector.shape_cast %swap3A_251 : vector<16xi32> to vector<16xi32>
        %swap3A_253 = vector.shape_cast %add3A_250 : vector<16xi32> to vector<16xi32>
        tpu.vector_store %arg14[%swap3A], %swap3A_253 {strides = array<i32>} : memref<64xi32, #tpu.memory_space<vmem>>, vector<16xi32>,
        %get3A_254 = arith.index_cast %mul3A_234 : i32 to index
        %get3A_255 = tpu.vector_load %arg13[%get3A_254] {strides = array<i32>} : memref<64xi32, #tpu.memory_space<vmem>>, vector<16xi32>,
        %get3A_256 = vector.shape_cast %get3A_255 : vector<16xi32> to vector<16xi32>
        %get3A_257 = arith.index_cast %add3A_238 : i32 to index
        %get3A_258 = tpu.vector_load %arg11[%get3A_257] {strides = array<i32>} : memref<128xf32, #tpu.memory_space<vmem>>, vector<16xf32>,
        %get3A_259 = vector.shape_cast %get3A_258 : vector<16xf32> to vector<16xf32>
        %lt3A_260 = arith.constant 0.000000e+00 : f32
        %lt3A_261 = vector.broadcast %lt3A_260 : f32 to vector<16xf32>
        %lt3A_262 = arith.cmpf olt, %get3A_259, %lt3A_261 : vector<16xf32>
        %jit3A_263 = arith.constant 0 : i32
        %broadcast_in_dim3A_264 = vector.broadcast %jit3A_263 : i32 to vector<16xi32>
        %select_n3A_265 = arith.select %lt3A_262, %broadcast_in_dim3A_23, %broadcast_in_dim3A_264 : vector<16xi1>, vector<16xi32>
        %add3A_266 = arith.addi %get3A_256, %select_n3A_265 : vector<16xi32>
        %swap3A_267 = arith.index_cast %mul3A_234 : i32 to index
        %swap3A_268 = tpu.vector_load %arg15[%swap3A_267] {strides = array<i32>} : memref<64xi32, #tpu.memory_space<vmem>>, vector<16xi32>,
        %swap3A_269 = vector.shape_cast %swap3A_268 : vector<16xi32> to vector<16xi32>
        %swap3A_270 = vector.shape_cast %add3A_266 : vector<16xi32> to vector<16xi32>
        tpu.vector_store %arg15[%swap3A_267], %swap3A_270 {strides = array<i32>} : memref<64xi32, #tpu.memory_space<vmem>>, vector<16xi32>,
        %scan3A_271 = arith.constant 0 : i32
        scf.yield %scan3A_271 : i32
      }
      %scan3A_142 = arith.constant 4 : i32
      %dma_start3A_143 = arith.constant 0 : i32
      %dma_start3A_144 = arith.constant 0 : i32
      %dma_start3A_145 = tpu.memref_slice %arg16[%dma_start3A_143, %dma_start3A_144] : memref<128x64xf32, #tpu.memory_space<vmem>> -> memref<64x64xf32, #tpu.memory_space<vmem>>
      %dma_start3A_146 = arith.constant 0 : i32
      %dma_start3A_147 = tpu.memref_slice %arg10[%dma_start3A_146] : memref<128xi32, #tpu.memory_space<vmem>> -> memref<64xi32, #tpu.memory_space<vmem>>
      %dma_start3A_148 = arith.constant 0 : i32
      %dma_start3A_149 = arith.constant 0 : i32
      %dma_start3A_150 = tpu.memref_slice %arg2[%dma_start3A_148, %dma_start3A_149] : memref<20000x64xf32, #tpu.memory_space<hbm>> -> memref<20000x64xf32, #tpu.memory_space<hbm>>
      tpu.enqueue_indirect_dma source(%dma_start3A_150 : memref<20000x64xf32, #tpu.memory_space<hbm>>) target(%dma_start3A_145 : memref<64x64xf32, #tpu.memory_space<vmem>>) offsets(%dma_start3A_147 : memref<64xi32, #tpu.memory_space<vmem>>) semaphore(%arg22 : memref<!tpu.dma_semaphore, #tpu.memory_space<semaphore_mem>>)
      %dma_start3A_151 = arith.constant 64 : i32
      %dma_start3A_152 = arith.constant 0 : i32
      %dma_start3A_153 = tpu.memref_slice %arg16[%dma_start3A_151, %dma_start3A_152] : memref<128x64xf32, #tpu.memory_space<vmem>> -> memref<64x64xf32, #tpu.memory_space<vmem>>
      %dma_start3A_154 = arith.constant 64 : i32
      %dma_start3A_155 = tpu.memref_slice %arg10[%dma_start3A_154] : memref<128xi32, #tpu.memory_space<vmem>> -> memref<64xi32, #tpu.memory_space<vmem>>
      %dma_start3A_156 = arith.constant 0 : i32
      %dma_start3A_157 = arith.constant 0 : i32
      %dma_start3A_158 = tpu.memref_slice %arg2[%dma_start3A_156, %dma_start3A_157] : memref<20000x64xf32, #tpu.memory_space<hbm>> -> memref<20000x64xf32, #tpu.memory_space<hbm>>
      tpu.enqueue_indirect_dma source(%dma_start3A_158 : memref<20000x64xf32, #tpu.memory_space<hbm>>) target(%dma_start3A_153 : memref<64x64xf32, #tpu.memory_space<vmem>>) offsets(%dma_start3A_155 : memref<64xi32, #tpu.memory_space<vmem>>) semaphore(%arg21 : memref<!tpu.dma_semaphore, #tpu.memory_space<semaphore_mem>>)
      %dma_wait3A_159 = arith.constant 0 : i32
      %dma_wait3A_160 = arith.constant 0 : i32
      %dma_wait3A_161 = tpu.memref_slice %arg16[%dma_wait3A_159, %dma_wait3A_160] : memref<128x64xf32, #tpu.memory_space<vmem>> -> memref<64x64xf32, #tpu.memory_space<vmem>>
      %dma_wait3A_162 = arith.constant 0 : i32
      %dma_wait3A_163 = tpu.memref_slice %arg10[%dma_wait3A_162] : memref<128xi32, #tpu.memory_space<vmem>> -> memref<64xi32, #tpu.memory_space<vmem>>
      %dma_wait3A_164 = arith.constant 0 : i32
      %dma_wait3A_165 = arith.constant 0 : i32
      %dma_wait3A_166 = tpu.memref_slice %arg2[%dma_wait3A_164, %dma_wait3A_165] : memref<20000x64xf32, #tpu.memory_space<hbm>> -> memref<20000x64xf32, #tpu.memory_space<hbm>>
      tpu.wait_indirect_dma semaphore(%arg22 : memref<!tpu.dma_semaphore, #tpu.memory_space<semaphore_mem>>) src(%dma_wait3A_166 : memref<20000x64xf32, #tpu.memory_space<hbm>>) dst(%dma_wait3A_161 : memref<64x64xf32, #tpu.memory_space<vmem>>)
      %dma_start3A_167 = arith.constant 0 : i32
      %dma_start3A_168 = arith.constant 0 : i32
      %dma_start3A_169 = tpu.memref_slice %arg16[%dma_start3A_167, %dma_start3A_168] : memref<128x64xf32, #tpu.memory_space<vmem>> -> memref<64x64xf32, #tpu.memory_space<vmem>>
      %dma_start3A_170 = arith.constant 0 : i32
      %dma_start3A_171 = arith.constant 0 : i32
      %dma_start3A_172 = tpu.memref_slice %arg18[%dma_start3A_170, %dma_start3A_171] : memref<10000x64xf32, #tpu.memory_space<vmem_shared>> -> memref<10000x64xf32, #tpu.memory_space<vmem_shared>>
      tpu.enqueue_indirect_dma source(%dma_start3A_169 : memref<64x64xf32, #tpu.memory_space<vmem>>) target(%dma_start3A_172 : memref<10000x64xf32, #tpu.memory_space<vmem_shared>>) offsets(%arg12 : memref<64xi32, #tpu.memory_space<vmem>>) semaphore(%arg23 : memref<!tpu.dma_semaphore, #tpu.memory_space<semaphore_mem>>) {add = true}
      %dma_wait3A_173 = arith.constant 64 : i32
      %dma_wait3A_174 = arith.constant 0 : i32
      %dma_wait3A_175 = tpu.memref_slice %arg16[%dma_wait3A_173, %dma_wait3A_174] : memref<128x64xf32, #tpu.memory_space<vmem>> -> memref<64x64xf32, #tpu.memory_space<vmem>>
      %dma_wait3A_176 = arith.constant 64 : i32
      %dma_wait3A_177 = tpu.memref_slice %arg10[%dma_wait3A_176] : memref<128xi32, #tpu.memory_space<vmem>> -> memref<64xi32, #tpu.memory_space<vmem>>
      %dma_wait3A_178 = arith.constant 0 : i32
      %dma_wait3A_179 = arith.constant 0 : i32
      %dma_wait3A_180 = tpu.memref_slice %arg2[%dma_wait3A_178, %dma_wait3A_179] : memref<20000x64xf32, #tpu.memory_space<hbm>> -> memref<20000x64xf32, #tpu.memory_space<hbm>>
      tpu.wait_indirect_dma semaphore(%arg21 : memref<!tpu.dma_semaphore, #tpu.memory_space<semaphore_mem>>) src(%dma_wait3A_180 : memref<20000x64xf32, #tpu.memory_space<hbm>>) dst(%dma_wait3A_175 : memref<64x64xf32, #tpu.memory_space<vmem>>)
      %dma_start3A_181 = arith.constant 64 : i32
      %dma_start3A_182 = arith.constant 0 : i32
      %dma_start3A_183 = tpu.memref_slice %arg16[%dma_start3A_181, %dma_start3A_182] : memref<128x64xf32, #tpu.memory_space<vmem>> -> memref<64x64xf32, #tpu.memory_space<vmem>>
      %dma_start3A_184 = arith.constant 0 : i32
      %dma_start3A_185 = arith.constant 0 : i32
      %dma_start3A_186 = tpu.memref_slice %arg18[%dma_start3A_184, %dma_start3A_185] : memref<10000x64xf32, #tpu.memory_space<vmem_shared>> -> memref<10000x64xf32, #tpu.memory_space<vmem_shared>>
      tpu.enqueue_indirect_dma source(%dma_start3A_183 : memref<64x64xf32, #tpu.memory_space<vmem>>) target(%dma_start3A_186 : memref<10000x64xf32, #tpu.memory_space<vmem_shared>>) offsets(%arg13 : memref<64xi32, #tpu.memory_space<vmem>>) semaphore(%arg24 : memref<!tpu.dma_semaphore, #tpu.memory_space<semaphore_mem>>) {add = true}
      %eq3A_187 = arith.constant 0 : i32
      %eq3A_188 = arith.cmpi eq, %arg0, %eq3A_187 : i32
      %convert_element_type3A_189 = arith.extui %eq3A_188 : i1 to i32
      %cond3A_190 = arith.constant 0 : i32
      %cond3A_191 = arith.cmpi ne, %convert_element_type3A_189, %cond3A_190 : i32
      scf.if %cond3A_191 {
        %dma_start3A_231 = arith.constant 0 : i32
        %dma_start3A_232 = tpu.memref_slice %arg20[%dma_start3A_231] : memref<10000xf32, #tpu.memory_space<vmem_shared>> -> memref<10000xf32, #tpu.memory_space<vmem_shared>>
        tpu.enqueue_indirect_dma source(%arg17 : memref<64xf32, #tpu.memory_space<vmem>>) target(%dma_start3A_232 : memref<10000xf32, #tpu.memory_space<vmem_shared>>) offsets(%arg12 : memref<64xi32, #tpu.memory_space<vmem>>) semaphore(%arg25 : memref<!tpu.dma_semaphore, #tpu.memory_space<semaphore_mem>>) {add = true}
        %dma_start3A_233 = arith.constant 0 : i32
        %dma_start3A_234 = tpu.memref_slice %arg20[%dma_start3A_233] : memref<10000xf32, #tpu.memory_space<vmem_shared>> -> memref<10000xf32, #tpu.memory_space<vmem_shared>>
        tpu.enqueue_indirect_dma source(%arg17 : memref<64xf32, #tpu.memory_space<vmem>>) target(%dma_start3A_234 : memref<10000xf32, #tpu.memory_space<vmem_shared>>) offsets(%arg13 : memref<64xi32, #tpu.memory_space<vmem>>) semaphore(%arg26 : memref<!tpu.dma_semaphore, #tpu.memory_space<semaphore_mem>>) {add = true}
      } else {
      }
      %dma_wait3A_192 = arith.constant 0 : i32
      %dma_wait3A_193 = arith.constant 0 : i32
      %dma_wait3A_194 = tpu.memref_slice %arg16[%dma_wait3A_192, %dma_wait3A_193] : memref<128x64xf32, #tpu.memory_space<vmem>> -> memref<64x64xf32, #tpu.memory_space<vmem>>
      %dma_wait3A_195 = arith.constant 0 : i32
      %dma_wait3A_196 = arith.constant 0 : i32
      %dma_wait3A_197 = tpu.memref_slice %arg18[%dma_wait3A_195, %dma_wait3A_196] : memref<10000x64xf32, #tpu.memory_space<vmem_shared>> -> memref<10000x64xf32, #tpu.memory_space<vmem_shared>>
      tpu.wait_indirect_dma semaphore(%arg23 : memref<!tpu.dma_semaphore, #tpu.memory_space<semaphore_mem>>) src(%dma_wait3A_194 : memref<64x64xf32, #tpu.memory_space<vmem>>) dst(%dma_wait3A_197 : memref<10000x64xf32, #tpu.memory_space<vmem_shared>>)
      %scan3A_198 = arith.constant 0 : i32
      %scan3A_199 = arith.constant 0 : i32
      %scan3A_200 = arith.constant 4 : i32
      %scan3A_201 = arith.addi %scan3A_199, %scan3A_200 : i32
      %scan3A_202 = arith.constant 1 : i32
      %scan3A_203 = scf.for %scan3A_231 = %scan3A_199 to %scan3A_201 step %scan3A_202 iter_args(%scan3A_232 = %scan3A_198) -> (i32)  : i32 {
        %mul3A_233 = arith.constant 16 : i32
        %mul3A_234 = arith.muli %scan3A_231, %mul3A_233 : i32
        %get3A = arith.index_cast %mul3A_234 : i32 to index
        %get3A_235 = tpu.vector_load %arg11[%get3A] {strides = array<i32>} : memref<128xf32, #tpu.memory_space<vmem>>, vector<16xf32>,
        %get3A_236 = vector.shape_cast %get3A_235 : vector<16xf32> to vector<16xf32>
        %abs3A = math.absf %get3A_236 : vector<16xf32>
        %mul3A_237 = arith.constant 16 : i32
        %mul3A_238 = arith.muli %scan3A_231, %mul3A_237 : i32
        %add3A_239 = arith.constant 0 : i32
        %add3A_240 = arith.addi %mul3A_238, %add3A_239 : i32
        %slice3A = vector.extract_strided_slice %abs3A {offsets = [0], sizes = [1], strides = [1]} : vector<16xf32> to vector<1xf32>
        %squeeze3A = vector.extract %slice3A[0] : f32 from vector<1xf32>
        %broadcast_in_dim3A_241 = vector.broadcast %squeeze3A : f32 to vector<16xf32>
        %get3A_242 = arith.index_cast %add3A_240 : i32 to index
        %get3A_243 = arith.constant 0 : index
        %get3A_244 = tpu.vector_load %arg16[%get3A_242, %get3A_243] {strides = array<i32>} : memref<128x64xf32, #tpu.memory_space<vmem>>, vector<1x16xf32>,
        %get3A_245 = vector.shape_cast %get3A_244 : vector<1x16xf32> to vector<16xf32>
        %mul3A_246 = arith.mulf %broadcast_in_dim3A_241, %get3A_245 : vector<16xf32>
        %swap3A = arith.index_cast %add3A_240 : i32 to index
        %swap3A_247 = arith.constant 0 : index
        %swap3A_248 = tpu.vector_load %arg16[%swap3A, %swap3A_247] {strides = array<i32>} : memref<128x64xf32, #tpu.memory_space<vmem>>, vector<1x16xf32>,
        %swap3A_249 = vector.shape_cast %swap3A_248 : vector<1x16xf32> to vector<16xf32>
        %swap3A_250 = vector.shape_cast %mul3A_246 : vector<16xf32> to vector<1x16xf32>
        tpu.vector_store %arg16[%swap3A, %swap3A_247], %swap3A_250 {strides = array<i32>} : memref<128x64xf32, #tpu.memory_space<vmem>>, vector<1x16xf32>,
        %get3A_251 = arith.index_cast %add3A_240 : i32 to index
        %get3A_252 = arith.constant 16 : index
        %get3A_253 = tpu.vector_load %arg16[%get3A_251, %get3A_252] {strides = array<i32>} : memref<128x64xf32, #tpu.memory_space<vmem>>, vector<1x16xf32>,
        %get3A_254 = vector.shape_cast %get3A_253 : vector<1x16xf32> to vector<16xf32>
        %mul3A_255 = arith.mulf %broadcast_in_dim3A_241, %get3A_254 : vector<16xf32>
        %swap3A_256 = arith.index_cast %add3A_240 : i32 to index
        %swap3A_257 = arith.constant 16 : index
        %swap3A_258 = tpu.vector_load %arg16[%swap3A_256, %swap3A_257] {strides = array<i32>} : memref<128x64xf32, #tpu.memory_space<vmem>>, vector<1x16xf32>,
        %swap3A_259 = vector.shape_cast %swap3A_258 : vector<1x16xf32> to vector<16xf32>
        %swap3A_260 = vector.shape_cast %mul3A_255 : vector<16xf32> to vector<1x16xf32>
        tpu.vector_store %arg16[%swap3A_256, %swap3A_257], %swap3A_260 {strides = array<i32>} : memref<128x64xf32, #tpu.memory_space<vmem>>, vector<1x16xf32>,
        %get3A_261 = arith.index_cast %add3A_240 : i32 to index
        %get3A_262 = arith.constant 32 : index
        %get3A_263 = tpu.vector_load %arg16[%get3A_261, %get3A_262] {strides = array<i32>} : memref<128x64xf32, #tpu.memory_space<vmem>>, vector<1x16xf32>,
        %get3A_264 = vector.shape_cast %get3A_263 : vector<1x16xf32> to vector<16xf32>
        %mul3A_265 = arith.mulf %broadcast_in_dim3A_241, %get3A_264 : vector<16xf32>
        %swap3A_266 = arith.index_cast %add3A_240 : i32 to index
        %swap3A_267 = arith.constant 32 : index
        %swap3A_268 = tpu.vector_load %arg16[%swap3A_266, %swap3A_267] {strides = array<i32>} : memref<128x64xf32, #tpu.memory_space<vmem>>, vector<1x16xf32>,
        %swap3A_269 = vector.shape_cast %swap3A_268 : vector<1x16xf32> to vector<16xf32>
        %swap3A_270 = vector.shape_cast %mul3A_265 : vector<16xf32> to vector<1x16xf32>
        tpu.vector_store %arg16[%swap3A_266, %swap3A_267], %swap3A_270 {strides = array<i32>} : memref<128x64xf32, #tpu.memory_space<vmem>>, vector<1x16xf32>,
        %get3A_271 = arith.index_cast %add3A_240 : i32 to index
        %get3A_272 = arith.constant 48 : index
        %get3A_273 = tpu.vector_load %arg16[%get3A_271, %get3A_272] {strides = array<i32>} : memref<128x64xf32, #tpu.memory_space<vmem>>, vector<1x16xf32>,
        %get3A_274 = vector.shape_cast %get3A_273 : vector<1x16xf32> to vector<16xf32>
        %mul3A_275 = arith.mulf %broadcast_in_dim3A_241, %get3A_274 : vector<16xf32>
        %swap3A_276 = arith.index_cast %add3A_240 : i32 to index
        %swap3A_277 = arith.constant 48 : index
        %swap3A_278 = tpu.vector_load %arg16[%swap3A_276, %swap3A_277] {strides = array<i32>} : memref<128x64xf32, #tpu.memory_space<vmem>>, vector<1x16xf32>,
        %swap3A_279 = vector.shape_cast %swap3A_278 : vector<1x16xf32> to vector<16xf32>
        %swap3A_280 = vector.shape_cast %mul3A_275 : vector<16xf32> to vector<1x16xf32>
        tpu.vector_store %arg16[%swap3A_276, %swap3A_277], %swap3A_280 {strides = array<i32>} : memref<128x64xf32, #tpu.memory_space<vmem>>, vector<1x16xf32>,
        %mul3A_281 = arith.constant 16 : i32
        %mul3A_282 = arith.muli %scan3A_231, %mul3A_281 : i32
        %add3A_283 = arith.constant 1 : i32
        %add3A_284 = arith.addi %mul3A_282, %add3A_283 : i32
        %slice3A_285 = vector.extract_strided_slice %abs3A {offsets = [1], sizes = [1], strides = [1]} : vector<16xf32> to vector<1xf32>
        %squeeze3A_286 = vector.extract %slice3A_285[0] : f32 from vector<1xf32>
        %broadcast_in_dim3A_287 = vector.broadcast %squeeze3A_286 : f32 to vector<16xf32>
        %get3A_288 = arith.index_cast %add3A_284 : i32 to index
        %get3A_289 = arith.constant 0 : index
        %get3A_290 = tpu.vector_load %arg16[%get3A_288, %get3A_289] {strides = array<i32>} : memref<128x64xf32, #tpu.memory_space<vmem>>, vector<1x16xf32>,
        %get3A_291 = vector.shape_cast %get3A_290 : vector<1x16xf32> to vector<16xf32>
        %mul3A_292 = arith.mulf %broadcast_in_dim3A_287, %get3A_291 : vector<16xf32>
        %swap3A_293 = arith.index_cast %add3A_284 : i32 to index
        %swap3A_294 = arith.constant 0 : index
        %swap3A_295 = tpu.vector_load %arg16[%swap3A_293, %swap3A_294] {strides = array<i32>} : memref<128x64xf32, #tpu.memory_space<vmem>>, vector<1x16xf32>,
        %swap3A_296 = vector.shape_cast %swap3A_295 : vector<1x16xf32> to vector<16xf32>
        %swap3A_297 = vector.shape_cast %mul3A_292 : vector<16xf32> to vector<1x16xf32>
        tpu.vector_store %arg16[%swap3A_293, %swap3A_294], %swap3A_297 {strides = array<i32>} : memref<128x64xf32, #tpu.memory_space<vmem>>, vector<1x16xf32>,
        %get3A_298 = arith.index_cast %add3A_284 : i32 to index
        %get3A_299 = arith.constant 16 : index
        %get3A_300 = tpu.vector_load %arg16[%get3A_298, %get3A_299] {strides = array<i32>} : memref<128x64xf32, #tpu.memory_space<vmem>>, vector<1x16xf32>,
        %get3A_301 = vector.shape_cast %get3A_300 : vector<1x16xf32> to vector<16xf32>
        %mul3A_302 = arith.mulf %broadcast_in_dim3A_287, %get3A_301 : vector<16xf32>
        %swap3A_303 = arith.index_cast %add3A_284 : i32 to index
        %swap3A_304 = arith.constant 16 : index
        %swap3A_305 = tpu.vector_load %arg16[%swap3A_303, %swap3A_304] {strides = array<i32>} : memref<128x64xf32, #tpu.memory_space<vmem>>, vector<1x16xf32>,
        %swap3A_306 = vector.shape_cast %swap3A_305 : vector<1x16xf32> to vector<16xf32>
        %swap3A_307 = vector.shape_cast %mul3A_302 : vector<16xf32> to vector<1x16xf32>
        tpu.vector_store %arg16[%swap3A_303, %swap3A_304], %swap3A_307 {strides = array<i32>} : memref<128x64xf32, #tpu.memory_space<vmem>>, vector<1x16xf32>,
        %get3A_308 = arith.index_cast %add3A_284 : i32 to index
        %get3A_309 = arith.constant 32 : index
        %get3A_310 = tpu.vector_load %arg16[%get3A_308, %get3A_309] {strides = array<i32>} : memref<128x64xf32, #tpu.memory_space<vmem>>, vector<1x16xf32>,
        %get3A_311 = vector.shape_cast %get3A_310 : vector<1x16xf32> to vector<16xf32>
        %mul3A_312 = arith.mulf %broadcast_in_dim3A_287, %get3A_311 : vector<16xf32>
        %swap3A_313 = arith.index_cast %add3A_284 : i32 to index
        %swap3A_314 = arith.constant 32 : index
        %swap3A_315 = tpu.vector_load %arg16[%swap3A_313, %swap3A_314] {strides = array<i32>} : memref<128x64xf32, #tpu.memory_space<vmem>>, vector<1x16xf32>,
        %swap3A_316 = vector.shape_cast %swap3A_315 : vector<1x16xf32> to vector<16xf32>
        %swap3A_317 = vector.shape_cast %mul3A_312 : vector<16xf32> to vector<1x16xf32>
        tpu.vector_store %arg16[%swap3A_313, %swap3A_314], %swap3A_317 {strides = array<i32>} : memref<128x64xf32, #tpu.memory_space<vmem>>, vector<1x16xf32>,
        %get3A_318 = arith.index_cast %add3A_284 : i32 to index
        %get3A_319 = arith.constant 48 : index
        %get3A_320 = tpu.vector_load %arg16[%get3A_318, %get3A_319] {strides = array<i32>} : memref<128x64xf32, #tpu.memory_space<vmem>>, vector<1x16xf32>,
        %get3A_321 = vector.shape_cast %get3A_320 : vector<1x16xf32> to vector<16xf32>
        %mul3A_322 = arith.mulf %broadcast_in_dim3A_287, %get3A_321 : vector<16xf32>
        %swap3A_323 = arith.index_cast %add3A_284 : i32 to index
        %swap3A_324 = arith.constant 48 : index
        %swap3A_325 = tpu.vector_load %arg16[%swap3A_323, %swap3A_324] {strides = array<i32>} : memref<128x64xf32, #tpu.memory_space<vmem>>, vector<1x16xf32>,
        %swap3A_326 = vector.shape_cast %swap3A_325 : vector<1x16xf32> to vector<16xf32>
        %swap3A_327 = vector.shape_cast %mul3A_322 : vector<16xf32> to vector<1x16xf32>
        tpu.vector_store %arg16[%swap3A_323, %swap3A_324], %swap3A_327 {strides = array<i32>} : memref<128x64xf32, #tpu.memory_space<vmem>>, vector<1x16xf32>,
        %mul3A_328 = arith.constant 16 : i32
        %mul3A_329 = arith.muli %scan3A_231, %mul3A_328 : i32
        %add3A_330 = arith.constant 2 : i32
        %add3A_331 = arith.addi %mul3A_329, %add3A_330 : i32
        %slice3A_332 = vector.extract_strided_slice %abs3A {offsets = [2], sizes = [1], strides = [1]} : vector<16xf32> to vector<1xf32>
        %squeeze3A_333 = vector.extract %slice3A_332[0] : f32 from vector<1xf32>
        %broadcast_in_dim3A_334 = vector.broadcast %squeeze3A_333 : f32 to vector<16xf32>
        %get3A_335 = arith.index_cast %add3A_331 : i32 to index
        %get3A_336 = arith.constant 0 : index
        %get3A_337 = tpu.vector_load %arg16[%get3A_335, %get3A_336] {strides = array<i32>} : memref<128x64xf32, #tpu.memory_space<vmem>>, vector<1x16xf32>,
        %get3A_338 = vector.shape_cast %get3A_337 : vector<1x16xf32> to vector<16xf32>
        %mul3A_339 = arith.mulf %broadcast_in_dim3A_334, %get3A_338 : vector<16xf32>
        %swap3A_340 = arith.index_cast %add3A_331 : i32 to index
        %swap3A_341 = arith.constant 0 : index
        %swap3A_342 = tpu.vector_load %arg16[%swap3A_340, %swap3A_341] {strides = array<i32>} : memref<128x64xf32, #tpu.memory_space<vmem>>, vector<1x16xf32>,
        %swap3A_343 = vector.shape_cast %swap3A_342 : vector<1x16xf32> to vector<16xf32>
        %swap3A_344 = vector.shape_cast %mul3A_339 : vector<16xf32> to vector<1x16xf32>
        tpu.vector_store %arg16[%swap3A_340, %swap3A_341], %swap3A_344 {strides = array<i32>} : memref<128x64xf32, #tpu.memory_space<vmem>>, vector<1x16xf32>,
        %get3A_345 = arith.index_cast %add3A_331 : i32 to index
        %get3A_346 = arith.constant 16 : index
        %get3A_347 = tpu.vector_load %arg16[%get3A_345, %get3A_346] {strides = array<i32>} : memref<128x64xf32, #tpu.memory_space<vmem>>, vector<1x16xf32>,
        %get3A_348 = vector.shape_cast %get3A_347 : vector<1x16xf32> to vector<16xf32>
        %mul3A_349 = arith.mulf %broadcast_in_dim3A_334, %get3A_348 : vector<16xf32>
        %swap3A_350 = arith.index_cast %add3A_331 : i32 to index
        %swap3A_351 = arith.constant 16 : index
        %swap3A_352 = tpu.vector_load %arg16[%swap3A_350, %swap3A_351] {strides = array<i32>} : memref<128x64xf32, #tpu.memory_space<vmem>>, vector<1x16xf32>,
        %swap3A_353 = vector.shape_cast %swap3A_352 : vector<1x16xf32> to vector<16xf32>
        %swap3A_354 = vector.shape_cast %mul3A_349 : vector<16xf32> to vector<1x16xf32>
        tpu.vector_store %arg16[%swap3A_350, %swap3A_351], %swap3A_354 {strides = array<i32>} : memref<128x64xf32, #tpu.memory_space<vmem>>, vector<1x16xf32>,
        %get3A_355 = arith.index_cast %add3A_331 : i32 to index
        %get3A_356 = arith.constant 32 : index
        %get3A_357 = tpu.vector_load %arg16[%get3A_355, %get3A_356] {strides = array<i32>} : memref<128x64xf32, #tpu.memory_space<vmem>>, vector<1x16xf32>,
        %get3A_358 = vector.shape_cast %get3A_357 : vector<1x16xf32> to vector<16xf32>
        %mul3A_359 = arith.mulf %broadcast_in_dim3A_334, %get3A_358 : vector<16xf32>
        %swap3A_360 = arith.index_cast %add3A_331 : i32 to index
        %swap3A_361 = arith.constant 32 : index
        %swap3A_362 = tpu.vector_load %arg16[%swap3A_360, %swap3A_361] {strides = array<i32>} : memref<128x64xf32, #tpu.memory_space<vmem>>, vector<1x16xf32>,
        %swap3A_363 = vector.shape_cast %swap3A_362 : vector<1x16xf32> to vector<16xf32>
        %swap3A_364 = vector.shape_cast %mul3A_359 : vector<16xf32> to vector<1x16xf32>
        tpu.vector_store %arg16[%swap3A_360, %swap3A_361], %swap3A_364 {strides = array<i32>} : memref<128x64xf32, #tpu.memory_space<vmem>>, vector<1x16xf32>,
        %get3A_365 = arith.index_cast %add3A_331 : i32 to index
        %get3A_366 = arith.constant 48 : index
        %get3A_367 = tpu.vector_load %arg16[%get3A_365, %get3A_366] {strides = array<i32>} : memref<128x64xf32, #tpu.memory_space<vmem>>, vector<1x16xf32>,
        %get3A_368 = vector.shape_cast %get3A_367 : vector<1x16xf32> to vector<16xf32>
        %mul3A_369 = arith.mulf %broadcast_in_dim3A_334, %get3A_368 : vector<16xf32>
        %swap3A_370 = arith.index_cast %add3A_331 : i32 to index
        %swap3A_371 = arith.constant 48 : index
        %swap3A_372 = tpu.vector_load %arg16[%swap3A_370, %swap3A_371] {strides = array<i32>} : memref<128x64xf32, #tpu.memory_space<vmem>>, vector<1x16xf32>,
        %swap3A_373 = vector.shape_cast %swap3A_372 : vector<1x16xf32> to vector<16xf32>
        %swap3A_374 = vector.shape_cast %mul3A_369 : vector<16xf32> to vector<1x16xf32>
        tpu.vector_store %arg16[%swap3A_370, %swap3A_371], %swap3A_374 {strides = array<i32>} : memref<128x64xf32, #tpu.memory_space<vmem>>, vector<1x16xf32>,
        %mul3A_375 = arith.constant 16 : i32
        %mul3A_376 = arith.muli %scan3A_231, %mul3A_375 : i32
        %add3A_377 = arith.constant 3 : i32
        %add3A_378 = arith.addi %mul3A_376, %add3A_377 : i32
        %slice3A_379 = vector.extract_strided_slice %abs3A {offsets = [3], sizes = [1], strides = [1]} : vector<16xf32> to vector<1xf32>
        %squeeze3A_380 = vector.extract %slice3A_379[0] : f32 from vector<1xf32>
        %broadcast_in_dim3A_381 = vector.broadcast %squeeze3A_380 : f32 to vector<16xf32>
        %get3A_382 = arith.index_cast %add3A_378 : i32 to index
        %get3A_383 = arith.constant 0 : index
        %get3A_384 = tpu.vector_load %arg16[%get3A_382, %get3A_383] {strides = array<i32>} : memref<128x64xf32, #tpu.memory_space<vmem>>, vector<1x16xf32>,
        %get3A_385 = vector.shape_cast %get3A_384 : vector<1x16xf32> to vector<16xf32>
        %mul3A_386 = arith.mulf %broadcast_in_dim3A_381, %get3A_385 : vector<16xf32>
        %swap3A_387 = arith.index_cast %add3A_378 : i32 to index
        %swap3A_388 = arith.constant 0 : index
        %swap3A_389 = tpu.vector_load %arg16[%swap3A_387, %swap3A_388] {strides = array<i32>} : memref<128x64xf32, #tpu.memory_space<vmem>>, vector<1x16xf32>,
        %swap3A_390 = vector.shape_cast %swap3A_389 : vector<1x16xf32> to vector<16xf32>
        %swap3A_391 = vector.shape_cast %mul3A_386 : vector<16xf32> to vector<1x16xf32>
        tpu.vector_store %arg16[%swap3A_387, %swap3A_388], %swap3A_391 {strides = array<i32>} : memref<128x64xf32, #tpu.memory_space<vmem>>, vector<1x16xf32>,
        %get3A_392 = arith.index_cast %add3A_378 : i32 to index
        %get3A_393 = arith.constant 16 : index
        %get3A_394 = tpu.vector_load %arg16[%get3A_392, %get3A_393] {strides = array<i32>} : memref<128x64xf32, #tpu.memory_space<vmem>>, vector<1x16xf32>,
        %get3A_395 = vector.shape_cast %get3A_394 : vector<1x16xf32> to vector<16xf32>
        %mul3A_396 = arith.mulf %broadcast_in_dim3A_381, %get3A_395 : vector<16xf32>
        %swap3A_397 = arith.index_cast %add3A_378 : i32 to index
        %swap3A_398 = arith.constant 16 : index
        %swap3A_399 = tpu.vector_load %arg16[%swap3A_397, %swap3A_398] {strides = array<i32>} : memref<128x64xf32, #tpu.memory_space<vmem>>, vector<1x16xf32>,
        %swap3A_400 = vector.shape_cast %swap3A_399 : vector<1x16xf32> to vector<16xf32>
        %swap3A_401 = vector.shape_cast %mul3A_396 : vector<16xf32> to vector<1x16xf32>
        tpu.vector_store %arg16[%swap3A_397, %swap3A_398], %swap3A_401 {strides = array<i32>} : memref<128x64xf32, #tpu.memory_space<vmem>>, vector<1x16xf32>,
        %get3A_402 = arith.index_cast %add3A_378 : i32 to index
        %get3A_403 = arith.constant 32 : index
        %get3A_404 = tpu.vector_load %arg16[%get3A_402, %get3A_403] {strides = array<i32>} : memref<128x64xf32, #tpu.memory_space<vmem>>, vector<1x16xf32>,
        %get3A_405 = vector.shape_cast %get3A_404 : vector<1x16xf32> to vector<16xf32>
        %mul3A_406 = arith.mulf %broadcast_in_dim3A_381, %get3A_405 : vector<16xf32>
        %swap3A_407 = arith.index_cast %add3A_378 : i32 to index
        %swap3A_408 = arith.constant 32 : index
        %swap3A_409 = tpu.vector_load %arg16[%swap3A_407, %swap3A_408] {strides = array<i32>} : memref<128x64xf32, #tpu.memory_space<vmem>>, vector<1x16xf32>,
        %swap3A_410 = vector.shape_cast %swap3A_409 : vector<1x16xf32> to vector<16xf32>
        %swap3A_411 = vector.shape_cast %mul3A_406 : vector<16xf32> to vector<1x16xf32>
        tpu.vector_store %arg16[%swap3A_407, %swap3A_408], %swap3A_411 {strides = array<i32>} : memref<128x64xf32, #tpu.memory_space<vmem>>, vector<1x16xf32>,
        %get3A_412 = arith.index_cast %add3A_378 : i32 to index
        %get3A_413 = arith.constant 48 : index
        %get3A_414 = tpu.vector_load %arg16[%get3A_412, %get3A_413] {strides = array<i32>} : memref<128x64xf32, #tpu.memory_space<vmem>>, vector<1x16xf32>,
        %get3A_415 = vector.shape_cast %get3A_414 : vector<1x16xf32> to vector<16xf32>
        %mul3A_416 = arith.mulf %broadcast_in_dim3A_381, %get3A_415 : vector<16xf32>
        %swap3A_417 = arith.index_cast %add3A_378 : i32 to index
        %swap3A_418 = arith.constant 48 : index
        %swap3A_419 = tpu.vector_load %arg16[%swap3A_417, %swap3A_418] {strides = array<i32>} : memref<128x64xf32, #tpu.memory_space<vmem>>, vector<1x16xf32>,
        %swap3A_420 = vector.shape_cast %swap3A_419 : vector<1x16xf32> to vector<16xf32>
        %swap3A_421 = vector.shape_cast %mul3A_416 : vector<16xf32> to vector<1x16xf32>
        tpu.vector_store %arg16[%swap3A_417, %swap3A_418], %swap3A_421 {strides = array<i32>} : memref<128x64xf32, #tpu.memory_space<vmem>>, vector<1x16xf32>,
        %mul3A_422 = arith.constant 16 : i32
        %mul3A_423 = arith.muli %scan3A_231, %mul3A_422 : i32
        %add3A_424 = arith.constant 4 : i32
        %add3A_425 = arith.addi %mul3A_423, %add3A_424 : i32
        %slice3A_426 = vector.extract_strided_slice %abs3A {offsets = [4], sizes = [1], strides = [1]} : vector<16xf32> to vector<1xf32>
        %squeeze3A_427 = vector.extract %slice3A_426[0] : f32 from vector<1xf32>
        %broadcast_in_dim3A_428 = vector.broadcast %squeeze3A_427 : f32 to vector<16xf32>
        %get3A_429 = arith.index_cast %add3A_425 : i32 to index
        %get3A_430 = arith.constant 0 : index
        %get3A_431 = tpu.vector_load %arg16[%get3A_429, %get3A_430] {strides = array<i32>} : memref<128x64xf32, #tpu.memory_space<vmem>>, vector<1x16xf32>,
        %get3A_432 = vector.shape_cast %get3A_431 : vector<1x16xf32> to vector<16xf32>
        %mul3A_433 = arith.mulf %broadcast_in_dim3A_428, %get3A_432 : vector<16xf32>
        %swap3A_434 = arith.index_cast %add3A_425 : i32 to index
        %swap3A_435 = arith.constant 0 : index
        %swap3A_436 = tpu.vector_load %arg16[%swap3A_434, %swap3A_435] {strides = array<i32>} : memref<128x64xf32, #tpu.memory_space<vmem>>, vector<1x16xf32>,
        %swap3A_437 = vector.shape_cast %swap3A_436 : vector<1x16xf32> to vector<16xf32>
        %swap3A_438 = vector.shape_cast %mul3A_433 : vector<16xf32> to vector<1x16xf32>
        tpu.vector_store %arg16[%swap3A_434, %swap3A_435], %swap3A_438 {strides = array<i32>} : memref<128x64xf32, #tpu.memory_space<vmem>>, vector<1x16xf32>,
        %get3A_439 = arith.index_cast %add3A_425 : i32 to index
        %get3A_440 = arith.constant 16 : index
        %get3A_441 = tpu.vector_load %arg16[%get3A_439, %get3A_440] {strides = array<i32>} : memref<128x64xf32, #tpu.memory_space<vmem>>, vector<1x16xf32>,
        %get3A_442 = vector.shape_cast %get3A_441 : vector<1x16xf32> to vector<16xf32>
        %mul3A_443 = arith.mulf %broadcast_in_dim3A_428, %get3A_442 : vector<16xf32>
        %swap3A_444 = arith.index_cast %add3A_425 : i32 to index
        %swap3A_445 = arith.constant 16 : index
        %swap3A_446 = tpu.vector_load %arg16[%swap3A_444, %swap3A_445] {strides = array<i32>} : memref<128x64xf32, #tpu.memory_space<vmem>>, vector<1x16xf32>,
        %swap3A_447 = vector.shape_cast %swap3A_446 : vector<1x16xf32> to vector<16xf32>
        %swap3A_448 = vector.shape_cast %mul3A_443 : vector<16xf32> to vector<1x16xf32>
        tpu.vector_store %arg16[%swap3A_444, %swap3A_445], %swap3A_448 {strides = array<i32>} : memref<128x64xf32, #tpu.memory_space<vmem>>, vector<1x16xf32>,
        %get3A_449 = arith.index_cast %add3A_425 : i32 to index
        %get3A_450 = arith.constant 32 : index
        %get3A_451 = tpu.vector_load %arg16[%get3A_449, %get3A_450] {strides = array<i32>} : memref<128x64xf32, #tpu.memory_space<vmem>>, vector<1x16xf32>,
        %get3A_452 = vector.shape_cast %get3A_451 : vector<1x16xf32> to vector<16xf32>
        %mul3A_453 = arith.mulf %broadcast_in_dim3A_428, %get3A_452 : vector<16xf32>
        %swap3A_454 = arith.index_cast %add3A_425 : i32 to index
        %swap3A_455 = arith.constant 32 : index
        %swap3A_456 = tpu.vector_load %arg16[%swap3A_454, %swap3A_455] {strides = array<i32>} : memref<128x64xf32, #tpu.memory_space<vmem>>, vector<1x16xf32>,
        %swap3A_457 = vector.shape_cast %swap3A_456 : vector<1x16xf32> to vector<16xf32>
        %swap3A_458 = vector.shape_cast %mul3A_453 : vector<16xf32> to vector<1x16xf32>
        tpu.vector_store %arg16[%swap3A_454, %swap3A_455], %swap3A_458 {strides = array<i32>} : memref<128x64xf32, #tpu.memory_space<vmem>>, vector<1x16xf32>,
        %get3A_459 = arith.index_cast %add3A_425 : i32 to index
        %get3A_460 = arith.constant 48 : index
        %get3A_461 = tpu.vector_load %arg16[%get3A_459, %get3A_460] {strides = array<i32>} : memref<128x64xf32, #tpu.memory_space<vmem>>, vector<1x16xf32>,
        %get3A_462 = vector.shape_cast %get3A_461 : vector<1x16xf32> to vector<16xf32>
        %mul3A_463 = arith.mulf %broadcast_in_dim3A_428, %get3A_462 : vector<16xf32>
        %swap3A_464 = arith.index_cast %add3A_425 : i32 to index
        %swap3A_465 = arith.constant 48 : index
        %swap3A_466 = tpu.vector_load %arg16[%swap3A_464, %swap3A_465] {strides = array<i32>} : memref<128x64xf32, #tpu.memory_space<vmem>>, vector<1x16xf32>,
        %swap3A_467 = vector.shape_cast %swap3A_466 : vector<1x16xf32> to vector<16xf32>
        %swap3A_468 = vector.shape_cast %mul3A_463 : vector<16xf32> to vector<1x16xf32>
        tpu.vector_store %arg16[%swap3A_464, %swap3A_465], %swap3A_468 {strides = array<i32>} : memref<128x64xf32, #tpu.memory_space<vmem>>, vector<1x16xf32>,
        %mul3A_469 = arith.constant 16 : i32
        %mul3A_470 = arith.muli %scan3A_231, %mul3A_469 : i32
        %add3A_471 = arith.constant 5 : i32
        %add3A_472 = arith.addi %mul3A_470, %add3A_471 : i32
        %slice3A_473 = vector.extract_strided_slice %abs3A {offsets = [5], sizes = [1], strides = [1]} : vector<16xf32> to vector<1xf32>
        %squeeze3A_474 = vector.extract %slice3A_473[0] : f32 from vector<1xf32>
        %broadcast_in_dim3A_475 = vector.broadcast %squeeze3A_474 : f32 to vector<16xf32>
        %get3A_476 = arith.index_cast %add3A_472 : i32 to index
        %get3A_477 = arith.constant 0 : index
        %get3A_478 = tpu.vector_load %arg16[%get3A_476, %get3A_477] {strides = array<i32>} : memref<128x64xf32, #tpu.memory_space<vmem>>, vector<1x16xf32>,
        %get3A_479 = vector.shape_cast %get3A_478 : vector<1x16xf32> to vector<16xf32>
        %mul3A_480 = arith.mulf %broadcast_in_dim3A_475, %get3A_479 : vector<16xf32>
        %swap3A_481 = arith.index_cast %add3A_472 : i32 to index
        %swap3A_482 = arith.constant 0 : index
        %swap3A_483 = tpu.vector_load %arg16[%swap3A_481, %swap3A_482] {strides = array<i32>} : memref<128x64xf32, #tpu.memory_space<vmem>>, vector<1x16xf32>,
        %swap3A_484 = vector.shape_cast %swap3A_483 : vector<1x16xf32> to vector<16xf32>
        %swap3A_485 = vector.shape_cast %mul3A_480 : vector<16xf32> to vector<1x16xf32>
        tpu.vector_store %arg16[%swap3A_481, %swap3A_482], %swap3A_485 {strides = array<i32>} : memref<128x64xf32, #tpu.memory_space<vmem>>, vector<1x16xf32>,
        %get3A_486 = arith.index_cast %add3A_472 : i32 to index
        %get3A_487 = arith.constant 16 : index
        %get3A_488 = tpu.vector_load %arg16[%get3A_486, %get3A_487] {strides = array<i32>} : memref<128x64xf32, #tpu.memory_space<vmem>>, vector<1x16xf32>,
        %get3A_489 = vector.shape_cast %get3A_488 : vector<1x16xf32> to vector<16xf32>
        %mul3A_490 = arith.mulf %broadcast_in_dim3A_475, %get3A_489 : vector<16xf32>
        %swap3A_491 = arith.index_cast %add3A_472 : i32 to index
        %swap3A_492 = arith.constant 16 : index
        %swap3A_493 = tpu.vector_load %arg16[%swap3A_491, %swap3A_492] {strides = array<i32>} : memref<128x64xf32, #tpu.memory_space<vmem>>, vector<1x16xf32>,
        %swap3A_494 = vector.shape_cast %swap3A_493 : vector<1x16xf32> to vector<16xf32>
        %swap3A_495 = vector.shape_cast %mul3A_490 : vector<16xf32> to vector<1x16xf32>
        tpu.vector_store %arg16[%swap3A_491, %swap3A_492], %swap3A_495 {strides = array<i32>} : memref<128x64xf32, #tpu.memory_space<vmem>>, vector<1x16xf32>,
        %get3A_496 = arith.index_cast %add3A_472 : i32 to index
        %get3A_497 = arith.constant 32 : index
        %get3A_498 = tpu.vector_load %arg16[%get3A_496, %get3A_497] {strides = array<i32>} : memref<128x64xf32, #tpu.memory_space<vmem>>, vector<1x16xf32>,
        %get3A_499 = vector.shape_cast %get3A_498 : vector<1x16xf32> to vector<16xf32>
        %mul3A_500 = arith.mulf %broadcast_in_dim3A_475, %get3A_499 : vector<16xf32>
        %swap3A_501 = arith.index_cast %add3A_472 : i32 to index
        %swap3A_502 = arith.constant 32 : index
        %swap3A_503 = tpu.vector_load %arg16[%swap3A_501, %swap3A_502] {strides = array<i32>} : memref<128x64xf32, #tpu.memory_space<vmem>>, vector<1x16xf32>,
        %swap3A_504 = vector.shape_cast %swap3A_503 : vector<1x16xf32> to vector<16xf32>
        %swap3A_505 = vector.shape_cast %mul3A_500 : vector<16xf32> to vector<1x16xf32>
        tpu.vector_store %arg16[%swap3A_501, %swap3A_502], %swap3A_505 {strides = array<i32>} : memref<128x64xf32, #tpu.memory_space<vmem>>, vector<1x16xf32>,
        %get3A_506 = arith.index_cast %add3A_472 : i32 to index
        %get3A_507 = arith.constant 48 : index
        %get3A_508 = tpu.vector_load %arg16[%get3A_506, %get3A_507] {strides = array<i32>} : memref<128x64xf32, #tpu.memory_space<vmem>>, vector<1x16xf32>,
        %get3A_509 = vector.shape_cast %get3A_508 : vector<1x16xf32> to vector<16xf32>
        %mul3A_510 = arith.mulf %broadcast_in_dim3A_475, %get3A_509 : vector<16xf32>
        %swap3A_511 = arith.index_cast %add3A_472 : i32 to index
        %swap3A_512 = arith.constant 48 : index
        %swap3A_513 = tpu.vector_load %arg16[%swap3A_511, %swap3A_512] {strides = array<i32>} : memref<128x64xf32, #tpu.memory_space<vmem>>, vector<1x16xf32>,
        %swap3A_514 = vector.shape_cast %swap3A_513 : vector<1x16xf32> to vector<16xf32>
        %swap3A_515 = vector.shape_cast %mul3A_510 : vector<16xf32> to vector<1x16xf32>
        tpu.vector_store %arg16[%swap3A_511, %swap3A_512], %swap3A_515 {strides = array<i32>} : memref<128x64xf32, #tpu.memory_space<vmem>>, vector<1x16xf32>,
        %mul3A_516 = arith.constant 16 : i32
        %mul3A_517 = arith.muli %scan3A_231, %mul3A_516 : i32
        %add3A_518 = arith.constant 6 : i32
        %add3A_519 = arith.addi %mul3A_517, %add3A_518 : i32
        %slice3A_520 = vector.extract_strided_slice %abs3A {offsets = [6], sizes = [1], strides = [1]} : vector<16xf32> to vector<1xf32>
        %squeeze3A_521 = vector.extract %slice3A_520[0] : f32 from vector<1xf32>
        %broadcast_in_dim3A_522 = vector.broadcast %squeeze3A_521 : f32 to vector<16xf32>
        %get3A_523 = arith.index_cast %add3A_519 : i32 to index
        %get3A_524 = arith.constant 0 : index
        %get3A_525 = tpu.vector_load %arg16[%get3A_523, %get3A_524] {strides = array<i32>} : memref<128x64xf32, #tpu.memory_space<vmem>>, vector<1x16xf32>,
        %get3A_526 = vector.shape_cast %get3A_525 : vector<1x16xf32> to vector<16xf32>
        %mul3A_527 = arith.mulf %broadcast_in_dim3A_522, %get3A_526 : vector<16xf32>
        %swap3A_528 = arith.index_cast %add3A_519 : i32 to index
        %swap3A_529 = arith.constant 0 : index
        %swap3A_530 = tpu.vector_load %arg16[%swap3A_528, %swap3A_529] {strides = array<i32>} : memref<128x64xf32, #tpu.memory_space<vmem>>, vector<1x16xf32>,
        %swap3A_531 = vector.shape_cast %swap3A_530 : vector<1x16xf32> to vector<16xf32>
        %swap3A_532 = vector.shape_cast %mul3A_527 : vector<16xf32> to vector<1x16xf32>
        tpu.vector_store %arg16[%swap3A_528, %swap3A_529], %swap3A_532 {strides = array<i32>} : memref<128x64xf32, #tpu.memory_space<vmem>>, vector<1x16xf32>,
        %get3A_533 = arith.index_cast %add3A_519 : i32 to index
        %get3A_534 = arith.constant 16 : index
        %get3A_535 = tpu.vector_load %arg16[%get3A_533, %get3A_534] {strides = array<i32>} : memref<128x64xf32, #tpu.memory_space<vmem>>, vector<1x16xf32>,
        %get3A_536 = vector.shape_cast %get3A_535 : vector<1x16xf32> to vector<16xf32>
        %mul3A_537 = arith.mulf %broadcast_in_dim3A_522, %get3A_536 : vector<16xf32>
        %swap3A_538 = arith.index_cast %add3A_519 : i32 to index
        %swap3A_539 = arith.constant 16 : index
        %swap3A_540 = tpu.vector_load %arg16[%swap3A_538, %swap3A_539] {strides = array<i32>} : memref<128x64xf32, #tpu.memory_space<vmem>>, vector<1x16xf32>,
        %swap3A_541 = vector.shape_cast %swap3A_540 : vector<1x16xf32> to vector<16xf32>
        %swap3A_542 = vector.shape_cast %mul3A_537 : vector<16xf32> to vector<1x16xf32>
        tpu.vector_store %arg16[%swap3A_538, %swap3A_539], %swap3A_542 {strides = array<i32>} : memref<128x64xf32, #tpu.memory_space<vmem>>, vector<1x16xf32>,
        %get3A_543 = arith.index_cast %add3A_519 : i32 to index
        %get3A_544 = arith.constant 32 : index
        %get3A_545 = tpu.vector_load %arg16[%get3A_543, %get3A_544] {strides = array<i32>} : memref<128x64xf32, #tpu.memory_space<vmem>>, vector<1x16xf32>,
        %get3A_546 = vector.shape_cast %get3A_545 : vector<1x16xf32> to vector<16xf32>
        %mul3A_547 = arith.mulf %broadcast_in_dim3A_522, %get3A_546 : vector<16xf32>
        %swap3A_548 = arith.index_cast %add3A_519 : i32 to index
        %swap3A_549 = arith.constant 32 : index
        %swap3A_550 = tpu.vector_load %arg16[%swap3A_548, %swap3A_549] {strides = array<i32>} : memref<128x64xf32, #tpu.memory_space<vmem>>, vector<1x16xf32>,
        %swap3A_551 = vector.shape_cast %swap3A_550 : vector<1x16xf32> to vector<16xf32>
        %swap3A_552 = vector.shape_cast %mul3A_547 : vector<16xf32> to vector<1x16xf32>
        tpu.vector_store %arg16[%swap3A_548, %swap3A_549], %swap3A_552 {strides = array<i32>} : memref<128x64xf32, #tpu.memory_space<vmem>>, vector<1x16xf32>,
        %get3A_553 = arith.index_cast %add3A_519 : i32 to index
        %get3A_554 = arith.constant 48 : index
        %get3A_555 = tpu.vector_load %arg16[%get3A_553, %get3A_554] {strides = array<i32>} : memref<128x64xf32, #tpu.memory_space<vmem>>, vector<1x16xf32>,
        %get3A_556 = vector.shape_cast %get3A_555 : vector<1x16xf32> to vector<16xf32>
        %mul3A_557 = arith.mulf %broadcast_in_dim3A_522, %get3A_556 : vector<16xf32>
        %swap3A_558 = arith.index_cast %add3A_519 : i32 to index
        %swap3A_559 = arith.constant 48 : index
        %swap3A_560 = tpu.vector_load %arg16[%swap3A_558, %swap3A_559] {strides = array<i32>} : memref<128x64xf32, #tpu.memory_space<vmem>>, vector<1x16xf32>,
        %swap3A_561 = vector.shape_cast %swap3A_560 : vector<1x16xf32> to vector<16xf32>
        %swap3A_562 = vector.shape_cast %mul3A_557 : vector<16xf32> to vector<1x16xf32>
        tpu.vector_store %arg16[%swap3A_558, %swap3A_559], %swap3A_562 {strides = array<i32>} : memref<128x64xf32, #tpu.memory_space<vmem>>, vector<1x16xf32>,
        %mul3A_563 = arith.constant 16 : i32
        %mul3A_564 = arith.muli %scan3A_231, %mul3A_563 : i32
        %add3A_565 = arith.constant 7 : i32
        %add3A_566 = arith.addi %mul3A_564, %add3A_565 : i32
        %slice3A_567 = vector.extract_strided_slice %abs3A {offsets = [7], sizes = [1], strides = [1]} : vector<16xf32> to vector<1xf32>
        %squeeze3A_568 = vector.extract %slice3A_567[0] : f32 from vector<1xf32>
        %broadcast_in_dim3A_569 = vector.broadcast %squeeze3A_568 : f32 to vector<16xf32>
        %get3A_570 = arith.index_cast %add3A_566 : i32 to index
        %get3A_571 = arith.constant 0 : index
        %get3A_572 = tpu.vector_load %arg16[%get3A_570, %get3A_571] {strides = array<i32>} : memref<128x64xf32, #tpu.memory_space<vmem>>, vector<1x16xf32>,
        %get3A_573 = vector.shape_cast %get3A_572 : vector<1x16xf32> to vector<16xf32>
        %mul3A_574 = arith.mulf %broadcast_in_dim3A_569, %get3A_573 : vector<16xf32>
        %swap3A_575 = arith.index_cast %add3A_566 : i32 to index
        %swap3A_576 = arith.constant 0 : index
        %swap3A_577 = tpu.vector_load %arg16[%swap3A_575, %swap3A_576] {strides = array<i32>} : memref<128x64xf32, #tpu.memory_space<vmem>>, vector<1x16xf32>,
        %swap3A_578 = vector.shape_cast %swap3A_577 : vector<1x16xf32> to vector<16xf32>
        %swap3A_579 = vector.shape_cast %mul3A_574 : vector<16xf32> to vector<1x16xf32>
        tpu.vector_store %arg16[%swap3A_575, %swap3A_576], %swap3A_579 {strides = array<i32>} : memref<128x64xf32, #tpu.memory_space<vmem>>, vector<1x16xf32>,
        %get3A_580 = arith.index_cast %add3A_566 : i32 to index
        %get3A_581 = arith.constant 16 : index
        %get3A_582 = tpu.vector_load %arg16[%get3A_580, %get3A_581] {strides = array<i32>} : memref<128x64xf32, #tpu.memory_space<vmem>>, vector<1x16xf32>,
        %get3A_583 = vector.shape_cast %get3A_582 : vector<1x16xf32> to vector<16xf32>
        %mul3A_584 = arith.mulf %broadcast_in_dim3A_569, %get3A_583 : vector<16xf32>
        %swap3A_585 = arith.index_cast %add3A_566 : i32 to index
        %swap3A_586 = arith.constant 16 : index
        %swap3A_587 = tpu.vector_load %arg16[%swap3A_585, %swap3A_586] {strides = array<i32>} : memref<128x64xf32, #tpu.memory_space<vmem>>, vector<1x16xf32>,
        %swap3A_588 = vector.shape_cast %swap3A_587 : vector<1x16xf32> to vector<16xf32>
        %swap3A_589 = vector.shape_cast %mul3A_584 : vector<16xf32> to vector<1x16xf32>
        tpu.vector_store %arg16[%swap3A_585, %swap3A_586], %swap3A_589 {strides = array<i32>} : memref<128x64xf32, #tpu.memory_space<vmem>>, vector<1x16xf32>,
        %get3A_590 = arith.index_cast %add3A_566 : i32 to index
        %get3A_591 = arith.constant 32 : index
        %get3A_592 = tpu.vector_load %arg16[%get3A_590, %get3A_591] {strides = array<i32>} : memref<128x64xf32, #tpu.memory_space<vmem>>, vector<1x16xf32>,
        %get3A_593 = vector.shape_cast %get3A_592 : vector<1x16xf32> to vector<16xf32>
        %mul3A_594 = arith.mulf %broadcast_in_dim3A_569, %get3A_593 : vector<16xf32>
        %swap3A_595 = arith.index_cast %add3A_566 : i32 to index
        %swap3A_596 = arith.constant 32 : index
        %swap3A_597 = tpu.vector_load %arg16[%swap3A_595, %swap3A_596] {strides = array<i32>} : memref<128x64xf32, #tpu.memory_space<vmem>>, vector<1x16xf32>,
        %swap3A_598 = vector.shape_cast %swap3A_597 : vector<1x16xf32> to vector<16xf32>
        %swap3A_599 = vector.shape_cast %mul3A_594 : vector<16xf32> to vector<1x16xf32>
        tpu.vector_store %arg16[%swap3A_595, %swap3A_596], %swap3A_599 {strides = array<i32>} : memref<128x64xf32, #tpu.memory_space<vmem>>, vector<1x16xf32>,
        %get3A_600 = arith.index_cast %add3A_566 : i32 to index
        %get3A_601 = arith.constant 48 : index
        %get3A_602 = tpu.vector_load %arg16[%get3A_600, %get3A_601] {strides = array<i32>} : memref<128x64xf32, #tpu.memory_space<vmem>>, vector<1x16xf32>,
        %get3A_603 = vector.shape_cast %get3A_602 : vector<1x16xf32> to vector<16xf32>
        %mul3A_604 = arith.mulf %broadcast_in_dim3A_569, %get3A_603 : vector<16xf32>
        %swap3A_605 = arith.index_cast %add3A_566 : i32 to index
        %swap3A_606 = arith.constant 48 : index
        %swap3A_607 = tpu.vector_load %arg16[%swap3A_605, %swap3A_606] {strides = array<i32>} : memref<128x64xf32, #tpu.memory_space<vmem>>, vector<1x16xf32>,
        %swap3A_608 = vector.shape_cast %swap3A_607 : vector<1x16xf32> to vector<16xf32>
        %swap3A_609 = vector.shape_cast %mul3A_604 : vector<16xf32> to vector<1x16xf32>
        tpu.vector_store %arg16[%swap3A_605, %swap3A_606], %swap3A_609 {strides = array<i32>} : memref<128x64xf32, #tpu.memory_space<vmem>>, vector<1x16xf32>,
        %mul3A_610 = arith.constant 16 : i32
        %mul3A_611 = arith.muli %scan3A_231, %mul3A_610 : i32
        %add3A_612 = arith.constant 8 : i32
        %add3A_613 = arith.addi %mul3A_611, %add3A_612 : i32
        %slice3A_614 = vector.extract_strided_slice %abs3A {offsets = [8], sizes = [1], strides = [1]} : vector<16xf32> to vector<1xf32>
        %squeeze3A_615 = vector.extract %slice3A_614[0] : f32 from vector<1xf32>
        %broadcast_in_dim3A_616 = vector.broadcast %squeeze3A_615 : f32 to vector<16xf32>
        %get3A_617 = arith.index_cast %add3A_613 : i32 to index
        %get3A_618 = arith.constant 0 : index
        %get3A_619 = tpu.vector_load %arg16[%get3A_617, %get3A_618] {strides = array<i32>} : memref<128x64xf32, #tpu.memory_space<vmem>>, vector<1x16xf32>,
        %get3A_620 = vector.shape_cast %get3A_619 : vector<1x16xf32> to vector<16xf32>
        %mul3A_621 = arith.mulf %broadcast_in_dim3A_616, %get3A_620 : vector<16xf32>
        %swap3A_622 = arith.index_cast %add3A_613 : i32 to index
        %swap3A_623 = arith.constant 0 : index
        %swap3A_624 = tpu.vector_load %arg16[%swap3A_622, %swap3A_623] {strides = array<i32>} : memref<128x64xf32, #tpu.memory_space<vmem>>, vector<1x16xf32>,
        %swap3A_625 = vector.shape_cast %swap3A_624 : vector<1x16xf32> to vector<16xf32>
        %swap3A_626 = vector.shape_cast %mul3A_621 : vector<16xf32> to vector<1x16xf32>
        tpu.vector_store %arg16[%swap3A_622, %swap3A_623], %swap3A_626 {strides = array<i32>} : memref<128x64xf32, #tpu.memory_space<vmem>>, vector<1x16xf32>,
        %get3A_627 = arith.index_cast %add3A_613 : i32 to index
        %get3A_628 = arith.constant 16 : index
        %get3A_629 = tpu.vector_load %arg16[%get3A_627, %get3A_628] {strides = array<i32>} : memref<128x64xf32, #tpu.memory_space<vmem>>, vector<1x16xf32>,
        %get3A_630 = vector.shape_cast %get3A_629 : vector<1x16xf32> to vector<16xf32>
        %mul3A_631 = arith.mulf %broadcast_in_dim3A_616, %get3A_630 : vector<16xf32>
        %swap3A_632 = arith.index_cast %add3A_613 : i32 to index
        %swap3A_633 = arith.constant 16 : index
        %swap3A_634 = tpu.vector_load %arg16[%swap3A_632, %swap3A_633] {strides = array<i32>} : memref<128x64xf32, #tpu.memory_space<vmem>>, vector<1x16xf32>,
        %swap3A_635 = vector.shape_cast %swap3A_634 : vector<1x16xf32> to vector<16xf32>
        %swap3A_636 = vector.shape_cast %mul3A_631 : vector<16xf32> to vector<1x16xf32>
        tpu.vector_store %arg16[%swap3A_632, %swap3A_633], %swap3A_636 {strides = array<i32>} : memref<128x64xf32, #tpu.memory_space<vmem>>, vector<1x16xf32>,
        %get3A_637 = arith.index_cast %add3A_613 : i32 to index
        %get3A_638 = arith.constant 32 : index
        %get3A_639 = tpu.vector_load %arg16[%get3A_637, %get3A_638] {strides = array<i32>} : memref<128x64xf32, #tpu.memory_space<vmem>>, vector<1x16xf32>,
        %get3A_640 = vector.shape_cast %get3A_639 : vector<1x16xf32> to vector<16xf32>
        %mul3A_641 = arith.mulf %broadcast_in_dim3A_616, %get3A_640 : vector<16xf32>
        %swap3A_642 = arith.index_cast %add3A_613 : i32 to index
        %swap3A_643 = arith.constant 32 : index
        %swap3A_644 = tpu.vector_load %arg16[%swap3A_642, %swap3A_643] {strides = array<i32>} : memref<128x64xf32, #tpu.memory_space<vmem>>, vector<1x16xf32>,
        %swap3A_645 = vector.shape_cast %swap3A_644 : vector<1x16xf32> to vector<16xf32>
        %swap3A_646 = vector.shape_cast %mul3A_641 : vector<16xf32> to vector<1x16xf32>
        tpu.vector_store %arg16[%swap3A_642, %swap3A_643], %swap3A_646 {strides = array<i32>} : memref<128x64xf32, #tpu.memory_space<vmem>>, vector<1x16xf32>,
        %get3A_647 = arith.index_cast %add3A_613 : i32 to index
        %get3A_648 = arith.constant 48 : index
        %get3A_649 = tpu.vector_load %arg16[%get3A_647, %get3A_648] {strides = array<i32>} : memref<128x64xf32, #tpu.memory_space<vmem>>, vector<1x16xf32>,
        %get3A_650 = vector.shape_cast %get3A_649 : vector<1x16xf32> to vector<16xf32>
        %mul3A_651 = arith.mulf %broadcast_in_dim3A_616, %get3A_650 : vector<16xf32>
        %swap3A_652 = arith.index_cast %add3A_613 : i32 to index
        %swap3A_653 = arith.constant 48 : index
        %swap3A_654 = tpu.vector_load %arg16[%swap3A_652, %swap3A_653] {strides = array<i32>} : memref<128x64xf32, #tpu.memory_space<vmem>>, vector<1x16xf32>,
        %swap3A_655 = vector.shape_cast %swap3A_654 : vector<1x16xf32> to vector<16xf32>
        %swap3A_656 = vector.shape_cast %mul3A_651 : vector<16xf32> to vector<1x16xf32>
        tpu.vector_store %arg16[%swap3A_652, %swap3A_653], %swap3A_656 {strides = array<i32>} : memref<128x64xf32, #tpu.memory_space<vmem>>, vector<1x16xf32>,
        %mul3A_657 = arith.constant 16 : i32
        %mul3A_658 = arith.muli %scan3A_231, %mul3A_657 : i32
        %add3A_659 = arith.constant 9 : i32
        %add3A_660 = arith.addi %mul3A_658, %add3A_659 : i32
        %slice3A_661 = vector.extract_strided_slice %abs3A {offsets = [9], sizes = [1], strides = [1]} : vector<16xf32> to vector<1xf32>
        %squeeze3A_662 = vector.extract %slice3A_661[0] : f32 from vector<1xf32>
        %broadcast_in_dim3A_663 = vector.broadcast %squeeze3A_662 : f32 to vector<16xf32>
        %get3A_664 = arith.index_cast %add3A_660 : i32 to index
        %get3A_665 = arith.constant 0 : index
        %get3A_666 = tpu.vector_load %arg16[%get3A_664, %get3A_665] {strides = array<i32>} : memref<128x64xf32, #tpu.memory_space<vmem>>, vector<1x16xf32>,
        %get3A_667 = vector.shape_cast %get3A_666 : vector<1x16xf32> to vector<16xf32>
        %mul3A_668 = arith.mulf %broadcast_in_dim3A_663, %get3A_667 : vector<16xf32>
        %swap3A_669 = arith.index_cast %add3A_660 : i32 to index
        %swap3A_670 = arith.constant 0 : index
        %swap3A_671 = tpu.vector_load %arg16[%swap3A_669, %swap3A_670] {strides = array<i32>} : memref<128x64xf32, #tpu.memory_space<vmem>>, vector<1x16xf32>,
        %swap3A_672 = vector.shape_cast %swap3A_671 : vector<1x16xf32> to vector<16xf32>
        %swap3A_673 = vector.shape_cast %mul3A_668 : vector<16xf32> to vector<1x16xf32>
        tpu.vector_store %arg16[%swap3A_669, %swap3A_670], %swap3A_673 {strides = array<i32>} : memref<128x64xf32, #tpu.memory_space<vmem>>, vector<1x16xf32>,
        %get3A_674 = arith.index_cast %add3A_660 : i32 to index
        %get3A_675 = arith.constant 16 : index
        %get3A_676 = tpu.vector_load %arg16[%get3A_674, %get3A_675] {strides = array<i32>} : memref<128x64xf32, #tpu.memory_space<vmem>>, vector<1x16xf32>,
        %get3A_677 = vector.shape_cast %get3A_676 : vector<1x16xf32> to vector<16xf32>
        %mul3A_678 = arith.mulf %broadcast_in_dim3A_663, %get3A_677 : vector<16xf32>
        %swap3A_679 = arith.index_cast %add3A_660 : i32 to index
        %swap3A_680 = arith.constant 16 : index
        %swap3A_681 = tpu.vector_load %arg16[%swap3A_679, %swap3A_680] {strides = array<i32>} : memref<128x64xf32, #tpu.memory_space<vmem>>, vector<1x16xf32>,
        %swap3A_682 = vector.shape_cast %swap3A_681 : vector<1x16xf32> to vector<16xf32>
        %swap3A_683 = vector.shape_cast %mul3A_678 : vector<16xf32> to vector<1x16xf32>
        tpu.vector_store %arg16[%swap3A_679, %swap3A_680], %swap3A_683 {strides = array<i32>} : memref<128x64xf32, #tpu.memory_space<vmem>>, vector<1x16xf32>,
        %get3A_684 = arith.index_cast %add3A_660 : i32 to index
        %get3A_685 = arith.constant 32 : index
        %get3A_686 = tpu.vector_load %arg16[%get3A_684, %get3A_685] {strides = array<i32>} : memref<128x64xf32, #tpu.memory_space<vmem>>, vector<1x16xf32>,
        %get3A_687 = vector.shape_cast %get3A_686 : vector<1x16xf32> to vector<16xf32>
        %mul3A_688 = arith.mulf %broadcast_in_dim3A_663, %get3A_687 : vector<16xf32>
        %swap3A_689 = arith.index_cast %add3A_660 : i32 to index
        %swap3A_690 = arith.constant 32 : index
        %swap3A_691 = tpu.vector_load %arg16[%swap3A_689, %swap3A_690] {strides = array<i32>} : memref<128x64xf32, #tpu.memory_space<vmem>>, vector<1x16xf32>,
        %swap3A_692 = vector.shape_cast %swap3A_691 : vector<1x16xf32> to vector<16xf32>
        %swap3A_693 = vector.shape_cast %mul3A_688 : vector<16xf32> to vector<1x16xf32>
        tpu.vector_store %arg16[%swap3A_689, %swap3A_690], %swap3A_693 {strides = array<i32>} : memref<128x64xf32, #tpu.memory_space<vmem>>, vector<1x16xf32>,
        %get3A_694 = arith.index_cast %add3A_660 : i32 to index
        %get3A_695 = arith.constant 48 : index
        %get3A_696 = tpu.vector_load %arg16[%get3A_694, %get3A_695] {strides = array<i32>} : memref<128x64xf32, #tpu.memory_space<vmem>>, vector<1x16xf32>,
        %get3A_697 = vector.shape_cast %get3A_696 : vector<1x16xf32> to vector<16xf32>
        %mul3A_698 = arith.mulf %broadcast_in_dim3A_663, %get3A_697 : vector<16xf32>
        %swap3A_699 = arith.index_cast %add3A_660 : i32 to index
        %swap3A_700 = arith.constant 48 : index
        %swap3A_701 = tpu.vector_load %arg16[%swap3A_699, %swap3A_700] {strides = array<i32>} : memref<128x64xf32, #tpu.memory_space<vmem>>, vector<1x16xf32>,
        %swap3A_702 = vector.shape_cast %swap3A_701 : vector<1x16xf32> to vector<16xf32>
        %swap3A_703 = vector.shape_cast %mul3A_698 : vector<16xf32> to vector<1x16xf32>
        tpu.vector_store %arg16[%swap3A_699, %swap3A_700], %swap3A_703 {strides = array<i32>} : memref<128x64xf32, #tpu.memory_space<vmem>>, vector<1x16xf32>,
        %mul3A_704 = arith.constant 16 : i32
        %mul3A_705 = arith.muli %scan3A_231, %mul3A_704 : i32
        %add3A_706 = arith.constant 10 : i32
        %add3A_707 = arith.addi %mul3A_705, %add3A_706 : i32
        %slice3A_708 = vector.extract_strided_slice %abs3A {offsets = [10], sizes = [1], strides = [1]} : vector<16xf32> to vector<1xf32>
        %squeeze3A_709 = vector.extract %slice3A_708[0] : f32 from vector<1xf32>
        %broadcast_in_dim3A_710 = vector.broadcast %squeeze3A_709 : f32 to vector<16xf32>
        %get3A_711 = arith.index_cast %add3A_707 : i32 to index
        %get3A_712 = arith.constant 0 : index
        %get3A_713 = tpu.vector_load %arg16[%get3A_711, %get3A_712] {strides = array<i32>} : memref<128x64xf32, #tpu.memory_space<vmem>>, vector<1x16xf32>,
        %get3A_714 = vector.shape_cast %get3A_713 : vector<1x16xf32> to vector<16xf32>
        %mul3A_715 = arith.mulf %broadcast_in_dim3A_710, %get3A_714 : vector<16xf32>
        %swap3A_716 = arith.index_cast %add3A_707 : i32 to index
        %swap3A_717 = arith.constant 0 : index
        %swap3A_718 = tpu.vector_load %arg16[%swap3A_716, %swap3A_717] {strides = array<i32>} : memref<128x64xf32, #tpu.memory_space<vmem>>, vector<1x16xf32>,
        %swap3A_719 = vector.shape_cast %swap3A_718 : vector<1x16xf32> to vector<16xf32>
        %swap3A_720 = vector.shape_cast %mul3A_715 : vector<16xf32> to vector<1x16xf32>
        tpu.vector_store %arg16[%swap3A_716, %swap3A_717], %swap3A_720 {strides = array<i32>} : memref<128x64xf32, #tpu.memory_space<vmem>>, vector<1x16xf32>,
        %get3A_721 = arith.index_cast %add3A_707 : i32 to index
        %get3A_722 = arith.constant 16 : index
        %get3A_723 = tpu.vector_load %arg16[%get3A_721, %get3A_722] {strides = array<i32>} : memref<128x64xf32, #tpu.memory_space<vmem>>, vector<1x16xf32>,
        %get3A_724 = vector.shape_cast %get3A_723 : vector<1x16xf32> to vector<16xf32>
        %mul3A_725 = arith.mulf %broadcast_in_dim3A_710, %get3A_724 : vector<16xf32>
        %swap3A_726 = arith.index_cast %add3A_707 : i32 to index
        %swap3A_727 = arith.constant 16 : index
        %swap3A_728 = tpu.vector_load %arg16[%swap3A_726, %swap3A_727] {strides = array<i32>} : memref<128x64xf32, #tpu.memory_space<vmem>>, vector<1x16xf32>,
        %swap3A_729 = vector.shape_cast %swap3A_728 : vector<1x16xf32> to vector<16xf32>
        %swap3A_730 = vector.shape_cast %mul3A_725 : vector<16xf32> to vector<1x16xf32>
        tpu.vector_store %arg16[%swap3A_726, %swap3A_727], %swap3A_730 {strides = array<i32>} : memref<128x64xf32, #tpu.memory_space<vmem>>, vector<1x16xf32>,
        %get3A_731 = arith.index_cast %add3A_707 : i32 to index
        %get3A_732 = arith.constant 32 : index
        %get3A_733 = tpu.vector_load %arg16[%get3A_731, %get3A_732] {strides = array<i32>} : memref<128x64xf32, #tpu.memory_space<vmem>>, vector<1x16xf32>,
        %get3A_734 = vector.shape_cast %get3A_733 : vector<1x16xf32> to vector<16xf32>
        %mul3A_735 = arith.mulf %broadcast_in_dim3A_710, %get3A_734 : vector<16xf32>
        %swap3A_736 = arith.index_cast %add3A_707 : i32 to index
        %swap3A_737 = arith.constant 32 : index
        %swap3A_738 = tpu.vector_load %arg16[%swap3A_736, %swap3A_737] {strides = array<i32>} : memref<128x64xf32, #tpu.memory_space<vmem>>, vector<1x16xf32>,
        %swap3A_739 = vector.shape_cast %swap3A_738 : vector<1x16xf32> to vector<16xf32>
        %swap3A_740 = vector.shape_cast %mul3A_735 : vector<16xf32> to vector<1x16xf32>
        tpu.vector_store %arg16[%swap3A_736, %swap3A_737], %swap3A_740 {strides = array<i32>} : memref<128x64xf32, #tpu.memory_space<vmem>>, vector<1x16xf32>,
        %get3A_741 = arith.index_cast %add3A_707 : i32 to index
        %get3A_742 = arith.constant 48 : index
        %get3A_743 = tpu.vector_load %arg16[%get3A_741, %get3A_742] {strides = array<i32>} : memref<128x64xf32, #tpu.memory_space<vmem>>, vector<1x16xf32>,
        %get3A_744 = vector.shape_cast %get3A_743 : vector<1x16xf32> to vector<16xf32>
        %mul3A_745 = arith.mulf %broadcast_in_dim3A_710, %get3A_744 : vector<16xf32>
        %swap3A_746 = arith.index_cast %add3A_707 : i32 to index
        %swap3A_747 = arith.constant 48 : index
        %swap3A_748 = tpu.vector_load %arg16[%swap3A_746, %swap3A_747] {strides = array<i32>} : memref<128x64xf32, #tpu.memory_space<vmem>>, vector<1x16xf32>,
        %swap3A_749 = vector.shape_cast %swap3A_748 : vector<1x16xf32> to vector<16xf32>
        %swap3A_750 = vector.shape_cast %mul3A_745 : vector<16xf32> to vector<1x16xf32>
        tpu.vector_store %arg16[%swap3A_746, %swap3A_747], %swap3A_750 {strides = array<i32>} : memref<128x64xf32, #tpu.memory_space<vmem>>, vector<1x16xf32>,
        %mul3A_751 = arith.constant 16 : i32
        %mul3A_752 = arith.muli %scan3A_231, %mul3A_751 : i32
        %add3A_753 = arith.constant 11 : i32
        %add3A_754 = arith.addi %mul3A_752, %add3A_753 : i32
        %slice3A_755 = vector.extract_strided_slice %abs3A {offsets = [11], sizes = [1], strides = [1]} : vector<16xf32> to vector<1xf32>
        %squeeze3A_756 = vector.extract %slice3A_755[0] : f32 from vector<1xf32>
        %broadcast_in_dim3A_757 = vector.broadcast %squeeze3A_756 : f32 to vector<16xf32>
        %get3A_758 = arith.index_cast %add3A_754 : i32 to index
        %get3A_759 = arith.constant 0 : index
        %get3A_760 = tpu.vector_load %arg16[%get3A_758, %get3A_759] {strides = array<i32>} : memref<128x64xf32, #tpu.memory_space<vmem>>, vector<1x16xf32>,
        %get3A_761 = vector.shape_cast %get3A_760 : vector<1x16xf32> to vector<16xf32>
        %mul3A_762 = arith.mulf %broadcast_in_dim3A_757, %get3A_761 : vector<16xf32>
        %swap3A_763 = arith.index_cast %add3A_754 : i32 to index
        %swap3A_764 = arith.constant 0 : index
        %swap3A_765 = tpu.vector_load %arg16[%swap3A_763, %swap3A_764] {strides = array<i32>} : memref<128x64xf32, #tpu.memory_space<vmem>>, vector<1x16xf32>,
        %swap3A_766 = vector.shape_cast %swap3A_765 : vector<1x16xf32> to vector<16xf32>
        %swap3A_767 = vector.shape_cast %mul3A_762 : vector<16xf32> to vector<1x16xf32>
        tpu.vector_store %arg16[%swap3A_763, %swap3A_764], %swap3A_767 {strides = array<i32>} : memref<128x64xf32, #tpu.memory_space<vmem>>, vector<1x16xf32>,
        %get3A_768 = arith.index_cast %add3A_754 : i32 to index
        %get3A_769 = arith.constant 16 : index
        %get3A_770 = tpu.vector_load %arg16[%get3A_768, %get3A_769] {strides = array<i32>} : memref<128x64xf32, #tpu.memory_space<vmem>>, vector<1x16xf32>,
        %get3A_771 = vector.shape_cast %get3A_770 : vector<1x16xf32> to vector<16xf32>
        %mul3A_772 = arith.mulf %broadcast_in_dim3A_757, %get3A_771 : vector<16xf32>
        %swap3A_773 = arith.index_cast %add3A_754 : i32 to index
        %swap3A_774 = arith.constant 16 : index
        %swap3A_775 = tpu.vector_load %arg16[%swap3A_773, %swap3A_774] {strides = array<i32>} : memref<128x64xf32, #tpu.memory_space<vmem>>, vector<1x16xf32>,
        %swap3A_776 = vector.shape_cast %swap3A_775 : vector<1x16xf32> to vector<16xf32>
        %swap3A_777 = vector.shape_cast %mul3A_772 : vector<16xf32> to vector<1x16xf32>
        tpu.vector_store %arg16[%swap3A_773, %swap3A_774], %swap3A_777 {strides = array<i32>} : memref<128x64xf32, #tpu.memory_space<vmem>>, vector<1x16xf32>,
        %get3A_778 = arith.index_cast %add3A_754 : i32 to index
        %get3A_779 = arith.constant 32 : index
        %get3A_780 = tpu.vector_load %arg16[%get3A_778, %get3A_779] {strides = array<i32>} : memref<128x64xf32, #tpu.memory_space<vmem>>, vector<1x16xf32>,
        %get3A_781 = vector.shape_cast %get3A_780 : vector<1x16xf32> to vector<16xf32>
        %mul3A_782 = arith.mulf %broadcast_in_dim3A_757, %get3A_781 : vector<16xf32>
        %swap3A_783 = arith.index_cast %add3A_754 : i32 to index
        %swap3A_784 = arith.constant 32 : index
        %swap3A_785 = tpu.vector_load %arg16[%swap3A_783, %swap3A_784] {strides = array<i32>} : memref<128x64xf32, #tpu.memory_space<vmem>>, vector<1x16xf32>,
        %swap3A_786 = vector.shape_cast %swap3A_785 : vector<1x16xf32> to vector<16xf32>
        %swap3A_787 = vector.shape_cast %mul3A_782 : vector<16xf32> to vector<1x16xf32>
        tpu.vector_store %arg16[%swap3A_783, %swap3A_784], %swap3A_787 {strides = array<i32>} : memref<128x64xf32, #tpu.memory_space<vmem>>, vector<1x16xf32>,
        %get3A_788 = arith.index_cast %add3A_754 : i32 to index
        %get3A_789 = arith.constant 48 : index
        %get3A_790 = tpu.vector_load %arg16[%get3A_788, %get3A_789] {strides = array<i32>} : memref<128x64xf32, #tpu.memory_space<vmem>>, vector<1x16xf32>,
        %get3A_791 = vector.shape_cast %get3A_790 : vector<1x16xf32> to vector<16xf32>
        %mul3A_792 = arith.mulf %broadcast_in_dim3A_757, %get3A_791 : vector<16xf32>
        %swap3A_793 = arith.index_cast %add3A_754 : i32 to index
        %swap3A_794 = arith.constant 48 : index
        %swap3A_795 = tpu.vector_load %arg16[%swap3A_793, %swap3A_794] {strides = array<i32>} : memref<128x64xf32, #tpu.memory_space<vmem>>, vector<1x16xf32>,
        %swap3A_796 = vector.shape_cast %swap3A_795 : vector<1x16xf32> to vector<16xf32>
        %swap3A_797 = vector.shape_cast %mul3A_792 : vector<16xf32> to vector<1x16xf32>
        tpu.vector_store %arg16[%swap3A_793, %swap3A_794], %swap3A_797 {strides = array<i32>} : memref<128x64xf32, #tpu.memory_space<vmem>>, vector<1x16xf32>,
        %mul3A_798 = arith.constant 16 : i32
        %mul3A_799 = arith.muli %scan3A_231, %mul3A_798 : i32
        %add3A_800 = arith.constant 12 : i32
        %add3A_801 = arith.addi %mul3A_799, %add3A_800 : i32
        %slice3A_802 = vector.extract_strided_slice %abs3A {offsets = [12], sizes = [1], strides = [1]} : vector<16xf32> to vector<1xf32>
        %squeeze3A_803 = vector.extract %slice3A_802[0] : f32 from vector<1xf32>
        %broadcast_in_dim3A_804 = vector.broadcast %squeeze3A_803 : f32 to vector<16xf32>
        %get3A_805 = arith.index_cast %add3A_801 : i32 to index
        %get3A_806 = arith.constant 0 : index
        %get3A_807 = tpu.vector_load %arg16[%get3A_805, %get3A_806] {strides = array<i32>} : memref<128x64xf32, #tpu.memory_space<vmem>>, vector<1x16xf32>,
        %get3A_808 = vector.shape_cast %get3A_807 : vector<1x16xf32> to vector<16xf32>
        %mul3A_809 = arith.mulf %broadcast_in_dim3A_804, %get3A_808 : vector<16xf32>
        %swap3A_810 = arith.index_cast %add3A_801 : i32 to index
        %swap3A_811 = arith.constant 0 : index
        %swap3A_812 = tpu.vector_load %arg16[%swap3A_810, %swap3A_811] {strides = array<i32>} : memref<128x64xf32, #tpu.memory_space<vmem>>, vector<1x16xf32>,
        %swap3A_813 = vector.shape_cast %swap3A_812 : vector<1x16xf32> to vector<16xf32>
        %swap3A_814 = vector.shape_cast %mul3A_809 : vector<16xf32> to vector<1x16xf32>
        tpu.vector_store %arg16[%swap3A_810, %swap3A_811], %swap3A_814 {strides = array<i32>} : memref<128x64xf32, #tpu.memory_space<vmem>>, vector<1x16xf32>,
        %get3A_815 = arith.index_cast %add3A_801 : i32 to index
        %get3A_816 = arith.constant 16 : index
        %get3A_817 = tpu.vector_load %arg16[%get3A_815, %get3A_816] {strides = array<i32>} : memref<128x64xf32, #tpu.memory_space<vmem>>, vector<1x16xf32>,
        %get3A_818 = vector.shape_cast %get3A_817 : vector<1x16xf32> to vector<16xf32>
        %mul3A_819 = arith.mulf %broadcast_in_dim3A_804, %get3A_818 : vector<16xf32>
        %swap3A_820 = arith.index_cast %add3A_801 : i32 to index
        %swap3A_821 = arith.constant 16 : index
        %swap3A_822 = tpu.vector_load %arg16[%swap3A_820, %swap3A_821] {strides = array<i32>} : memref<128x64xf32, #tpu.memory_space<vmem>>, vector<1x16xf32>,
        %swap3A_823 = vector.shape_cast %swap3A_822 : vector<1x16xf32> to vector<16xf32>
        %swap3A_824 = vector.shape_cast %mul3A_819 : vector<16xf32> to vector<1x16xf32>
        tpu.vector_store %arg16[%swap3A_820, %swap3A_821], %swap3A_824 {strides = array<i32>} : memref<128x64xf32, #tpu.memory_space<vmem>>, vector<1x16xf32>,
        %get3A_825 = arith.index_cast %add3A_801 : i32 to index
        %get3A_826 = arith.constant 32 : index
        %get3A_827 = tpu.vector_load %arg16[%get3A_825, %get3A_826] {strides = array<i32>} : memref<128x64xf32, #tpu.memory_space<vmem>>, vector<1x16xf32>,
        %get3A_828 = vector.shape_cast %get3A_827 : vector<1x16xf32> to vector<16xf32>
        %mul3A_829 = arith.mulf %broadcast_in_dim3A_804, %get3A_828 : vector<16xf32>
        %swap3A_830 = arith.index_cast %add3A_801 : i32 to index
        %swap3A_831 = arith.constant 32 : index
        %swap3A_832 = tpu.vector_load %arg16[%swap3A_830, %swap3A_831] {strides = array<i32>} : memref<128x64xf32, #tpu.memory_space<vmem>>, vector<1x16xf32>,
        %swap3A_833 = vector.shape_cast %swap3A_832 : vector<1x16xf32> to vector<16xf32>
        %swap3A_834 = vector.shape_cast %mul3A_829 : vector<16xf32> to vector<1x16xf32>
        tpu.vector_store %arg16[%swap3A_830, %swap3A_831], %swap3A_834 {strides = array<i32>} : memref<128x64xf32, #tpu.memory_space<vmem>>, vector<1x16xf32>,
        %get3A_835 = arith.index_cast %add3A_801 : i32 to index
        %get3A_836 = arith.constant 48 : index
        %get3A_837 = tpu.vector_load %arg16[%get3A_835, %get3A_836] {strides = array<i32>} : memref<128x64xf32, #tpu.memory_space<vmem>>, vector<1x16xf32>,
        %get3A_838 = vector.shape_cast %get3A_837 : vector<1x16xf32> to vector<16xf32>
        %mul3A_839 = arith.mulf %broadcast_in_dim3A_804, %get3A_838 : vector<16xf32>
        %swap3A_840 = arith.index_cast %add3A_801 : i32 to index
        %swap3A_841 = arith.constant 48 : index
        %swap3A_842 = tpu.vector_load %arg16[%swap3A_840, %swap3A_841] {strides = array<i32>} : memref<128x64xf32, #tpu.memory_space<vmem>>, vector<1x16xf32>,
        %swap3A_843 = vector.shape_cast %swap3A_842 : vector<1x16xf32> to vector<16xf32>
        %swap3A_844 = vector.shape_cast %mul3A_839 : vector<16xf32> to vector<1x16xf32>
        tpu.vector_store %arg16[%swap3A_840, %swap3A_841], %swap3A_844 {strides = array<i32>} : memref<128x64xf32, #tpu.memory_space<vmem>>, vector<1x16xf32>,
        %mul3A_845 = arith.constant 16 : i32
        %mul3A_846 = arith.muli %scan3A_231, %mul3A_845 : i32
        %add3A_847 = arith.constant 13 : i32
        %add3A_848 = arith.addi %mul3A_846, %add3A_847 : i32
        %slice3A_849 = vector.extract_strided_slice %abs3A {offsets = [13], sizes = [1], strides = [1]} : vector<16xf32> to vector<1xf32>
        %squeeze3A_850 = vector.extract %slice3A_849[0] : f32 from vector<1xf32>
        %broadcast_in_dim3A_851 = vector.broadcast %squeeze3A_850 : f32 to vector<16xf32>
        %get3A_852 = arith.index_cast %add3A_848 : i32 to index
        %get3A_853 = arith.constant 0 : index
        %get3A_854 = tpu.vector_load %arg16[%get3A_852, %get3A_853] {strides = array<i32>} : memref<128x64xf32, #tpu.memory_space<vmem>>, vector<1x16xf32>,
        %get3A_855 = vector.shape_cast %get3A_854 : vector<1x16xf32> to vector<16xf32>
        %mul3A_856 = arith.mulf %broadcast_in_dim3A_851, %get3A_855 : vector<16xf32>
        %swap3A_857 = arith.index_cast %add3A_848 : i32 to index
        %swap3A_858 = arith.constant 0 : index
        %swap3A_859 = tpu.vector_load %arg16[%swap3A_857, %swap3A_858] {strides = array<i32>} : memref<128x64xf32, #tpu.memory_space<vmem>>, vector<1x16xf32>,
        %swap3A_860 = vector.shape_cast %swap3A_859 : vector<1x16xf32> to vector<16xf32>
        %swap3A_861 = vector.shape_cast %mul3A_856 : vector<16xf32> to vector<1x16xf32>
        tpu.vector_store %arg16[%swap3A_857, %swap3A_858], %swap3A_861 {strides = array<i32>} : memref<128x64xf32, #tpu.memory_space<vmem>>, vector<1x16xf32>,
        %get3A_862 = arith.index_cast %add3A_848 : i32 to index
        %get3A_863 = arith.constant 16 : index
        %get3A_864 = tpu.vector_load %arg16[%get3A_862, %get3A_863] {strides = array<i32>} : memref<128x64xf32, #tpu.memory_space<vmem>>, vector<1x16xf32>,
        %get3A_865 = vector.shape_cast %get3A_864 : vector<1x16xf32> to vector<16xf32>
        %mul3A_866 = arith.mulf %broadcast_in_dim3A_851, %get3A_865 : vector<16xf32>
        %swap3A_867 = arith.index_cast %add3A_848 : i32 to index
        %swap3A_868 = arith.constant 16 : index
        %swap3A_869 = tpu.vector_load %arg16[%swap3A_867, %swap3A_868] {strides = array<i32>} : memref<128x64xf32, #tpu.memory_space<vmem>>, vector<1x16xf32>,
        %swap3A_870 = vector.shape_cast %swap3A_869 : vector<1x16xf32> to vector<16xf32>
        %swap3A_871 = vector.shape_cast %mul3A_866 : vector<16xf32> to vector<1x16xf32>
        tpu.vector_store %arg16[%swap3A_867, %swap3A_868], %swap3A_871 {strides = array<i32>} : memref<128x64xf32, #tpu.memory_space<vmem>>, vector<1x16xf32>,
        %get3A_872 = arith.index_cast %add3A_848 : i32 to index
        %get3A_873 = arith.constant 32 : index
        %get3A_874 = tpu.vector_load %arg16[%get3A_872, %get3A_873] {strides = array<i32>} : memref<128x64xf32, #tpu.memory_space<vmem>>, vector<1x16xf32>,
        %get3A_875 = vector.shape_cast %get3A_874 : vector<1x16xf32> to vector<16xf32>
        %mul3A_876 = arith.mulf %broadcast_in_dim3A_851, %get3A_875 : vector<16xf32>
        %swap3A_877 = arith.index_cast %add3A_848 : i32 to index
        %swap3A_878 = arith.constant 32 : index
        %swap3A_879 = tpu.vector_load %arg16[%swap3A_877, %swap3A_878] {strides = array<i32>} : memref<128x64xf32, #tpu.memory_space<vmem>>, vector<1x16xf32>,
        %swap3A_880 = vector.shape_cast %swap3A_879 : vector<1x16xf32> to vector<16xf32>
        %swap3A_881 = vector.shape_cast %mul3A_876 : vector<16xf32> to vector<1x16xf32>
        tpu.vector_store %arg16[%swap3A_877, %swap3A_878], %swap3A_881 {strides = array<i32>} : memref<128x64xf32, #tpu.memory_space<vmem>>, vector<1x16xf32>,
        %get3A_882 = arith.index_cast %add3A_848 : i32 to index
        %get3A_883 = arith.constant 48 : index
        %get3A_884 = tpu.vector_load %arg16[%get3A_882, %get3A_883] {strides = array<i32>} : memref<128x64xf32, #tpu.memory_space<vmem>>, vector<1x16xf32>,
        %get3A_885 = vector.shape_cast %get3A_884 : vector<1x16xf32> to vector<16xf32>
        %mul3A_886 = arith.mulf %broadcast_in_dim3A_851, %get3A_885 : vector<16xf32>
        %swap3A_887 = arith.index_cast %add3A_848 : i32 to index
        %swap3A_888 = arith.constant 48 : index
        %swap3A_889 = tpu.vector_load %arg16[%swap3A_887, %swap3A_888] {strides = array<i32>} : memref<128x64xf32, #tpu.memory_space<vmem>>, vector<1x16xf32>,
        %swap3A_890 = vector.shape_cast %swap3A_889 : vector<1x16xf32> to vector<16xf32>
        %swap3A_891 = vector.shape_cast %mul3A_886 : vector<16xf32> to vector<1x16xf32>
        tpu.vector_store %arg16[%swap3A_887, %swap3A_888], %swap3A_891 {strides = array<i32>} : memref<128x64xf32, #tpu.memory_space<vmem>>, vector<1x16xf32>,
        %mul3A_892 = arith.constant 16 : i32
        %mul3A_893 = arith.muli %scan3A_231, %mul3A_892 : i32
        %add3A_894 = arith.constant 14 : i32
        %add3A_895 = arith.addi %mul3A_893, %add3A_894 : i32
        %slice3A_896 = vector.extract_strided_slice %abs3A {offsets = [14], sizes = [1], strides = [1]} : vector<16xf32> to vector<1xf32>
        %squeeze3A_897 = vector.extract %slice3A_896[0] : f32 from vector<1xf32>
        %broadcast_in_dim3A_898 = vector.broadcast %squeeze3A_897 : f32 to vector<16xf32>
        %get3A_899 = arith.index_cast %add3A_895 : i32 to index
        %get3A_900 = arith.constant 0 : index
        %get3A_901 = tpu.vector_load %arg16[%get3A_899, %get3A_900] {strides = array<i32>} : memref<128x64xf32, #tpu.memory_space<vmem>>, vector<1x16xf32>,
        %get3A_902 = vector.shape_cast %get3A_901 : vector<1x16xf32> to vector<16xf32>
        %mul3A_903 = arith.mulf %broadcast_in_dim3A_898, %get3A_902 : vector<16xf32>
        %swap3A_904 = arith.index_cast %add3A_895 : i32 to index
        %swap3A_905 = arith.constant 0 : index
        %swap3A_906 = tpu.vector_load %arg16[%swap3A_904, %swap3A_905] {strides = array<i32>} : memref<128x64xf32, #tpu.memory_space<vmem>>, vector<1x16xf32>,
        %swap3A_907 = vector.shape_cast %swap3A_906 : vector<1x16xf32> to vector<16xf32>
        %swap3A_908 = vector.shape_cast %mul3A_903 : vector<16xf32> to vector<1x16xf32>
        tpu.vector_store %arg16[%swap3A_904, %swap3A_905], %swap3A_908 {strides = array<i32>} : memref<128x64xf32, #tpu.memory_space<vmem>>, vector<1x16xf32>,
        %get3A_909 = arith.index_cast %add3A_895 : i32 to index
        %get3A_910 = arith.constant 16 : index
        %get3A_911 = tpu.vector_load %arg16[%get3A_909, %get3A_910] {strides = array<i32>} : memref<128x64xf32, #tpu.memory_space<vmem>>, vector<1x16xf32>,
        %get3A_912 = vector.shape_cast %get3A_911 : vector<1x16xf32> to vector<16xf32>
        %mul3A_913 = arith.mulf %broadcast_in_dim3A_898, %get3A_912 : vector<16xf32>
        %swap3A_914 = arith.index_cast %add3A_895 : i32 to index
        %swap3A_915 = arith.constant 16 : index
        %swap3A_916 = tpu.vector_load %arg16[%swap3A_914, %swap3A_915] {strides = array<i32>} : memref<128x64xf32, #tpu.memory_space<vmem>>, vector<1x16xf32>,
        %swap3A_917 = vector.shape_cast %swap3A_916 : vector<1x16xf32> to vector<16xf32>
        %swap3A_918 = vector.shape_cast %mul3A_913 : vector<16xf32> to vector<1x16xf32>
        tpu.vector_store %arg16[%swap3A_914, %swap3A_915], %swap3A_918 {strides = array<i32>} : memref<128x64xf32, #tpu.memory_space<vmem>>, vector<1x16xf32>,
        %get3A_919 = arith.index_cast %add3A_895 : i32 to index
        %get3A_920 = arith.constant 32 : index
        %get3A_921 = tpu.vector_load %arg16[%get3A_919, %get3A_920] {strides = array<i32>} : memref<128x64xf32, #tpu.memory_space<vmem>>, vector<1x16xf32>,
        %get3A_922 = vector.shape_cast %get3A_921 : vector<1x16xf32> to vector<16xf32>
        %mul3A_923 = arith.mulf %broadcast_in_dim3A_898, %get3A_922 : vector<16xf32>
        %swap3A_924 = arith.index_cast %add3A_895 : i32 to index
        %swap3A_925 = arith.constant 32 : index
        %swap3A_926 = tpu.vector_load %arg16[%swap3A_924, %swap3A_925] {strides = array<i32>} : memref<128x64xf32, #tpu.memory_space<vmem>>, vector<1x16xf32>,
        %swap3A_927 = vector.shape_cast %swap3A_926 : vector<1x16xf32> to vector<16xf32>
        %swap3A_928 = vector.shape_cast %mul3A_923 : vector<16xf32> to vector<1x16xf32>
        tpu.vector_store %arg16[%swap3A_924, %swap3A_925], %swap3A_928 {strides = array<i32>} : memref<128x64xf32, #tpu.memory_space<vmem>>, vector<1x16xf32>,
        %get3A_929 = arith.index_cast %add3A_895 : i32 to index
        %get3A_930 = arith.constant 48 : index
        %get3A_931 = tpu.vector_load %arg16[%get3A_929, %get3A_930] {strides = array<i32>} : memref<128x64xf32, #tpu.memory_space<vmem>>, vector<1x16xf32>,
        %get3A_932 = vector.shape_cast %get3A_931 : vector<1x16xf32> to vector<16xf32>
        %mul3A_933 = arith.mulf %broadcast_in_dim3A_898, %get3A_932 : vector<16xf32>
        %swap3A_934 = arith.index_cast %add3A_895 : i32 to index
        %swap3A_935 = arith.constant 48 : index
        %swap3A_936 = tpu.vector_load %arg16[%swap3A_934, %swap3A_935] {strides = array<i32>} : memref<128x64xf32, #tpu.memory_space<vmem>>, vector<1x16xf32>,
        %swap3A_937 = vector.shape_cast %swap3A_936 : vector<1x16xf32> to vector<16xf32>
        %swap3A_938 = vector.shape_cast %mul3A_933 : vector<16xf32> to vector<1x16xf32>
        tpu.vector_store %arg16[%swap3A_934, %swap3A_935], %swap3A_938 {strides = array<i32>} : memref<128x64xf32, #tpu.memory_space<vmem>>, vector<1x16xf32>,
        %mul3A_939 = arith.constant 16 : i32
        %mul3A_940 = arith.muli %scan3A_231, %mul3A_939 : i32
        %add3A_941 = arith.constant 15 : i32
        %add3A_942 = arith.addi %mul3A_940, %add3A_941 : i32
        %slice3A_943 = vector.extract_strided_slice %abs3A {offsets = [15], sizes = [1], strides = [1]} : vector<16xf32> to vector<1xf32>
        %squeeze3A_944 = vector.extract %slice3A_943[0] : f32 from vector<1xf32>
        %broadcast_in_dim3A_945 = vector.broadcast %squeeze3A_944 : f32 to vector<16xf32>
        %get3A_946 = arith.index_cast %add3A_942 : i32 to index
        %get3A_947 = arith.constant 0 : index
        %get3A_948 = tpu.vector_load %arg16[%get3A_946, %get3A_947] {strides = array<i32>} : memref<128x64xf32, #tpu.memory_space<vmem>>, vector<1x16xf32>,
        %get3A_949 = vector.shape_cast %get3A_948 : vector<1x16xf32> to vector<16xf32>
        %mul3A_950 = arith.mulf %broadcast_in_dim3A_945, %get3A_949 : vector<16xf32>
        %swap3A_951 = arith.index_cast %add3A_942 : i32 to index
        %swap3A_952 = arith.constant 0 : index
        %swap3A_953 = tpu.vector_load %arg16[%swap3A_951, %swap3A_952] {strides = array<i32>} : memref<128x64xf32, #tpu.memory_space<vmem>>, vector<1x16xf32>,
        %swap3A_954 = vector.shape_cast %swap3A_953 : vector<1x16xf32> to vector<16xf32>
        %swap3A_955 = vector.shape_cast %mul3A_950 : vector<16xf32> to vector<1x16xf32>
        tpu.vector_store %arg16[%swap3A_951, %swap3A_952], %swap3A_955 {strides = array<i32>} : memref<128x64xf32, #tpu.memory_space<vmem>>, vector<1x16xf32>,
        %get3A_956 = arith.index_cast %add3A_942 : i32 to index
        %get3A_957 = arith.constant 16 : index
        %get3A_958 = tpu.vector_load %arg16[%get3A_956, %get3A_957] {strides = array<i32>} : memref<128x64xf32, #tpu.memory_space<vmem>>, vector<1x16xf32>,
        %get3A_959 = vector.shape_cast %get3A_958 : vector<1x16xf32> to vector<16xf32>
        %mul3A_960 = arith.mulf %broadcast_in_dim3A_945, %get3A_959 : vector<16xf32>
        %swap3A_961 = arith.index_cast %add3A_942 : i32 to index
        %swap3A_962 = arith.constant 16 : index
        %swap3A_963 = tpu.vector_load %arg16[%swap3A_961, %swap3A_962] {strides = array<i32>} : memref<128x64xf32, #tpu.memory_space<vmem>>, vector<1x16xf32>,
        %swap3A_964 = vector.shape_cast %swap3A_963 : vector<1x16xf32> to vector<16xf32>
        %swap3A_965 = vector.shape_cast %mul3A_960 : vector<16xf32> to vector<1x16xf32>
        tpu.vector_store %arg16[%swap3A_961, %swap3A_962], %swap3A_965 {strides = array<i32>} : memref<128x64xf32, #tpu.memory_space<vmem>>, vector<1x16xf32>,
        %get3A_966 = arith.index_cast %add3A_942 : i32 to index
        %get3A_967 = arith.constant 32 : index
        %get3A_968 = tpu.vector_load %arg16[%get3A_966, %get3A_967] {strides = array<i32>} : memref<128x64xf32, #tpu.memory_space<vmem>>, vector<1x16xf32>,
        %get3A_969 = vector.shape_cast %get3A_968 : vector<1x16xf32> to vector<16xf32>
        %mul3A_970 = arith.mulf %broadcast_in_dim3A_945, %get3A_969 : vector<16xf32>
        %swap3A_971 = arith.index_cast %add3A_942 : i32 to index
        %swap3A_972 = arith.constant 32 : index
        %swap3A_973 = tpu.vector_load %arg16[%swap3A_971, %swap3A_972] {strides = array<i32>} : memref<128x64xf32, #tpu.memory_space<vmem>>, vector<1x16xf32>,
        %swap3A_974 = vector.shape_cast %swap3A_973 : vector<1x16xf32> to vector<16xf32>
        %swap3A_975 = vector.shape_cast %mul3A_970 : vector<16xf32> to vector<1x16xf32>
        tpu.vector_store %arg16[%swap3A_971, %swap3A_972], %swap3A_975 {strides = array<i32>} : memref<128x64xf32, #tpu.memory_space<vmem>>, vector<1x16xf32>,
        %get3A_976 = arith.index_cast %add3A_942 : i32 to index
        %get3A_977 = arith.constant 48 : index
        %get3A_978 = tpu.vector_load %arg16[%get3A_976, %get3A_977] {strides = array<i32>} : memref<128x64xf32, #tpu.memory_space<vmem>>, vector<1x16xf32>,
        %get3A_979 = vector.shape_cast %get3A_978 : vector<1x16xf32> to vector<16xf32>
        %mul3A_980 = arith.mulf %broadcast_in_dim3A_945, %get3A_979 : vector<16xf32>
        %swap3A_981 = arith.index_cast %add3A_942 : i32 to index
        %swap3A_982 = arith.constant 48 : index
        %swap3A_983 = tpu.vector_load %arg16[%swap3A_981, %swap3A_982] {strides = array<i32>} : memref<128x64xf32, #tpu.memory_space<vmem>>, vector<1x16xf32>,
        %swap3A_984 = vector.shape_cast %swap3A_983 : vector<1x16xf32> to vector<16xf32>
        %swap3A_985 = vector.shape_cast %mul3A_980 : vector<16xf32> to vector<1x16xf32>
        tpu.vector_store %arg16[%swap3A_981, %swap3A_982], %swap3A_985 {strides = array<i32>} : memref<128x64xf32, #tpu.memory_space<vmem>>, vector<1x16xf32>,
        %scan3A_986 = arith.constant 0 : i32
        scf.yield %scan3A_986 : i32
      }
      %scan3A_204 = arith.constant 4 : i32
      %dma_start3A_205 = arith.constant 0 : i32
      %dma_start3A_206 = arith.constant 0 : i32
      %dma_start3A_207 = tpu.memref_slice %arg16[%dma_start3A_205, %dma_start3A_206] : memref<128x64xf32, #tpu.memory_space<vmem>> -> memref<64x64xf32, #tpu.memory_space<vmem>>
      %dma_start3A_208 = arith.constant 0 : i32
      %dma_start3A_209 = arith.constant 0 : i32
      %dma_start3A_210 = tpu.memref_slice %arg19[%dma_start3A_208, %dma_start3A_209] : memref<20000x64xf32, #tpu.memory_space<vmem_shared>> -> memref<20000x64xf32, #tpu.memory_space<vmem_shared>>
      tpu.enqueue_indirect_dma source(%dma_start3A_207 : memref<64x64xf32, #tpu.memory_space<vmem>>) target(%dma_start3A_210 : memref<20000x64xf32, #tpu.memory_space<vmem_shared>>) offsets(%arg14 : memref<64xi32, #tpu.memory_space<vmem>>) semaphore(%arg27 : memref<!tpu.dma_semaphore, #tpu.memory_space<semaphore_mem>>) {add = true}
      %dma_wait3A_211 = arith.constant 64 : i32
      %dma_wait3A_212 = arith.constant 0 : i32
      %dma_wait3A_213 = tpu.memref_slice %arg16[%dma_wait3A_211, %dma_wait3A_212] : memref<128x64xf32, #tpu.memory_space<vmem>> -> memref<64x64xf32, #tpu.memory_space<vmem>>
      %dma_wait3A_214 = arith.constant 0 : i32
      %dma_wait3A_215 = arith.constant 0 : i32
      %dma_wait3A_216 = tpu.memref_slice %arg18[%dma_wait3A_214, %dma_wait3A_215] : memref<10000x64xf32, #tpu.memory_space<vmem_shared>> -> memref<10000x64xf32, #tpu.memory_space<vmem_shared>>
      tpu.wait_indirect_dma semaphore(%arg24 : memref<!tpu.dma_semaphore, #tpu.memory_space<semaphore_mem>>) src(%dma_wait3A_213 : memref<64x64xf32, #tpu.memory_space<vmem>>) dst(%dma_wait3A_216 : memref<10000x64xf32, #tpu.memory_space<vmem_shared>>)
      %scan3A_217 = arith.constant 0 : i32
      %scan3A_218 = arith.constant 4 : i32
      %scan3A_219 = arith.constant 4 : i32
      %scan3A_220 = arith.addi %scan3A_218, %scan3A_219 : i32
      %scan3A_221 = arith.constant 1 : i32
      %scan3A_222 = scf.for %scan3A_231 = %scan3A_218 to %scan3A_220 step %scan3A_221 iter_args(%scan3A_232 = %scan3A_217) -> (i32)  : i32 {
        %mul3A_233 = arith.constant 16 : i32
        %mul3A_234 = arith.muli %scan3A_231, %mul3A_233 : i32
        %get3A = arith.index_cast %mul3A_234 : i32 to index
        %get3A_235 = tpu.vector_load %arg11[%get3A] {strides = array<i32>} : memref<128xf32, #tpu.memory_space<vmem>>, vector<16xf32>,
        %get3A_236 = vector.shape_cast %get3A_235 : vector<16xf32> to vector<16xf32>
        %abs3A = math.absf %get3A_236 : vector<16xf32>
        %mul3A_237 = arith.constant 16 : i32
        %mul3A_238 = arith.muli %scan3A_231, %mul3A_237 : i32
        %add3A_239 = arith.constant 0 : i32
        %add3A_240 = arith.addi %mul3A_238, %add3A_239 : i32
        %slice3A = vector.extract_strided_slice %abs3A {offsets = [0], sizes = [1], strides = [1]} : vector<16xf32> to vector<1xf32>
        %squeeze3A = vector.extract %slice3A[0] : f32 from vector<1xf32>
        %broadcast_in_dim3A_241 = vector.broadcast %squeeze3A : f32 to vector<16xf32>
        %get3A_242 = arith.index_cast %add3A_240 : i32 to index
        %get3A_243 = arith.constant 0 : index
        %get3A_244 = tpu.vector_load %arg16[%get3A_242, %get3A_243] {strides = array<i32>} : memref<128x64xf32, #tpu.memory_space<vmem>>, vector<1x16xf32>,
        %get3A_245 = vector.shape_cast %get3A_244 : vector<1x16xf32> to vector<16xf32>
        %mul3A_246 = arith.mulf %broadcast_in_dim3A_241, %get3A_245 : vector<16xf32>
        %swap3A = arith.index_cast %add3A_240 : i32 to index
        %swap3A_247 = arith.constant 0 : index
        %swap3A_248 = tpu.vector_load %arg16[%swap3A, %swap3A_247] {strides = array<i32>} : memref<128x64xf32, #tpu.memory_space<vmem>>, vector<1x16xf32>,
        %swap3A_249 = vector.shape_cast %swap3A_248 : vector<1x16xf32> to vector<16xf32>
        %swap3A_250 = vector.shape_cast %mul3A_246 : vector<16xf32> to vector<1x16xf32>
        tpu.vector_store %arg16[%swap3A, %swap3A_247], %swap3A_250 {strides = array<i32>} : memref<128x64xf32, #tpu.memory_space<vmem>>, vector<1x16xf32>,
        %get3A_251 = arith.index_cast %add3A_240 : i32 to index
        %get3A_252 = arith.constant 16 : index
        %get3A_253 = tpu.vector_load %arg16[%get3A_251, %get3A_252] {strides = array<i32>} : memref<128x64xf32, #tpu.memory_space<vmem>>, vector<1x16xf32>,
        %get3A_254 = vector.shape_cast %get3A_253 : vector<1x16xf32> to vector<16xf32>
        %mul3A_255 = arith.mulf %broadcast_in_dim3A_241, %get3A_254 : vector<16xf32>
        %swap3A_256 = arith.index_cast %add3A_240 : i32 to index
        %swap3A_257 = arith.constant 16 : index
        %swap3A_258 = tpu.vector_load %arg16[%swap3A_256, %swap3A_257] {strides = array<i32>} : memref<128x64xf32, #tpu.memory_space<vmem>>, vector<1x16xf32>,
        %swap3A_259 = vector.shape_cast %swap3A_258 : vector<1x16xf32> to vector<16xf32>
        %swap3A_260 = vector.shape_cast %mul3A_255 : vector<16xf32> to vector<1x16xf32>
        tpu.vector_store %arg16[%swap3A_256, %swap3A_257], %swap3A_260 {strides = array<i32>} : memref<128x64xf32, #tpu.memory_space<vmem>>, vector<1x16xf32>,
        %get3A_261 = arith.index_cast %add3A_240 : i32 to index
        %get3A_262 = arith.constant 32 : index
        %get3A_263 = tpu.vector_load %arg16[%get3A_261, %get3A_262] {strides = array<i32>} : memref<128x64xf32, #tpu.memory_space<vmem>>, vector<1x16xf32>,
        %get3A_264 = vector.shape_cast %get3A_263 : vector<1x16xf32> to vector<16xf32>
        %mul3A_265 = arith.mulf %broadcast_in_dim3A_241, %get3A_264 : vector<16xf32>
        %swap3A_266 = arith.index_cast %add3A_240 : i32 to index
        %swap3A_267 = arith.constant 32 : index
        %swap3A_268 = tpu.vector_load %arg16[%swap3A_266, %swap3A_267] {strides = array<i32>} : memref<128x64xf32, #tpu.memory_space<vmem>>, vector<1x16xf32>,
        %swap3A_269 = vector.shape_cast %swap3A_268 : vector<1x16xf32> to vector<16xf32>
        %swap3A_270 = vector.shape_cast %mul3A_265 : vector<16xf32> to vector<1x16xf32>
        tpu.vector_store %arg16[%swap3A_266, %swap3A_267], %swap3A_270 {strides = array<i32>} : memref<128x64xf32, #tpu.memory_space<vmem>>, vector<1x16xf32>,
        %get3A_271 = arith.index_cast %add3A_240 : i32 to index
        %get3A_272 = arith.constant 48 : index
        %get3A_273 = tpu.vector_load %arg16[%get3A_271, %get3A_272] {strides = array<i32>} : memref<128x64xf32, #tpu.memory_space<vmem>>, vector<1x16xf32>,
        %get3A_274 = vector.shape_cast %get3A_273 : vector<1x16xf32> to vector<16xf32>
        %mul3A_275 = arith.mulf %broadcast_in_dim3A_241, %get3A_274 : vector<16xf32>
        %swap3A_276 = arith.index_cast %add3A_240 : i32 to index
        %swap3A_277 = arith.constant 48 : index
        %swap3A_278 = tpu.vector_load %arg16[%swap3A_276, %swap3A_277] {strides = array<i32>} : memref<128x64xf32, #tpu.memory_space<vmem>>, vector<1x16xf32>,
        %swap3A_279 = vector.shape_cast %swap3A_278 : vector<1x16xf32> to vector<16xf32>
        %swap3A_280 = vector.shape_cast %mul3A_275 : vector<16xf32> to vector<1x16xf32>
        tpu.vector_store %arg16[%swap3A_276, %swap3A_277], %swap3A_280 {strides = array<i32>} : memref<128x64xf32, #tpu.memory_space<vmem>>, vector<1x16xf32>,
        %mul3A_281 = arith.constant 16 : i32
        %mul3A_282 = arith.muli %scan3A_231, %mul3A_281 : i32
        %add3A_283 = arith.constant 1 : i32
        %add3A_284 = arith.addi %mul3A_282, %add3A_283 : i32
        %slice3A_285 = vector.extract_strided_slice %abs3A {offsets = [1], sizes = [1], strides = [1]} : vector<16xf32> to vector<1xf32>
        %squeeze3A_286 = vector.extract %slice3A_285[0] : f32 from vector<1xf32>
        %broadcast_in_dim3A_287 = vector.broadcast %squeeze3A_286 : f32 to vector<16xf32>
        %get3A_288 = arith.index_cast %add3A_284 : i32 to index
        %get3A_289 = arith.constant 0 : index
        %get3A_290 = tpu.vector_load %arg16[%get3A_288, %get3A_289] {strides = array<i32>} : memref<128x64xf32, #tpu.memory_space<vmem>>, vector<1x16xf32>,
        %get3A_291 = vector.shape_cast %get3A_290 : vector<1x16xf32> to vector<16xf32>
        %mul3A_292 = arith.mulf %broadcast_in_dim3A_287, %get3A_291 : vector<16xf32>
        %swap3A_293 = arith.index_cast %add3A_284 : i32 to index
        %swap3A_294 = arith.constant 0 : index
        %swap3A_295 = tpu.vector_load %arg16[%swap3A_293, %swap3A_294] {strides = array<i32>} : memref<128x64xf32, #tpu.memory_space<vmem>>, vector<1x16xf32>,
        %swap3A_296 = vector.shape_cast %swap3A_295 : vector<1x16xf32> to vector<16xf32>
        %swap3A_297 = vector.shape_cast %mul3A_292 : vector<16xf32> to vector<1x16xf32>
        tpu.vector_store %arg16[%swap3A_293, %swap3A_294], %swap3A_297 {strides = array<i32>} : memref<128x64xf32, #tpu.memory_space<vmem>>, vector<1x16xf32>,
        %get3A_298 = arith.index_cast %add3A_284 : i32 to index
        %get3A_299 = arith.constant 16 : index
        %get3A_300 = tpu.vector_load %arg16[%get3A_298, %get3A_299] {strides = array<i32>} : memref<128x64xf32, #tpu.memory_space<vmem>>, vector<1x16xf32>,
        %get3A_301 = vector.shape_cast %get3A_300 : vector<1x16xf32> to vector<16xf32>
        %mul3A_302 = arith.mulf %broadcast_in_dim3A_287, %get3A_301 : vector<16xf32>
        %swap3A_303 = arith.index_cast %add3A_284 : i32 to index
        %swap3A_304 = arith.constant 16 : index
        %swap3A_305 = tpu.vector_load %arg16[%swap3A_303, %swap3A_304] {strides = array<i32>} : memref<128x64xf32, #tpu.memory_space<vmem>>, vector<1x16xf32>,
        %swap3A_306 = vector.shape_cast %swap3A_305 : vector<1x16xf32> to vector<16xf32>
        %swap3A_307 = vector.shape_cast %mul3A_302 : vector<16xf32> to vector<1x16xf32>
        tpu.vector_store %arg16[%swap3A_303, %swap3A_304], %swap3A_307 {strides = array<i32>} : memref<128x64xf32, #tpu.memory_space<vmem>>, vector<1x16xf32>,
        %get3A_308 = arith.index_cast %add3A_284 : i32 to index
        %get3A_309 = arith.constant 32 : index
        %get3A_310 = tpu.vector_load %arg16[%get3A_308, %get3A_309] {strides = array<i32>} : memref<128x64xf32, #tpu.memory_space<vmem>>, vector<1x16xf32>,
        %get3A_311 = vector.shape_cast %get3A_310 : vector<1x16xf32> to vector<16xf32>
        %mul3A_312 = arith.mulf %broadcast_in_dim3A_287, %get3A_311 : vector<16xf32>
        %swap3A_313 = arith.index_cast %add3A_284 : i32 to index
        %swap3A_314 = arith.constant 32 : index
        %swap3A_315 = tpu.vector_load %arg16[%swap3A_313, %swap3A_314] {strides = array<i32>} : memref<128x64xf32, #tpu.memory_space<vmem>>, vector<1x16xf32>,
        %swap3A_316 = vector.shape_cast %swap3A_315 : vector<1x16xf32> to vector<16xf32>
        %swap3A_317 = vector.shape_cast %mul3A_312 : vector<16xf32> to vector<1x16xf32>
        tpu.vector_store %arg16[%swap3A_313, %swap3A_314], %swap3A_317 {strides = array<i32>} : memref<128x64xf32, #tpu.memory_space<vmem>>, vector<1x16xf32>,
        %get3A_318 = arith.index_cast %add3A_284 : i32 to index
        %get3A_319 = arith.constant 48 : index
        %get3A_320 = tpu.vector_load %arg16[%get3A_318, %get3A_319] {strides = array<i32>} : memref<128x64xf32, #tpu.memory_space<vmem>>, vector<1x16xf32>,
        %get3A_321 = vector.shape_cast %get3A_320 : vector<1x16xf32> to vector<16xf32>
        %mul3A_322 = arith.mulf %broadcast_in_dim3A_287, %get3A_321 : vector<16xf32>
        %swap3A_323 = arith.index_cast %add3A_284 : i32 to index
        %swap3A_324 = arith.constant 48 : index
        %swap3A_325 = tpu.vector_load %arg16[%swap3A_323, %swap3A_324] {strides = array<i32>} : memref<128x64xf32, #tpu.memory_space<vmem>>, vector<1x16xf32>,
        %swap3A_326 = vector.shape_cast %swap3A_325 : vector<1x16xf32> to vector<16xf32>
        %swap3A_327 = vector.shape_cast %mul3A_322 : vector<16xf32> to vector<1x16xf32>
        tpu.vector_store %arg16[%swap3A_323, %swap3A_324], %swap3A_327 {strides = array<i32>} : memref<128x64xf32, #tpu.memory_space<vmem>>, vector<1x16xf32>,
        %mul3A_328 = arith.constant 16 : i32
        %mul3A_329 = arith.muli %scan3A_231, %mul3A_328 : i32
        %add3A_330 = arith.constant 2 : i32
        %add3A_331 = arith.addi %mul3A_329, %add3A_330 : i32
        %slice3A_332 = vector.extract_strided_slice %abs3A {offsets = [2], sizes = [1], strides = [1]} : vector<16xf32> to vector<1xf32>
        %squeeze3A_333 = vector.extract %slice3A_332[0] : f32 from vector<1xf32>
        %broadcast_in_dim3A_334 = vector.broadcast %squeeze3A_333 : f32 to vector<16xf32>
        %get3A_335 = arith.index_cast %add3A_331 : i32 to index
        %get3A_336 = arith.constant 0 : index
        %get3A_337 = tpu.vector_load %arg16[%get3A_335, %get3A_336] {strides = array<i32>} : memref<128x64xf32, #tpu.memory_space<vmem>>, vector<1x16xf32>,
        %get3A_338 = vector.shape_cast %get3A_337 : vector<1x16xf32> to vector<16xf32>
        %mul3A_339 = arith.mulf %broadcast_in_dim3A_334, %get3A_338 : vector<16xf32>
        %swap3A_340 = arith.index_cast %add3A_331 : i32 to index
        %swap3A_341 = arith.constant 0 : index
        %swap3A_342 = tpu.vector_load %arg16[%swap3A_340, %swap3A_341] {strides = array<i32>} : memref<128x64xf32, #tpu.memory_space<vmem>>, vector<1x16xf32>,
        %swap3A_343 = vector.shape_cast %swap3A_342 : vector<1x16xf32> to vector<16xf32>
        %swap3A_344 = vector.shape_cast %mul3A_339 : vector<16xf32> to vector<1x16xf32>
        tpu.vector_store %arg16[%swap3A_340, %swap3A_341], %swap3A_344 {strides = array<i32>} : memref<128x64xf32, #tpu.memory_space<vmem>>, vector<1x16xf32>,
        %get3A_345 = arith.index_cast %add3A_331 : i32 to index
        %get3A_346 = arith.constant 16 : index
        %get3A_347 = tpu.vector_load %arg16[%get3A_345, %get3A_346] {strides = array<i32>} : memref<128x64xf32, #tpu.memory_space<vmem>>, vector<1x16xf32>,
        %get3A_348 = vector.shape_cast %get3A_347 : vector<1x16xf32> to vector<16xf32>
        %mul3A_349 = arith.mulf %broadcast_in_dim3A_334, %get3A_348 : vector<16xf32>
        %swap3A_350 = arith.index_cast %add3A_331 : i32 to index
        %swap3A_351 = arith.constant 16 : index
        %swap3A_352 = tpu.vector_load %arg16[%swap3A_350, %swap3A_351] {strides = array<i32>} : memref<128x64xf32, #tpu.memory_space<vmem>>, vector<1x16xf32>,
        %swap3A_353 = vector.shape_cast %swap3A_352 : vector<1x16xf32> to vector<16xf32>
        %swap3A_354 = vector.shape_cast %mul3A_349 : vector<16xf32> to vector<1x16xf32>
        tpu.vector_store %arg16[%swap3A_350, %swap3A_351], %swap3A_354 {strides = array<i32>} : memref<128x64xf32, #tpu.memory_space<vmem>>, vector<1x16xf32>,
        %get3A_355 = arith.index_cast %add3A_331 : i32 to index
        %get3A_356 = arith.constant 32 : index
        %get3A_357 = tpu.vector_load %arg16[%get3A_355, %get3A_356] {strides = array<i32>} : memref<128x64xf32, #tpu.memory_space<vmem>>, vector<1x16xf32>,
        %get3A_358 = vector.shape_cast %get3A_357 : vector<1x16xf32> to vector<16xf32>
        %mul3A_359 = arith.mulf %broadcast_in_dim3A_334, %get3A_358 : vector<16xf32>
        %swap3A_360 = arith.index_cast %add3A_331 : i32 to index
        %swap3A_361 = arith.constant 32 : index
        %swap3A_362 = tpu.vector_load %arg16[%swap3A_360, %swap3A_361] {strides = array<i32>} : memref<128x64xf32, #tpu.memory_space<vmem>>, vector<1x16xf32>,
        %swap3A_363 = vector.shape_cast %swap3A_362 : vector<1x16xf32> to vector<16xf32>
        %swap3A_364 = vector.shape_cast %mul3A_359 : vector<16xf32> to vector<1x16xf32>
        tpu.vector_store %arg16[%swap3A_360, %swap3A_361], %swap3A_364 {strides = array<i32>} : memref<128x64xf32, #tpu.memory_space<vmem>>, vector<1x16xf32>,
        %get3A_365 = arith.index_cast %add3A_331 : i32 to index
        %get3A_366 = arith.constant 48 : index
        %get3A_367 = tpu.vector_load %arg16[%get3A_365, %get3A_366] {strides = array<i32>} : memref<128x64xf32, #tpu.memory_space<vmem>>, vector<1x16xf32>,
        %get3A_368 = vector.shape_cast %get3A_367 : vector<1x16xf32> to vector<16xf32>
        %mul3A_369 = arith.mulf %broadcast_in_dim3A_334, %get3A_368 : vector<16xf32>
        %swap3A_370 = arith.index_cast %add3A_331 : i32 to index
        %swap3A_371 = arith.constant 48 : index
        %swap3A_372 = tpu.vector_load %arg16[%swap3A_370, %swap3A_371] {strides = array<i32>} : memref<128x64xf32, #tpu.memory_space<vmem>>, vector<1x16xf32>,
        %swap3A_373 = vector.shape_cast %swap3A_372 : vector<1x16xf32> to vector<16xf32>
        %swap3A_374 = vector.shape_cast %mul3A_369 : vector<16xf32> to vector<1x16xf32>
        tpu.vector_store %arg16[%swap3A_370, %swap3A_371], %swap3A_374 {strides = array<i32>} : memref<128x64xf32, #tpu.memory_space<vmem>>, vector<1x16xf32>,
        %mul3A_375 = arith.constant 16 : i32
        %mul3A_376 = arith.muli %scan3A_231, %mul3A_375 : i32
        %add3A_377 = arith.constant 3 : i32
        %add3A_378 = arith.addi %mul3A_376, %add3A_377 : i32
        %slice3A_379 = vector.extract_strided_slice %abs3A {offsets = [3], sizes = [1], strides = [1]} : vector<16xf32> to vector<1xf32>
        %squeeze3A_380 = vector.extract %slice3A_379[0] : f32 from vector<1xf32>
        %broadcast_in_dim3A_381 = vector.broadcast %squeeze3A_380 : f32 to vector<16xf32>
        %get3A_382 = arith.index_cast %add3A_378 : i32 to index
        %get3A_383 = arith.constant 0 : index
        %get3A_384 = tpu.vector_load %arg16[%get3A_382, %get3A_383] {strides = array<i32>} : memref<128x64xf32, #tpu.memory_space<vmem>>, vector<1x16xf32>,
        %get3A_385 = vector.shape_cast %get3A_384 : vector<1x16xf32> to vector<16xf32>
        %mul3A_386 = arith.mulf %broadcast_in_dim3A_381, %get3A_385 : vector<16xf32>
        %swap3A_387 = arith.index_cast %add3A_378 : i32 to index
        %swap3A_388 = arith.constant 0 : index
        %swap3A_389 = tpu.vector_load %arg16[%swap3A_387, %swap3A_388] {strides = array<i32>} : memref<128x64xf32, #tpu.memory_space<vmem>>, vector<1x16xf32>,
        %swap3A_390 = vector.shape_cast %swap3A_389 : vector<1x16xf32> to vector<16xf32>
        %swap3A_391 = vector.shape_cast %mul3A_386 : vector<16xf32> to vector<1x16xf32>
        tpu.vector_store %arg16[%swap3A_387, %swap3A_388], %swap3A_391 {strides = array<i32>} : memref<128x64xf32, #tpu.memory_space<vmem>>, vector<1x16xf32>,
        %get3A_392 = arith.index_cast %add3A_378 : i32 to index
        %get3A_393 = arith.constant 16 : index
        %get3A_394 = tpu.vector_load %arg16[%get3A_392, %get3A_393] {strides = array<i32>} : memref<128x64xf32, #tpu.memory_space<vmem>>, vector<1x16xf32>,
        %get3A_395 = vector.shape_cast %get3A_394 : vector<1x16xf32> to vector<16xf32>
        %mul3A_396 = arith.mulf %broadcast_in_dim3A_381, %get3A_395 : vector<16xf32>
        %swap3A_397 = arith.index_cast %add3A_378 : i32 to index
        %swap3A_398 = arith.constant 16 : index
        %swap3A_399 = tpu.vector_load %arg16[%swap3A_397, %swap3A_398] {strides = array<i32>} : memref<128x64xf32, #tpu.memory_space<vmem>>, vector<1x16xf32>,
        %swap3A_400 = vector.shape_cast %swap3A_399 : vector<1x16xf32> to vector<16xf32>
        %swap3A_401 = vector.shape_cast %mul3A_396 : vector<16xf32> to vector<1x16xf32>
        tpu.vector_store %arg16[%swap3A_397, %swap3A_398], %swap3A_401 {strides = array<i32>} : memref<128x64xf32, #tpu.memory_space<vmem>>, vector<1x16xf32>,
        %get3A_402 = arith.index_cast %add3A_378 : i32 to index
        %get3A_403 = arith.constant 32 : index
        %get3A_404 = tpu.vector_load %arg16[%get3A_402, %get3A_403] {strides = array<i32>} : memref<128x64xf32, #tpu.memory_space<vmem>>, vector<1x16xf32>,
        %get3A_405 = vector.shape_cast %get3A_404 : vector<1x16xf32> to vector<16xf32>
        %mul3A_406 = arith.mulf %broadcast_in_dim3A_381, %get3A_405 : vector<16xf32>
        %swap3A_407 = arith.index_cast %add3A_378 : i32 to index
        %swap3A_408 = arith.constant 32 : index
        %swap3A_409 = tpu.vector_load %arg16[%swap3A_407, %swap3A_408] {strides = array<i32>} : memref<128x64xf32, #tpu.memory_space<vmem>>, vector<1x16xf32>,
        %swap3A_410 = vector.shape_cast %swap3A_409 : vector<1x16xf32> to vector<16xf32>
        %swap3A_411 = vector.shape_cast %mul3A_406 : vector<16xf32> to vector<1x16xf32>
        tpu.vector_store %arg16[%swap3A_407, %swap3A_408], %swap3A_411 {strides = array<i32>} : memref<128x64xf32, #tpu.memory_space<vmem>>, vector<1x16xf32>,
        %get3A_412 = arith.index_cast %add3A_378 : i32 to index
        %get3A_413 = arith.constant 48 : index
        %get3A_414 = tpu.vector_load %arg16[%get3A_412, %get3A_413] {strides = array<i32>} : memref<128x64xf32, #tpu.memory_space<vmem>>, vector<1x16xf32>,
        %get3A_415 = vector.shape_cast %get3A_414 : vector<1x16xf32> to vector<16xf32>
        %mul3A_416 = arith.mulf %broadcast_in_dim3A_381, %get3A_415 : vector<16xf32>
        %swap3A_417 = arith.index_cast %add3A_378 : i32 to index
        %swap3A_418 = arith.constant 48 : index
        %swap3A_419 = tpu.vector_load %arg16[%swap3A_417, %swap3A_418] {strides = array<i32>} : memref<128x64xf32, #tpu.memory_space<vmem>>, vector<1x16xf32>,
        %swap3A_420 = vector.shape_cast %swap3A_419 : vector<1x16xf32> to vector<16xf32>
        %swap3A_421 = vector.shape_cast %mul3A_416 : vector<16xf32> to vector<1x16xf32>
        tpu.vector_store %arg16[%swap3A_417, %swap3A_418], %swap3A_421 {strides = array<i32>} : memref<128x64xf32, #tpu.memory_space<vmem>>, vector<1x16xf32>,
        %mul3A_422 = arith.constant 16 : i32
        %mul3A_423 = arith.muli %scan3A_231, %mul3A_422 : i32
        %add3A_424 = arith.constant 4 : i32
        %add3A_425 = arith.addi %mul3A_423, %add3A_424 : i32
        %slice3A_426 = vector.extract_strided_slice %abs3A {offsets = [4], sizes = [1], strides = [1]} : vector<16xf32> to vector<1xf32>
        %squeeze3A_427 = vector.extract %slice3A_426[0] : f32 from vector<1xf32>
        %broadcast_in_dim3A_428 = vector.broadcast %squeeze3A_427 : f32 to vector<16xf32>
        %get3A_429 = arith.index_cast %add3A_425 : i32 to index
        %get3A_430 = arith.constant 0 : index
        %get3A_431 = tpu.vector_load %arg16[%get3A_429, %get3A_430] {strides = array<i32>} : memref<128x64xf32, #tpu.memory_space<vmem>>, vector<1x16xf32>,
        %get3A_432 = vector.shape_cast %get3A_431 : vector<1x16xf32> to vector<16xf32>
        %mul3A_433 = arith.mulf %broadcast_in_dim3A_428, %get3A_432 : vector<16xf32>
        %swap3A_434 = arith.index_cast %add3A_425 : i32 to index
        %swap3A_435 = arith.constant 0 : index
        %swap3A_436 = tpu.vector_load %arg16[%swap3A_434, %swap3A_435] {strides = array<i32>} : memref<128x64xf32, #tpu.memory_space<vmem>>, vector<1x16xf32>,
        %swap3A_437 = vector.shape_cast %swap3A_436 : vector<1x16xf32> to vector<16xf32>
        %swap3A_438 = vector.shape_cast %mul3A_433 : vector<16xf32> to vector<1x16xf32>
        tpu.vector_store %arg16[%swap3A_434, %swap3A_435], %swap3A_438 {strides = array<i32>} : memref<128x64xf32, #tpu.memory_space<vmem>>, vector<1x16xf32>,
        %get3A_439 = arith.index_cast %add3A_425 : i32 to index
        %get3A_440 = arith.constant 16 : index
        %get3A_441 = tpu.vector_load %arg16[%get3A_439, %get3A_440] {strides = array<i32>} : memref<128x64xf32, #tpu.memory_space<vmem>>, vector<1x16xf32>,
        %get3A_442 = vector.shape_cast %get3A_441 : vector<1x16xf32> to vector<16xf32>
        %mul3A_443 = arith.mulf %broadcast_in_dim3A_428, %get3A_442 : vector<16xf32>
        %swap3A_444 = arith.index_cast %add3A_425 : i32 to index
        %swap3A_445 = arith.constant 16 : index
        %swap3A_446 = tpu.vector_load %arg16[%swap3A_444, %swap3A_445] {strides = array<i32>} : memref<128x64xf32, #tpu.memory_space<vmem>>, vector<1x16xf32>,
        %swap3A_447 = vector.shape_cast %swap3A_446 : vector<1x16xf32> to vector<16xf32>
        %swap3A_448 = vector.shape_cast %mul3A_443 : vector<16xf32> to vector<1x16xf32>
        tpu.vector_store %arg16[%swap3A_444, %swap3A_445], %swap3A_448 {strides = array<i32>} : memref<128x64xf32, #tpu.memory_space<vmem>>, vector<1x16xf32>,
        %get3A_449 = arith.index_cast %add3A_425 : i32 to index
        %get3A_450 = arith.constant 32 : index
        %get3A_451 = tpu.vector_load %arg16[%get3A_449, %get3A_450] {strides = array<i32>} : memref<128x64xf32, #tpu.memory_space<vmem>>, vector<1x16xf32>,
        %get3A_452 = vector.shape_cast %get3A_451 : vector<1x16xf32> to vector<16xf32>
        %mul3A_453 = arith.mulf %broadcast_in_dim3A_428, %get3A_452 : vector<16xf32>
        %swap3A_454 = arith.index_cast %add3A_425 : i32 to index
        %swap3A_455 = arith.constant 32 : index
        %swap3A_456 = tpu.vector_load %arg16[%swap3A_454, %swap3A_455] {strides = array<i32>} : memref<128x64xf32, #tpu.memory_space<vmem>>, vector<1x16xf32>,
        %swap3A_457 = vector.shape_cast %swap3A_456 : vector<1x16xf32> to vector<16xf32>
        %swap3A_458 = vector.shape_cast %mul3A_453 : vector<16xf32> to vector<1x16xf32>
        tpu.vector_store %arg16[%swap3A_454, %swap3A_455], %swap3A_458 {strides = array<i32>} : memref<128x64xf32, #tpu.memory_space<vmem>>, vector<1x16xf32>,
        %get3A_459 = arith.index_cast %add3A_425 : i32 to index
        %get3A_460 = arith.constant 48 : index
        %get3A_461 = tpu.vector_load %arg16[%get3A_459, %get3A_460] {strides = array<i32>} : memref<128x64xf32, #tpu.memory_space<vmem>>, vector<1x16xf32>,
        %get3A_462 = vector.shape_cast %get3A_461 : vector<1x16xf32> to vector<16xf32>
        %mul3A_463 = arith.mulf %broadcast_in_dim3A_428, %get3A_462 : vector<16xf32>
        %swap3A_464 = arith.index_cast %add3A_425 : i32 to index
        %swap3A_465 = arith.constant 48 : index
        %swap3A_466 = tpu.vector_load %arg16[%swap3A_464, %swap3A_465] {strides = array<i32>} : memref<128x64xf32, #tpu.memory_space<vmem>>, vector<1x16xf32>,
        %swap3A_467 = vector.shape_cast %swap3A_466 : vector<1x16xf32> to vector<16xf32>
        %swap3A_468 = vector.shape_cast %mul3A_463 : vector<16xf32> to vector<1x16xf32>
        tpu.vector_store %arg16[%swap3A_464, %swap3A_465], %swap3A_468 {strides = array<i32>} : memref<128x64xf32, #tpu.memory_space<vmem>>, vector<1x16xf32>,
        %mul3A_469 = arith.constant 16 : i32
        %mul3A_470 = arith.muli %scan3A_231, %mul3A_469 : i32
        %add3A_471 = arith.constant 5 : i32
        %add3A_472 = arith.addi %mul3A_470, %add3A_471 : i32
        %slice3A_473 = vector.extract_strided_slice %abs3A {offsets = [5], sizes = [1], strides = [1]} : vector<16xf32> to vector<1xf32>
        %squeeze3A_474 = vector.extract %slice3A_473[0] : f32 from vector<1xf32>
        %broadcast_in_dim3A_475 = vector.broadcast %squeeze3A_474 : f32 to vector<16xf32>
        %get3A_476 = arith.index_cast %add3A_472 : i32 to index
        %get3A_477 = arith.constant 0 : index
        %get3A_478 = tpu.vector_load %arg16[%get3A_476, %get3A_477] {strides = array<i32>} : memref<128x64xf32, #tpu.memory_space<vmem>>, vector<1x16xf32>,
        %get3A_479 = vector.shape_cast %get3A_478 : vector<1x16xf32> to vector<16xf32>
        %mul3A_480 = arith.mulf %broadcast_in_dim3A_475, %get3A_479 : vector<16xf32>
        %swap3A_481 = arith.index_cast %add3A_472 : i32 to index
        %swap3A_482 = arith.constant 0 : index
        %swap3A_483 = tpu.vector_load %arg16[%swap3A_481, %swap3A_482] {strides = array<i32>} : memref<128x64xf32, #tpu.memory_space<vmem>>, vector<1x16xf32>,
        %swap3A_484 = vector.shape_cast %swap3A_483 : vector<1x16xf32> to vector<16xf32>
        %swap3A_485 = vector.shape_cast %mul3A_480 : vector<16xf32> to vector<1x16xf32>
        tpu.vector_store %arg16[%swap3A_481, %swap3A_482], %swap3A_485 {strides = array<i32>} : memref<128x64xf32, #tpu.memory_space<vmem>>, vector<1x16xf32>,
        %get3A_486 = arith.index_cast %add3A_472 : i32 to index
        %get3A_487 = arith.constant 16 : index
        %get3A_488 = tpu.vector_load %arg16[%get3A_486, %get3A_487] {strides = array<i32>} : memref<128x64xf32, #tpu.memory_space<vmem>>, vector<1x16xf32>,
        %get3A_489 = vector.shape_cast %get3A_488 : vector<1x16xf32> to vector<16xf32>
        %mul3A_490 = arith.mulf %broadcast_in_dim3A_475, %get3A_489 : vector<16xf32>
        %swap3A_491 = arith.index_cast %add3A_472 : i32 to index
        %swap3A_492 = arith.constant 16 : index
        %swap3A_493 = tpu.vector_load %arg16[%swap3A_491, %swap3A_492] {strides = array<i32>} : memref<128x64xf32, #tpu.memory_space<vmem>>, vector<1x16xf32>,
        %swap3A_494 = vector.shape_cast %swap3A_493 : vector<1x16xf32> to vector<16xf32>
        %swap3A_495 = vector.shape_cast %mul3A_490 : vector<16xf32> to vector<1x16xf32>
        tpu.vector_store %arg16[%swap3A_491, %swap3A_492], %swap3A_495 {strides = array<i32>} : memref<128x64xf32, #tpu.memory_space<vmem>>, vector<1x16xf32>,
        %get3A_496 = arith.index_cast %add3A_472 : i32 to index
        %get3A_497 = arith.constant 32 : index
        %get3A_498 = tpu.vector_load %arg16[%get3A_496, %get3A_497] {strides = array<i32>} : memref<128x64xf32, #tpu.memory_space<vmem>>, vector<1x16xf32>,
        %get3A_499 = vector.shape_cast %get3A_498 : vector<1x16xf32> to vector<16xf32>
        %mul3A_500 = arith.mulf %broadcast_in_dim3A_475, %get3A_499 : vector<16xf32>
        %swap3A_501 = arith.index_cast %add3A_472 : i32 to index
        %swap3A_502 = arith.constant 32 : index
        %swap3A_503 = tpu.vector_load %arg16[%swap3A_501, %swap3A_502] {strides = array<i32>} : memref<128x64xf32, #tpu.memory_space<vmem>>, vector<1x16xf32>,
        %swap3A_504 = vector.shape_cast %swap3A_503 : vector<1x16xf32> to vector<16xf32>
        %swap3A_505 = vector.shape_cast %mul3A_500 : vector<16xf32> to vector<1x16xf32>
        tpu.vector_store %arg16[%swap3A_501, %swap3A_502], %swap3A_505 {strides = array<i32>} : memref<128x64xf32, #tpu.memory_space<vmem>>, vector<1x16xf32>,
        %get3A_506 = arith.index_cast %add3A_472 : i32 to index
        %get3A_507 = arith.constant 48 : index
        %get3A_508 = tpu.vector_load %arg16[%get3A_506, %get3A_507] {strides = array<i32>} : memref<128x64xf32, #tpu.memory_space<vmem>>, vector<1x16xf32>,
        %get3A_509 = vector.shape_cast %get3A_508 : vector<1x16xf32> to vector<16xf32>
        %mul3A_510 = arith.mulf %broadcast_in_dim3A_475, %get3A_509 : vector<16xf32>
        %swap3A_511 = arith.index_cast %add3A_472 : i32 to index
        %swap3A_512 = arith.constant 48 : index
        %swap3A_513 = tpu.vector_load %arg16[%swap3A_511, %swap3A_512] {strides = array<i32>} : memref<128x64xf32, #tpu.memory_space<vmem>>, vector<1x16xf32>,
        %swap3A_514 = vector.shape_cast %swap3A_513 : vector<1x16xf32> to vector<16xf32>
        %swap3A_515 = vector.shape_cast %mul3A_510 : vector<16xf32> to vector<1x16xf32>
        tpu.vector_store %arg16[%swap3A_511, %swap3A_512], %swap3A_515 {strides = array<i32>} : memref<128x64xf32, #tpu.memory_space<vmem>>, vector<1x16xf32>,
        %mul3A_516 = arith.constant 16 : i32
        %mul3A_517 = arith.muli %scan3A_231, %mul3A_516 : i32
        %add3A_518 = arith.constant 6 : i32
        %add3A_519 = arith.addi %mul3A_517, %add3A_518 : i32
        %slice3A_520 = vector.extract_strided_slice %abs3A {offsets = [6], sizes = [1], strides = [1]} : vector<16xf32> to vector<1xf32>
        %squeeze3A_521 = vector.extract %slice3A_520[0] : f32 from vector<1xf32>
        %broadcast_in_dim3A_522 = vector.broadcast %squeeze3A_521 : f32 to vector<16xf32>
        %get3A_523 = arith.index_cast %add3A_519 : i32 to index
        %get3A_524 = arith.constant 0 : index
        %get3A_525 = tpu.vector_load %arg16[%get3A_523, %get3A_524] {strides = array<i32>} : memref<128x64xf32, #tpu.memory_space<vmem>>, vector<1x16xf32>,
        %get3A_526 = vector.shape_cast %get3A_525 : vector<1x16xf32> to vector<16xf32>
        %mul3A_527 = arith.mulf %broadcast_in_dim3A_522, %get3A_526 : vector<16xf32>
        %swap3A_528 = arith.index_cast %add3A_519 : i32 to index
        %swap3A_529 = arith.constant 0 : index
        %swap3A_530 = tpu.vector_load %arg16[%swap3A_528, %swap3A_529] {strides = array<i32>} : memref<128x64xf32, #tpu.memory_space<vmem>>, vector<1x16xf32>,
        %swap3A_531 = vector.shape_cast %swap3A_530 : vector<1x16xf32> to vector<16xf32>
        %swap3A_532 = vector.shape_cast %mul3A_527 : vector<16xf32> to vector<1x16xf32>
        tpu.vector_store %arg16[%swap3A_528, %swap3A_529], %swap3A_532 {strides = array<i32>} : memref<128x64xf32, #tpu.memory_space<vmem>>, vector<1x16xf32>,
        %get3A_533 = arith.index_cast %add3A_519 : i32 to index
        %get3A_534 = arith.constant 16 : index
        %get3A_535 = tpu.vector_load %arg16[%get3A_533, %get3A_534] {strides = array<i32>} : memref<128x64xf32, #tpu.memory_space<vmem>>, vector<1x16xf32>,
        %get3A_536 = vector.shape_cast %get3A_535 : vector<1x16xf32> to vector<16xf32>
        %mul3A_537 = arith.mulf %broadcast_in_dim3A_522, %get3A_536 : vector<16xf32>
        %swap3A_538 = arith.index_cast %add3A_519 : i32 to index
        %swap3A_539 = arith.constant 16 : index
        %swap3A_540 = tpu.vector_load %arg16[%swap3A_538, %swap3A_539] {strides = array<i32>} : memref<128x64xf32, #tpu.memory_space<vmem>>, vector<1x16xf32>,
        %swap3A_541 = vector.shape_cast %swap3A_540 : vector<1x16xf32> to vector<16xf32>
        %swap3A_542 = vector.shape_cast %mul3A_537 : vector<16xf32> to vector<1x16xf32>
        tpu.vector_store %arg16[%swap3A_538, %swap3A_539], %swap3A_542 {strides = array<i32>} : memref<128x64xf32, #tpu.memory_space<vmem>>, vector<1x16xf32>,
        %get3A_543 = arith.index_cast %add3A_519 : i32 to index
        %get3A_544 = arith.constant 32 : index
        %get3A_545 = tpu.vector_load %arg16[%get3A_543, %get3A_544] {strides = array<i32>} : memref<128x64xf32, #tpu.memory_space<vmem>>, vector<1x16xf32>,
        %get3A_546 = vector.shape_cast %get3A_545 : vector<1x16xf32> to vector<16xf32>
        %mul3A_547 = arith.mulf %broadcast_in_dim3A_522, %get3A_546 : vector<16xf32>
        %swap3A_548 = arith.index_cast %add3A_519 : i32 to index
        %swap3A_549 = arith.constant 32 : index
        %swap3A_550 = tpu.vector_load %arg16[%swap3A_548, %swap3A_549] {strides = array<i32>} : memref<128x64xf32, #tpu.memory_space<vmem>>, vector<1x16xf32>,
        %swap3A_551 = vector.shape_cast %swap3A_550 : vector<1x16xf32> to vector<16xf32>
        %swap3A_552 = vector.shape_cast %mul3A_547 : vector<16xf32> to vector<1x16xf32>
        tpu.vector_store %arg16[%swap3A_548, %swap3A_549], %swap3A_552 {strides = array<i32>} : memref<128x64xf32, #tpu.memory_space<vmem>>, vector<1x16xf32>,
        %get3A_553 = arith.index_cast %add3A_519 : i32 to index
        %get3A_554 = arith.constant 48 : index
        %get3A_555 = tpu.vector_load %arg16[%get3A_553, %get3A_554] {strides = array<i32>} : memref<128x64xf32, #tpu.memory_space<vmem>>, vector<1x16xf32>,
        %get3A_556 = vector.shape_cast %get3A_555 : vector<1x16xf32> to vector<16xf32>
        %mul3A_557 = arith.mulf %broadcast_in_dim3A_522, %get3A_556 : vector<16xf32>
        %swap3A_558 = arith.index_cast %add3A_519 : i32 to index
        %swap3A_559 = arith.constant 48 : index
        %swap3A_560 = tpu.vector_load %arg16[%swap3A_558, %swap3A_559] {strides = array<i32>} : memref<128x64xf32, #tpu.memory_space<vmem>>, vector<1x16xf32>,
        %swap3A_561 = vector.shape_cast %swap3A_560 : vector<1x16xf32> to vector<16xf32>
        %swap3A_562 = vector.shape_cast %mul3A_557 : vector<16xf32> to vector<1x16xf32>
        tpu.vector_store %arg16[%swap3A_558, %swap3A_559], %swap3A_562 {strides = array<i32>} : memref<128x64xf32, #tpu.memory_space<vmem>>, vector<1x16xf32>,
        %mul3A_563 = arith.constant 16 : i32
        %mul3A_564 = arith.muli %scan3A_231, %mul3A_563 : i32
        %add3A_565 = arith.constant 7 : i32
        %add3A_566 = arith.addi %mul3A_564, %add3A_565 : i32
        %slice3A_567 = vector.extract_strided_slice %abs3A {offsets = [7], sizes = [1], strides = [1]} : vector<16xf32> to vector<1xf32>
        %squeeze3A_568 = vector.extract %slice3A_567[0] : f32 from vector<1xf32>
        %broadcast_in_dim3A_569 = vector.broadcast %squeeze3A_568 : f32 to vector<16xf32>
        %get3A_570 = arith.index_cast %add3A_566 : i32 to index
        %get3A_571 = arith.constant 0 : index
        %get3A_572 = tpu.vector_load %arg16[%get3A_570, %get3A_571] {strides = array<i32>} : memref<128x64xf32, #tpu.memory_space<vmem>>, vector<1x16xf32>,
        %get3A_573 = vector.shape_cast %get3A_572 : vector<1x16xf32> to vector<16xf32>
        %mul3A_574 = arith.mulf %broadcast_in_dim3A_569, %get3A_573 : vector<16xf32>
        %swap3A_575 = arith.index_cast %add3A_566 : i32 to index
        %swap3A_576 = arith.constant 0 : index
        %swap3A_577 = tpu.vector_load %arg16[%swap3A_575, %swap3A_576] {strides = array<i32>} : memref<128x64xf32, #tpu.memory_space<vmem>>, vector<1x16xf32>,
        %swap3A_578 = vector.shape_cast %swap3A_577 : vector<1x16xf32> to vector<16xf32>
        %swap3A_579 = vector.shape_cast %mul3A_574 : vector<16xf32> to vector<1x16xf32>
        tpu.vector_store %arg16[%swap3A_575, %swap3A_576], %swap3A_579 {strides = array<i32>} : memref<128x64xf32, #tpu.memory_space<vmem>>, vector<1x16xf32>,
        %get3A_580 = arith.index_cast %add3A_566 : i32 to index
        %get3A_581 = arith.constant 16 : index
        %get3A_582 = tpu.vector_load %arg16[%get3A_580, %get3A_581] {strides = array<i32>} : memref<128x64xf32, #tpu.memory_space<vmem>>, vector<1x16xf32>,
        %get3A_583 = vector.shape_cast %get3A_582 : vector<1x16xf32> to vector<16xf32>
        %mul3A_584 = arith.mulf %broadcast_in_dim3A_569, %get3A_583 : vector<16xf32>
        %swap3A_585 = arith.index_cast %add3A_566 : i32 to index
        %swap3A_586 = arith.constant 16 : index
        %swap3A_587 = tpu.vector_load %arg16[%swap3A_585, %swap3A_586] {strides = array<i32>} : memref<128x64xf32, #tpu.memory_space<vmem>>, vector<1x16xf32>,
        %swap3A_588 = vector.shape_cast %swap3A_587 : vector<1x16xf32> to vector<16xf32>
        %swap3A_589 = vector.shape_cast %mul3A_584 : vector<16xf32> to vector<1x16xf32>
        tpu.vector_store %arg16[%swap3A_585, %swap3A_586], %swap3A_589 {strides = array<i32>} : memref<128x64xf32, #tpu.memory_space<vmem>>, vector<1x16xf32>,
        %get3A_590 = arith.index_cast %add3A_566 : i32 to index
        %get3A_591 = arith.constant 32 : index
        %get3A_592 = tpu.vector_load %arg16[%get3A_590, %get3A_591] {strides = array<i32>} : memref<128x64xf32, #tpu.memory_space<vmem>>, vector<1x16xf32>,
        %get3A_593 = vector.shape_cast %get3A_592 : vector<1x16xf32> to vector<16xf32>
        %mul3A_594 = arith.mulf %broadcast_in_dim3A_569, %get3A_593 : vector<16xf32>
        %swap3A_595 = arith.index_cast %add3A_566 : i32 to index
        %swap3A_596 = arith.constant 32 : index
        %swap3A_597 = tpu.vector_load %arg16[%swap3A_595, %swap3A_596] {strides = array<i32>} : memref<128x64xf32, #tpu.memory_space<vmem>>, vector<1x16xf32>,
        %swap3A_598 = vector.shape_cast %swap3A_597 : vector<1x16xf32> to vector<16xf32>
        %swap3A_599 = vector.shape_cast %mul3A_594 : vector<16xf32> to vector<1x16xf32>
        tpu.vector_store %arg16[%swap3A_595, %swap3A_596], %swap3A_599 {strides = array<i32>} : memref<128x64xf32, #tpu.memory_space<vmem>>, vector<1x16xf32>,
        %get3A_600 = arith.index_cast %add3A_566 : i32 to index
        %get3A_601 = arith.constant 48 : index
        %get3A_602 = tpu.vector_load %arg16[%get3A_600, %get3A_601] {strides = array<i32>} : memref<128x64xf32, #tpu.memory_space<vmem>>, vector<1x16xf32>,
        %get3A_603 = vector.shape_cast %get3A_602 : vector<1x16xf32> to vector<16xf32>
        %mul3A_604 = arith.mulf %broadcast_in_dim3A_569, %get3A_603 : vector<16xf32>
        %swap3A_605 = arith.index_cast %add3A_566 : i32 to index
        %swap3A_606 = arith.constant 48 : index
        %swap3A_607 = tpu.vector_load %arg16[%swap3A_605, %swap3A_606] {strides = array<i32>} : memref<128x64xf32, #tpu.memory_space<vmem>>, vector<1x16xf32>,
        %swap3A_608 = vector.shape_cast %swap3A_607 : vector<1x16xf32> to vector<16xf32>
        %swap3A_609 = vector.shape_cast %mul3A_604 : vector<16xf32> to vector<1x16xf32>
        tpu.vector_store %arg16[%swap3A_605, %swap3A_606], %swap3A_609 {strides = array<i32>} : memref<128x64xf32, #tpu.memory_space<vmem>>, vector<1x16xf32>,
        %mul3A_610 = arith.constant 16 : i32
        %mul3A_611 = arith.muli %scan3A_231, %mul3A_610 : i32
        %add3A_612 = arith.constant 8 : i32
        %add3A_613 = arith.addi %mul3A_611, %add3A_612 : i32
        %slice3A_614 = vector.extract_strided_slice %abs3A {offsets = [8], sizes = [1], strides = [1]} : vector<16xf32> to vector<1xf32>
        %squeeze3A_615 = vector.extract %slice3A_614[0] : f32 from vector<1xf32>
        %broadcast_in_dim3A_616 = vector.broadcast %squeeze3A_615 : f32 to vector<16xf32>
        %get3A_617 = arith.index_cast %add3A_613 : i32 to index
        %get3A_618 = arith.constant 0 : index
        %get3A_619 = tpu.vector_load %arg16[%get3A_617, %get3A_618] {strides = array<i32>} : memref<128x64xf32, #tpu.memory_space<vmem>>, vector<1x16xf32>,
        %get3A_620 = vector.shape_cast %get3A_619 : vector<1x16xf32> to vector<16xf32>
        %mul3A_621 = arith.mulf %broadcast_in_dim3A_616, %get3A_620 : vector<16xf32>
        %swap3A_622 = arith.index_cast %add3A_613 : i32 to index
        %swap3A_623 = arith.constant 0 : index
        %swap3A_624 = tpu.vector_load %arg16[%swap3A_622, %swap3A_623] {strides = array<i32>} : memref<128x64xf32, #tpu.memory_space<vmem>>, vector<1x16xf32>,
        %swap3A_625 = vector.shape_cast %swap3A_624 : vector<1x16xf32> to vector<16xf32>
        %swap3A_626 = vector.shape_cast %mul3A_621 : vector<16xf32> to vector<1x16xf32>
        tpu.vector_store %arg16[%swap3A_622, %swap3A_623], %swap3A_626 {strides = array<i32>} : memref<128x64xf32, #tpu.memory_space<vmem>>, vector<1x16xf32>,
        %get3A_627 = arith.index_cast %add3A_613 : i32 to index
        %get3A_628 = arith.constant 16 : index
        %get3A_629 = tpu.vector_load %arg16[%get3A_627, %get3A_628] {strides = array<i32>} : memref<128x64xf32, #tpu.memory_space<vmem>>, vector<1x16xf32>,
        %get3A_630 = vector.shape_cast %get3A_629 : vector<1x16xf32> to vector<16xf32>
        %mul3A_631 = arith.mulf %broadcast_in_dim3A_616, %get3A_630 : vector<16xf32>
        %swap3A_632 = arith.index_cast %add3A_613 : i32 to index
        %swap3A_633 = arith.constant 16 : index
        %swap3A_634 = tpu.vector_load %arg16[%swap3A_632, %swap3A_633] {strides = array<i32>} : memref<128x64xf32, #tpu.memory_space<vmem>>, vector<1x16xf32>,
        %swap3A_635 = vector.shape_cast %swap3A_634 : vector<1x16xf32> to vector<16xf32>
        %swap3A_636 = vector.shape_cast %mul3A_631 : vector<16xf32> to vector<1x16xf32>
        tpu.vector_store %arg16[%swap3A_632, %swap3A_633], %swap3A_636 {strides = array<i32>} : memref<128x64xf32, #tpu.memory_space<vmem>>, vector<1x16xf32>,
        %get3A_637 = arith.index_cast %add3A_613 : i32 to index
        %get3A_638 = arith.constant 32 : index
        %get3A_639 = tpu.vector_load %arg16[%get3A_637, %get3A_638] {strides = array<i32>} : memref<128x64xf32, #tpu.memory_space<vmem>>, vector<1x16xf32>,
        %get3A_640 = vector.shape_cast %get3A_639 : vector<1x16xf32> to vector<16xf32>
        %mul3A_641 = arith.mulf %broadcast_in_dim3A_616, %get3A_640 : vector<16xf32>
        %swap3A_642 = arith.index_cast %add3A_613 : i32 to index
        %swap3A_643 = arith.constant 32 : index
        %swap3A_644 = tpu.vector_load %arg16[%swap3A_642, %swap3A_643] {strides = array<i32>} : memref<128x64xf32, #tpu.memory_space<vmem>>, vector<1x16xf32>,
        %swap3A_645 = vector.shape_cast %swap3A_644 : vector<1x16xf32> to vector<16xf32>
        %swap3A_646 = vector.shape_cast %mul3A_641 : vector<16xf32> to vector<1x16xf32>
        tpu.vector_store %arg16[%swap3A_642, %swap3A_643], %swap3A_646 {strides = array<i32>} : memref<128x64xf32, #tpu.memory_space<vmem>>, vector<1x16xf32>,
        %get3A_647 = arith.index_cast %add3A_613 : i32 to index
        %get3A_648 = arith.constant 48 : index
        %get3A_649 = tpu.vector_load %arg16[%get3A_647, %get3A_648] {strides = array<i32>} : memref<128x64xf32, #tpu.memory_space<vmem>>, vector<1x16xf32>,
        %get3A_650 = vector.shape_cast %get3A_649 : vector<1x16xf32> to vector<16xf32>
        %mul3A_651 = arith.mulf %broadcast_in_dim3A_616, %get3A_650 : vector<16xf32>
        %swap3A_652 = arith.index_cast %add3A_613 : i32 to index
        %swap3A_653 = arith.constant 48 : index
        %swap3A_654 = tpu.vector_load %arg16[%swap3A_652, %swap3A_653] {strides = array<i32>} : memref<128x64xf32, #tpu.memory_space<vmem>>, vector<1x16xf32>,
        %swap3A_655 = vector.shape_cast %swap3A_654 : vector<1x16xf32> to vector<16xf32>
        %swap3A_656 = vector.shape_cast %mul3A_651 : vector<16xf32> to vector<1x16xf32>
        tpu.vector_store %arg16[%swap3A_652, %swap3A_653], %swap3A_656 {strides = array<i32>} : memref<128x64xf32, #tpu.memory_space<vmem>>, vector<1x16xf32>,
        %mul3A_657 = arith.constant 16 : i32
        %mul3A_658 = arith.muli %scan3A_231, %mul3A_657 : i32
        %add3A_659 = arith.constant 9 : i32
        %add3A_660 = arith.addi %mul3A_658, %add3A_659 : i32
        %slice3A_661 = vector.extract_strided_slice %abs3A {offsets = [9], sizes = [1], strides = [1]} : vector<16xf32> to vector<1xf32>
        %squeeze3A_662 = vector.extract %slice3A_661[0] : f32 from vector<1xf32>
        %broadcast_in_dim3A_663 = vector.broadcast %squeeze3A_662 : f32 to vector<16xf32>
        %get3A_664 = arith.index_cast %add3A_660 : i32 to index
        %get3A_665 = arith.constant 0 : index
        %get3A_666 = tpu.vector_load %arg16[%get3A_664, %get3A_665] {strides = array<i32>} : memref<128x64xf32, #tpu.memory_space<vmem>>, vector<1x16xf32>,
        %get3A_667 = vector.shape_cast %get3A_666 : vector<1x16xf32> to vector<16xf32>
        %mul3A_668 = arith.mulf %broadcast_in_dim3A_663, %get3A_667 : vector<16xf32>
        %swap3A_669 = arith.index_cast %add3A_660 : i32 to index
        %swap3A_670 = arith.constant 0 : index
        %swap3A_671 = tpu.vector_load %arg16[%swap3A_669, %swap3A_670] {strides = array<i32>} : memref<128x64xf32, #tpu.memory_space<vmem>>, vector<1x16xf32>,
        %swap3A_672 = vector.shape_cast %swap3A_671 : vector<1x16xf32> to vector<16xf32>
        %swap3A_673 = vector.shape_cast %mul3A_668 : vector<16xf32> to vector<1x16xf32>
        tpu.vector_store %arg16[%swap3A_669, %swap3A_670], %swap3A_673 {strides = array<i32>} : memref<128x64xf32, #tpu.memory_space<vmem>>, vector<1x16xf32>,
        %get3A_674 = arith.index_cast %add3A_660 : i32 to index
        %get3A_675 = arith.constant 16 : index
        %get3A_676 = tpu.vector_load %arg16[%get3A_674, %get3A_675] {strides = array<i32>} : memref<128x64xf32, #tpu.memory_space<vmem>>, vector<1x16xf32>,
        %get3A_677 = vector.shape_cast %get3A_676 : vector<1x16xf32> to vector<16xf32>
        %mul3A_678 = arith.mulf %broadcast_in_dim3A_663, %get3A_677 : vector<16xf32>
        %swap3A_679 = arith.index_cast %add3A_660 : i32 to index
        %swap3A_680 = arith.constant 16 : index
        %swap3A_681 = tpu.vector_load %arg16[%swap3A_679, %swap3A_680] {strides = array<i32>} : memref<128x64xf32, #tpu.memory_space<vmem>>, vector<1x16xf32>,
        %swap3A_682 = vector.shape_cast %swap3A_681 : vector<1x16xf32> to vector<16xf32>
        %swap3A_683 = vector.shape_cast %mul3A_678 : vector<16xf32> to vector<1x16xf32>
        tpu.vector_store %arg16[%swap3A_679, %swap3A_680], %swap3A_683 {strides = array<i32>} : memref<128x64xf32, #tpu.memory_space<vmem>>, vector<1x16xf32>,
        %get3A_684 = arith.index_cast %add3A_660 : i32 to index
        %get3A_685 = arith.constant 32 : index
        %get3A_686 = tpu.vector_load %arg16[%get3A_684, %get3A_685] {strides = array<i32>} : memref<128x64xf32, #tpu.memory_space<vmem>>, vector<1x16xf32>,
        %get3A_687 = vector.shape_cast %get3A_686 : vector<1x16xf32> to vector<16xf32>
        %mul3A_688 = arith.mulf %broadcast_in_dim3A_663, %get3A_687 : vector<16xf32>
        %swap3A_689 = arith.index_cast %add3A_660 : i32 to index
        %swap3A_690 = arith.constant 32 : index
        %swap3A_691 = tpu.vector_load %arg16[%swap3A_689, %swap3A_690] {strides = array<i32>} : memref<128x64xf32, #tpu.memory_space<vmem>>, vector<1x16xf32>,
        %swap3A_692 = vector.shape_cast %swap3A_691 : vector<1x16xf32> to vector<16xf32>
        %swap3A_693 = vector.shape_cast %mul3A_688 : vector<16xf32> to vector<1x16xf32>
        tpu.vector_store %arg16[%swap3A_689, %swap3A_690], %swap3A_693 {strides = array<i32>} : memref<128x64xf32, #tpu.memory_space<vmem>>, vector<1x16xf32>,
        %get3A_694 = arith.index_cast %add3A_660 : i32 to index
        %get3A_695 = arith.constant 48 : index
        %get3A_696 = tpu.vector_load %arg16[%get3A_694, %get3A_695] {strides = array<i32>} : memref<128x64xf32, #tpu.memory_space<vmem>>, vector<1x16xf32>,
        %get3A_697 = vector.shape_cast %get3A_696 : vector<1x16xf32> to vector<16xf32>
        %mul3A_698 = arith.mulf %broadcast_in_dim3A_663, %get3A_697 : vector<16xf32>
        %swap3A_699 = arith.index_cast %add3A_660 : i32 to index
        %swap3A_700 = arith.constant 48 : index
        %swap3A_701 = tpu.vector_load %arg16[%swap3A_699, %swap3A_700] {strides = array<i32>} : memref<128x64xf32, #tpu.memory_space<vmem>>, vector<1x16xf32>,
        %swap3A_702 = vector.shape_cast %swap3A_701 : vector<1x16xf32> to vector<16xf32>
        %swap3A_703 = vector.shape_cast %mul3A_698 : vector<16xf32> to vector<1x16xf32>
        tpu.vector_store %arg16[%swap3A_699, %swap3A_700], %swap3A_703 {strides = array<i32>} : memref<128x64xf32, #tpu.memory_space<vmem>>, vector<1x16xf32>,
        %mul3A_704 = arith.constant 16 : i32
        %mul3A_705 = arith.muli %scan3A_231, %mul3A_704 : i32
        %add3A_706 = arith.constant 10 : i32
        %add3A_707 = arith.addi %mul3A_705, %add3A_706 : i32
        %slice3A_708 = vector.extract_strided_slice %abs3A {offsets = [10], sizes = [1], strides = [1]} : vector<16xf32> to vector<1xf32>
        %squeeze3A_709 = vector.extract %slice3A_708[0] : f32 from vector<1xf32>
        %broadcast_in_dim3A_710 = vector.broadcast %squeeze3A_709 : f32 to vector<16xf32>
        %get3A_711 = arith.index_cast %add3A_707 : i32 to index
        %get3A_712 = arith.constant 0 : index
        %get3A_713 = tpu.vector_load %arg16[%get3A_711, %get3A_712] {strides = array<i32>} : memref<128x64xf32, #tpu.memory_space<vmem>>, vector<1x16xf32>,
        %get3A_714 = vector.shape_cast %get3A_713 : vector<1x16xf32> to vector<16xf32>
        %mul3A_715 = arith.mulf %broadcast_in_dim3A_710, %get3A_714 : vector<16xf32>
        %swap3A_716 = arith.index_cast %add3A_707 : i32 to index
        %swap3A_717 = arith.constant 0 : index
        %swap3A_718 = tpu.vector_load %arg16[%swap3A_716, %swap3A_717] {strides = array<i32>} : memref<128x64xf32, #tpu.memory_space<vmem>>, vector<1x16xf32>,
        %swap3A_719 = vector.shape_cast %swap3A_718 : vector<1x16xf32> to vector<16xf32>
        %swap3A_720 = vector.shape_cast %mul3A_715 : vector<16xf32> to vector<1x16xf32>
        tpu.vector_store %arg16[%swap3A_716, %swap3A_717], %swap3A_720 {strides = array<i32>} : memref<128x64xf32, #tpu.memory_space<vmem>>, vector<1x16xf32>,
        %get3A_721 = arith.index_cast %add3A_707 : i32 to index
        %get3A_722 = arith.constant 16 : index
        %get3A_723 = tpu.vector_load %arg16[%get3A_721, %get3A_722] {strides = array<i32>} : memref<128x64xf32, #tpu.memory_space<vmem>>, vector<1x16xf32>,
        %get3A_724 = vector.shape_cast %get3A_723 : vector<1x16xf32> to vector<16xf32>
        %mul3A_725 = arith.mulf %broadcast_in_dim3A_710, %get3A_724 : vector<16xf32>
        %swap3A_726 = arith.index_cast %add3A_707 : i32 to index
        %swap3A_727 = arith.constant 16 : index
        %swap3A_728 = tpu.vector_load %arg16[%swap3A_726, %swap3A_727] {strides = array<i32>} : memref<128x64xf32, #tpu.memory_space<vmem>>, vector<1x16xf32>,
        %swap3A_729 = vector.shape_cast %swap3A_728 : vector<1x16xf32> to vector<16xf32>
        %swap3A_730 = vector.shape_cast %mul3A_725 : vector<16xf32> to vector<1x16xf32>
        tpu.vector_store %arg16[%swap3A_726, %swap3A_727], %swap3A_730 {strides = array<i32>} : memref<128x64xf32, #tpu.memory_space<vmem>>, vector<1x16xf32>,
        %get3A_731 = arith.index_cast %add3A_707 : i32 to index
        %get3A_732 = arith.constant 32 : index
        %get3A_733 = tpu.vector_load %arg16[%get3A_731, %get3A_732] {strides = array<i32>} : memref<128x64xf32, #tpu.memory_space<vmem>>, vector<1x16xf32>,
        %get3A_734 = vector.shape_cast %get3A_733 : vector<1x16xf32> to vector<16xf32>
        %mul3A_735 = arith.mulf %broadcast_in_dim3A_710, %get3A_734 : vector<16xf32>
        %swap3A_736 = arith.index_cast %add3A_707 : i32 to index
        %swap3A_737 = arith.constant 32 : index
        %swap3A_738 = tpu.vector_load %arg16[%swap3A_736, %swap3A_737] {strides = array<i32>} : memref<128x64xf32, #tpu.memory_space<vmem>>, vector<1x16xf32>,
        %swap3A_739 = vector.shape_cast %swap3A_738 : vector<1x16xf32> to vector<16xf32>
        %swap3A_740 = vector.shape_cast %mul3A_735 : vector<16xf32> to vector<1x16xf32>
        tpu.vector_store %arg16[%swap3A_736, %swap3A_737], %swap3A_740 {strides = array<i32>} : memref<128x64xf32, #tpu.memory_space<vmem>>, vector<1x16xf32>,
        %get3A_741 = arith.index_cast %add3A_707 : i32 to index
        %get3A_742 = arith.constant 48 : index
        %get3A_743 = tpu.vector_load %arg16[%get3A_741, %get3A_742] {strides = array<i32>} : memref<128x64xf32, #tpu.memory_space<vmem>>, vector<1x16xf32>,
        %get3A_744 = vector.shape_cast %get3A_743 : vector<1x16xf32> to vector<16xf32>
        %mul3A_745 = arith.mulf %broadcast_in_dim3A_710, %get3A_744 : vector<16xf32>
        %swap3A_746 = arith.index_cast %add3A_707 : i32 to index
        %swap3A_747 = arith.constant 48 : index
        %swap3A_748 = tpu.vector_load %arg16[%swap3A_746, %swap3A_747] {strides = array<i32>} : memref<128x64xf32, #tpu.memory_space<vmem>>, vector<1x16xf32>,
        %swap3A_749 = vector.shape_cast %swap3A_748 : vector<1x16xf32> to vector<16xf32>
        %swap3A_750 = vector.shape_cast %mul3A_745 : vector<16xf32> to vector<1x16xf32>
        tpu.vector_store %arg16[%swap3A_746, %swap3A_747], %swap3A_750 {strides = array<i32>} : memref<128x64xf32, #tpu.memory_space<vmem>>, vector<1x16xf32>,
        %mul3A_751 = arith.constant 16 : i32
        %mul3A_752 = arith.muli %scan3A_231, %mul3A_751 : i32
        %add3A_753 = arith.constant 11 : i32
        %add3A_754 = arith.addi %mul3A_752, %add3A_753 : i32
        %slice3A_755 = vector.extract_strided_slice %abs3A {offsets = [11], sizes = [1], strides = [1]} : vector<16xf32> to vector<1xf32>
        %squeeze3A_756 = vector.extract %slice3A_755[0] : f32 from vector<1xf32>
        %broadcast_in_dim3A_757 = vector.broadcast %squeeze3A_756 : f32 to vector<16xf32>
        %get3A_758 = arith.index_cast %add3A_754 : i32 to index
        %get3A_759 = arith.constant 0 : index
        %get3A_760 = tpu.vector_load %arg16[%get3A_758, %get3A_759] {strides = array<i32>} : memref<128x64xf32, #tpu.memory_space<vmem>>, vector<1x16xf32>,
        %get3A_761 = vector.shape_cast %get3A_760 : vector<1x16xf32> to vector<16xf32>
        %mul3A_762 = arith.mulf %broadcast_in_dim3A_757, %get3A_761 : vector<16xf32>
        %swap3A_763 = arith.index_cast %add3A_754 : i32 to index
        %swap3A_764 = arith.constant 0 : index
        %swap3A_765 = tpu.vector_load %arg16[%swap3A_763, %swap3A_764] {strides = array<i32>} : memref<128x64xf32, #tpu.memory_space<vmem>>, vector<1x16xf32>,
        %swap3A_766 = vector.shape_cast %swap3A_765 : vector<1x16xf32> to vector<16xf32>
        %swap3A_767 = vector.shape_cast %mul3A_762 : vector<16xf32> to vector<1x16xf32>
        tpu.vector_store %arg16[%swap3A_763, %swap3A_764], %swap3A_767 {strides = array<i32>} : memref<128x64xf32, #tpu.memory_space<vmem>>, vector<1x16xf32>,
        %get3A_768 = arith.index_cast %add3A_754 : i32 to index
        %get3A_769 = arith.constant 16 : index
        %get3A_770 = tpu.vector_load %arg16[%get3A_768, %get3A_769] {strides = array<i32>} : memref<128x64xf32, #tpu.memory_space<vmem>>, vector<1x16xf32>,
        %get3A_771 = vector.shape_cast %get3A_770 : vector<1x16xf32> to vector<16xf32>
        %mul3A_772 = arith.mulf %broadcast_in_dim3A_757, %get3A_771 : vector<16xf32>
        %swap3A_773 = arith.index_cast %add3A_754 : i32 to index
        %swap3A_774 = arith.constant 16 : index
        %swap3A_775 = tpu.vector_load %arg16[%swap3A_773, %swap3A_774] {strides = array<i32>} : memref<128x64xf32, #tpu.memory_space<vmem>>, vector<1x16xf32>,
        %swap3A_776 = vector.shape_cast %swap3A_775 : vector<1x16xf32> to vector<16xf32>
        %swap3A_777 = vector.shape_cast %mul3A_772 : vector<16xf32> to vector<1x16xf32>
        tpu.vector_store %arg16[%swap3A_773, %swap3A_774], %swap3A_777 {strides = array<i32>} : memref<128x64xf32, #tpu.memory_space<vmem>>, vector<1x16xf32>,
        %get3A_778 = arith.index_cast %add3A_754 : i32 to index
        %get3A_779 = arith.constant 32 : index
        %get3A_780 = tpu.vector_load %arg16[%get3A_778, %get3A_779] {strides = array<i32>} : memref<128x64xf32, #tpu.memory_space<vmem>>, vector<1x16xf32>,
        %get3A_781 = vector.shape_cast %get3A_780 : vector<1x16xf32> to vector<16xf32>
        %mul3A_782 = arith.mulf %broadcast_in_dim3A_757, %get3A_781 : vector<16xf32>
        %swap3A_783 = arith.index_cast %add3A_754 : i32 to index
        %swap3A_784 = arith.constant 32 : index
        %swap3A_785 = tpu.vector_load %arg16[%swap3A_783, %swap3A_784] {strides = array<i32>} : memref<128x64xf32, #tpu.memory_space<vmem>>, vector<1x16xf32>,
        %swap3A_786 = vector.shape_cast %swap3A_785 : vector<1x16xf32> to vector<16xf32>
        %swap3A_787 = vector.shape_cast %mul3A_782 : vector<16xf32> to vector<1x16xf32>
        tpu.vector_store %arg16[%swap3A_783, %swap3A_784], %swap3A_787 {strides = array<i32>} : memref<128x64xf32, #tpu.memory_space<vmem>>, vector<1x16xf32>,
        %get3A_788 = arith.index_cast %add3A_754 : i32 to index
        %get3A_789 = arith.constant 48 : index
        %get3A_790 = tpu.vector_load %arg16[%get3A_788, %get3A_789] {strides = array<i32>} : memref<128x64xf32, #tpu.memory_space<vmem>>, vector<1x16xf32>,
        %get3A_791 = vector.shape_cast %get3A_790 : vector<1x16xf32> to vector<16xf32>
        %mul3A_792 = arith.mulf %broadcast_in_dim3A_757, %get3A_791 : vector<16xf32>
        %swap3A_793 = arith.index_cast %add3A_754 : i32 to index
        %swap3A_794 = arith.constant 48 : index
        %swap3A_795 = tpu.vector_load %arg16[%swap3A_793, %swap3A_794] {strides = array<i32>} : memref<128x64xf32, #tpu.memory_space<vmem>>, vector<1x16xf32>,
        %swap3A_796 = vector.shape_cast %swap3A_795 : vector<1x16xf32> to vector<16xf32>
        %swap3A_797 = vector.shape_cast %mul3A_792 : vector<16xf32> to vector<1x16xf32>
        tpu.vector_store %arg16[%swap3A_793, %swap3A_794], %swap3A_797 {strides = array<i32>} : memref<128x64xf32, #tpu.memory_space<vmem>>, vector<1x16xf32>,
        %mul3A_798 = arith.constant 16 : i32
        %mul3A_799 = arith.muli %scan3A_231, %mul3A_798 : i32
        %add3A_800 = arith.constant 12 : i32
        %add3A_801 = arith.addi %mul3A_799, %add3A_800 : i32
        %slice3A_802 = vector.extract_strided_slice %abs3A {offsets = [12], sizes = [1], strides = [1]} : vector<16xf32> to vector<1xf32>
        %squeeze3A_803 = vector.extract %slice3A_802[0] : f32 from vector<1xf32>
        %broadcast_in_dim3A_804 = vector.broadcast %squeeze3A_803 : f32 to vector<16xf32>
        %get3A_805 = arith.index_cast %add3A_801 : i32 to index
        %get3A_806 = arith.constant 0 : index
        %get3A_807 = tpu.vector_load %arg16[%get3A_805, %get3A_806] {strides = array<i32>} : memref<128x64xf32, #tpu.memory_space<vmem>>, vector<1x16xf32>,
        %get3A_808 = vector.shape_cast %get3A_807 : vector<1x16xf32> to vector<16xf32>
        %mul3A_809 = arith.mulf %broadcast_in_dim3A_804, %get3A_808 : vector<16xf32>
        %swap3A_810 = arith.index_cast %add3A_801 : i32 to index
        %swap3A_811 = arith.constant 0 : index
        %swap3A_812 = tpu.vector_load %arg16[%swap3A_810, %swap3A_811] {strides = array<i32>} : memref<128x64xf32, #tpu.memory_space<vmem>>, vector<1x16xf32>,
        %swap3A_813 = vector.shape_cast %swap3A_812 : vector<1x16xf32> to vector<16xf32>
        %swap3A_814 = vector.shape_cast %mul3A_809 : vector<16xf32> to vector<1x16xf32>
        tpu.vector_store %arg16[%swap3A_810, %swap3A_811], %swap3A_814 {strides = array<i32>} : memref<128x64xf32, #tpu.memory_space<vmem>>, vector<1x16xf32>,
        %get3A_815 = arith.index_cast %add3A_801 : i32 to index
        %get3A_816 = arith.constant 16 : index
        %get3A_817 = tpu.vector_load %arg16[%get3A_815, %get3A_816] {strides = array<i32>} : memref<128x64xf32, #tpu.memory_space<vmem>>, vector<1x16xf32>,
        %get3A_818 = vector.shape_cast %get3A_817 : vector<1x16xf32> to vector<16xf32>
        %mul3A_819 = arith.mulf %broadcast_in_dim3A_804, %get3A_818 : vector<16xf32>
        %swap3A_820 = arith.index_cast %add3A_801 : i32 to index
        %swap3A_821 = arith.constant 16 : index
        %swap3A_822 = tpu.vector_load %arg16[%swap3A_820, %swap3A_821] {strides = array<i32>} : memref<128x64xf32, #tpu.memory_space<vmem>>, vector<1x16xf32>,
        %swap3A_823 = vector.shape_cast %swap3A_822 : vector<1x16xf32> to vector<16xf32>
        %swap3A_824 = vector.shape_cast %mul3A_819 : vector<16xf32> to vector<1x16xf32>
        tpu.vector_store %arg16[%swap3A_820, %swap3A_821], %swap3A_824 {strides = array<i32>} : memref<128x64xf32, #tpu.memory_space<vmem>>, vector<1x16xf32>,
        %get3A_825 = arith.index_cast %add3A_801 : i32 to index
        %get3A_826 = arith.constant 32 : index
        %get3A_827 = tpu.vector_load %arg16[%get3A_825, %get3A_826] {strides = array<i32>} : memref<128x64xf32, #tpu.memory_space<vmem>>, vector<1x16xf32>,
        %get3A_828 = vector.shape_cast %get3A_827 : vector<1x16xf32> to vector<16xf32>
        %mul3A_829 = arith.mulf %broadcast_in_dim3A_804, %get3A_828 : vector<16xf32>
        %swap3A_830 = arith.index_cast %add3A_801 : i32 to index
        %swap3A_831 = arith.constant 32 : index
        %swap3A_832 = tpu.vector_load %arg16[%swap3A_830, %swap3A_831] {strides = array<i32>} : memref<128x64xf32, #tpu.memory_space<vmem>>, vector<1x16xf32>,
        %swap3A_833 = vector.shape_cast %swap3A_832 : vector<1x16xf32> to vector<16xf32>
        %swap3A_834 = vector.shape_cast %mul3A_829 : vector<16xf32> to vector<1x16xf32>
        tpu.vector_store %arg16[%swap3A_830, %swap3A_831], %swap3A_834 {strides = array<i32>} : memref<128x64xf32, #tpu.memory_space<vmem>>, vector<1x16xf32>,
        %get3A_835 = arith.index_cast %add3A_801 : i32 to index
        %get3A_836 = arith.constant 48 : index
        %get3A_837 = tpu.vector_load %arg16[%get3A_835, %get3A_836] {strides = array<i32>} : memref<128x64xf32, #tpu.memory_space<vmem>>, vector<1x16xf32>,
        %get3A_838 = vector.shape_cast %get3A_837 : vector<1x16xf32> to vector<16xf32>
        %mul3A_839 = arith.mulf %broadcast_in_dim3A_804, %get3A_838 : vector<16xf32>
        %swap3A_840 = arith.index_cast %add3A_801 : i32 to index
        %swap3A_841 = arith.constant 48 : index
        %swap3A_842 = tpu.vector_load %arg16[%swap3A_840, %swap3A_841] {strides = array<i32>} : memref<128x64xf32, #tpu.memory_space<vmem>>, vector<1x16xf32>,
        %swap3A_843 = vector.shape_cast %swap3A_842 : vector<1x16xf32> to vector<16xf32>
        %swap3A_844 = vector.shape_cast %mul3A_839 : vector<16xf32> to vector<1x16xf32>
        tpu.vector_store %arg16[%swap3A_840, %swap3A_841], %swap3A_844 {strides = array<i32>} : memref<128x64xf32, #tpu.memory_space<vmem>>, vector<1x16xf32>,
        %mul3A_845 = arith.constant 16 : i32
        %mul3A_846 = arith.muli %scan3A_231, %mul3A_845 : i32
        %add3A_847 = arith.constant 13 : i32
        %add3A_848 = arith.addi %mul3A_846, %add3A_847 : i32
        %slice3A_849 = vector.extract_strided_slice %abs3A {offsets = [13], sizes = [1], strides = [1]} : vector<16xf32> to vector<1xf32>
        %squeeze3A_850 = vector.extract %slice3A_849[0] : f32 from vector<1xf32>
        %broadcast_in_dim3A_851 = vector.broadcast %squeeze3A_850 : f32 to vector<16xf32>
        %get3A_852 = arith.index_cast %add3A_848 : i32 to index
        %get3A_853 = arith.constant 0 : index
        %get3A_854 = tpu.vector_load %arg16[%get3A_852, %get3A_853] {strides = array<i32>} : memref<128x64xf32, #tpu.memory_space<vmem>>, vector<1x16xf32>,
        %get3A_855 = vector.shape_cast %get3A_854 : vector<1x16xf32> to vector<16xf32>
        %mul3A_856 = arith.mulf %broadcast_in_dim3A_851, %get3A_855 : vector<16xf32>
        %swap3A_857 = arith.index_cast %add3A_848 : i32 to index
        %swap3A_858 = arith.constant 0 : index
        %swap3A_859 = tpu.vector_load %arg16[%swap3A_857, %swap3A_858] {strides = array<i32>} : memref<128x64xf32, #tpu.memory_space<vmem>>, vector<1x16xf32>,
        %swap3A_860 = vector.shape_cast %swap3A_859 : vector<1x16xf32> to vector<16xf32>
        %swap3A_861 = vector.shape_cast %mul3A_856 : vector<16xf32> to vector<1x16xf32>
        tpu.vector_store %arg16[%swap3A_857, %swap3A_858], %swap3A_861 {strides = array<i32>} : memref<128x64xf32, #tpu.memory_space<vmem>>, vector<1x16xf32>,
        %get3A_862 = arith.index_cast %add3A_848 : i32 to index
        %get3A_863 = arith.constant 16 : index
        %get3A_864 = tpu.vector_load %arg16[%get3A_862, %get3A_863] {strides = array<i32>} : memref<128x64xf32, #tpu.memory_space<vmem>>, vector<1x16xf32>,
        %get3A_865 = vector.shape_cast %get3A_864 : vector<1x16xf32> to vector<16xf32>
        %mul3A_866 = arith.mulf %broadcast_in_dim3A_851, %get3A_865 : vector<16xf32>
        %swap3A_867 = arith.index_cast %add3A_848 : i32 to index
        %swap3A_868 = arith.constant 16 : index
        %swap3A_869 = tpu.vector_load %arg16[%swap3A_867, %swap3A_868] {strides = array<i32>} : memref<128x64xf32, #tpu.memory_space<vmem>>, vector<1x16xf32>,
        %swap3A_870 = vector.shape_cast %swap3A_869 : vector<1x16xf32> to vector<16xf32>
        %swap3A_871 = vector.shape_cast %mul3A_866 : vector<16xf32> to vector<1x16xf32>
        tpu.vector_store %arg16[%swap3A_867, %swap3A_868], %swap3A_871 {strides = array<i32>} : memref<128x64xf32, #tpu.memory_space<vmem>>, vector<1x16xf32>,
        %get3A_872 = arith.index_cast %add3A_848 : i32 to index
        %get3A_873 = arith.constant 32 : index
        %get3A_874 = tpu.vector_load %arg16[%get3A_872, %get3A_873] {strides = array<i32>} : memref<128x64xf32, #tpu.memory_space<vmem>>, vector<1x16xf32>,
        %get3A_875 = vector.shape_cast %get3A_874 : vector<1x16xf32> to vector<16xf32>
        %mul3A_876 = arith.mulf %broadcast_in_dim3A_851, %get3A_875 : vector<16xf32>
        %swap3A_877 = arith.index_cast %add3A_848 : i32 to index
        %swap3A_878 = arith.constant 32 : index
        %swap3A_879 = tpu.vector_load %arg16[%swap3A_877, %swap3A_878] {strides = array<i32>} : memref<128x64xf32, #tpu.memory_space<vmem>>, vector<1x16xf32>,
        %swap3A_880 = vector.shape_cast %swap3A_879 : vector<1x16xf32> to vector<16xf32>
        %swap3A_881 = vector.shape_cast %mul3A_876 : vector<16xf32> to vector<1x16xf32>
        tpu.vector_store %arg16[%swap3A_877, %swap3A_878], %swap3A_881 {strides = array<i32>} : memref<128x64xf32, #tpu.memory_space<vmem>>, vector<1x16xf32>,
        %get3A_882 = arith.index_cast %add3A_848 : i32 to index
        %get3A_883 = arith.constant 48 : index
        %get3A_884 = tpu.vector_load %arg16[%get3A_882, %get3A_883] {strides = array<i32>} : memref<128x64xf32, #tpu.memory_space<vmem>>, vector<1x16xf32>,
        %get3A_885 = vector.shape_cast %get3A_884 : vector<1x16xf32> to vector<16xf32>
        %mul3A_886 = arith.mulf %broadcast_in_dim3A_851, %get3A_885 : vector<16xf32>
        %swap3A_887 = arith.index_cast %add3A_848 : i32 to index
        %swap3A_888 = arith.constant 48 : index
        %swap3A_889 = tpu.vector_load %arg16[%swap3A_887, %swap3A_888] {strides = array<i32>} : memref<128x64xf32, #tpu.memory_space<vmem>>, vector<1x16xf32>,
        %swap3A_890 = vector.shape_cast %swap3A_889 : vector<1x16xf32> to vector<16xf32>
        %swap3A_891 = vector.shape_cast %mul3A_886 : vector<16xf32> to vector<1x16xf32>
        tpu.vector_store %arg16[%swap3A_887, %swap3A_888], %swap3A_891 {strides = array<i32>} : memref<128x64xf32, #tpu.memory_space<vmem>>, vector<1x16xf32>,
        %mul3A_892 = arith.constant 16 : i32
        %mul3A_893 = arith.muli %scan3A_231, %mul3A_892 : i32
        %add3A_894 = arith.constant 14 : i32
        %add3A_895 = arith.addi %mul3A_893, %add3A_894 : i32
        %slice3A_896 = vector.extract_strided_slice %abs3A {offsets = [14], sizes = [1], strides = [1]} : vector<16xf32> to vector<1xf32>
        %squeeze3A_897 = vector.extract %slice3A_896[0] : f32 from vector<1xf32>
        %broadcast_in_dim3A_898 = vector.broadcast %squeeze3A_897 : f32 to vector<16xf32>
        %get3A_899 = arith.index_cast %add3A_895 : i32 to index
        %get3A_900 = arith.constant 0 : index
        %get3A_901 = tpu.vector_load %arg16[%get3A_899, %get3A_900] {strides = array<i32>} : memref<128x64xf32, #tpu.memory_space<vmem>>, vector<1x16xf32>,
        %get3A_902 = vector.shape_cast %get3A_901 : vector<1x16xf32> to vector<16xf32>
        %mul3A_903 = arith.mulf %broadcast_in_dim3A_898, %get3A_902 : vector<16xf32>
        %swap3A_904 = arith.index_cast %add3A_895 : i32 to index
        %swap3A_905 = arith.constant 0 : index
        %swap3A_906 = tpu.vector_load %arg16[%swap3A_904, %swap3A_905] {strides = array<i32>} : memref<128x64xf32, #tpu.memory_space<vmem>>, vector<1x16xf32>,
        %swap3A_907 = vector.shape_cast %swap3A_906 : vector<1x16xf32> to vector<16xf32>
        %swap3A_908 = vector.shape_cast %mul3A_903 : vector<16xf32> to vector<1x16xf32>
        tpu.vector_store %arg16[%swap3A_904, %swap3A_905], %swap3A_908 {strides = array<i32>} : memref<128x64xf32, #tpu.memory_space<vmem>>, vector<1x16xf32>,
        %get3A_909 = arith.index_cast %add3A_895 : i32 to index
        %get3A_910 = arith.constant 16 : index
        %get3A_911 = tpu.vector_load %arg16[%get3A_909, %get3A_910] {strides = array<i32>} : memref<128x64xf32, #tpu.memory_space<vmem>>, vector<1x16xf32>,
        %get3A_912 = vector.shape_cast %get3A_911 : vector<1x16xf32> to vector<16xf32>
        %mul3A_913 = arith.mulf %broadcast_in_dim3A_898, %get3A_912 : vector<16xf32>
        %swap3A_914 = arith.index_cast %add3A_895 : i32 to index
        %swap3A_915 = arith.constant 16 : index
        %swap3A_916 = tpu.vector_load %arg16[%swap3A_914, %swap3A_915] {strides = array<i32>} : memref<128x64xf32, #tpu.memory_space<vmem>>, vector<1x16xf32>,
        %swap3A_917 = vector.shape_cast %swap3A_916 : vector<1x16xf32> to vector<16xf32>
        %swap3A_918 = vector.shape_cast %mul3A_913 : vector<16xf32> to vector<1x16xf32>
        tpu.vector_store %arg16[%swap3A_914, %swap3A_915], %swap3A_918 {strides = array<i32>} : memref<128x64xf32, #tpu.memory_space<vmem>>, vector<1x16xf32>,
        %get3A_919 = arith.index_cast %add3A_895 : i32 to index
        %get3A_920 = arith.constant 32 : index
        %get3A_921 = tpu.vector_load %arg16[%get3A_919, %get3A_920] {strides = array<i32>} : memref<128x64xf32, #tpu.memory_space<vmem>>, vector<1x16xf32>,
        %get3A_922 = vector.shape_cast %get3A_921 : vector<1x16xf32> to vector<16xf32>
        %mul3A_923 = arith.mulf %broadcast_in_dim3A_898, %get3A_922 : vector<16xf32>
        %swap3A_924 = arith.index_cast %add3A_895 : i32 to index
        %swap3A_925 = arith.constant 32 : index
        %swap3A_926 = tpu.vector_load %arg16[%swap3A_924, %swap3A_925] {strides = array<i32>} : memref<128x64xf32, #tpu.memory_space<vmem>>, vector<1x16xf32>,
        %swap3A_927 = vector.shape_cast %swap3A_926 : vector<1x16xf32> to vector<16xf32>
        %swap3A_928 = vector.shape_cast %mul3A_923 : vector<16xf32> to vector<1x16xf32>
        tpu.vector_store %arg16[%swap3A_924, %swap3A_925], %swap3A_928 {strides = array<i32>} : memref<128x64xf32, #tpu.memory_space<vmem>>, vector<1x16xf32>,
        %get3A_929 = arith.index_cast %add3A_895 : i32 to index
        %get3A_930 = arith.constant 48 : index
        %get3A_931 = tpu.vector_load %arg16[%get3A_929, %get3A_930] {strides = array<i32>} : memref<128x64xf32, #tpu.memory_space<vmem>>, vector<1x16xf32>,
        %get3A_932 = vector.shape_cast %get3A_931 : vector<1x16xf32> to vector<16xf32>
        %mul3A_933 = arith.mulf %broadcast_in_dim3A_898, %get3A_932 : vector<16xf32>
        %swap3A_934 = arith.index_cast %add3A_895 : i32 to index
        %swap3A_935 = arith.constant 48 : index
        %swap3A_936 = tpu.vector_load %arg16[%swap3A_934, %swap3A_935] {strides = array<i32>} : memref<128x64xf32, #tpu.memory_space<vmem>>, vector<1x16xf32>,
        %swap3A_937 = vector.shape_cast %swap3A_936 : vector<1x16xf32> to vector<16xf32>
        %swap3A_938 = vector.shape_cast %mul3A_933 : vector<16xf32> to vector<1x16xf32>
        tpu.vector_store %arg16[%swap3A_934, %swap3A_935], %swap3A_938 {strides = array<i32>} : memref<128x64xf32, #tpu.memory_space<vmem>>, vector<1x16xf32>,
        %mul3A_939 = arith.constant 16 : i32
        %mul3A_940 = arith.muli %scan3A_231, %mul3A_939 : i32
        %add3A_941 = arith.constant 15 : i32
        %add3A_942 = arith.addi %mul3A_940, %add3A_941 : i32
        %slice3A_943 = vector.extract_strided_slice %abs3A {offsets = [15], sizes = [1], strides = [1]} : vector<16xf32> to vector<1xf32>
        %squeeze3A_944 = vector.extract %slice3A_943[0] : f32 from vector<1xf32>
        %broadcast_in_dim3A_945 = vector.broadcast %squeeze3A_944 : f32 to vector<16xf32>
        %get3A_946 = arith.index_cast %add3A_942 : i32 to index
        %get3A_947 = arith.constant 0 : index
        %get3A_948 = tpu.vector_load %arg16[%get3A_946, %get3A_947] {strides = array<i32>} : memref<128x64xf32, #tpu.memory_space<vmem>>, vector<1x16xf32>,
        %get3A_949 = vector.shape_cast %get3A_948 : vector<1x16xf32> to vector<16xf32>
        %mul3A_950 = arith.mulf %broadcast_in_dim3A_945, %get3A_949 : vector<16xf32>
        %swap3A_951 = arith.index_cast %add3A_942 : i32 to index
        %swap3A_952 = arith.constant 0 : index
        %swap3A_953 = tpu.vector_load %arg16[%swap3A_951, %swap3A_952] {strides = array<i32>} : memref<128x64xf32, #tpu.memory_space<vmem>>, vector<1x16xf32>,
        %swap3A_954 = vector.shape_cast %swap3A_953 : vector<1x16xf32> to vector<16xf32>
        %swap3A_955 = vector.shape_cast %mul3A_950 : vector<16xf32> to vector<1x16xf32>
        tpu.vector_store %arg16[%swap3A_951, %swap3A_952], %swap3A_955 {strides = array<i32>} : memref<128x64xf32, #tpu.memory_space<vmem>>, vector<1x16xf32>,
        %get3A_956 = arith.index_cast %add3A_942 : i32 to index
        %get3A_957 = arith.constant 16 : index
        %get3A_958 = tpu.vector_load %arg16[%get3A_956, %get3A_957] {strides = array<i32>} : memref<128x64xf32, #tpu.memory_space<vmem>>, vector<1x16xf32>,
        %get3A_959 = vector.shape_cast %get3A_958 : vector<1x16xf32> to vector<16xf32>
        %mul3A_960 = arith.mulf %broadcast_in_dim3A_945, %get3A_959 : vector<16xf32>
        %swap3A_961 = arith.index_cast %add3A_942 : i32 to index
        %swap3A_962 = arith.constant 16 : index
        %swap3A_963 = tpu.vector_load %arg16[%swap3A_961, %swap3A_962] {strides = array<i32>} : memref<128x64xf32, #tpu.memory_space<vmem>>, vector<1x16xf32>,
        %swap3A_964 = vector.shape_cast %swap3A_963 : vector<1x16xf32> to vector<16xf32>
        %swap3A_965 = vector.shape_cast %mul3A_960 : vector<16xf32> to vector<1x16xf32>
        tpu.vector_store %arg16[%swap3A_961, %swap3A_962], %swap3A_965 {strides = array<i32>} : memref<128x64xf32, #tpu.memory_space<vmem>>, vector<1x16xf32>,
        %get3A_966 = arith.index_cast %add3A_942 : i32 to index
        %get3A_967 = arith.constant 32 : index
        %get3A_968 = tpu.vector_load %arg16[%get3A_966, %get3A_967] {strides = array<i32>} : memref<128x64xf32, #tpu.memory_space<vmem>>, vector<1x16xf32>,
        %get3A_969 = vector.shape_cast %get3A_968 : vector<1x16xf32> to vector<16xf32>
        %mul3A_970 = arith.mulf %broadcast_in_dim3A_945, %get3A_969 : vector<16xf32>
        %swap3A_971 = arith.index_cast %add3A_942 : i32 to index
        %swap3A_972 = arith.constant 32 : index
        %swap3A_973 = tpu.vector_load %arg16[%swap3A_971, %swap3A_972] {strides = array<i32>} : memref<128x64xf32, #tpu.memory_space<vmem>>, vector<1x16xf32>,
        %swap3A_974 = vector.shape_cast %swap3A_973 : vector<1x16xf32> to vector<16xf32>
        %swap3A_975 = vector.shape_cast %mul3A_970 : vector<16xf32> to vector<1x16xf32>
        tpu.vector_store %arg16[%swap3A_971, %swap3A_972], %swap3A_975 {strides = array<i32>} : memref<128x64xf32, #tpu.memory_space<vmem>>, vector<1x16xf32>,
        %get3A_976 = arith.index_cast %add3A_942 : i32 to index
        %get3A_977 = arith.constant 48 : index
        %get3A_978 = tpu.vector_load %arg16[%get3A_976, %get3A_977] {strides = array<i32>} : memref<128x64xf32, #tpu.memory_space<vmem>>, vector<1x16xf32>,
        %get3A_979 = vector.shape_cast %get3A_978 : vector<1x16xf32> to vector<16xf32>
        %mul3A_980 = arith.mulf %broadcast_in_dim3A_945, %get3A_979 : vector<16xf32>
        %swap3A_981 = arith.index_cast %add3A_942 : i32 to index
        %swap3A_982 = arith.constant 48 : index
        %swap3A_983 = tpu.vector_load %arg16[%swap3A_981, %swap3A_982] {strides = array<i32>} : memref<128x64xf32, #tpu.memory_space<vmem>>, vector<1x16xf32>,
        %swap3A_984 = vector.shape_cast %swap3A_983 : vector<1x16xf32> to vector<16xf32>
        %swap3A_985 = vector.shape_cast %mul3A_980 : vector<16xf32> to vector<1x16xf32>
        tpu.vector_store %arg16[%swap3A_981, %swap3A_982], %swap3A_985 {strides = array<i32>} : memref<128x64xf32, #tpu.memory_space<vmem>>, vector<1x16xf32>,
        %scan3A_986 = arith.constant 0 : i32
        scf.yield %scan3A_986 : i32
      }
      %scan3A_223 = arith.constant 4 : i32
      %dma_start3A_224 = arith.constant 64 : i32
      %dma_start3A_225 = arith.constant 0 : i32
      %dma_start3A_226 = tpu.memref_slice %arg16[%dma_start3A_224, %dma_start3A_225] : memref<128x64xf32, #tpu.memory_space<vmem>> -> memref<64x64xf32, #tpu.memory_space<vmem>>
      %dma_start3A_227 = arith.constant 0 : i32
      %dma_start3A_228 = arith.constant 0 : i32
      %dma_start3A_229 = tpu.memref_slice %arg19[%dma_start3A_227, %dma_start3A_228] : memref<20000x64xf32, #tpu.memory_space<vmem_shared>> -> memref<20000x64xf32, #tpu.memory_space<vmem_shared>>
      tpu.enqueue_indirect_dma source(%dma_start3A_226 : memref<64x64xf32, #tpu.memory_space<vmem>>) target(%dma_start3A_229 : memref<20000x64xf32, #tpu.memory_space<vmem_shared>>) offsets(%arg15 : memref<64xi32, #tpu.memory_space<vmem>>) semaphore(%arg28 : memref<!tpu.dma_semaphore, #tpu.memory_space<semaphore_mem>>) {add = true}
      %while3A_230 = arith.constant 0 : i32
      scf.yield %while3A_230 : i32
    }
    %dma_wait3A = arith.constant 0 : i32
    %dma_wait3A_43 = arith.constant 0 : i32
    %dma_wait3A_44 = tpu.memref_slice %arg16[%dma_wait3A, %dma_wait3A_43] : memref<128x64xf32, #tpu.memory_space<vmem>> -> memref<64x64xf32, #tpu.memory_space<vmem>>
    %dma_wait3A_45 = arith.constant 0 : i32
    %dma_wait3A_46 = arith.constant 0 : i32
    %dma_wait3A_47 = tpu.memref_slice %arg19[%dma_wait3A_45, %dma_wait3A_46] : memref<20000x64xf32, #tpu.memory_space<vmem_shared>> -> memref<20000x64xf32, #tpu.memory_space<vmem_shared>>
    tpu.wait_indirect_dma semaphore(%arg27 : memref<!tpu.dma_semaphore, #tpu.memory_space<semaphore_mem>>) src(%dma_wait3A_44 : memref<64x64xf32, #tpu.memory_space<vmem>>) dst(%dma_wait3A_47 : memref<20000x64xf32, #tpu.memory_space<vmem_shared>>)
    %dma_wait3A_48 = arith.constant 64 : i32
    %dma_wait3A_49 = arith.constant 0 : i32
    %dma_wait3A_50 = tpu.memref_slice %arg16[%dma_wait3A_48, %dma_wait3A_49] : memref<128x64xf32, #tpu.memory_space<vmem>> -> memref<64x64xf32, #tpu.memory_space<vmem>>
    %dma_wait3A_51 = arith.constant 0 : i32
    %dma_wait3A_52 = arith.constant 0 : i32
    %dma_wait3A_53 = tpu.memref_slice %arg19[%dma_wait3A_51, %dma_wait3A_52] : memref<20000x64xf32, #tpu.memory_space<vmem_shared>> -> memref<20000x64xf32, #tpu.memory_space<vmem_shared>>
    tpu.wait_indirect_dma semaphore(%arg28 : memref<!tpu.dma_semaphore, #tpu.memory_space<semaphore_mem>>) src(%dma_wait3A_50 : memref<64x64xf32, #tpu.memory_space<vmem>>) dst(%dma_wait3A_53 : memref<20000x64xf32, #tpu.memory_space<vmem_shared>>)
    %eq3A_54 = arith.constant 0 : i32
    %eq3A_55 = arith.cmpi eq, %arg0, %eq3A_54 : i32
    %convert_element_type3A_56 = arith.extui %eq3A_55 : i1 to i32
    %cond3A_57 = arith.constant 0 : i32
    %cond3A_58 = arith.cmpi ne, %convert_element_type3A_56, %cond3A_57 : i32
    scf.if %cond3A_58 {
      %dma_wait3A_78 = arith.constant 0 : i32
      %dma_wait3A_79 = tpu.memref_slice %arg20[%dma_wait3A_78] : memref<10000xf32, #tpu.memory_space<vmem_shared>> -> memref<10000xf32, #tpu.memory_space<vmem_shared>>
      tpu.wait_indirect_dma semaphore(%arg25 : memref<!tpu.dma_semaphore, #tpu.memory_space<semaphore_mem>>) src(%arg17 : memref<64xf32, #tpu.memory_space<vmem>>) dst(%dma_wait3A_79 : memref<10000xf32, #tpu.memory_space<vmem_shared>>)
      %dma_wait3A_80 = arith.constant 0 : i32
      %dma_wait3A_81 = tpu.memref_slice %arg20[%dma_wait3A_80] : memref<10000xf32, #tpu.memory_space<vmem_shared>> -> memref<10000xf32, #tpu.memory_space<vmem_shared>>
      tpu.wait_indirect_dma semaphore(%arg26 : memref<!tpu.dma_semaphore, #tpu.memory_space<semaphore_mem>>) src(%arg17 : memref<64xf32, #tpu.memory_space<vmem>>) dst(%dma_wait3A_81 : memref<10000xf32, #tpu.memory_space<vmem_shared>>)
    } else {
    }
    %barrier3A_59 = arith.constant 0 : index
    tpu.barrier barrier_id(%barrier3A_59)
    %lt3A_60 = arith.constant 15 : i32
    %lt3A_61 = arith.cmpi slt, %arg1, %lt3A_60 : i32
    %convert_element_type3A_62 = arith.extui %lt3A_61 : i1 to i32
    %cond3A_63 = arith.constant 0 : i32
    %cond3A_64 = arith.cmpi ne, %convert_element_type3A_62, %cond3A_63 : i32
    scf.if %cond3A_64 {
      "tpu.region"() ({
        %run_scoped3A = tpu.sem_alloc : memref<!tpu.dma_semaphore, #tpu.memory_space<semaphore_mem>>
        %dma_start3A = arith.constant 0 : i32
        %dma_start3A_82 = tpu.memref_slice %arg7[%arg0, %mul3A_6, %dma_start3A] : memref<2x10000x64xf32, #tpu.memory_space<hbm>> -> memref<1x624x64xf32, #tpu.memory_space<hbm>>
        %dma_start3A_83 = tpu.memref_squeeze %dma_start3A_82 : memref<1x624x64xf32, #tpu.memory_space<hbm>> -> memref<624x64xf32, #tpu.memory_space<hbm>>
        %dma_start3A_84 = arith.constant 0 : i32
        %dma_start3A_85 = tpu.memref_slice %arg18[%mul3A_6, %dma_start3A_84] : memref<10000x64xf32, #tpu.memory_space<vmem_shared>> -> memref<624x64xf32, #tpu.memory_space<vmem_shared>>
        tpu.enqueue_dma source(%dma_start3A_85 : memref<624x64xf32, #tpu.memory_space<vmem_shared>>) target(%dma_start3A_83 : memref<624x64xf32, #tpu.memory_space<hbm>>) target_semaphore(%run_scoped3A : memref<!tpu.dma_semaphore, #tpu.memory_space<semaphore_mem>>)
        %dma_wait3A_86 = arith.constant 0 : i32
        %dma_wait3A_87 = tpu.memref_slice %arg7[%arg0, %mul3A_6, %dma_wait3A_86] : memref<2x10000x64xf32, #tpu.memory_space<hbm>> -> memref<1x624x64xf32, #tpu.memory_space<hbm>>
        %dma_wait3A_88 = tpu.memref_squeeze %dma_wait3A_87 : memref<1x624x64xf32, #tpu.memory_space<hbm>> -> memref<624x64xf32, #tpu.memory_space<hbm>>
        %dma_wait3A_89 = arith.constant 0 : i32
        %dma_wait3A_90 = tpu.memref_slice %arg18[%mul3A_6, %dma_wait3A_89] : memref<10000x64xf32, #tpu.memory_space<vmem_shared>> -> memref<624x64xf32, #tpu.memory_space<vmem_shared>>
        tpu.wait_dma2 semaphore(%run_scoped3A : memref<!tpu.dma_semaphore, #tpu.memory_space<semaphore_mem>>) src(%dma_wait3A_90 : memref<624x64xf32, #tpu.memory_space<vmem_shared>>) dst(%dma_wait3A_88 : memref<624x64xf32, #tpu.memory_space<hbm>>)
        tpu.yield
      }) : () -> ()
      "tpu.region"() ({
        %run_scoped3A = tpu.sem_alloc : memref<!tpu.dma_semaphore, #tpu.memory_space<semaphore_mem>>
        %dma_start3A = arith.constant 0 : i32
        %dma_start3A_82 = tpu.memref_slice %arg8[%arg0, %mul3A_6, %dma_start3A] : memref<2x20000x64xf32, #tpu.memory_space<hbm>> -> memref<1x624x64xf32, #tpu.memory_space<hbm>>
        %dma_start3A_83 = tpu.memref_squeeze %dma_start3A_82 : memref<1x624x64xf32, #tpu.memory_space<hbm>> -> memref<624x64xf32, #tpu.memory_space<hbm>>
        %dma_start3A_84 = arith.constant 0 : i32
        %dma_start3A_85 = tpu.memref_slice %arg19[%mul3A_6, %dma_start3A_84] : memref<20000x64xf32, #tpu.memory_space<vmem_shared>> -> memref<624x64xf32, #tpu.memory_space<vmem_shared>>
        tpu.enqueue_dma source(%dma_start3A_85 : memref<624x64xf32, #tpu.memory_space<vmem_shared>>) target(%dma_start3A_83 : memref<624x64xf32, #tpu.memory_space<hbm>>) target_semaphore(%run_scoped3A : memref<!tpu.dma_semaphore, #tpu.memory_space<semaphore_mem>>)
        %dma_wait3A_86 = arith.constant 0 : i32
        %dma_wait3A_87 = tpu.memref_slice %arg8[%arg0, %mul3A_6, %dma_wait3A_86] : memref<2x20000x64xf32, #tpu.memory_space<hbm>> -> memref<1x624x64xf32, #tpu.memory_space<hbm>>
        %dma_wait3A_88 = tpu.memref_squeeze %dma_wait3A_87 : memref<1x624x64xf32, #tpu.memory_space<hbm>> -> memref<624x64xf32, #tpu.memory_space<hbm>>
        %dma_wait3A_89 = arith.constant 0 : i32
        %dma_wait3A_90 = tpu.memref_slice %arg19[%mul3A_6, %dma_wait3A_89] : memref<20000x64xf32, #tpu.memory_space<vmem_shared>> -> memref<624x64xf32, #tpu.memory_space<vmem_shared>>
        tpu.wait_dma2 semaphore(%run_scoped3A : memref<!tpu.dma_semaphore, #tpu.memory_space<semaphore_mem>>) src(%dma_wait3A_90 : memref<624x64xf32, #tpu.memory_space<vmem_shared>>) dst(%dma_wait3A_88 : memref<624x64xf32, #tpu.memory_space<hbm>>)
        tpu.yield
      }) : () -> ()
      %add3A_78 = arith.constant 10000 : i32
      %add3A_79 = arith.addi %add3A_78, %mul3A_6 : i32
      %add3A_80 = arith.constant 10000 : i32
      %add3A_81 = arith.addi %add3A_80, %mul3A_6 : i32
      "tpu.region"() ({
        %run_scoped3A = tpu.sem_alloc : memref<!tpu.dma_semaphore, #tpu.memory_space<semaphore_mem>>
        %dma_start3A = arith.constant 0 : i32
        %dma_start3A_82 = tpu.memref_slice %arg8[%arg0, %add3A_81, %dma_start3A] : memref<2x20000x64xf32, #tpu.memory_space<hbm>> -> memref<1x624x64xf32, #tpu.memory_space<hbm>>
        %dma_start3A_83 = tpu.memref_squeeze %dma_start3A_82 : memref<1x624x64xf32, #tpu.memory_space<hbm>> -> memref<624x64xf32, #tpu.memory_space<hbm>>
        %dma_start3A_84 = arith.constant 0 : i32
        %dma_start3A_85 = tpu.memref_slice %arg19[%add3A_79, %dma_start3A_84] : memref<20000x64xf32, #tpu.memory_space<vmem_shared>> -> memref<624x64xf32, #tpu.memory_space<vmem_shared>>
        tpu.enqueue_dma source(%dma_start3A_85 : memref<624x64xf32, #tpu.memory_space<vmem_shared>>) target(%dma_start3A_83 : memref<624x64xf32, #tpu.memory_space<hbm>>) target_semaphore(%run_scoped3A : memref<!tpu.dma_semaphore, #tpu.memory_space<semaphore_mem>>)
        %dma_wait3A_86 = arith.constant 0 : i32
        %dma_wait3A_87 = tpu.memref_slice %arg8[%arg0, %add3A_81, %dma_wait3A_86] : memref<2x20000x64xf32, #tpu.memory_space<hbm>> -> memref<1x624x64xf32, #tpu.memory_space<hbm>>
        %dma_wait3A_88 = tpu.memref_squeeze %dma_wait3A_87 : memref<1x624x64xf32, #tpu.memory_space<hbm>> -> memref<624x64xf32, #tpu.memory_space<hbm>>
        %dma_wait3A_89 = arith.constant 0 : i32
        %dma_wait3A_90 = tpu.memref_slice %arg19[%add3A_79, %dma_wait3A_89] : memref<20000x64xf32, #tpu.memory_space<vmem_shared>> -> memref<624x64xf32, #tpu.memory_space<vmem_shared>>
        tpu.wait_dma2 semaphore(%run_scoped3A : memref<!tpu.dma_semaphore, #tpu.memory_space<semaphore_mem>>) src(%dma_wait3A_90 : memref<624x64xf32, #tpu.memory_space<vmem_shared>>) dst(%dma_wait3A_88 : memref<624x64xf32, #tpu.memory_space<hbm>>)
        tpu.yield
      }) : () -> ()
    } else {
    }
    %eq3A_65 = arith.constant 15 : i32
    %eq3A_66 = arith.cmpi eq, %arg1, %eq3A_65 : i32
    %convert_element_type3A_67 = arith.extui %eq3A_66 : i1 to i32
    %cond3A_68 = arith.constant 0 : i32
    %cond3A_69 = arith.cmpi ne, %convert_element_type3A_67, %cond3A_68 : i32
    scf.if %cond3A_69 {
      "tpu.region"() ({
        %run_scoped3A = tpu.sem_alloc : memref<!tpu.dma_semaphore, #tpu.memory_space<semaphore_mem>>
        %dma_start3A = arith.constant 0 : i32
        %dma_start3A_82 = tpu.memref_slice %arg7[%arg0, %mul3A_6, %dma_start3A] : memref<2x10000x64xf32, #tpu.memory_space<hbm>> -> memref<1x640x64xf32, #tpu.memory_space<hbm>>
        %dma_start3A_83 = tpu.memref_squeeze %dma_start3A_82 : memref<1x640x64xf32, #tpu.memory_space<hbm>> -> memref<640x64xf32, #tpu.memory_space<hbm>>
        %dma_start3A_84 = arith.constant 0 : i32
        %dma_start3A_85 = tpu.memref_slice %arg18[%mul3A_6, %dma_start3A_84] : memref<10000x64xf32, #tpu.memory_space<vmem_shared>> -> memref<640x64xf32, #tpu.memory_space<vmem_shared>>
        tpu.enqueue_dma source(%dma_start3A_85 : memref<640x64xf32, #tpu.memory_space<vmem_shared>>) target(%dma_start3A_83 : memref<640x64xf32, #tpu.memory_space<hbm>>) target_semaphore(%run_scoped3A : memref<!tpu.dma_semaphore, #tpu.memory_space<semaphore_mem>>)
        %dma_wait3A_86 = arith.constant 0 : i32
        %dma_wait3A_87 = tpu.memref_slice %arg7[%arg0, %mul3A_6, %dma_wait3A_86] : memref<2x10000x64xf32, #tpu.memory_space<hbm>> -> memref<1x640x64xf32, #tpu.memory_space<hbm>>
        %dma_wait3A_88 = tpu.memref_squeeze %dma_wait3A_87 : memref<1x640x64xf32, #tpu.memory_space<hbm>> -> memref<640x64xf32, #tpu.memory_space<hbm>>
        %dma_wait3A_89 = arith.constant 0 : i32
        %dma_wait3A_90 = tpu.memref_slice %arg18[%mul3A_6, %dma_wait3A_89] : memref<10000x64xf32, #tpu.memory_space<vmem_shared>> -> memref<640x64xf32, #tpu.memory_space<vmem_shared>>
        tpu.wait_dma2 semaphore(%run_scoped3A : memref<!tpu.dma_semaphore, #tpu.memory_space<semaphore_mem>>) src(%dma_wait3A_90 : memref<640x64xf32, #tpu.memory_space<vmem_shared>>) dst(%dma_wait3A_88 : memref<640x64xf32, #tpu.memory_space<hbm>>)
        tpu.yield
      }) : () -> ()
      "tpu.region"() ({
        %run_scoped3A = tpu.sem_alloc : memref<!tpu.dma_semaphore, #tpu.memory_space<semaphore_mem>>
        %dma_start3A = arith.constant 0 : i32
        %dma_start3A_82 = tpu.memref_slice %arg8[%arg0, %mul3A_6, %dma_start3A] : memref<2x20000x64xf32, #tpu.memory_space<hbm>> -> memref<1x640x64xf32, #tpu.memory_space<hbm>>
        %dma_start3A_83 = tpu.memref_squeeze %dma_start3A_82 : memref<1x640x64xf32, #tpu.memory_space<hbm>> -> memref<640x64xf32, #tpu.memory_space<hbm>>
        %dma_start3A_84 = arith.constant 0 : i32
        %dma_start3A_85 = tpu.memref_slice %arg19[%mul3A_6, %dma_start3A_84] : memref<20000x64xf32, #tpu.memory_space<vmem_shared>> -> memref<640x64xf32, #tpu.memory_space<vmem_shared>>
        tpu.enqueue_dma source(%dma_start3A_85 : memref<640x64xf32, #tpu.memory_space<vmem_shared>>) target(%dma_start3A_83 : memref<640x64xf32, #tpu.memory_space<hbm>>) target_semaphore(%run_scoped3A : memref<!tpu.dma_semaphore, #tpu.memory_space<semaphore_mem>>)
        %dma_wait3A_86 = arith.constant 0 : i32
        %dma_wait3A_87 = tpu.memref_slice %arg8[%arg0, %mul3A_6, %dma_wait3A_86] : memref<2x20000x64xf32, #tpu.memory_space<hbm>> -> memref<1x640x64xf32, #tpu.memory_space<hbm>>
        %dma_wait3A_88 = tpu.memref_squeeze %dma_wait3A_87 : memref<1x640x64xf32, #tpu.memory_space<hbm>> -> memref<640x64xf32, #tpu.memory_space<hbm>>
        %dma_wait3A_89 = arith.constant 0 : i32
        %dma_wait3A_90 = tpu.memref_slice %arg19[%mul3A_6, %dma_wait3A_89] : memref<20000x64xf32, #tpu.memory_space<vmem_shared>> -> memref<640x64xf32, #tpu.memory_space<vmem_shared>>
        tpu.wait_dma2 semaphore(%run_scoped3A : memref<!tpu.dma_semaphore, #tpu.memory_space<semaphore_mem>>) src(%dma_wait3A_90 : memref<640x64xf32, #tpu.memory_space<vmem_shared>>) dst(%dma_wait3A_88 : memref<640x64xf32, #tpu.memory_space<hbm>>)
        tpu.yield
      }) : () -> ()
      %add3A_78 = arith.constant 10000 : i32
      %add3A_79 = arith.addi %add3A_78, %mul3A_6 : i32
      %add3A_80 = arith.constant 10000 : i32
      %add3A_81 = arith.addi %add3A_80, %mul3A_6 : i32
      "tpu.region"() ({
        %run_scoped3A = tpu.sem_alloc : memref<!tpu.dma_semaphore, #tpu.memory_space<semaphore_mem>>
        %dma_start3A = arith.constant 0 : i32
        %dma_start3A_82 = tpu.memref_slice %arg8[%arg0, %add3A_81, %dma_start3A] : memref<2x20000x64xf32, #tpu.memory_space<hbm>> -> memref<1x640x64xf32, #tpu.memory_space<hbm>>
        %dma_start3A_83 = tpu.memref_squeeze %dma_start3A_82 : memref<1x640x64xf32, #tpu.memory_space<hbm>> -> memref<640x64xf32, #tpu.memory_space<hbm>>
        %dma_start3A_84 = arith.constant 0 : i32
        %dma_start3A_85 = tpu.memref_slice %arg19[%add3A_79, %dma_start3A_84] : memref<20000x64xf32, #tpu.memory_space<vmem_shared>> -> memref<640x64xf32, #tpu.memory_space<vmem_shared>>
        tpu.enqueue_dma source(%dma_start3A_85 : memref<640x64xf32, #tpu.memory_space<vmem_shared>>) target(%dma_start3A_83 : memref<640x64xf32, #tpu.memory_space<hbm>>) target_semaphore(%run_scoped3A : memref<!tpu.dma_semaphore, #tpu.memory_space<semaphore_mem>>)
        %dma_wait3A_86 = arith.constant 0 : i32
        %dma_wait3A_87 = tpu.memref_slice %arg8[%arg0, %add3A_81, %dma_wait3A_86] : memref<2x20000x64xf32, #tpu.memory_space<hbm>> -> memref<1x640x64xf32, #tpu.memory_space<hbm>>
        %dma_wait3A_88 = tpu.memref_squeeze %dma_wait3A_87 : memref<1x640x64xf32, #tpu.memory_space<hbm>> -> memref<640x64xf32, #tpu.memory_space<hbm>>
        %dma_wait3A_89 = arith.constant 0 : i32
        %dma_wait3A_90 = tpu.memref_slice %arg19[%add3A_79, %dma_wait3A_89] : memref<20000x64xf32, #tpu.memory_space<vmem_shared>> -> memref<640x64xf32, #tpu.memory_space<vmem_shared>>
        tpu.wait_dma2 semaphore(%run_scoped3A : memref<!tpu.dma_semaphore, #tpu.memory_space<semaphore_mem>>) src(%dma_wait3A_90 : memref<640x64xf32, #tpu.memory_space<vmem_shared>>) dst(%dma_wait3A_88 : memref<640x64xf32, #tpu.memory_space<hbm>>)
        tpu.yield
      }) : () -> ()
    } else {
    }
    %eq3A_70 = arith.constant 0 : i32
    %eq3A_71 = arith.cmpi eq, %arg0, %eq3A_70 : i32
    %eq3A_72 = arith.constant 0 : i32
    %eq3A_73 = arith.cmpi eq, %arg1, %eq3A_72 : i32
    %and3A_74 = arith.andi %eq3A_71, %eq3A_73 : i1
    %convert_element_type3A_75 = arith.extui %and3A_74 : i1 to i32
    %cond3A_76 = arith.constant 0 : i32
    %cond3A_77 = arith.cmpi ne, %convert_element_type3A_75, %cond3A_76 : i32
    scf.if %cond3A_77 {
      "tpu.region"() ({
        %run_scoped3A = tpu.sem_alloc : memref<!tpu.dma_semaphore, #tpu.memory_space<semaphore_mem>>
        tpu.enqueue_dma source(%arg20 : memref<10000xf32, #tpu.memory_space<vmem_shared>>) target(%arg9 : memref<10000xf32, #tpu.memory_space<hbm>>) target_semaphore(%run_scoped3A : memref<!tpu.dma_semaphore, #tpu.memory_space<semaphore_mem>>)
        tpu.wait_dma2 semaphore(%run_scoped3A : memref<!tpu.dma_semaphore, #tpu.memory_space<semaphore_mem>>) src(%arg20 : memref<10000xf32, #tpu.memory_space<vmem_shared>>) dst(%arg9 : memref<10000xf32, #tpu.memory_space<hbm>>)
        tpu.yield
      }) : () -> ()
    } else {
    }
    return
  }
}

module attributes {stable_mosaic.version = 14 : i64} {
  func.func @_dense_merged(%arg0: i32, %arg1: memref<1000x128xf32, #tpu.memory_space<vmem>>, %arg2: memref<1x1000x64xf32, #tpu.memory_space<vmem>>, %arg3: memref<1x1000x64xf32, #tpu.memory_space<vmem>>, %arg4: memref<1x1000x64xf32, #tpu.memory_space<vmem>>, %arg5: memref<1x1000x64xf32, #tpu.memory_space<vmem>>, %arg6: memref<1x1000x64xf32, #tpu.memory_space<vmem>>, %arg7: memref<1x1000x64xf32, #tpu.memory_space<vmem>>, %arg8: memref<1000x1xf32, #tpu.memory_space<vmem>>, %arg9: memref<1000x1xf32, #tpu.memory_space<vmem>>, %arg10: memref<1000x1xf32, #tpu.memory_space<vmem>>, %arg11: memref<512x128xf32, #tpu.memory_space<vmem>>, %arg12: memref<1x128xf32, #tpu.memory_space<vmem>>, %arg13: memref<1x128xf32, #tpu.memory_space<vmem>>, %arg14: memref<1x128xf32, #tpu.memory_space<vmem>>, %arg15: memref<1000x128xf32, #tpu.memory_space<vmem>>, %arg16: memref<10000x128xf32, #tpu.memory_space<vmem>>, %arg17: memref<1x128xf32, #tpu.memory_space<vmem>>, %arg18: memref<1x128xf32, #tpu.memory_space<vmem>>) attributes {dimension_semantics = [#tpu.dimension_semantics<arbitrary>], iteration_bounds = array<i64: 20>, scalar_prefetch = 0 : i64, scratch_operands = 3 : i64, tpu.core_type = #tpu.core_type<tc>, window_params = [{transform_indices = @transform_0, window_bounds = array<i64: 1000, 128>}, {transform_indices = @transform_1, window_bounds = array<i64: 1, 1000, 64>}, {transform_indices = @transform_2, window_bounds = array<i64: 1, 1000, 64>}, {transform_indices = @transform_3, window_bounds = array<i64: 1, 1000, 64>}, {transform_indices = @transform_4, window_bounds = array<i64: 1, 1000, 64>}, {transform_indices = @transform_5, window_bounds = array<i64: 1, 1000, 64>}, {transform_indices = @transform_6, window_bounds = array<i64: 1, 1000, 64>}, {transform_indices = @transform_7, window_bounds = array<i64: 1000, 1>}, {transform_indices = @transform_8, window_bounds = array<i64: 1000, 1>}, {transform_indices = @transform_9, window_bounds = array<i64: 1000, 1>}, {pipeline_mode = #tpu.pipeline_mode<synchronous>, transform_indices = @transform_10, window_bounds = array<i64: 512, 128>}, {pipeline_mode = #tpu.pipeline_mode<synchronous>, transform_indices = @transform_11, window_bounds = array<i64: 1, 128>}, {pipeline_mode = #tpu.pipeline_mode<synchronous>, transform_indices = @transform_12, window_bounds = array<i64: 1, 128>}, {pipeline_mode = #tpu.pipeline_mode<synchronous>, transform_indices = @transform_13, window_bounds = array<i64: 1, 128>}, {transform_indices = @transform_14, window_bounds = array<i64: 1000, 128>}]} {
    %lt3A = arith.constant 10 : i32
    %lt3A_0 = arith.cmpi slt, %arg0, %lt3A : i32
    %convert_element_type3A = arith.extui %lt3A_0 : i1 to i32
    %cond3A = arith.constant 0 : i32
    %cond3A_1 = arith.cmpi ne, %convert_element_type3A, %cond3A : i32
    scf.if %cond3A_1 {
      %get3A = arith.constant 0 : index
      %get3A_6 = arith.constant 0 : index
      %get3A_7 = vector.load %arg1[%get3A, %get3A_6] : memref<1000x128xf32, #tpu.memory_space<vmem>>, vector<1000x128xf32>
      %get3A_8 = arith.constant 0 : index
      %get3A_9 = arith.constant 0 : index
      %get3A_10 = vector.load %arg8[%get3A_8, %get3A_9] : memref<1000x1xf32, #tpu.memory_space<vmem>>, vector<1000x1xf32>
      %max3A = arith.constant 1.000000e+00 : f32
      %max3A_11 = vector.broadcast %max3A : f32 to vector<1000x1xf32>
      %max3A_12 = arith.maximumf %get3A_10, %max3A_11 : vector<1000x1xf32>
      %get3A_13 = arith.constant 0 : index
      %get3A_14 = arith.constant 0 : index
      %get3A_15 = vector.load %arg11[%get3A_13, %get3A_14] : memref<512x128xf32, #tpu.memory_space<vmem>>, vector<512x128xf32>
      %get3A_16 = arith.constant 0 : index
      %get3A_17 = arith.constant 0 : index
      %get3A_18 = arith.constant 0 : index
      %get3A_19 = vector.load %arg4[%get3A_16, %get3A_17, %get3A_18] : memref<1x1000x64xf32, #tpu.memory_space<vmem>>, vector<1x1000x64xf32>
      %get3A_20 = vector.shape_cast %get3A_19 : vector<1x1000x64xf32> to vector<1000x64xf32>
      %get3A_21 = arith.constant 0 : index
      %get3A_22 = arith.constant 0 : index
      %get3A_23 = arith.constant 0 : index
      %get3A_24 = vector.load %arg6[%get3A_21, %get3A_22, %get3A_23] : memref<1x1000x64xf32, #tpu.memory_space<vmem>>, vector<1x1000x64xf32>
      %get3A_25 = vector.shape_cast %get3A_24 : vector<1x1000x64xf32> to vector<1000x64xf32>
      %add3A = arith.addf %get3A_20, %get3A_25 : vector<1000x64xf32>
      %get3A_26 = arith.constant 0 : index
      %get3A_27 = arith.constant 0 : index
      %get3A_28 = arith.constant 0 : index
      %get3A_29 = vector.load %arg5[%get3A_26, %get3A_27, %get3A_28] : memref<1x1000x64xf32, #tpu.memory_space<vmem>>, vector<1x1000x64xf32>
      %get3A_30 = vector.shape_cast %get3A_29 : vector<1x1000x64xf32> to vector<1000x64xf32>
      %get3A_31 = arith.constant 0 : index
      %get3A_32 = arith.constant 0 : index
      %get3A_33 = arith.constant 0 : index
      %get3A_34 = vector.load %arg7[%get3A_31, %get3A_32, %get3A_33] : memref<1x1000x64xf32, #tpu.memory_space<vmem>>, vector<1x1000x64xf32>
      %get3A_35 = vector.shape_cast %get3A_34 : vector<1x1000x64xf32> to vector<1000x64xf32>
      %add3A_36 = arith.addf %get3A_30, %get3A_35 : vector<1000x64xf32>
      %get3A_37 = arith.constant 0 : index
      %get3A_38 = arith.constant 0 : index
      %get3A_39 = arith.constant 0 : index
      %get3A_40 = vector.load %arg4[%get3A_37, %get3A_38, %get3A_39] : memref<1x1000x64xf32, #tpu.memory_space<vmem>>, vector<1x1000x64xf32>
      %get3A_41 = vector.shape_cast %get3A_40 : vector<1x1000x64xf32> to vector<1000x64xf32>
      %get3A_42 = arith.constant 0 : index
      %get3A_43 = arith.constant 0 : index
      %get3A_44 = arith.constant 0 : index
      %get3A_45 = vector.load %arg6[%get3A_42, %get3A_43, %get3A_44] : memref<1x1000x64xf32, #tpu.memory_space<vmem>>, vector<1x1000x64xf32>
      %get3A_46 = vector.shape_cast %get3A_45 : vector<1x1000x64xf32> to vector<1000x64xf32>
      %sub3A = arith.subf %get3A_41, %get3A_46 : vector<1000x64xf32>
      %get3A_47 = arith.constant 0 : index
      %get3A_48 = arith.constant 0 : index
      %get3A_49 = arith.constant 0 : index
      %get3A_50 = vector.load %arg5[%get3A_47, %get3A_48, %get3A_49] : memref<1x1000x64xf32, #tpu.memory_space<vmem>>, vector<1x1000x64xf32>
      %get3A_51 = vector.shape_cast %get3A_50 : vector<1x1000x64xf32> to vector<1000x64xf32>
      %get3A_52 = arith.constant 0 : index
      %get3A_53 = arith.constant 0 : index
      %get3A_54 = arith.constant 0 : index
      %get3A_55 = vector.load %arg7[%get3A_52, %get3A_53, %get3A_54] : memref<1x1000x64xf32, #tpu.memory_space<vmem>>, vector<1x1000x64xf32>
      %get3A_56 = vector.shape_cast %get3A_55 : vector<1x1000x64xf32> to vector<1000x64xf32>
      %sub3A_57 = arith.subf %get3A_51, %get3A_56 : vector<1000x64xf32>
      %get3A_58 = arith.constant 0 : index
      %get3A_59 = arith.constant 0 : index
      %get3A_60 = arith.constant 0 : index
      %get3A_61 = vector.load %arg2[%get3A_58, %get3A_59, %get3A_60] : memref<1x1000x64xf32, #tpu.memory_space<vmem>>, vector<1x1000x64xf32>
      %get3A_62 = vector.shape_cast %get3A_61 : vector<1x1000x64xf32> to vector<1000x64xf32>
      %slice3A = vector.extract_strided_slice %get3A_15 {offsets = [128, 0], sizes = [64, 128], strides = [1, 1]} : vector<512x128xf32> to vector<64x128xf32>
      %dot_general3A = arith.constant dense<0.000000e+00> : vector<1000x128xf32>
      %dot_general3A_63 = tpu.matmul %get3A_62, %slice3A, %dot_general3A {dimension_numbers = #tpu.dot_dimension_numbers<[1], [0], [0], [1], [0, 0, 1, 1], [], []>, transpose_lhs_hint = false} : vector<1000x64xf32>, vector<64x128xf32>, vector<1000x128xf32> -> vector<1000x128xf32>
      %get3A_64 = arith.constant 0 : index
      %get3A_65 = arith.constant 0 : index
      %get3A_66 = arith.constant 0 : index
      %get3A_67 = vector.load %arg3[%get3A_64, %get3A_65, %get3A_66] : memref<1x1000x64xf32, #tpu.memory_space<vmem>>, vector<1x1000x64xf32>
      %get3A_68 = vector.shape_cast %get3A_67 : vector<1x1000x64xf32> to vector<1000x64xf32>
      %slice3A_69 = vector.extract_strided_slice %get3A_15 {offsets = [192, 0], sizes = [64, 128], strides = [1, 1]} : vector<512x128xf32> to vector<64x128xf32>
      %dot_general3A_70 = arith.constant dense<0.000000e+00> : vector<1000x128xf32>
      %dot_general3A_71 = tpu.matmul %get3A_68, %slice3A_69, %dot_general3A_70 {dimension_numbers = #tpu.dot_dimension_numbers<[1], [0], [0], [1], [0, 0, 1, 1], [], []>, transpose_lhs_hint = false} : vector<1000x64xf32>, vector<64x128xf32>, vector<1000x128xf32> -> vector<1000x128xf32>
      %add3A_72 = arith.addf %dot_general3A_63, %dot_general3A_71 : vector<1000x128xf32>
      %slice3A_73 = vector.extract_strided_slice %get3A_15 {offsets = [256, 0], sizes = [64, 128], strides = [1, 1]} : vector<512x128xf32> to vector<64x128xf32>
      %dot_general3A_74 = arith.constant dense<0.000000e+00> : vector<1000x128xf32>
      %dot_general3A_75 = tpu.matmul %add3A, %slice3A_73, %dot_general3A_74 {dimension_numbers = #tpu.dot_dimension_numbers<[1], [0], [0], [1], [0, 0, 1, 1], [], []>, transpose_lhs_hint = false} : vector<1000x64xf32>, vector<64x128xf32>, vector<1000x128xf32> -> vector<1000x128xf32>
      %slice3A_76 = vector.extract_strided_slice %get3A_15 {offsets = [320, 0], sizes = [64, 128], strides = [1, 1]} : vector<512x128xf32> to vector<64x128xf32>
      %dot_general3A_77 = arith.constant dense<0.000000e+00> : vector<1000x128xf32>
      %dot_general3A_78 = tpu.matmul %add3A_36, %slice3A_76, %dot_general3A_77 {dimension_numbers = #tpu.dot_dimension_numbers<[1], [0], [0], [1], [0, 0, 1, 1], [], []>, transpose_lhs_hint = false} : vector<1000x64xf32>, vector<64x128xf32>, vector<1000x128xf32> -> vector<1000x128xf32>
      %add3A_79 = arith.addf %dot_general3A_75, %dot_general3A_78 : vector<1000x128xf32>
      %slice3A_80 = vector.extract_strided_slice %get3A_15 {offsets = [384, 0], sizes = [64, 128], strides = [1, 1]} : vector<512x128xf32> to vector<64x128xf32>
      %dot_general3A_81 = arith.constant dense<0.000000e+00> : vector<1000x128xf32>
      %dot_general3A_82 = tpu.matmul %sub3A, %slice3A_80, %dot_general3A_81 {dimension_numbers = #tpu.dot_dimension_numbers<[1], [0], [0], [1], [0, 0, 1, 1], [], []>, transpose_lhs_hint = false} : vector<1000x64xf32>, vector<64x128xf32>, vector<1000x128xf32> -> vector<1000x128xf32>
      %slice3A_83 = vector.extract_strided_slice %get3A_15 {offsets = [448, 0], sizes = [64, 128], strides = [1, 1]} : vector<512x128xf32> to vector<64x128xf32>
      %dot_general3A_84 = arith.constant dense<0.000000e+00> : vector<1000x128xf32>
      %dot_general3A_85 = tpu.matmul %sub3A_57, %slice3A_83, %dot_general3A_84 {dimension_numbers = #tpu.dot_dimension_numbers<[1], [0], [0], [1], [0, 0, 1, 1], [], []>, transpose_lhs_hint = false} : vector<1000x64xf32>, vector<64x128xf32>, vector<1000x128xf32> -> vector<1000x128xf32>
      %add3A_86 = arith.addf %dot_general3A_82, %dot_general3A_85 : vector<1000x128xf32>
      %slice3A_87 = vector.extract_strided_slice %get3A_15 {offsets = [0, 0], sizes = [128, 128], strides = [1, 1]} : vector<512x128xf32> to vector<128x128xf32>
      %dot_general3A_88 = arith.constant dense<0.000000e+00> : vector<1000x128xf32>
      %dot_general3A_89 = tpu.matmul %get3A_7, %slice3A_87, %dot_general3A_88 {dimension_numbers = #tpu.dot_dimension_numbers<[1], [0], [0], [1], [0, 0, 1, 1], [], []>, transpose_lhs_hint = false} : vector<1000x128xf32>, vector<128x128xf32>, vector<1000x128xf32> -> vector<1000x128xf32>
      %div3A = vector.broadcast %max3A_12 : vector<1000x1xf32> to vector<1000x128xf32>
      %div3A_90 = arith.divf %add3A_72, %div3A : vector<1000x128xf32>
      %add3A_91 = arith.addf %dot_general3A_89, %div3A_90 : vector<1000x128xf32>
      %add3A_92 = arith.addf %add3A_91, %add3A_79 : vector<1000x128xf32>
      %add3A_93 = arith.addf %add3A_92, %add3A_86 : vector<1000x128xf32>
      %get3A_94 = arith.constant 0 : index
      %get3A_95 = arith.constant 0 : index
      %get3A_96 = vector.load %arg9[%get3A_94, %get3A_95] : memref<1000x1xf32, #tpu.memory_space<vmem>>, vector<1000x1xf32>
      %slice3A_97 = vector.extract_strided_slice %get3A_15 {offsets = [384, 0], sizes = [128, 128], strides = [1, 1]} : vector<512x128xf32> to vector<128x128xf32>
      %dot_general3A_98 = arith.constant dense<0.000000e+00> : vector<1000x128xf32>
      %dot_general3A_99 = tpu.matmul %get3A_7, %slice3A_97, %dot_general3A_98 {dimension_numbers = #tpu.dot_dimension_numbers<[1], [0], [0], [1], [0, 0, 1, 1], [], []>, transpose_lhs_hint = false} : vector<1000x128xf32>, vector<128x128xf32>, vector<1000x128xf32> -> vector<1000x128xf32>
      %mul3A = vector.broadcast %get3A_96 : vector<1000x1xf32> to vector<1000x128xf32>
      %mul3A_100 = arith.mulf %mul3A, %dot_general3A_99 : vector<1000x128xf32>
      %sub3A_101 = arith.subf %add3A_93, %mul3A_100 : vector<1000x128xf32>
      %get3A_102 = arith.constant 0 : index
      %get3A_103 = arith.constant 0 : index
      %get3A_104 = vector.load %arg12[%get3A_102, %get3A_103] : memref<1x128xf32, #tpu.memory_space<vmem>>, vector<1x128xf32>
      %add3A_105 = vector.broadcast %get3A_104 : vector<1x128xf32> to vector<1000x128xf32>
      %add3A_106 = arith.addf %sub3A_101, %add3A_105 : vector<1000x128xf32>
      %get3A_107 = arith.constant 0 : index
      %get3A_108 = arith.constant 0 : index
      %get3A_109 = vector.load %arg10[%get3A_107, %get3A_108] : memref<1000x1xf32, #tpu.memory_space<vmem>>, vector<1000x1xf32>
      %mul3A_110 = vector.broadcast %get3A_109 : vector<1000x1xf32> to vector<1000x128xf32>
      %mul3A_111 = arith.mulf %add3A_106, %mul3A_110 : vector<1000x128xf32>
      %mul3A_112 = arith.constant 1000 : i32
      %mul3A_113 = arith.muli %arg0, %mul3A_112 : i32
      %swap3A = arith.index_cast %mul3A_113 : i32 to index
      %swap3A_114 = arith.constant 0 : index
      %swap3A_115 = vector.load %arg16[%swap3A, %swap3A_114] : memref<10000x128xf32, #tpu.memory_space<vmem>>, vector<1000x128xf32>
      tpu.vector_store %arg16[%swap3A, %swap3A_114], %mul3A_111 {strides = array<i32>} : memref<10000x128xf32, #tpu.memory_space<vmem>>, vector<1000x128xf32>,
      %eq3A = arith.constant 0 : i32
      %eq3A_116 = arith.cmpi eq, %arg0, %eq3A : i32
      %convert_element_type3A_117 = arith.extui %eq3A_116 : i1 to i32
      %cond3A_118 = arith.constant 0 : i32
      %cond3A_119 = arith.cmpi ne, %convert_element_type3A_117, %cond3A_118 : i32
      scf.if %cond3A_119 {
        %reduce_sum3A = arith.constant dense<0.000000e+00> : vector<128xf32>
        %reduce_sum3A_124 = vector.multi_reduction <add>, %mul3A_111, %reduce_sum3A [0] : vector<1000x128xf32> to vector<128xf32>
        %broadcast_in_dim3A = vector.shape_cast %reduce_sum3A_124 : vector<128xf32> to vector<1x128xf32>
        %swap3A_125 = arith.constant 0 : index
        %swap3A_126 = arith.constant 0 : index
        %swap3A_127 = vector.load %arg17[%swap3A_125, %swap3A_126] : memref<1x128xf32, #tpu.memory_space<vmem>>, vector<1x128xf32>
        tpu.vector_store %arg17[%swap3A_125, %swap3A_126], %broadcast_in_dim3A {strides = array<i32>} : memref<1x128xf32, #tpu.memory_space<vmem>>, vector<1x128xf32>,
        %mul3A_128 = arith.mulf %mul3A_111, %mul3A_111 : vector<1000x128xf32>
        %reduce_sum3A_129 = arith.constant dense<0.000000e+00> : vector<128xf32>
        %reduce_sum3A_130 = vector.multi_reduction <add>, %mul3A_128, %reduce_sum3A_129 [0] : vector<1000x128xf32> to vector<128xf32>
        %broadcast_in_dim3A_131 = vector.shape_cast %reduce_sum3A_130 : vector<128xf32> to vector<1x128xf32>
        %swap3A_132 = arith.constant 0 : index
        %swap3A_133 = arith.constant 0 : index
        %swap3A_134 = vector.load %arg18[%swap3A_132, %swap3A_133] : memref<1x128xf32, #tpu.memory_space<vmem>>, vector<1x128xf32>
        tpu.vector_store %arg18[%swap3A_132, %swap3A_133], %broadcast_in_dim3A_131 {strides = array<i32>} : memref<1x128xf32, #tpu.memory_space<vmem>>, vector<1x128xf32>,
      } else {
      }
      %gt3A = arith.constant 0 : i32
      %gt3A_120 = arith.cmpi sgt, %arg0, %gt3A : i32
      %convert_element_type3A_121 = arith.extui %gt3A_120 : i1 to i32
      %cond3A_122 = arith.constant 0 : i32
      %cond3A_123 = arith.cmpi ne, %convert_element_type3A_121, %cond3A_122 : i32
      scf.if %cond3A_123 {
        %get3A_124 = arith.constant 0 : index
        %get3A_125 = arith.constant 0 : index
        %get3A_126 = vector.load %arg17[%get3A_124, %get3A_125] : memref<1x128xf32, #tpu.memory_space<vmem>>, vector<1x128xf32>
        %reduce_sum3A = arith.constant dense<0.000000e+00> : vector<128xf32>
        %reduce_sum3A_127 = vector.multi_reduction <add>, %mul3A_111, %reduce_sum3A [0] : vector<1000x128xf32> to vector<128xf32>
        %broadcast_in_dim3A = vector.shape_cast %reduce_sum3A_127 : vector<128xf32> to vector<1x128xf32>
        %add3A_128 = arith.addf %get3A_126, %broadcast_in_dim3A : vector<1x128xf32>
        %swap3A_129 = arith.constant 0 : index
        %swap3A_130 = arith.constant 0 : index
        %swap3A_131 = vector.load %arg17[%swap3A_129, %swap3A_130] : memref<1x128xf32, #tpu.memory_space<vmem>>, vector<1x128xf32>
        tpu.vector_store %arg17[%swap3A_129, %swap3A_130], %add3A_128 {strides = array<i32>} : memref<1x128xf32, #tpu.memory_space<vmem>>, vector<1x128xf32>,
        %get3A_132 = arith.constant 0 : index
        %get3A_133 = arith.constant 0 : index
        %get3A_134 = vector.load %arg18[%get3A_132, %get3A_133] : memref<1x128xf32, #tpu.memory_space<vmem>>, vector<1x128xf32>
        %mul3A_135 = arith.mulf %mul3A_111, %mul3A_111 : vector<1000x128xf32>
        %reduce_sum3A_136 = arith.constant dense<0.000000e+00> : vector<128xf32>
        %reduce_sum3A_137 = vector.multi_reduction <add>, %mul3A_135, %reduce_sum3A_136 [0] : vector<1000x128xf32> to vector<128xf32>
        %broadcast_in_dim3A_138 = vector.shape_cast %reduce_sum3A_137 : vector<128xf32> to vector<1x128xf32>
        %add3A_139 = arith.addf %get3A_134, %broadcast_in_dim3A_138 : vector<1x128xf32>
        %swap3A_140 = arith.constant 0 : index
        %swap3A_141 = arith.constant 0 : index
        %swap3A_142 = vector.load %arg18[%swap3A_140, %swap3A_141] : memref<1x128xf32, #tpu.memory_space<vmem>>, vector<1x128xf32>
        tpu.vector_store %arg18[%swap3A_140, %swap3A_141], %add3A_139 {strides = array<i32>} : memref<1x128xf32, #tpu.memory_space<vmem>>, vector<1x128xf32>,
      } else {
      }
    } else {
    }
    %ge3A = arith.constant 10 : i32
    %ge3A_2 = arith.cmpi sge, %arg0, %ge3A : i32
    %convert_element_type3A_3 = arith.extui %ge3A_2 : i1 to i32
    %cond3A_4 = arith.constant 0 : i32
    %cond3A_5 = arith.cmpi ne, %convert_element_type3A_3, %cond3A_4 : i32
    scf.if %cond3A_5 {
      %sub3A = arith.constant 10 : i32
      %sub3A_6 = arith.subi %arg0, %sub3A : i32
      %mul3A = arith.constant 1000 : i32
      %mul3A_7 = arith.muli %sub3A_6, %mul3A : i32
      %get3A = arith.index_cast %mul3A_7 : i32 to index
      %get3A_8 = arith.constant 0 : index
      %get3A_9 = vector.load %arg16[%get3A, %get3A_8] : memref<10000x128xf32, #tpu.memory_space<vmem>>, vector<1000x128xf32>
      %get3A_10 = arith.constant 0 : index
      %get3A_11 = arith.constant 0 : index
      %get3A_12 = vector.load %arg17[%get3A_10, %get3A_11] : memref<1x128xf32, #tpu.memory_space<vmem>>, vector<1x128xf32>
      %div3A = arith.constant 1.000000e+04 : f32
      %div3A_13 = vector.broadcast %div3A : f32 to vector<1x128xf32>
      %div3A_14 = arith.divf %get3A_12, %div3A_13 : vector<1x128xf32>
      %get3A_15 = arith.constant 0 : index
      %get3A_16 = arith.constant 0 : index
      %get3A_17 = vector.load %arg18[%get3A_15, %get3A_16] : memref<1x128xf32, #tpu.memory_space<vmem>>, vector<1x128xf32>
      %div3A_18 = arith.constant 1.000000e+04 : f32
      %div3A_19 = vector.broadcast %div3A_18 : f32 to vector<1x128xf32>
      %div3A_20 = arith.divf %get3A_17, %div3A_19 : vector<1x128xf32>
      %mul3A_21 = arith.mulf %div3A_14, %div3A_14 : vector<1x128xf32>
      %sub3A_22 = arith.subf %div3A_20, %mul3A_21 : vector<1x128xf32>
      %sub3A_23 = vector.broadcast %div3A_14 : vector<1x128xf32> to vector<1000x128xf32>
      %sub3A_24 = arith.subf %get3A_9, %sub3A_23 : vector<1000x128xf32>
      %add3A = arith.constant 9.99999974E-6 : f32
      %add3A_25 = vector.broadcast %add3A : f32 to vector<1x128xf32>
      %add3A_26 = arith.addf %sub3A_22, %add3A_25 : vector<1x128xf32>
      %rsqrt3A = math.rsqrt %add3A_26 : vector<1x128xf32>
      %mul3A_27 = vector.broadcast %rsqrt3A : vector<1x128xf32> to vector<1000x128xf32>
      %mul3A_28 = arith.mulf %sub3A_24, %mul3A_27 : vector<1000x128xf32>
      %get3A_29 = arith.constant 0 : index
      %get3A_30 = arith.constant 0 : index
      %get3A_31 = vector.load %arg13[%get3A_29, %get3A_30] : memref<1x128xf32, #tpu.memory_space<vmem>>, vector<1x128xf32>
      %mul3A_32 = vector.broadcast %get3A_31 : vector<1x128xf32> to vector<1000x128xf32>
      %mul3A_33 = arith.mulf %mul3A_28, %mul3A_32 : vector<1000x128xf32>
      %get3A_34 = arith.constant 0 : index
      %get3A_35 = arith.constant 0 : index
      %get3A_36 = vector.load %arg14[%get3A_34, %get3A_35] : memref<1x128xf32, #tpu.memory_space<vmem>>, vector<1x128xf32>
      %add3A_37 = vector.broadcast %get3A_36 : vector<1x128xf32> to vector<1000x128xf32>
      %add3A_38 = arith.addf %mul3A_33, %add3A_37 : vector<1000x128xf32>
      %max3A = arith.constant 0.000000e+00 : f32
      %max3A_39 = vector.broadcast %max3A : f32 to vector<1000x128xf32>
      %max3A_40 = arith.maximumf %add3A_38, %max3A_39 : vector<1000x128xf32>
      %swap3A = arith.constant 0 : index
      %swap3A_41 = arith.constant 0 : index
      %swap3A_42 = vector.load %arg15[%swap3A, %swap3A_41] : memref<1000x128xf32, #tpu.memory_space<vmem>>, vector<1000x128xf32>
      tpu.vector_store %arg15[%swap3A, %swap3A_41], %max3A_40 {strides = array<i32>} : memref<1000x128xf32, #tpu.memory_space<vmem>>, vector<1000x128xf32>,
    } else {
    }
    return
  }
  func.func @transform_0(%arg0: i32) -> (i32, i32) {
    %min3A = arith.constant 9 : i32
    %min3A_0 = arith.minsi %arg0, %min3A : i32
    %c0_i32 = arith.constant 0 : i32
    %c0_i32_1 = arith.constant 0 : i32
    return %min3A_0, %c0_i32 : i32, i32
  }
  func.func @transform_1(%arg0: i32) -> (i32, i32, i32) {
    %min3A = arith.constant 9 : i32
    %min3A_0 = arith.minsi %arg0, %min3A : i32
    %add3A = arith.constant 0 : i32
    %add3A_1 = arith.addi %min3A_0, %add3A : i32
    %c0_i32 = arith.constant 0 : i32
    %c0_i32_2 = arith.constant 0 : i32
    %c0_i32_3 = arith.constant 0 : i32
    return %c0_i32, %add3A_1, %c0_i32_2 : i32, i32, i32
  }
  func.func @transform_2(%arg0: i32) -> (i32, i32, i32) {
    %min3A = arith.constant 9 : i32
    %min3A_0 = arith.minsi %arg0, %min3A : i32
    %add3A = arith.constant 0 : i32
    %add3A_1 = arith.addi %min3A_0, %add3A : i32
    %c1_i32 = arith.constant 1 : i32
    %c0_i32 = arith.constant 0 : i32
    %c0_i32_2 = arith.constant 0 : i32
    return %c1_i32, %add3A_1, %c0_i32 : i32, i32, i32
  }
  func.func @transform_3(%arg0: i32) -> (i32, i32, i32) {
    %min3A = arith.constant 9 : i32
    %min3A_0 = arith.minsi %arg0, %min3A : i32
    %add3A = arith.constant 0 : i32
    %add3A_1 = arith.addi %min3A_0, %add3A : i32
    %c0_i32 = arith.constant 0 : i32
    %c0_i32_2 = arith.constant 0 : i32
    %c0_i32_3 = arith.constant 0 : i32
    return %c0_i32, %add3A_1, %c0_i32_2 : i32, i32, i32
  }
  func.func @transform_4(%arg0: i32) -> (i32, i32, i32) {
    %min3A = arith.constant 9 : i32
    %min3A_0 = arith.minsi %arg0, %min3A : i32
    %add3A = arith.constant 0 : i32
    %add3A_1 = arith.addi %min3A_0, %add3A : i32
    %c1_i32 = arith.constant 1 : i32
    %c0_i32 = arith.constant 0 : i32
    %c0_i32_2 = arith.constant 0 : i32
    return %c1_i32, %add3A_1, %c0_i32 : i32, i32, i32
  }
  func.func @transform_5(%arg0: i32) -> (i32, i32, i32) {
    %min3A = arith.constant 9 : i32
    %min3A_0 = arith.minsi %arg0, %min3A : i32
    %add3A = arith.constant 10 : i32
    %add3A_1 = arith.addi %min3A_0, %add3A : i32
    %c0_i32 = arith.constant 0 : i32
    %c0_i32_2 = arith.constant 0 : i32
    %c0_i32_3 = arith.constant 0 : i32
    return %c0_i32, %add3A_1, %c0_i32_2 : i32, i32, i32
  }
  func.func @transform_6(%arg0: i32) -> (i32, i32, i32) {
    %min3A = arith.constant 9 : i32
    %min3A_0 = arith.minsi %arg0, %min3A : i32
    %add3A = arith.constant 10 : i32
    %add3A_1 = arith.addi %min3A_0, %add3A : i32
    %c1_i32 = arith.constant 1 : i32
    %c0_i32 = arith.constant 0 : i32
    %c0_i32_2 = arith.constant 0 : i32
    return %c1_i32, %add3A_1, %c0_i32 : i32, i32, i32
  }
  func.func @transform_7(%arg0: i32) -> (i32, i32) {
    %min3A = arith.constant 9 : i32
    %min3A_0 = arith.minsi %arg0, %min3A : i32
    %c0_i32 = arith.constant 0 : i32
    %c0_i32_1 = arith.constant 0 : i32
    return %min3A_0, %c0_i32 : i32, i32
  }
  func.func @transform_8(%arg0: i32) -> (i32, i32) {
    %min3A = arith.constant 9 : i32
    %min3A_0 = arith.minsi %arg0, %min3A : i32
    %c0_i32 = arith.constant 0 : i32
    %c0_i32_1 = arith.constant 0 : i32
    return %min3A_0, %c0_i32 : i32, i32
  }
  func.func @transform_9(%arg0: i32) -> (i32, i32) {
    %min3A = arith.constant 9 : i32
    %min3A_0 = arith.minsi %arg0, %min3A : i32
    %c0_i32 = arith.constant 0 : i32
    %c0_i32_1 = arith.constant 0 : i32
    return %min3A_0, %c0_i32 : i32, i32
  }
  func.func @transform_10(%arg0: i32) -> (i32, i32) {
    %c0_i32 = arith.constant 0 : i32
    %c0_i32_0 = arith.constant 0 : i32
    %c0_i32_1 = arith.constant 0 : i32
    return %c0_i32, %c0_i32_0 : i32, i32
  }
  func.func @transform_11(%arg0: i32) -> (i32, i32) {
    %c0_i32 = arith.constant 0 : i32
    %c0_i32_0 = arith.constant 0 : i32
    %c0_i32_1 = arith.constant 0 : i32
    return %c0_i32, %c0_i32_0 : i32, i32
  }
  func.func @transform_12(%arg0: i32) -> (i32, i32) {
    %c0_i32 = arith.constant 0 : i32
    %c0_i32_0 = arith.constant 0 : i32
    %c0_i32_1 = arith.constant 0 : i32
    return %c0_i32, %c0_i32_0 : i32, i32
  }
  func.func @transform_13(%arg0: i32) -> (i32, i32) {
    %c0_i32 = arith.constant 0 : i32
    %c0_i32_0 = arith.constant 0 : i32
    %c0_i32_1 = arith.constant 0 : i32
    return %c0_i32, %c0_i32_0 : i32, i32
  }
  func.func @transform_14(%arg0: i32) -> (i32, i32) {
    %sub3A = arith.constant 10 : i32
    %sub3A_0 = arith.subi %arg0, %sub3A : i32
    %max3A = arith.constant 0 : i32
    %max3A_1 = arith.maxsi %sub3A_0, %max3A : i32
    %c0_i32 = arith.constant 0 : i32
    %c0_i32_2 = arith.constant 0 : i32
    return %max3A_1, %c0_i32 : i32, i32
  }
}

</mosaic_0001>

<sc_bundles>
// kernel: kernel.4.cloned.1.call-start
scs
__scs_entry_jumppad:
0x0: {  	(pc) =	sbr.rel $0x88, $3  }
0x1: {  	(tag) =	ssettag $0x0;
	lr =	simm.s32 $0x1  }
0x2: {  	[smem:$0x3F98] =	sst lr;
	_ =	strace $0xD0000000  }
0x3: {  	_ = 	snop  }
0x4: {  	_ = 	snop  }
0x5: {  	_ = 	snop  }
0x6: {  	_ = 	snop  }
0x7: {  	_ = 	snop  }
__scs_overlays_trampoline_lowered:
0x8: {  	[smem:$0x3FA7] =	sst s0  }
0x9: {  	[smem:$0x3FA8] =	sst s1  }
0xa: {  	[smem:$0x3FA9] =	sst s2  }
0xb: {  	[smem:$0x3FAA] =	sst s3  }
0xc: {  	[smem:$0x3FAB] =	sst s4  }
0xd: {  	[smem:$0x3FAC] =	sst s5  }
0xe: {  	[smem:$0x3FAD] =	sst s6  }
0xf: {  	[smem:$0x3FAE] =	sst s7  }
0x10: {  	[smem:$0x3FAF] =	sst s8  }
0x11: {  	[smem:$0x3FB0] =	sst s9;
	s0 =	simm.s32 @!p0 $0x0  }
0x12: {  	s1 =	sld [smem:$0x3F96];
	s0 =	simm.s32 @p0 $0x1  }
0x13: {  	[smem:$0x3FB1] =	sst s0;
	s0 =	simm.s32 @!p1 $0x0  }
0x14: {  	s2 =	sld [smem:$0x3F95];
	s0 =	simm.s32 @p1 $0x1  }
0x15: {  	[smem:$0x3FB2] =	sst s0;
	s0 =	simm.s32 @!p2 $0x0  }
0x16: {  	s3 =	sld [smem:$0x3FDB];
	s0 =	simm.s32 @p2 $0x1  }
0x17: {  	s4 =	simm.s32 $0x1BF5;
	[smem:$0x3FB4] =	sst s0  }
0x18: {  	s0 =	sld [smem:$0x3F97];
	_ =	swait.ge [sflag:s4], $0x0  }
0x19: {  	s7 =	sld [smem:$0x3F98]  }
0x1a: {  	s8 =	sadd.s32 $0xFFFFE003, lr  }
0x1b: {  	s9 =	sadd.s32 $0xFFFFFEF7, lr;
	s5 =	simm.s32 $0xFFFFFFFF;
	p2 =	slt.u32 s8, $0xFFFFF086  }
0x1c: {  	p1 =	slt.u32 s9, $0xF7A;
	s5 =	simm.s32 @!p2 $0x0  }
0x1d: {  	s5 =	simm.s32 @p1 $0x1;
	p0 =	seq.s32 s7, s2  }
0x1e: {  	s7 =	smul.u32 @!p0 $0xF7A, s2;
	p2 =	seq.s32 @!p0 s5, $0x0  }
0x1f: {  	s9 =	smul.u32 $0xF7A, s1;
	s8 =	simm.s32 @!p0 $0x1BF5;
	p2 =	por !p2, p0  }
0x20: {  	[sflag:s8] =	ssyncset.s32 @!p0 $0xFFFFF086;
	s6 =	sadd.s32 @!p0 s3, s7;
	s7 =	simm.s32 @!p0 $0x108  }
0x21: {  	s3 =	sadd.s32 s3, s9;
	s6 =	sadd.s32 @!p0 $0x88, s6;
	s7 =	simm.s32 @p2 $0x1082  }
0x22: {  	[simem:s7], [sflag:s8] =	dma.local @!p0 [hbm:s6], $0xF7A  }
0x23: {  	s9 =	sor.u32 $0xD0000000, s2;
	s6 =	simm.s32 $0x108;
	_ =	swait.ge @!p0 [sflag:s8], $0x0  }
0x24: {  	s3 =	sadd.s32 $0x88, s3;
	s6 =	simm.s32 @!p1 $0x1082;
	[sflag:s4] =	ssyncset.s32 $0xFFFFF086  }
0x25: {  	[simem:s6], [sflag:s4] =	dma.local [hbm:s3], $0xF7A  }
0x26: {  	[smem:$0x3F98] =	sst s1;
	(tag) =	ssettag s2;
	_ =	strace s9  }
0x27: {  	s1 =	sld [smem:$0x3FA8]  }
0x28: {  	s2 =	sld [smem:$0x3FA9]  }
0x29: {  	s4 =	sld [smem:$0x3FAB]  }
0x2a: {  	p0 =	seq.s32 s5, $0x0;
	s5 =	sld [smem:$0x3FAC]  }
0x2b: {  	s6 =	sld [smem:$0x3FAD]  }
0x2c: {  	s7 =	sld [smem:$0x3FAE]  }
0x2d: {  	s3 =	simm.s32 $0x108;
	s8 =	sld [smem:$0x3FAF]  }
0x2e: {  	s3 =	simm.s32 @!p0 $0x1082;
	s9 =	sld [smem:$0x3FB0]  }
0x2f: {  	lr =	sadd.s32 s0, s3;
	s0 =	sld [smem:$0x3FA7]  }
0x30: {  	s3 =	sld [smem:$0x3FAA]  }
0x31: {  	[smem:$0x3FB3] =	sst s10  }
0x32: {  	s10 =	sld [smem:$0x3FB1];
	_ =	sdelay $0x3  }
0x33: {  	p0 =	seq.s32 s10, $0x1;
	s10 =	sld [smem:$0x3FB3];
	_ =	sdelay $0x3  }
0x34: {  	[smem:$0x3FB3] =	sst s10  }
0x35: {  	s10 =	sld [smem:$0x3FB2];
	_ =	sdelay $0x3  }
0x36: {  	p1 =	seq.s32 s10, $0x1;
	s10 =	sld [smem:$0x3FB3];
	_ =	sdelay $0x3  }
0x37: {  	[smem:$0x3FB3] =	sst s10  }
0x38: {  	s10 =	sld [smem:$0x3FB4]  }
0x39: {  	_ = 	snop;
	(pc) =	sbr.ind lr, $3  }
0x3a: {  	_ = 	snop  }
0x3b: {  	_ = 	snop  }
0x3c: {  	p2 =	seq.s32 s10, $0x1;
	s10 =	sld [smem:$0x3FB3]  }
0x3d: {  	_ =	shalt  }
0x3e: {  	_ =	shalt  }
0x3f: {  	_ =	shalt  }
0x40: {  	_ =	shalt  }
0x41: {  	_ =	shalt  }
0x42: {  	_ =	shalt  }
0x43: {  	_ =	shalt  }
0x44: {  	_ =	shalt  }
0x45: {  	_ =	shalt  }
0x46: {  	_ =	shalt  }
0x47: {  	_ =	shalt  }
0x48: {  	_ =	shalt  }
0x49: {  	_ =	shalt  }
0x4a: {  	_ =	shalt  }
0x4b: {  	_ =	shalt  }
0x4c: {  	_ =	shalt  }
0x4d: {  	_ =	shalt  }
0x4e: {  	_ =	shalt  }
0x4f: {  	_ =	shalt  }
0x50: {  	_ =	shalt  }
0x51: {  	_ =	shalt  }
0x52: {  	_ =	shalt  }
0x53: {  	_ =	shalt  }
0x54: {  	_ =	shalt  }
0x55: {  	_ =	shalt  }
0x56: {  	_ =	shalt  }
0x57: {  	_ =	shalt  }
0x58: {  	_ =	shalt  }
0x59: {  	_ =	shalt  }
0x5a: {  	_ =	shalt  }
0x5b: {  	_ =	shalt  }
0x5c: {  	_ =	shalt  }
0x5d: {  	_ =	shalt  }
0x5e: {  	_ =	shalt  }
0x5f: {  	_ =	shalt  }
0x60: {  	_ =	shalt  }
0x61: {  	_ =	shalt  }
0x62: {  	_ =	shalt  }
0x63: {  	_ =	shalt  }
0x64: {  	_ =	shalt  }
0x65: {  	_ =	shalt  }
0x66: {  	_ =	shalt  }
0x67: {  	_ =	shalt  }
0x68: {  	_ =	shalt  }
0x69: {  	_ =	shalt  }
0x6a: {  	_ =	shalt  }
0x6b: {  	_ =	shalt  }
0x6c: {  	_ =	shalt  }
0x6d: {  	_ =	shalt  }
0x6e: {  	_ =	shalt  }
0x6f: {  	_ =	shalt  }
0x70: {  	_ =	shalt  }
0x71: {  	_ =	shalt  }
0x72: {  	_ =	shalt  }
0x73: {  	_ =	shalt  }
0x74: {  	_ =	shalt  }
0x75: {  	_ =	shalt  }
0x76: {  	_ =	shalt  }
0x77: {  	_ =	shalt  }
0x78: {  	_ =	shalt  }
0x79: {  	_ =	shalt  }
0x7a: {  	_ =	shalt  }
0x7b: {  	_ =	shalt  }
0x7c: {  	_ =	shalt  }
0x7d: {  	_ =	shalt  }
0x7e: {  	_ =	shalt  }
0x7f: {  	_ =	shalt  }
0x80: {  	_ =	shalt  }
0x81: {  	_ =	shalt  }
0x82: {  	_ =	shalt  }
0x83: {  	_ =	shalt  }
0x84: {  	_ =	shalt  }
0x85: {  	_ =	shalt  }
0x86: {  	_ =	shalt  }
0x87: {  	_ =	shalt  }
.Lfunc_end0:
.L_simem_size_0:
called_computation_lowered:
.L_overlay_start_0:
0x88: {  	s2 =	sld [smem:$0x3FD9]  }
0x89: {  	s3 =	sld [smem:$0x3FFE];
	_ =	sdelay $0x1  }
0x8a: {  	s1 =	srdreg.scid  }
0x8b: {  	s0 =	sand.u32 $0x1, s1  }
0x8c: {  	s17 =	sshll.u32 s0, $0xA;
	s2 =	sadd.s32 s3, s2  }
0x8d: {  	s2 =	sadd.s32 s2, s17  }
0x8e: {  	[smem:$0x3FBF] =	sst s2  }
0x8f: {  	_ = 	snop  }
0x90: {  	s2 =	sld [smem:$0x3FD0];
	(tm) =	ssettm $0x1  }
0x91: {  	s18 =	sld [smem:$0x3FFB];
	_ =	sdelay $0x3  }
0x92: {  	_ =	strace s18  }
0x93: {  	s3 =	sld [smem:$0x3FFC];
	_ =	sdelay $0x3  }
0x94: {  	_ =	strace s3  }
0x95: {  	s3 =	sld [smem:$0x3FFD];
	_ =	sdelay $0x3  }
0x96: {  	_ =	strace s3  }
0x97: {  	_ =	strace $0x8FFFFFFF  }
0x98: {  	s19 =	sld [smem:$0x3FDB];
	_ =	sdelay $0x1  }
0x99: {  	s4 =	simm.s32 $_scs_section_size  }
0x9a: {  	s5 =	simm.s32 $_size__tile_overlayer_lowered;
	s6 =	simm.s32 $_tile_overlayer_lowered  }
0x9b: {  	s22 =	simm.s32 $0x1BFF;
	s21 =	sshll.u32 s6, $0x1;
	s3 =	sadd.s32 s4, s19  }
0x9c: {  	s7 =	simm.s32 $0x0;
	s20 =	sshll.u32 s5, $0x1;
	s5 =	sadd.s32 s21, s3  }
0x9d: {  	[timem:s7], [sflag:s22] =	dma.local [hbm:s5], s20  }
0x9e: {  	_ =	swait.ge [sflag:s22], s20  }
0x9f: {  	s4 =	ssub.s32 $0x0, s20;
	[sflag:s22] =	ssyncset.done $0x0  }
0xa0: {  	[sflag:s22] =	ssyncadd.s32 s4;
	_ =	sdelay $0x1  }
0xa1: {  	s23 =	simm.s32 $0x1B8B  }
0xa2: {  	_ =	swait.ge [sflag:s23], $0x1  }
0xa3: {  	[sflag:s23] =	ssyncset.done $0x0  }
0xa4: {  	s25 =	simm.s32 $0x1B8E;
	s24 =	sld [smem:$0x3FFE];
	[sflag:s23] =	ssyncadd.s32 $0xFFFFFFFF  }
0xa5: {  	s26 =	simm.s32 $execute0_lowered;
	[smem:$0x3FD2] =	sst s25  }
0xa6: {  	s5 =	sshll.u32 s26, $0x1;
	_ =	strace $0x80000046;
	[dreg:$0x1] =	wrdreg $0xFFFFFFFF  }
0xa7: {  	s28 =	simm.s32 $_size_execute0_lowered;
	s3 =	sadd.s32 s3, s5;
	[dreg:$0x0] =	wrdreg $0x0  }
0xa8: {  	s5 =	sshll.u32 s28, $0x1;
	[dreg:$0x2] =	wrdreg s3  }
0xa9: {  	[dreg:$0x3] =	wrdreg s5  }
0xaa: {  	[dreg:$0x4] =	wrdreg $0xC0  }
0xab: {  	_ =	task [dreg:s7], $0x5FFFF  }
0xac: {  	[dreg:$0x1] =	wrdreg $0xFFFFFFFF  }
0xad: {  	[dreg:$0x0] =	wrdreg $0x60  }
0xae: {  	[dreg:$0x2] =	wrdreg s2  }
0xaf: {  	[dreg:$0x3] =	wrdreg s24  }
0xb0: {  	[dreg:$0x4] =	wrdreg $0x22400  }
0xb1: {  	[dreg:$0x5] =	wrdreg $0xBE800  }
0xb2: {  	[dreg:$0x6] =	wrdreg $0x1F7000  }
0xb3: {  	[dreg:$0x7] =	wrdreg $0x9  }
0xb4: {  	_ =	task.clear_ibuf [dreg:s7], $0x8FFFF;
	_ =	strace $0x90000046  }
0xb5: {  	s29 =	simm.s32 $0x9;
	_ =	strace $0x80000048  }
0xb6: {  	_ =	swait.ge [sflag:s29], $0x1  }
0xb7: {  	[sflag:s29] =	ssyncadd.s32 $0xFFFFFFFF  }
0xb8: {  	_ =	strace $0x90000048  }
0xb9: {  	_ =	sfence  }
0xba: {  	s30 =	sld [smem:$0x0];
	_ =	sdelay $0x2  }
0xbb: {  	s31 =	sshll.u32 s1, $0xD;
	s1 =	sshrl.u32 s1, $0x2  }
0xbc: {  	s3 =	sand.u32 $0x4000, s31;
	s1 =	sadd.s32 s1, s30  }
0xbd: {  	s0 =	sor.u32 s3, s0;
	s1 =	sshll.u32 s1, $0x11  }
0xbe: {  	s0 =	sor.u32 s1, s0  }
0xbf: {  	s0 =	sadd.s32 $0x8F2B, s0  }
0xc0: {  	[sflag:s0] =	ssyncadd.remote.s32 $0x1  }
0xc1: {  	_ =	sfence.sel $0xFFFF  }
0xc2: {  	[dreg:$0x0] =	wrdreg $0xFFFFFFFF;
	(pc) =	sbr.abs _section_cstart, $3  }
0xc3: {  	[dreg:$0x1] =	wrdreg $0xFFFFFFFF  }
0xc4: {  	_ =	task.clear_ibuf [dreg:s7], $0x2FFFF;
	_ =	strace $0x9FFFFFFF  }
0xc5: {  	(tm) =	ssettm $0x7FFFFFFF  }
tec
execute0_lowered:
.L_overlay_start_1:
0x0: {  	(tag) =	ssettag $0x1  }
0x1: {  	s1 =	rddreg [dreg:$0x0]  }
0x2: {  	s0 =	rddreg [dreg:$0x1]  }
0x3: {  	s2 =	rddreg [dreg:$0x2]  }
0x4: {  	s3 =	rddreg [dreg:$0x3]  }
0x5: {  	s4 =	rddreg [dreg:$0x4];
	s5 =	simm.s32 $0x0  }
0x6: {  	s7 =	srdreg.scid;
	s19 =	stileid.u32;
	s29 =	simm.s32 $0x1  }
0x7: {  	s30 =	simm.s32 $0x100;
	s31 =	simm.s32 $0x140;
	[smem:$0x7FF] =	sst s5  }
0x8: {  	s6 =	sadd.s32 $0x2200, s0;
	s8 =	sadd.s32 $0x15C00, s0;
	s9 =	sadd.s32 $0x1FA00, s0  }
0x9: {  	s10 =	sadd.s32 $0x20E00, s0;
	s11 =	sadd.s32 $0x6F600, s0;
	s12 =	smul.u32 $0x9C00, s19  }
0xa: {  	s13 =	sadd.s32 $0x21400, s0;
	s15 =	smul.u32 $0x27000, s19;
	s0 =	sadd.s32 $0x96800, s0  }
0xb: {  	s21 =	smul.u32 $0x9C, s19;
	s25 =	smin.u32 s19, $0x4;
	p0 =	slt.u32 s19, $0x4  }
0xc: {  	_ =	strace $0x80000047;
	[dreg:$0x6] =	wrdreg s10;
	s10 =	sand.u32 $0x1, s7  }
0xd: {  	p2 =	seq.s32 s19, $0xF;
	[dreg:$0x7] =	wrdreg s0;
	s7 =	ssub.s32 $0x2, s10  }
0xe: {  	s22 =	sadd.s32 s12, s2;
	s23 =	sshrl.u32 s15, $0x2;
	s24 =	smul.u32 $0x9C400, s10  }
0xf: {  	s16 =	sadd.s32 s12, s3;
	s17 =	smul.u32 $0x138800, s10;
	s28 =	sadd.s32 $0x9C400, s12  }
0x10: {  	p1 =	sne.s32 s10, $0x0;
	s14 =	sshrl.u32 s7, $0x1;
	[dreg:$0x8] =	wrdreg s22  }
0x11: {  	[dreg:$0x9] =	wrdreg s16;
	s0 =	ssub.s32 s7, s14;
	s14 =	sadd.s32 s23, s3  }
0x12: {  	s7 =	sadd.s32 s25, s21;
	s26 =	sadd.s32 s12, s24;
	s15 =	sshrl.u32 s24, $0x3  }
0x13: {  	s12 =	sadd.s32 s12, s17;
	s18 =	sadd.s32 s17, s28;
	s20 =	sshrl.u32 s17, $0x3  }
0x14: {  	s21 =	sor.u32 s19, s10;
	s25 =	sadd.s32 $0x92400, s2;
	s17 =	simm.s32 $0x2  }
0x15: {  	s19 =	simm.s32 $0x180;
	s14 =	sadd.s32 $0x9C400, s14;
	s16 =	sshrl.u32 s26, $0x3  }
0x16: {  	s12 =	sshrl.u32 s12, $0x3;
	s0 =	smax.u32 s0, $0x1;
	[dreg:$0x13] =	wrdreg s25  }
0x17: {  	s18 =	sshrl.u32 s18, $0x3;
	s26 =	sadd.s32 $0x92400, s3;
	[dreg:$0x10] =	wrdreg s0  }
0x18: {  	s16 =	sadd.s32 s11, s16;
	s11 =	sadd.s32 s11, s15;
	[dreg:$0x14] =	wrdreg s26  }
0x19: {  	s15 =	simm.s32 $0x1;
	s12 =	sadd.s32 s13, s12;
	[dreg:$0xa] =	wrdreg s16  }
0x1a: {  	s18 =	sadd.s32 s13, s18;
	s0 =	sshrl.u32 @!p2 s14, $0x3;
	[dreg:$0xb] =	wrdreg s12  }
0x1b: {  	[dreg:$0xc] =	wrdreg s18;
	s12 =	sadd.s32 s13, s20;
	s15 =	simm.s32 @!p0 $0x0  }
0x1c: {  	p0 =	sne.s32 s21, $0x0;
	s21 =	smul.u32 $0x2710, s10;
	s13 =	sadd.s32 s28, s3  }
0x1d: {  	s11 =	sadd.s32 $0x12480, s11;
	[dreg:$0x11] =	wrdreg s0;
	s28 =	sadd.s32 $0x12E800, s3  }
0x1e: {  	s10 =	simm.s32 $0x3;
	s16 =	simm.s32 $0x1200;
	s20 =	simm.s32 $0x1C0  }
0x1f: {  	s22 =	sadd.s32 s15, s7;
	[dreg:$0xd] =	wrdreg s11;
	s23 =	sadd.s32 $0x12480, s12  }
.Ltmp0:
0x20: {  	s24 =	sadd.s32 $0x25D00, s12;
	[dreg:$0x15] =	wrdreg s28;
	(pc) =	sbr.rel .LBB2_1-.Ltmp0, $4  }
0x21: {  	s0 =	sshrl.u32 @!p2 s13, $0x3;
	s11 =	simm.s32 $0x4;
	[dreg:$0xe] =	wrdreg s23  }
0x22: {  	s12 =	simm.s32 $0x5;
	s13 =	simm.s32 $0x40;
	[dreg:$0xf] =	wrdreg s24  }
0x23: {  	s15 =	simm.s32 $0x200;
	s18 =	sadd.s32 $0x9C, s22;
	[dreg:$0x12] =	wrdreg s0  }
0x24: {  	v1 =	vimm.f32 $1.000000000e+00;
	v2 =	vimm.s32 $0x0;
	s0 =	simm.s32 $0x80;
	v0 =	vmov s21;
	s23 =	simm.s32 $0x0;
	p3 =	sge.u32 s7, s18  }
.LBB2_7:
0x25: {  	s14 =	simm.s32 $0x7  }
0x26: {  	_ =	swait.ge [sflag:s14], $0x1000  }
0x27: {  	[sflag:s14] =	ssyncset.done $0x0  }
0x28: {  	s25 =	simm.s32 $0x8;
	[sflag:s14] =	ssyncadd.s32 $0xFFFFF000  }
0x29: {  	_ =	swait.ge [sflag:s25], $0x1000  }
0x2a: {  	[sflag:s25] =	ssyncset.done $0x0  }
0x2b: {  	s14 =	simm.s32 @!p1 $0x5;
	[sflag:s25] =	ssyncadd.s32 $0xFFFFF000  }
0x2c: {  	_ =	swait.ge @!p1 [sflag:s14], $0x40  }
0x2d: {  	[sflag:s14] =	ssyncset.done @!p1 $0x0  }
0x2e: {  	[sflag:s14] =	ssyncadd.s32 @!p1 $0xFFFFFFC0;
	s14 =	simm.s32 @!p1 $0x6  }
0x2f: {  	_ =	swait.ge @!p1 [sflag:s14], $0x40  }
0x30: {  	[sflag:s14] =	ssyncset.done @!p1 $0x0  }
0x31: {  	[sflag:s14] =	ssyncadd.s32 @!p1 $0xFFFFFFC0  }
0x32: {  	[bflag:$0x0] =	sbarrier.arrive $0xFFFF  }
0x33: {  	s14 =	rddreg [dreg:$0xd]  }
0x34: {  	s21 =	simm.s32 @p2 $0x1FC9;
	s22 =	rddreg [dreg:$0x16]  }
0x35: {  	[hbm:s14], [sflag:s21] =	dma.local @p2 [spmem:s22], $0x1400  }
0x36: {  	_ =	swait.ge @p2 [sflag:s24], $0x1400  }
0x37: {  	[sflag:s24] =	ssyncset.done @p2 $0x0;
	s14 =	rddreg [dreg:$0xe]  }
0x38: {  	s22 =	rddreg [dreg:$0x17];
	[sflag:s24] =	ssyncadd.s32 @p2 $0xFFFFEC00  }
0x39: {  	[hbm:s14], [sflag:s21] =	dma.local @p2 [spmem:s22], $0x1400  }
0x3a: {  	_ =	swait.ge @p2 [sflag:s24], $0x1400  }
0x3b: {  	[sflag:s24] =	ssyncset.done @p2 $0x0;
	s14 =	rddreg [dreg:$0xf]  }
0x3c: {  	s22 =	rddreg [dreg:$0x18];
	[sflag:s24] =	ssyncadd.s32 @p2 $0xFFFFEC00  }
0x3d: {  	[hbm:s14], [sflag:s21] =	dma.local @p2 [spmem:s22], $0x1400  }
0x3e: {  	_ =	swait.ge @p2 [sflag:s24], $0x1400  }
0x3f: {  	[sflag:s24] =	ssyncset.done @p2 $0x0;
	s14 =	rddreg [dreg:$0xa]  }
0x40: {  	s21 =	rddreg [dreg:$0x19];
	[sflag:s24] =	ssyncadd.s32 @p2 $0xFFFFEC00  }
0x41: {  	[hbm:s14], [sflag:s26] =	dma.local @!p2 [spmem:s21], $0x1380  }
0x42: {  	_ =	swait.ge @!p2 [sflag:s28], $0x1380  }
0x43: {  	[sflag:s28] =	ssyncset.done @!p2 $0x0;
	s14 =	rddreg [dreg:$0xb]  }
0x44: {  	s21 =	rddreg [dreg:$0x1a];
	[sflag:s28] =	ssyncadd.s32 @!p2 $0xFFFFEC80  }
0x45: {  	[hbm:s14], [sflag:s26] =	dma.local @!p2 [spmem:s21], $0x1380  }
0x46: {  	_ =	swait.ge @!p2 [sflag:s28], $0x1380  }
0x47: {  	[sflag:s28] =	ssyncset.done @!p2 $0x0;
	s14 =	rddreg [dreg:$0xc]  }
0x48: {  	s21 =	rddreg [dreg:$0x12];
	[sflag:s28] =	ssyncadd.s32 @!p2 $0xFFFFEC80  }
0x49: {  	[hbm:s14], [sflag:s26] =	dma.local @!p2 [spmem:s21], $0x1380  }
0x4a: {  	_ =	swait.ge @!p2 [sflag:s28], $0x1380  }
0x4b: {  	s14 =	rddreg [dreg:$0x7]  }
0x4c: {  	[sflag:s28] =	ssyncset.done @!p2 $0x0;
	s21 =	rddreg [dreg:$0x1b]  }
0x4d: {  	s22 =	rddreg [dreg:$0x1c];
	[sflag:s28] =	ssyncadd.s32 @!p2 $0xFFFFEC80  }
0x4e: {  	[hbm:s14], [sflag:s21] =	dma.local @!p0 [spmem:s22], $0x4E2  }
0x4f: {  	s21 =	simm.s32 @!p0 $0x9  }
0x50: {  	_ =	swait.ge @!p0 [sflag:s21], $0x4E2  }
0x51: {  	s23 =	sadd.s32 $0x1, s23;
	s28 =	rddreg [dreg:$0x10]  }
0x52: {  	p4 =	sne.s32 s23, s28  }
.Ltmp1:
0x53: {  	_ = 	snop;
	(pc) =	sbr.rel @!p4 .LBB2_8-.Ltmp1, $3  }
0x54: {  	_ =	sdelay $0x1  }
0x55: {  	[sflag:s21] =	ssyncset.done @!p0 $0x0  }
0x56: {  	[sflag:s21] =	ssyncadd.s32 @!p0 $0xFFFFFB1E  }
.LBB2_1:
0x57: {  	[tilespmem:$0x2200] =	vst v1  }
0x58: {  	[tilespmem:$0x2210] =	vst v1;
	s14 =	rddreg [dreg:$0x13]  }
0x59: {  	[tilespmem:$0x2220] =	vst v1;
	s14 =	sshrl.u32 @p2 s14, $0x3  }
0x5a: {  	[tilespmem:$0x2230] =	vst v1;
	s21 =	simm.s32 @p2 $0x1FC9;
	s24 =	simm.s32 @p2 $0x9;
	[dreg:$0x16] =	wrdreg s14  }
0x5b: {  	[spmem:s14], [sflag:s21] =	dma.local @p2 [hbm:s9], $0x1400  }
0x5c: {  	_ =	swait.ge @p2 [sflag:s24], $0x1400  }
0x5d: {  	s14 =	rddreg [dreg:$0x14]  }
0x5e: {  	[sflag:s24] =	ssyncset.done @p2 $0x0;
	s14 =	sshrl.u32 @p2 s14, $0x3  }
0x5f: {  	[sflag:s24] =	ssyncadd.s32 @p2 $0xFFFFEC00;
	[dreg:$0x17] =	wrdreg s14  }
0x60: {  	[spmem:s14], [sflag:s21] =	dma.local @p2 [hbm:s9], $0x1400  }
0x61: {  	_ =	swait.ge @p2 [sflag:s24], $0x1400  }
0x62: {  	s14 =	rddreg [dreg:$0x15]  }
0x63: {  	[sflag:s24] =	ssyncset.done @p2 $0x0;
	s14 =	sshrl.u32 @p2 s14, $0x3  }
0x64: {  	[sflag:s24] =	ssyncadd.s32 @p2 $0xFFFFEC00;
	[dreg:$0x18] =	wrdreg s14  }
0x65: {  	[spmem:s14], [sflag:s21] =	dma.local @p2 [hbm:s9], $0x1400  }
0x66: {  	s21 =	stileid.u32  }
0x67: {  	_ =	swait.ge @p2 [sflag:s24], $0x1400;
	s14 =	sshll.u32 @!p2 s21, $0x6  }
0x68: {  	s26 =	sor.u32 @!p2 $0x1C09, s14;
	s14 =	rddreg [dreg:$0x8]  }
0x69: {  	[sflag:s24] =	ssyncset.done @p2 $0x0;
	s14 =	sshrl.u32 @!p2 s14, $0x3  }
0x6a: {  	s28 =	simm.s32 @!p2 $0x9;
	[sflag:s24] =	ssyncadd.s32 @p2 $0xFFFFEC00;
	[dreg:$0x19] =	wrdreg s14  }
0x6b: {  	[spmem:s14], [sflag:s26] =	dma.local @!p2 [hbm:s9], $0x1380  }
0x6c: {  	_ =	swait.ge @!p2 [sflag:s28], $0x1380  }
0x6d: {  	s14 =	rddreg [dreg:$0x9]  }
0x6e: {  	[sflag:s28] =	ssyncset.done @!p2 $0x0;
	s14 =	sshrl.u32 @!p2 s14, $0x3  }
0x6f: {  	[sflag:s28] =	ssyncadd.s32 @!p2 $0xFFFFEC80;
	[dreg:$0x1a] =	wrdreg s14  }
0x70: {  	[spmem:s14], [sflag:s26] =	dma.local @!p2 [hbm:s9], $0x1380  }
0x71: {  	_ =	swait.ge @!p2 [sflag:s28], $0x1380  }
0x72: {  	[sflag:s28] =	ssyncset.done @!p2 $0x0  }
0x73: {  	s22 =	sshrl.u32 @!p0 s4, $0x3;
	s14 =	rddreg [dreg:$0x11];
	[sflag:s28] =	ssyncadd.s32 @!p2 $0xFFFFEC80  }
0x74: {  	[spmem:s14], [sflag:s26] =	dma.local @!p2 [hbm:s9], $0x1380  }
0x75: {  	s14 =	sshll.u32 @!p0 s21, $0x6;
	_ =	swait.ge @!p2 [sflag:s28], $0x1380;
	[dreg:$0x1c] =	wrdreg s22  }
0x76: {  	s21 =	sor.u32 @!p0 $0x1C09, s14;
	[sflag:s28] =	ssyncset.done @!p2 $0x0;
	s14 =	rddreg [dreg:$0x6]  }
0x77: {  	[dreg:$0x1b] =	wrdreg s21;
	[sflag:s28] =	ssyncadd.s32 @!p2 $0xFFFFEC80  }
0x78: {  	[spmem:s22], [sflag:s21] =	dma.local @!p0 [hbm:s14], $0x4E2  }
0x79: {  	s14 =	simm.s32 @!p0 $0x9  }
.Ltmp2:
0x7a: {  	_ =	swait.ge @!p0 [sflag:s14], $0x4E2;
	(pc) =	sbr.rel @p3 .LBB2_7-.Ltmp2, $4  }
0x7b: {  	[sflag:s14] =	ssyncset.done @!p0 $0x0  }
0x7c: {  	[sflag:s14] =	ssyncadd.s32 @!p0 $0xFFFFFB1E  }
0x7d: {  	[bflag:$0x0] =	sbarrier.arrive $0xFFFF  }
0x7e: {  	s14 =	smov.u32 s7  }
.LBB2_2:
0x7f: {  	p4 =	sle.u32 @!p1 s14, s7  }
0x80: {  	p4 =	por p4, p1  }
0x81: {  	s21 =	simm.s32 @!p4 $0x5  }
0x82: {  	_ =	swait.ge @!p4 [sflag:s21], $0x40  }
0x83: {  	[sflag:s21] =	ssyncset.done @!p4 $0x0  }
0x84: {  	[sflag:s21] =	ssyncadd.s32 @!p4 $0xFFFFFFC0;
	s21 =	simm.s32 @!p4 $0x6  }
0x85: {  	s25 =	sshll.u32 s14, $0x7;
	_ =	swait.ge @!p4 [sflag:s21], $0x40  }
0x86: {  	s25 =	sshrl.u32 s25, $0x3;
	[sflag:s21] =	ssyncset.done @!p4 $0x0  }
0x87: {  	[sflag:s21] =	ssyncadd.s32 @!p4 $0xFFFFFFC0;
	s21 =	sadd.s32 s6, s25  }
0x88: {  	[tilespmem:s5], [sflag:$0x1] =	stream.linear.gather [hbm4b:s21+s5], $0x80, $0x38;
	[tilespmem:$0x1F978] =	vst v63  }
0x89: {  	s22 =	sadd.s32 $0x9C40, s21  }
0x8a: {  	[tilespmem:s30], [sflag:$0x3] =	stream.linear.gather [hbm4b:s22+s5], $0x40, $0x38;
	[tilespmem:$0x1F978] =	vst v63  }
0x8b: {  	s21 =	sadd.s32 $0x9C48, s21  }
0x8c: {  	[tilespmem:s31], [sflag:$0x4] =	stream.linear.gather [hbm4b:s21+s5], $0x40, $0x38;
	[tilespmem:$0x1F978] =	vst v63  }
0x8d: {  	s25 =	sadd.s32 s8, s25  }
0x8e: {  	[tilespmem:s0], [sflag:$0x5] =	stream.linear.gather [hbm4b:s25+s5], $0x80, $0x38;
	[tilespmem:$0x1F978] =	vst v63  }
0x8f: {  	_ =	swait.ge [sflag:s29], $0x80  }
0x90: {  	[sflag:s29] =	ssyncset.done $0x0  }
0x91: {  	[sflag:s29] =	ssyncadd.s32 $0xFFFFFF80  }
0x92: {  	_ =	swait.ge [sflag:s10], $0x40  }
0x93: {  	[sflag:s10] =	ssyncset.done $0x0  }
0x94: {  	[sflag:s10] =	ssyncadd.s32 $0xFFFFFFC0  }
0x95: {  	_ =	swait.ge [sflag:s11], $0x40  }
0x96: {  	p4 =	sle.u32 s14, s7;
	[sflag:s11] =	ssyncset.done $0x0  }
0x97: {  	s21 =	simm.s32 @!p4 $0x7;
	[sflag:s11] =	ssyncadd.s32 $0xFFFFFFC0  }
0x98: {  	_ =	swait.ge @!p4 [sflag:s21], $0x1000  }
0x99: {  	[sflag:s21] =	ssyncset.done @!p4 $0x0  }
0x9a: {  	[sflag:s21] =	ssyncadd.s32 @!p4 $0xFFFFF000;
	s21 =	simm.s32 @!p4 $0x8  }
0x9b: {  	_ =	swait.ge @!p4 [sflag:s21], $0x1000  }
0x9c: {  	[sflag:s21] =	ssyncset.done @!p4 $0x0  }
0x9d: {  	[sflag:s21] =	ssyncadd.s32 @!p4 $0xFFFFF000  }
0x9e: {  	_ =	swait.ge [sflag:s12], $0x80  }
0x9f: {  	[sflag:s12] =	ssyncset.done $0x0  }
0xa0: {  	[sflag:s12] =	ssyncadd.s32 $0xFFFFFF80  }
0xa1: {  	v3 =	vld [tilespmem:$0x0]  }
0xa2: {  	v4 =	vld [tilespmem:$0x10]  }
0xa3: {  	v5 =	vld [tilespmem:$0x20]  }
0xa4: {  	v6 =	vld [tilespmem:$0x30]  }
0xa5: {  	v7 =	vld [tilespmem:$0x40]  }
0xa6: {  	v8 =	vld [tilespmem:$0x50]  }
0xa7: {  	v9 =	vld [tilespmem:$0x60]  }
0xa8: {  	v10 =	vld [tilespmem:$0x70]  }
0xa9: {  	v11 =	vld [tilespmem:$0x100]  }
0xaa: {  	v12 =	vld [tilespmem:$0x80]  }
0xab: {  	v13 =	vld [tilespmem:$0x140]  }
0xac: {  	v14 =	vld [tilespmem:$0xC0]  }
0xad: {  	v15 =	vld [tilespmem:$0x110]  }
0xae: {  	v16 =	vld [tilespmem:$0x90];
	v3 =	vadd.s32 v0, v3  }
0xaf: {  	v46 =	vld [tilespmem:$0x150];
	[tilespmem:$0x0] =	vst v3;
	v3 =	vadd.s32 v0, v4  }
0xb0: {  	v47 =	vld [tilespmem:$0xD0];
	[tilespmem:$0x10] =	vst v3;
	v3 =	vadd.s32 v0, v5  }
0xb1: {  	v48 =	vld [tilespmem:$0x120];
	[tilespmem:$0x20] =	vst v3;
	v3 =	vadd.s32 v0, v6  }
0xb2: {  	v49 =	vld [tilespmem:$0xA0];
	[tilespmem:$0x30] =	vst v3;
	v3 =	vadd.s32 v0, v7  }
0xb3: {  	v50 =	vld [tilespmem:$0x160];
	[tilespmem:$0x40] =	vst v3;
	v3 =	vadd.s32 v0, v8  }
0xb4: {  	v51 =	vld [tilespmem:$0xE0];
	vm0 =	vlt.f32 v12, $0.0e+00;
	[tilespmem:$0x50] =	vst v3;
	v3 =	vadd.s32 v0, v9  }
0xb5: {  	v53 =	vld [tilespmem:$0xB0];
	vm9 =	vlt.f32 v14, $0.0e+00;
	v52 =	vsel vm0, $0x2710, v2;
	[tilespmem:$0x60] =	vst v3;
	v3 =	vadd.s32 v0, v10  }
0xb6: {  	v55 =	vld [tilespmem:$0xF0];
	vm10 =	vlt.f32 v16, $0.0e+00;
	v54 =	vsel vm9, $0x2710, v2;
	[tilespmem:$0x70] =	vst v3;
	v3 =	vadd.s32 v11, v52  }
0xb7: {  	v57 =	vld [tilespmem:$0x130];
	vm11 =	vlt.f32 v47, $0.0e+00;
	v56 =	vsel vm10, $0x2710, v2;
	[tilespmem:$0x180] =	vst v3;
	v3 =	vadd.s32 v13, v54  }
0xb8: {  	v59 =	vld [tilespmem:$0x170];
	vm12 =	vlt.f32 v49, $0.0e+00;
	v58 =	vsel vm11, $0x2710, v2;
	[tilespmem:$0x1C0] =	vst v3;
	v3 =	vadd.s32 v15, v56  }
0xb9: {  	vm13 =	vlt.f32 v51, $0.0e+00;
	v60 =	vsel vm12, $0x2710, v2;
	[tilespmem:$0x190] =	vst v3;
	v3 =	vadd.s32 v46, v58  }
0xba: {  	vm14 =	vlt.f32 v53, $0.0e+00;
	v61 =	vsel vm13, $0x2710, v2;
	[tilespmem:$0x1D0] =	vst v3;
	v3 =	vadd.s32 v48, v60  }
0xbb: {  	vm15 =	vlt.f32 v55, $0.0e+00;
	v62 =	vsel vm14, $0x2710, v2;
	[tilespmem:$0x1A0] =	vst v3;
	v3 =	vadd.s32 v50, v61  }
0xbc: {  	v63 =	vsel vm15, $0x2710, v2;
	[tilespmem:$0x1E0] =	vst v3;
	v3 =	vadd.s32 v57, v62  }
0xbd: {  	[tilespmem:$0x1B0] =	vst v3;
	v3 =	vadd.s32 v59, v63  }
0xbe: {  	[tilespmem:$0x1F0] =	vst v3  }
0xbf: {  	[tilespmem:s15], [sflag:$0x2] =	stream.indirect.gather [hbm4b:s1+s13], $0x40, s5, s13, $0xb8;
	[tilespmem:$0x1F978] =	vst v63  }
0xc0: {  	_ = 	snop  }
0xc1: {  	[tilespmem:s16], [sflag:$0x1] =	stream.indirect.gather [hbm4b:s1+s13], $0x40, s13, s13, $0xb8;
	[tilespmem:$0x1F978] =	vst v63  }
0xc2: {  	_ =	swait.ge [sflag:s17], $0x1000  }
0xc3: {  	[sflag:s17] =	ssyncset.done $0x0  }
0xc4: {  	[sflag:s17] =	ssyncadd.s32 $0xFFFFF000  }
0xc5: {  	[spmem:s2] =	stream.indirect.scatter.add.f32 [tilespmem:s15], [sflag:$0x3], $0x40, s30, s13, $0xb8;
	[tilespmem:$0x1F978] =	vst v63  }
0xc6: {  	_ =	swait.ge [sflag:s29], $0x1000  }
0xc7: {  	[sflag:s29] =	ssyncset.done $0x0  }
0xc8: {  	[sflag:s29] =	ssyncadd.s32 $0xFFFFF000  }
0xc9: {  	[spmem:s2] =	stream.indirect.scatter.add.f32 [tilespmem:s16], [sflag:$0x4], $0x40, s31, s13, $0xb8;
	[tilespmem:$0x1F978] =	vst v63  }
0xca: {  	s22 =	simm.s32 @!p1 $0x100;
	s25 =	simm.s32 @!p1 $0x2200;
	s21 =	simm.s32 @!p1 $0x40  }
0xcb: {  	[spmem:s4] =	stream.indirect.scatter.add.f32 @!p1 [tilespmem:s25], [sflag:$0x5], $0x1, s22, s21, $0xb8;
	[tilespmem:$0x1F978] =	vst v63  }
0xcc: {  	s22 =	simm.s32 @!p1 $0x140  }
0xcd: {  	[spmem:s4] =	stream.indirect.scatter.add.f32 @!p1 [tilespmem:s25], [sflag:$0x6], $0x1, s22, s21, $0xb8;
	[tilespmem:$0x1F978] =	vst v63  }
0xce: {  	_ =	swait.ge [sflag:s10], $0x1000  }
0xcf: {  	[sflag:s10] =	ssyncset.done $0x0  }
0xd0: {  	s21 =	simm.s32 $0x0;
	s25 =	simm.s32 $0x400;
	[sflag:s10] =	ssyncadd.s32 $0xFFFFF000  }
.LBB2_3:
0xd1: {  	s22 =	sshra.s32 s21, $0x2  }
0xd2: {  	v3 =	vld [tilespmem:s22+$0x80];
	_ =	sdelay $0x2  }
0xd3: {  	v4 =	vld [tilespmem:s25+$0xFFFFFE00];
	_ =	sdelay $0x1  }
0xd4: {  	v43 =	vld [tilespmem:s25+$0xFFFFFE10];
	v3 =	vand.u32 $0x7FFFFFFF, v3  }
0xd5: {  	v5 =	vbroadcast v3, $0x0  }
0xd6: {  	v44 =	vld [tilespmem:s25+$0xFFFFFE20]  }
0xd7: {  	v4 =	vmul.f32 v5, v4  }
0xd8: {  	v45 =	vld [tilespmem:s25+$0xFFFFFE30]  }
0xd9: {  	[tilespmem:s25+$0xFFFFFE00] =	vst v4;
	v4 =	vmul.f32 v43, v5  }
0xda: {  	v46 =	vld [tilespmem:s25+$0xFFFFFE40]  }
0xdb: {  	[tilespmem:s25+$0xFFFFFE10] =	vst v4;
	v4 =	vmul.f32 v44, v5  }
0xdc: {  	v48 =	vld [tilespmem:s25+$0xFFFFFE50]  }
0xdd: {  	v47 =	vbroadcast v3, $0x1;
	[tilespmem:s25+$0xFFFFFE20] =	vst v4;
	v4 =	vmul.f32 v45, v5  }
0xde: {  	v49 =	vld [tilespmem:s25+$0xFFFFFE60]  }
0xdf: {  	[tilespmem:s25+$0xFFFFFE30] =	vst v4;
	v4 =	vmul.f32 v46, v47  }
0xe0: {  	v50 =	vld [tilespmem:s25+$0xFFFFFE70]  }
0xe1: {  	[tilespmem:s25+$0xFFFFFE40] =	vst v4;
	v4 =	vmul.f32 v48, v47  }
0xe2: {  	v51 =	vld [tilespmem:s25+$0xFFFFFE80]  }
0xe3: {  	[tilespmem:s25+$0xFFFFFE50] =	vst v4;
	v4 =	vmul.f32 v49, v47  }
0xe4: {  	v53 =	vld [tilespmem:s25+$0xFFFFFE90]  }
0xe5: {  	v52 =	vbroadcast v3, $0x2;
	[tilespmem:s25+$0xFFFFFE60] =	vst v4;
	v4 =	vmul.f32 v50, v47  }
0xe6: {  	v54 =	vld [tilespmem:s25+$0xFFFFFEA0]  }
0xe7: {  	[tilespmem:s25+$0xFFFFFE70] =	vst v4;
	v4 =	vmul.f32 v51, v52  }
0xe8: {  	v55 =	vld [tilespmem:s25+$0xFFFFFEB0]  }
0xe9: {  	[tilespmem:s25+$0xFFFFFE80] =	vst v4;
	v4 =	vmul.f32 v53, v52  }
0xea: {  	v56 =	vld [tilespmem:s25+$0xFFFFFEC0]  }
0xeb: {  	[tilespmem:s25+$0xFFFFFE90] =	vst v4;
	v4 =	vmul.f32 v54, v52  }
0xec: {  	v58 =	vld [tilespmem:s25+$0xFFFFFED0]  }
0xed: {  	v57 =	vbroadcast v3, $0x3;
	[tilespmem:s25+$0xFFFFFEA0] =	vst v4;
	v4 =	vmul.f32 v55, v52  }
0xee: {  	v59 =	vld [tilespmem:s25+$0xFFFFFEE0]  }
0xef: {  	[tilespmem:s25+$0xFFFFFEB0] =	vst v4;
	v4 =	vmul.f32 v56, v57  }
0xf0: {  	v60 =	vld [tilespmem:s25+$0xFFFFFEF0]  }
0xf1: {  	[tilespmem:s25+$0xFFFFFEC0] =	vst v4;
	v4 =	vmul.f32 v58, v57  }
0xf2: {  	v61 =	vld [tilespmem:s25+$0xFFFFFF00]  }
0xf3: {  	[tilespmem:s25+$0xFFFFFED0] =	vst v4;
	v4 =	vmul.f32 v59, v57  }
0xf4: {  	v63 =	vld [tilespmem:s25+$0xFFFFFF10]  }
0xf5: {  	v62 =	vbroadcast v3, $0x4;
	[tilespmem:s25+$0xFFFFFEE0] =	vst v4;
	v4 =	vmul.f32 v60, v57  }
0xf6: {  	v8 =	vld [tilespmem:s25+$0xFFFFFF20]  }
0xf7: {  	[tilespmem:s25+$0xFFFFFEF0] =	vst v4;
	v4 =	vmul.f32 v61, v62  }
0xf8: {  	v9 =	vld [tilespmem:s25+$0xFFFFFF30]  }
0xf9: {  	[tilespmem:s25+$0xFFFFFF00] =	vst v4;
	v4 =	vmul.f32 v63, v62  }
0xfa: {  	v10 =	vld [tilespmem:s25+$0xFFFFFF40]  }
0xfb: {  	[tilespmem:s25+$0xFFFFFF10] =	vst v4;
	v4 =	vmul.f32 v8, v62  }
0xfc: {  	v12 =	vld [tilespmem:s25+$0xFFFFFF50]  }
0xfd: {  	v11 =	vbroadcast v3, $0x5;
	[tilespmem:s25+$0xFFFFFF20] =	vst v4;
	v4 =	vmul.f32 v9, v62  }
0xfe: {  	v13 =	vld [tilespmem:s25+$0xFFFFFF60]  }
0xff: {  	[tilespmem:s25+$0xFFFFFF30] =	vst v4;
	v4 =	vmul.f32 v10, v11  }
0x100: {  	v14 =	vld [tilespmem:s25+$0xFFFFFF70]  }
0x101: {  	[tilespmem:s25+$0xFFFFFF40] =	vst v4;
	v4 =	vmul.f32 v12, v11  }
0x102: {  	v15 =	vld [tilespmem:s25+$0xFFFFFF80]  }
0x103: {  	[tilespmem:s25+$0xFFFFFF50] =	vst v4;
	v4 =	vmul.f32 v13, v11  }
0x104: {  	v17 =	vld [tilespmem:s25+$0xFFFFFF90]  }
0x105: {  	v16 =	vbroadcast v3, $0x6;
	[tilespmem:s25+$0xFFFFFF60] =	vst v4;
	v4 =	vmul.f32 v14, v11  }
0x106: {  	v18 =	vld [tilespmem:s25+$0xFFFFFFA0]  }
0x107: {  	[tilespmem:s25+$0xFFFFFF70] =	vst v4;
	v4 =	vmul.f32 v15, v16  }
0x108: {  	v19 =	vld [tilespmem:s25+$0xFFFFFFB0]  }
0x109: {  	[tilespmem:s25+$0xFFFFFF80] =	vst v4;
	v4 =	vmul.f32 v17, v16  }
0x10a: {  	v20 =	vld [tilespmem:s25+$0xFFFFFFC0]  }
0x10b: {  	[tilespmem:s25+$0xFFFFFF90] =	vst v4;
	v4 =	vmul.f32 v18, v16  }
0x10c: {  	v22 =	vld [tilespmem:s25+$0xFFFFFFD0]  }
0x10d: {  	v21 =	vbroadcast v3, $0x7;
	[tilespmem:s25+$0xFFFFFFA0] =	vst v4;
	v4 =	vmul.f32 v19, v16  }
0x10e: {  	v23 =	vld [tilespmem:s25+$0xFFFFFFE0]  }
0x10f: {  	[tilespmem:s25+$0xFFFFFFB0] =	vst v4;
	v4 =	vmul.f32 v20, v21  }
0x110: {  	v24 =	vld [tilespmem:s25+$0xFFFFFFF0]  }
0x111: {  	[tilespmem:s25+$0xFFFFFFC0] =	vst v4;
	v4 =	vmul.f32 v22, v21  }
0x112: {  	v25 =	vld [tilespmem:s25+$0x0]  }
0x113: {  	[tilespmem:s25+$0xFFFFFFD0] =	vst v4;
	v4 =	vmul.f32 v23, v21  }
0x114: {  	v27 =	vld [tilespmem:s25+$0x10]  }
0x115: {  	v26 =	vbroadcast v3, $0x8;
	[tilespmem:s25+$0xFFFFFFE0] =	vst v4;
	v4 =	vmul.f32 v24, v21  }
0x116: {  	v28 =	vld [tilespmem:s25+$0x20]  }
0x117: {  	[tilespmem:s25+$0xFFFFFFF0] =	vst v4;
	v4 =	vmul.f32 v25, v26  }
0x118: {  	v29 =	vld [tilespmem:s25+$0x30]  }
0x119: {  	[tilespmem:s25+$0x0] =	vst v4;
	v4 =	vmul.f32 v27, v26  }
0x11a: {  	v30 =	vld [tilespmem:s25+$0x40]  }
0x11b: {  	[tilespmem:s25+$0x10] =	vst v4;
	v4 =	vmul.f32 v28, v26  }
0x11c: {  	v32 =	vld [tilespmem:s25+$0x50]  }
0x11d: {  	v31 =	vbroadcast v3, $0x9;
	[tilespmem:s25+$0x20] =	vst v4;
	v4 =	vmul.f32 v29, v26  }
0x11e: {  	v33 =	vld [tilespmem:s25+$0x60]  }
0x11f: {  	[tilespmem:s25+$0x30] =	vst v4;
	v4 =	vmul.f32 v30, v31  }
0x120: {  	v34 =	vld [tilespmem:s25+$0x70]  }
0x121: {  	[tilespmem:s25+$0x40] =	vst v4;
	v4 =	vmul.f32 v32, v31  }
0x122: {  	v35 =	vld [tilespmem:s25+$0x80]  }
0x123: {  	[tilespmem:s25+$0x50] =	vst v4;
	v4 =	vmul.f32 v33, v31  }
0x124: {  	v37 =	vld [tilespmem:s25+$0x90]  }
0x125: {  	v36 =	vbroadcast v3, $0xA;
	[tilespmem:s25+$0x60] =	vst v4;
	v4 =	vmul.f32 v34, v31  }
0x126: {  	v38 =	vld [tilespmem:s25+$0xA0]  }
0x127: {  	[tilespmem:s25+$0x70] =	vst v4;
	v4 =	vmul.f32 v35, v36  }
0x128: {  	v39 =	vld [tilespmem:s25+$0xB0]  }
0x129: {  	[tilespmem:s25+$0x80] =	vst v4;
	v4 =	vmul.f32 v37, v36  }
0x12a: {  	v40 =	vld [tilespmem:s25+$0xC0]  }
0x12b: {  	[tilespmem:s25+$0x90] =	vst v4;
	v4 =	vmul.f32 v38, v36  }
0x12c: {  	v42 =	vld [tilespmem:s25+$0xD0]  }
0x12d: {  	v41 =	vbroadcast v3, $0xB;
	[tilespmem:s25+$0xA0] =	vst v4;
	v4 =	vmul.f32 v39, v36  }
0x12e: {  	v43 =	vld [tilespmem:s25+$0xE0]  }
0x12f: {  	[tilespmem:s25+$0xB0] =	vst v4;
	v4 =	vmul.f32 v40, v41  }
0x130: {  	v44 =	vld [tilespmem:s25+$0xF0]  }
0x131: {  	[tilespmem:s25+$0xC0] =	vst v4;
	v4 =	vmul.f32 v42, v41  }
0x132: {  	v45 =	vld [tilespmem:s25+$0x100]  }
0x133: {  	[tilespmem:s25+$0xD0] =	vst v4;
	v4 =	vmul.f32 v43, v41  }
0x134: {  	v47 =	vld [tilespmem:s25+$0x110]  }
0x135: {  	v46 =	vbroadcast v3, $0xC;
	[tilespmem:s25+$0xE0] =	vst v4;
	v4 =	vmul.f32 v44, v41  }
0x136: {  	v48 =	vld [tilespmem:s25+$0x120]  }
0x137: {  	[tilespmem:s25+$0xF0] =	vst v4;
	v4 =	vmul.f32 v45, v46  }
0x138: {  	v49 =	vld [tilespmem:s25+$0x130]  }
0x139: {  	[tilespmem:s25+$0x100] =	vst v4;
	v4 =	vmul.f32 v47, v46  }
0x13a: {  	v50 =	vld [tilespmem:s25+$0x140]  }
0x13b: {  	[tilespmem:s25+$0x110] =	vst v4;
	v4 =	vmul.f32 v48, v46  }
0x13c: {  	v52 =	vld [tilespmem:s25+$0x150]  }
0x13d: {  	v51 =	vbroadcast v3, $0xD;
	[tilespmem:s25+$0x120] =	vst v4;
	v4 =	vmul.f32 v49, v46  }
0x13e: {  	v53 =	vld [tilespmem:s25+$0x160]  }
0x13f: {  	[tilespmem:s25+$0x130] =	vst v4;
	v4 =	vmul.f32 v50, v51  }
0x140: {  	v54 =	vld [tilespmem:s25+$0x170]  }
0x141: {  	[tilespmem:s25+$0x140] =	vst v4;
	v4 =	vmul.f32 v52, v51  }
0x142: {  	v55 =	vld [tilespmem:s25+$0x180]  }
0x143: {  	[tilespmem:s25+$0x150] =	vst v4;
	v4 =	vmul.f32 v53, v51  }
0x144: {  	v57 =	vld [tilespmem:s25+$0x190]  }
0x145: {  	v56 =	vbroadcast v3, $0xE;
	[tilespmem:s25+$0x160] =	vst v4;
	v4 =	vmul.f32 v54, v51  }
0x146: {  	v58 =	vld [tilespmem:s25+$0x1A0]  }
0x147: {  	[tilespmem:s25+$0x170] =	vst v4;
	v4 =	vmul.f32 v55, v56  }
0x148: {  	v59 =	vld [tilespmem:s25+$0x1B0]  }
0x149: {  	[tilespmem:s25+$0x180] =	vst v4;
	v4 =	vmul.f32 v57, v56  }
0x14a: {  	v60 =	vld [tilespmem:s25+$0x1C0]  }
0x14b: {  	[tilespmem:s25+$0x190] =	vst v4;
	v4 =	vmul.f32 v58, v56  }
0x14c: {  	v61 =	vld [tilespmem:s25+$0x1D0]  }
0x14d: {  	v3 =	vbroadcast v3, $0xF;
	[tilespmem:s25+$0x1A0] =	vst v4;
	v4 =	vmul.f32 v59, v56  }
0x14e: {  	v62 =	vld [tilespmem:s25+$0x1E0]  }
0x14f: {  	v63 =	vld [tilespmem:s25+$0x1F0];
	[tilespmem:s25+$0x1B0] =	vst v4;
	v4 =	vmul.f32 v60, v3;
	_ =	sdelay $0x1  }
0x150: {  	p4 =	sne.s32 s21, $0xC0;
	[tilespmem:s25+$0x1C0] =	vst v4;
	v4 =	vmul.f32 v61, v3  }
.Ltmp3:
0x151: {  	_ = 	snop;
	(pc) =	sbr.rel @p4 .LBB2_3-.Ltmp3, $4  }
0x152: {  	[tilespmem:s25+$0x1D0] =	vst v4;
	v4 =	vmul.f32 v62, v3  }
0x153: {  	v3 =	vmul.f32 v63, v3  }
0x154: {  	[tilespmem:s25+$0x1E0] =	vst v4  }
0x155: {  	s21 =	sadd.s32 $0x40, s21;
	[tilespmem:s25+$0x1F0] =	vst v3;
	s25 =	sadd.s32 $0x400, s25  }
0x156: {  	[spmem:s3] =	stream.indirect.scatter.add.f32 [tilespmem:s15], [sflag:$0x7], $0x40, s19, s13, $0xb8;
	[tilespmem:$0x1F978] =	vst v63  }
0x157: {  	_ =	swait.ge [sflag:s11], $0x1000  }
0x158: {  	[sflag:s11] =	ssyncset.done $0x0  }
0x159: {  	s21 =	simm.s32 $0x0;
	s25 =	simm.s32 $0x15F0;
	[sflag:s11] =	ssyncadd.s32 $0xFFFFF000  }
.LBB2_5:
0x15a: {  	s22 =	sshra.s32 s21, $0x2  }
0x15b: {  	v3 =	vld [tilespmem:s22+$0xC0];
	_ =	sdelay $0x2  }
0x15c: {  	v4 =	vld [tilespmem:s25+$0xFFFFFC10];
	_ =	sdelay $0x1  }
0x15d: {  	v43 =	vld [tilespmem:s25+$0xFFFFFC20];
	v3 =	vand.u32 $0x7FFFFFFF, v3  }
0x15e: {  	v5 =	vbroadcast v3, $0x0  }
0x15f: {  	v44 =	vld [tilespmem:s25+$0xFFFFFC30]  }
0x160: {  	v4 =	vmul.f32 v5, v4  }
0x161: {  	v45 =	vld [tilespmem:s25+$0xFFFFFC40]  }
0x162: {  	[tilespmem:s25+$0xFFFFFC10] =	vst v4;
	v4 =	vmul.f32 v43, v5  }
0x163: {  	v46 =	vld [tilespmem:s25+$0xFFFFFC50]  }
0x164: {  	[tilespmem:s25+$0xFFFFFC20] =	vst v4;
	v4 =	vmul.f32 v44, v5  }
0x165: {  	v48 =	vld [tilespmem:s25+$0xFFFFFC60]  }
0x166: {  	v47 =	vbroadcast v3, $0x1;
	[tilespmem:s25+$0xFFFFFC30] =	vst v4;
	v4 =	vmul.f32 v45, v5  }
0x167: {  	v49 =	vld [tilespmem:s25+$0xFFFFFC70]  }
0x168: {  	[tilespmem:s25+$0xFFFFFC40] =	vst v4;
	v4 =	vmul.f32 v46, v47  }
0x169: {  	v50 =	vld [tilespmem:s25+$0xFFFFFC80]  }
0x16a: {  	[tilespmem:s25+$0xFFFFFC50] =	vst v4;
	v4 =	vmul.f32 v48, v47  }
0x16b: {  	v51 =	vld [tilespmem:s25+$0xFFFFFC90]  }
0x16c: {  	[tilespmem:s25+$0xFFFFFC60] =	vst v4;
	v4 =	vmul.f32 v49, v47  }
0x16d: {  	v53 =	vld [tilespmem:s25+$0xFFFFFCA0]  }
0x16e: {  	v52 =	vbroadcast v3, $0x2;
	[tilespmem:s25+$0xFFFFFC70] =	vst v4;
	v4 =	vmul.f32 v50, v47  }
0x16f: {  	v54 =	vld [tilespmem:s25+$0xFFFFFCB0]  }
0x170: {  	[tilespmem:s25+$0xFFFFFC80] =	vst v4;
	v4 =	vmul.f32 v51, v52  }
0x171: {  	v55 =	vld [tilespmem:s25+$0xFFFFFCC0]  }
0x172: {  	[tilespmem:s25+$0xFFFFFC90] =	vst v4;
	v4 =	vmul.f32 v53, v52  }
0x173: {  	v56 =	vld [tilespmem:s25+$0xFFFFFCD0]  }
0x174: {  	[tilespmem:s25+$0xFFFFFCA0] =	vst v4;
	v4 =	vmul.f32 v54, v52  }
0x175: {  	v58 =	vld [tilespmem:s25+$0xFFFFFCE0]  }
0x176: {  	v57 =	vbroadcast v3, $0x3;
	[tilespmem:s25+$0xFFFFFCB0] =	vst v4;
	v4 =	vmul.f32 v55, v52  }
0x177: {  	v59 =	vld [tilespmem:s25+$0xFFFFFCF0]  }
0x178: {  	[tilespmem:s25+$0xFFFFFCC0] =	vst v4;
	v4 =	vmul.f32 v56, v57  }
0x179: {  	v60 =	vld [tilespmem:s25+$0xFFFFFD00]  }
0x17a: {  	[tilespmem:s25+$0xFFFFFCD0] =	vst v4;
	v4 =	vmul.f32 v58, v57  }
0x17b: {  	v61 =	vld [tilespmem:s25+$0xFFFFFD10]  }
0x17c: {  	[tilespmem:s25+$0xFFFFFCE0] =	vst v4;
	v4 =	vmul.f32 v59, v57  }
0x17d: {  	v63 =	vld [tilespmem:s25+$0xFFFFFD20]  }
0x17e: {  	v62 =	vbroadcast v3, $0x4;
	[tilespmem:s25+$0xFFFFFCF0] =	vst v4;
	v4 =	vmul.f32 v60, v57  }
0x17f: {  	v8 =	vld [tilespmem:s25+$0xFFFFFD30]  }
0x180: {  	[tilespmem:s25+$0xFFFFFD00] =	vst v4;
	v4 =	vmul.f32 v61, v62  }
0x181: {  	v9 =	vld [tilespmem:s25+$0xFFFFFD40]  }
0x182: {  	[tilespmem:s25+$0xFFFFFD10] =	vst v4;
	v4 =	vmul.f32 v63, v62  }
0x183: {  	v10 =	vld [tilespmem:s25+$0xFFFFFD50]  }
0x184: {  	[tilespmem:s25+$0xFFFFFD20] =	vst v4;
	v4 =	vmul.f32 v8, v62  }
0x185: {  	v12 =	vld [tilespmem:s25+$0xFFFFFD60]  }
0x186: {  	v11 =	vbroadcast v3, $0x5;
	[tilespmem:s25+$0xFFFFFD30] =	vst v4;
	v4 =	vmul.f32 v9, v62  }
0x187: {  	v13 =	vld [tilespmem:s25+$0xFFFFFD70]  }
0x188: {  	[tilespmem:s25+$0xFFFFFD40] =	vst v4;
	v4 =	vmul.f32 v10, v11  }
0x189: {  	v14 =	vld [tilespmem:s25+$0xFFFFFD80]  }
0x18a: {  	[tilespmem:s25+$0xFFFFFD50] =	vst v4;
	v4 =	vmul.f32 v12, v11  }
0x18b: {  	v15 =	vld [tilespmem:s25+$0xFFFFFD90]  }
0x18c: {  	[tilespmem:s25+$0xFFFFFD60] =	vst v4;
	v4 =	vmul.f32 v13, v11  }
0x18d: {  	v17 =	vld [tilespmem:s25+$0xFFFFFDA0]  }
0x18e: {  	v16 =	vbroadcast v3, $0x6;
	[tilespmem:s25+$0xFFFFFD70] =	vst v4;
	v4 =	vmul.f32 v14, v11  }
0x18f: {  	v18 =	vld [tilespmem:s25+$0xFFFFFDB0]  }
0x190: {  	[tilespmem:s25+$0xFFFFFD80] =	vst v4;
	v4 =	vmul.f32 v15, v16  }
0x191: {  	v19 =	vld [tilespmem:s25+$0xFFFFFDC0]  }
0x192: {  	[tilespmem:s25+$0xFFFFFD90] =	vst v4;
	v4 =	vmul.f32 v17, v16  }
0x193: {  	v20 =	vld [tilespmem:s25+$0xFFFFFDD0]  }
0x194: {  	[tilespmem:s25+$0xFFFFFDA0] =	vst v4;
	v4 =	vmul.f32 v18, v16  }
0x195: {  	v22 =	vld [tilespmem:s25+$0xFFFFFDE0]  }
0x196: {  	v21 =	vbroadcast v3, $0x7;
	[tilespmem:s25+$0xFFFFFDB0] =	vst v4;
	v4 =	vmul.f32 v19, v16  }
0x197: {  	v23 =	vld [tilespmem:s25+$0xFFFFFDF0]  }
0x198: {  	[tilespmem:s25+$0xFFFFFDC0] =	vst v4;
	v4 =	vmul.f32 v20, v21  }
0x199: {  	v24 =	vld [tilespmem:s25+$0xFFFFFE00]  }
0x19a: {  	[tilespmem:s25+$0xFFFFFDD0] =	vst v4;
	v4 =	vmul.f32 v22, v21  }
0x19b: {  	v25 =	vld [tilespmem:s25+$0xFFFFFE10]  }
0x19c: {  	[tilespmem:s25+$0xFFFFFDE0] =	vst v4;
	v4 =	vmul.f32 v23, v21  }
0x19d: {  	v27 =	vld [tilespmem:s25+$0xFFFFFE20]  }
0x19e: {  	v26 =	vbroadcast v3, $0x8;
	[tilespmem:s25+$0xFFFFFDF0] =	vst v4;
	v4 =	vmul.f32 v24, v21  }
0x19f: {  	v28 =	vld [tilespmem:s25+$0xFFFFFE30]  }
0x1a0: {  	[tilespmem:s25+$0xFFFFFE00] =	vst v4;
	v4 =	vmul.f32 v25, v26  }
0x1a1: {  	v29 =	vld [tilespmem:s25+$0xFFFFFE40]  }
0x1a2: {  	[tilespmem:s25+$0xFFFFFE10] =	vst v4;
	v4 =	vmul.f32 v27, v26  }
0x1a3: {  	v30 =	vld [tilespmem:s25+$0xFFFFFE50]  }
0x1a4: {  	[tilespmem:s25+$0xFFFFFE20] =	vst v4;
	v4 =	vmul.f32 v28, v26  }
0x1a5: {  	v32 =	vld [tilespmem:s25+$0xFFFFFE60]  }
0x1a6: {  	v31 =	vbroadcast v3, $0x9;
	[tilespmem:s25+$0xFFFFFE30] =	vst v4;
	v4 =	vmul.f32 v29, v26  }
0x1a7: {  	v33 =	vld [tilespmem:s25+$0xFFFFFE70]  }
0x1a8: {  	[tilespmem:s25+$0xFFFFFE40] =	vst v4;
	v4 =	vmul.f32 v30, v31  }
0x1a9: {  	v34 =	vld [tilespmem:s25+$0xFFFFFE80]  }
0x1aa: {  	[tilespmem:s25+$0xFFFFFE50] =	vst v4;
	v4 =	vmul.f32 v32, v31  }
0x1ab: {  	v35 =	vld [tilespmem:s25+$0xFFFFFE90]  }
0x1ac: {  	[tilespmem:s25+$0xFFFFFE60] =	vst v4;
	v4 =	vmul.f32 v33, v31  }
0x1ad: {  	v37 =	vld [tilespmem:s25+$0xFFFFFEA0]  }
0x1ae: {  	v36 =	vbroadcast v3, $0xA;
	[tilespmem:s25+$0xFFFFFE70] =	vst v4;
	v4 =	vmul.f32 v34, v31  }
0x1af: {  	v38 =	vld [tilespmem:s25+$0xFFFFFEB0]  }
0x1b0: {  	[tilespmem:s25+$0xFFFFFE80] =	vst v4;
	v4 =	vmul.f32 v35, v36  }
0x1b1: {  	v39 =	vld [tilespmem:s25+$0xFFFFFEC0]  }
0x1b2: {  	[tilespmem:s25+$0xFFFFFE90] =	vst v4;
	v4 =	vmul.f32 v37, v36  }
0x1b3: {  	v40 =	vld [tilespmem:s25+$0xFFFFFED0]  }
0x1b4: {  	[tilespmem:s25+$0xFFFFFEA0] =	vst v4;
	v4 =	vmul.f32 v38, v36  }
0x1b5: {  	v42 =	vld [tilespmem:s25+$0xFFFFFEE0]  }
0x1b6: {  	v41 =	vbroadcast v3, $0xB;
	[tilespmem:s25+$0xFFFFFEB0] =	vst v4;
	v4 =	vmul.f32 v39, v36  }
0x1b7: {  	v43 =	vld [tilespmem:s25+$0xFFFFFEF0]  }
0x1b8: {  	[tilespmem:s25+$0xFFFFFEC0] =	vst v4;
	v4 =	vmul.f32 v40, v41  }
0x1b9: {  	v44 =	vld [tilespmem:s25+$0xFFFFFF00]  }
0x1ba: {  	[tilespmem:s25+$0xFFFFFED0] =	vst v4;
	v4 =	vmul.f32 v42, v41  }
0x1bb: {  	v45 =	vld [tilespmem:s25+$0xFFFFFF10]  }
0x1bc: {  	[tilespmem:s25+$0xFFFFFEE0] =	vst v4;
	v4 =	vmul.f32 v43, v41  }
0x1bd: {  	v47 =	vld [tilespmem:s25+$0xFFFFFF20]  }
0x1be: {  	v46 =	vbroadcast v3, $0xC;
	[tilespmem:s25+$0xFFFFFEF0] =	vst v4;
	v4 =	vmul.f32 v44, v41  }
0x1bf: {  	v48 =	vld [tilespmem:s25+$0xFFFFFF30]  }
0x1c0: {  	[tilespmem:s25+$0xFFFFFF00] =	vst v4;
	v4 =	vmul.f32 v45, v46  }
0x1c1: {  	v49 =	vld [tilespmem:s25+$0xFFFFFF40]  }
0x1c2: {  	[tilespmem:s25+$0xFFFFFF10] =	vst v4;
	v4 =	vmul.f32 v47, v46  }
0x1c3: {  	v50 =	vld [tilespmem:s25+$0xFFFFFF50]  }
0x1c4: {  	[tilespmem:s25+$0xFFFFFF20] =	vst v4;
	v4 =	vmul.f32 v48, v46  }
0x1c5: {  	v52 =	vld [tilespmem:s25+$0xFFFFFF60]  }
0x1c6: {  	v51 =	vbroadcast v3, $0xD;
	[tilespmem:s25+$0xFFFFFF30] =	vst v4;
	v4 =	vmul.f32 v49, v46  }
0x1c7: {  	v53 =	vld [tilespmem:s25+$0xFFFFFF70]  }
0x1c8: {  	[tilespmem:s25+$0xFFFFFF40] =	vst v4;
	v4 =	vmul.f32 v50, v51  }
0x1c9: {  	v54 =	vld [tilespmem:s25+$0xFFFFFF80]  }
0x1ca: {  	[tilespmem:s25+$0xFFFFFF50] =	vst v4;
	v4 =	vmul.f32 v52, v51  }
0x1cb: {  	v55 =	vld [tilespmem:s25+$0xFFFFFF90]  }
0x1cc: {  	[tilespmem:s25+$0xFFFFFF60] =	vst v4;
	v4 =	vmul.f32 v53, v51  }
0x1cd: {  	v57 =	vld [tilespmem:s25+$0xFFFFFFA0]  }
0x1ce: {  	v56 =	vbroadcast v3, $0xE;
	[tilespmem:s25+$0xFFFFFF70] =	vst v4;
	v4 =	vmul.f32 v54, v51  }
0x1cf: {  	v58 =	vld [tilespmem:s25+$0xFFFFFFB0]  }
0x1d0: {  	[tilespmem:s25+$0xFFFFFF80] =	vst v4;
	v4 =	vmul.f32 v55, v56  }
0x1d1: {  	v59 =	vld [tilespmem:s25+$0xFFFFFFC0]  }
0x1d2: {  	[tilespmem:s25+$0xFFFFFF90] =	vst v4;
	v4 =	vmul.f32 v57, v56  }
0x1d3: {  	v60 =	vld [tilespmem:s25+$0xFFFFFFD0]  }
0x1d4: {  	[tilespmem:s25+$0xFFFFFFA0] =	vst v4;
	v4 =	vmul.f32 v58, v56  }
0x1d5: {  	v61 =	vld [tilespmem:s25+$0xFFFFFFE0]  }
0x1d6: {  	v3 =	vbroadcast v3, $0xF;
	[tilespmem:s25+$0xFFFFFFB0] =	vst v4;
	v4 =	vmul.f32 v59, v56  }
0x1d7: {  	v62 =	vld [tilespmem:s25+$0xFFFFFFF0]  }
0x1d8: {  	v63 =	vld [tilespmem:s25+$0x0];
	[tilespmem:s25+$0xFFFFFFC0] =	vst v4;
	v4 =	vmul.f32 v60, v3;
	_ =	sdelay $0x1  }
0x1d9: {  	p4 =	sne.s32 s21, $0xC0;
	[tilespmem:s25+$0xFFFFFFD0] =	vst v4;
	v4 =	vmul.f32 v61, v3  }
.Ltmp4:
0x1da: {  	_ = 	snop;
	(pc) =	sbr.rel @p4 .LBB2_5-.Ltmp4, $4  }
0x1db: {  	[tilespmem:s25+$0xFFFFFFE0] =	vst v4;
	v4 =	vmul.f32 v62, v3  }
0x1dc: {  	v3 =	vmul.f32 v63, v3  }
0x1dd: {  	[tilespmem:s25+$0xFFFFFFF0] =	vst v4  }
0x1de: {  	s21 =	sadd.s32 $0x40, s21;
	[tilespmem:s25+$0x0] =	vst v3;
	s25 =	sadd.s32 $0x400, s25  }
0x1df: {  	s14 =	sadd.s32 $0x1, s14  }
0x1e0: {  	p4 =	sne.s32 s14, s18  }
.Ltmp5:
0x1e1: {  	_ = 	snop;
	(pc) =	sbr.rel @p4 .LBB2_2-.Ltmp5, $4  }
.Ltmp6:
0x1e2: {  	_ = 	snop;
	(pc) =	sbr.rel @!p4 .LBB2_7-.Ltmp6, $4  }
0x1e3: {  	_ = 	snop  }
0x1e4: {  	_ = 	snop  }
0x1e5: {  	[spmem:s3] =	stream.indirect.scatter.add.f32 [tilespmem:s16], [sflag:$0x8], $0x40, s20, s13, $0xb8;
	[tilespmem:$0x1F978] =	vst v63  }
0x1e6: {  	_ = 	snop  }
.LBB2_8:
0x1e7: {  	_ =	sfence.sel $0x180000  }
0x1e8: {  	[bflag:$0x0] =	sbarrier.arrive $0xFFFF  }
0x1e9: {  	_ =	strace $0x90000047  }
0x1ea: {  	s0 =	stileid.u32;
	[bflag:$0x2] =	sbarrier.arrive $0xFFFF  }
0x1eb: {  	p0 =	sne.s32 s0, $0x0;
	s0 =	rddreg [dreg:$0x5]  }
0x1ec: {  	s0 =	sadd.s32 @!p0 $0x100000, s0  }
0x1ed: {  	[sflag:s0] =	ssyncadd.tile.s32 @!p0 $0x1;
	_ =	shalt  }
.Lfunc_end2:
_tile_overlayer_lowered:
.L_overlay_start_2:
0x1ee: {  	(tag) =	ssettag $0x2  }
0x1ef: {  	s0 =	rddreg [dreg:$0x0];
	s2 =	stileid.u32  }
0x1f0: {  	s1 =	rddreg [dreg:$0x1];
	p0 =	sne.s32 s2, $0x0  }
0x1f1: {  	s3 =	rddreg [dreg:$0x2];
	[bflag:$0x3] =	sbarrier.arrive $0xFFFF;
	s2 =	simm.s32 @!p0 $0x1C09  }
0x1f2: {  	[timem:s3], [sflag:s2] =	dma.local @!p0 [hbm:s0], s1  }
0x1f3: {  	s0 =	simm.s32 @!p0 $0x9  }
0x1f4: {  	_ =	swait.ge @!p0 [sflag:s0], s1  }
0x1f5: {  	s1 =	ssub.s32 @!p0 $0x0, s1;
	[sflag:s0] =	ssyncset.done @!p0 $0x0  }
0x1f6: {  	[sflag:s0] =	ssyncadd.s32 @!p0 s1  }
0x1f7: {  	[bflag:$0x3] =	sbarrier.arrive $0xFFFF  }
0x1f8: {  	_ =	shalt  }

</sc_bundles>
